<compile_context>
chip_gen: v7x
topology: tpu7x:2x2x1
jax: 0.10.2.dev20260603
libtpu: 0.0.44.dev20260713+nightly
codegen_flags: <defaults>
</compile_context>

<pallas_src>
import functools

import jax
import jax.numpy as jnp
from jax import lax
from jax.experimental import pallas as pl
from jax.experimental.pallas import tpu as pltpu
from jax.experimental.pallas import tpu_sc as plsc

N = 10000
E = 320000
IN_C = 128
HID = 256
OUT_C = 128
H = IN_C // 2

NC = 2
NS = 16
NW = NC * NS
K = 80
NCH_DEG = 125
NCH = 250
DEG_WIN = 8
EPAD = NW * NCH_DEG * K
NACC = 10112
ROWS_PT = NACC // NS
_OUT_CHUNKS = [K] * (ROWS_PT // K) + ([ROWS_PT % K] if ROWS_PT % K else [])

R = 1000
GRID = N // R



def _deg_body(dst_hbm, zeros_hbm, ones_hbm, out_hbm, dst_v, zbuf, ones_v, acc_sh,
              ssem):
    cid = lax.axis_index("c")
    sid = lax.axis_index("s")
    wid = cid * NS + sid
    pltpu.sync_copy(dst_hbm.at[wid], dst_v)
    pltpu.sync_copy(zeros_hbm, zbuf)
    pltpu.sync_copy(ones_hbm, ones_v)
    pltpu.sync_copy(zbuf, acc_sh.at[pl.ds(sid * ROWS_PT, ROWS_PT)])
    plsc.subcore_barrier()

    def body(j, carry):
        pltpu.async_copy(ones_v, acc_sh.at[dst_v.at[j]], ssem, add=True)

        @pl.when(j >= DEG_WIN)
        def _():
            pltpu.make_async_copy(ones_v, acc_sh.at[dst_v.at[0]], ssem).wait()

        return carry

    lax.fori_loop(0, NCH_DEG, body, 0)
    for _ in range(DEG_WIN):
        pltpu.make_async_copy(ones_v, acc_sh.at[dst_v.at[0]], ssem).wait()
    plsc.subcore_barrier()
    pltpu.sync_copy(acc_sh.at[pl.ds(sid * ROWS_PT, ROWS_PT)], zbuf)
    pltpu.sync_copy(zbuf, out_hbm.at[cid, pl.ds(sid * ROWS_PT, ROWS_PT)])


NBUF = 5


def _agg_body(y_hbm, src_hbm, dst_hbm, zeros_hbm, out_hbm,
              src_v, dst_v, b0, b1, b2, b3, b4, acc_sh,
              g0, g1, g2, g3, g4, s0, s1, s2, s3, s4):
    bufs = [b0, b1, b2, b3, b4]
    gsem = [g0, g1, g2, g3, g4]
    ssem = [s0, s1, s2, s3, s4]
    cid = lax.axis_index("c")
    sid = lax.axis_index("s")
    pltpu.sync_copy(src_hbm.at[cid, sid], src_v)
    pltpu.sync_copy(dst_hbm.at[sid], dst_v)
    pltpu.sync_copy(zeros_hbm, bufs[0])
    base = sid * ROWS_PT
    off = 0
    for sz in _OUT_CHUNKS:
        pltpu.sync_copy(bufs[0].at[pl.ds(0, sz)], acc_sh.at[pl.ds(base + off, sz)])
        off += sz
    plsc.subcore_barrier()

    for b in range(NBUF):
        pltpu.async_copy(y_hbm.at[src_v.at[b]], bufs[b], gsem[b])

    def body(i, carry):
        for b in range(NBUF):
            j = NBUF * i + b
            pltpu.make_async_copy(y_hbm.at[src_v.at[j]], bufs[b], gsem[b]).wait()
            pltpu.async_copy(bufs[b], acc_sh.at[dst_v.at[j]], ssem[b], add=True)
            bp = (b - 1) % NBUF
            jn = j + NBUF - 1

            @pl.when(jnp.logical_and(jn >= NBUF, jn < NCH))
            def _():
                pltpu.make_async_copy(
                    bufs[bp], acc_sh.at[dst_v.at[j - 1]], ssem[bp]).wait()
                pltpu.async_copy(y_hbm.at[src_v.at[jn]], bufs[bp], gsem[bp])

        return carry

    lax.fori_loop(0, NCH // NBUF, body, 0)
    for b in range(NBUF):
        pltpu.make_async_copy(
            bufs[b], acc_sh.at[dst_v.at[NCH - NBUF + b]], ssem[b]).wait()
    plsc.subcore_barrier()
    off = 0
    for sz in _OUT_CHUNKS:
        pltpu.sync_copy(acc_sh.at[pl.ds(base + off, sz)], bufs[0].at[pl.ds(0, sz)])
        pltpu.sync_copy(bufs[0].at[pl.ds(0, sz)], out_hbm.at[cid, pl.ds(base + off, sz)])
        off += sz


@functools.lru_cache(maxsize=None)
def _sc_calls():
    mesh = plsc.VectorSubcoreMesh(core_axis_name="c", subcore_axis_name="s",
                                  num_cores=NC, num_subcores=NS)
    params = pltpu.CompilerParams(use_tc_tiling_on_sc=False)
    deg_call = pl.kernel(
        _deg_body,
        out_type=jax.ShapeDtypeStruct((NC, NACC, 16), jnp.float32),
        mesh=mesh,
        scratch_types=[
            pltpu.VMEM((NCH_DEG, K), jnp.int32),
            pltpu.VMEM((ROWS_PT, 16), jnp.float32),
            pltpu.VMEM((K, 16), jnp.float32),
            pltpu.VMEM_SHARED((NACC, 16), jnp.float32),
            pltpu.SemaphoreType.DMA,
        ],
        compiler_params=params,
    )
    agg_call = pl.kernel(
        _agg_body,
        out_type=jax.ShapeDtypeStruct((NC, NACC, H), jnp.float32),
        mesh=mesh,
        scratch_types=(
            [pltpu.VMEM((NCH, K), jnp.int32),
             pltpu.VMEM((NCH, K), jnp.int32)]
            + [pltpu.VMEM((K, H), jnp.float32)] * NBUF
            + [pltpu.VMEM_SHARED((NACC, H), jnp.float32)]
            + [pltpu.SemaphoreType.DMA] * (2 * NBUF)
        ),
        compiler_params=params,
    )
    return deg_call, agg_call



def _dinv(deg_ref):
    return lax.rsqrt(deg_ref[0, :, 0:1] + deg_ref[1, :, 0:1] + 1.0)


def _prep_kernel(deg_ref, x_ref, y_ref):
    dinv = _dinv(deg_ref)
    y_ref[0, :, :] = x_ref[:, 0:H] * dinv
    y_ref[1, :, :] = x_ref[:, H:IN_C] * dinv


def _mm_kernel(z_ref, y_ref, deg_ref, W1_ref, b1_ref, W2_ref, y2_ref):
    dinv = _dinv(deg_ref)
    s0 = (z_ref[0, :, :] + y_ref[0, :, :]) * dinv
    s1 = (z_ref[1, :, :] + y_ref[1, :, :]) * dinv
    h = (jnp.dot(s0, W1_ref[0:H, :], preferred_element_type=jnp.float32)
         + jnp.dot(s1, W1_ref[H:IN_C, :], preferred_element_type=jnp.float32)
         + b1_ref[...])
    h = jnp.maximum(h, 0.0)
    y2_ref[0, :, :] = jnp.dot(h, W2_ref[:, 0:H],
                              preferred_element_type=jnp.float32) * dinv
    y2_ref[1, :, :] = jnp.dot(h, W2_ref[:, H:OUT_C],
                              preferred_element_type=jnp.float32) * dinv


def _fin_kernel(z_ref, y_ref, deg_ref, b2_ref, out_ref):
    dinv = _dinv(deg_ref)
    out_ref[:, 0:H] = (z_ref[0, :, :] + y_ref[0, :, :]) * dinv + b2_ref[:, 0:H]
    out_ref[:, H:OUT_C] = (z_ref[1, :, :] + y_ref[1, :, :]) * dinv + b2_ref[:, H:OUT_C]


def _row_spec(w):
    return pl.BlockSpec((R, w), lambda i: (i, 0))


def _half_spec(w=None):
    return pl.BlockSpec((NC, R, w or H), lambda i: (0, i, 0))


def _full_spec(h, w):
    return pl.BlockSpec((h, w), lambda i: (0, 0))


@functools.lru_cache(maxsize=None)
def _tc_calls():
    prep = pl.pallas_call(
        _prep_kernel,
        grid=(GRID,),
        in_specs=[_half_spec(16), _row_spec(IN_C)],
        out_specs=_half_spec(),
        out_shape=jax.ShapeDtypeStruct((NC, N, H), jnp.float32),
    )
    mm = pl.pallas_call(
        _mm_kernel,
        grid=(GRID,),
        in_specs=[_half_spec(), _half_spec(), _half_spec(16),
                  _full_spec(IN_C, HID), _full_spec(1, HID),
                  _full_spec(HID, OUT_C)],
        out_specs=_half_spec(),
        out_shape=jax.ShapeDtypeStruct((NC, N, H), jnp.float32),
    )
    fin = pl.pallas_call(
        _fin_kernel,
        grid=(GRID,),
        in_specs=[_half_spec(), _half_spec(), _half_spec(16),
                  _full_spec(1, OUT_C)],
        out_specs=_row_spec(OUT_C),
        out_shape=jax.ShapeDtypeStruct((N, OUT_C), jnp.float32),
    )
    return prep, mm, fin



def kernel(x, edge_index, W1, b1, W2, b2):
    deg_call, agg_call = _sc_calls()
    prep, mm, fin = _tc_calls()

    src = edge_index[0]
    dst = edge_index[1]
    dst_deg = dst.reshape(NW, NCH_DEG, K)
    src_agg = jnp.stack([src, src + N]).reshape(NC, NS, NCH, K)
    dst_agg = dst.reshape(NS, NCH, K)

    ones16 = jnp.ones((K, 16), jnp.float32)
    zeros16 = jnp.zeros((ROWS_PT, 16), jnp.float32)
    zerosK = jnp.zeros((K, H), jnp.float32)

    degp = deg_call(dst_deg, zeros16, ones16)

    y1 = prep(degp, x)
    z1 = agg_call(y1.reshape(NC * N, H), src_agg, dst_agg, zerosK)
    y2 = mm(z1, y1, degp, W1, b1.reshape(1, HID), W2)
    z2 = agg_call(y2.reshape(NC * N, H), src_agg, dst_agg, zerosK)
    return fin(z2, y2, degp, b2.reshape(1, OUT_C))

# --- scband reference (transcript-rebuilt; emitter-appended) ---
"""Pipeline reference for scband-gcnencoder-266287972696 (READ-ONLY COPY).

The authoritative reference and input builder live on the scoring server;
editing this copy changes nothing except your own understanding.
"""

import jax, jax.numpy as jnp
import numpy as np

N = 10000
E = 320000
IN_C = 128
HID = 256
OUT_C = 128


def setup_inputs(seed: int = 0) -> dict:
    key = jax.random.key(seed)
    k1, k2, k3, k4, k5, k6 = jax.random.split(key, 6)
    x = jax.random.normal(k1, (N, IN_C), dtype=jnp.float32)
    edge_index = jax.random.randint(k2, (2, E), 0, N, dtype=jnp.int32)
    W1 = jax.random.normal(k3, (IN_C, HID), dtype=jnp.float32) * (1.0 / np.sqrt(IN_C))
    b1 = jnp.zeros((HID,), dtype=jnp.float32)
    W2 = jax.random.normal(k4, (HID, OUT_C), dtype=jnp.float32) * (1.0 / np.sqrt(HID))
    b2 = jnp.zeros((OUT_C,), dtype=jnp.float32)
    return {"x": x, "edge_index": edge_index, "W1": W1, "b1": b1, "W2": W2, "b2": b2}


def _gcn_conv(x, edge_index, W, b):
    # GCNConv with added self-loops and symmetric normalization:
    # out = D^{-1/2} (A + I) D^{-1/2} (x W) + b
    src = edge_index[0]
    dst = edge_index[1]
    loop = jnp.arange(N, dtype=src.dtype)
    src = jnp.concatenate([src, loop], axis=0)
    dst = jnp.concatenate([dst, loop], axis=0)
    ones = jnp.ones(dst.shape[0], dtype=x.dtype)
    deg = jax.ops.segment_sum(ones, dst, num_segments=N)
    dinv = jnp.where(deg > 0, jax.lax.rsqrt(jnp.maximum(deg, 1e-12)), 0.0)
    norm = dinv[src] * dinv[dst]
    h = x @ W
    msg = h[src] * norm[:, None]  # gather
    out = jax.ops.segment_sum(msg, dst, num_segments=N)  # scatter-add
    return out + b


def reference(x, edge_index, W1, b1, W2, b2):
    h = _gcn_conv(x, edge_index, W1, b1)
    h = jax.nn.relu(h)
    # F.dropout with training=False is the identity (eval mode)
    out = _gcn_conv(h, edge_index, W2, b2)
    return out

if __name__ == "__main__":
    import jax
    _d = setup_inputs()
    print(jax.jit(kernel)(*tuple(_d.values())))

</pallas_src>

<mosaic_0001>
#map = affine_map<(d0, d1) -> (0, 0, 0)>
#map1 = affine_map<(d0, d1) -> (0, 0)>
module attributes {stable_mosaic.version = 14 : i64} {
  func.func @_deg_body(%arg0: i32, %arg1: i32, %arg2: memref<32x125x80xi32, #tpu.memory_space<hbm>>, %arg3: memref<632x16xf32, #tpu.memory_space<hbm>>, %arg4: memref<80x16xf32, #tpu.memory_space<hbm>>, %arg5: memref<2x10112x16xf32, #tpu.memory_space<hbm>>, %arg6: memref<125x80xi32, #tpu.memory_space<vmem>>, %arg7: memref<632x16xf32, #tpu.memory_space<vmem>>, %arg8: memref<80x16xf32, #tpu.memory_space<vmem>>, %arg9: memref<10112x16xf32, #tpu.memory_space<vmem_shared>>, %arg10: memref<!tpu.dma_semaphore, #tpu.memory_space<semaphore_mem>>) attributes {dimension_semantics = [#tpu.dimension_semantics<core_parallel>, #tpu.dimension_semantics<subcore_parallel>], iteration_bounds = array<i64: 2, 16>, scalar_prefetch = 0 : i64, scratch_operands = 5 : i64, tpu.core_type = #tpu.core_type<sc_vector_subcore>, window_params = [{transform_indices = #map}, {transform_indices = #map1}, {transform_indices = #map1}, {transform_indices = #map}]} {
    %mul3A = arith.constant 16 : i32
    %mul3A_0 = arith.muli %arg0, %mul3A : i32
    %add3A = arith.addi %mul3A_0, %arg1 : i32
    "tpu.region"() ({
      %run_scoped3A = tpu.sem_alloc : memref<!tpu.dma_semaphore, #tpu.memory_space<semaphore_mem>>
      %dma_start3A = arith.constant 0 : i32
      %dma_start3A_68 = arith.constant 0 : i32
      %dma_start3A_69 = tpu.memref_slice %arg2[%add3A, %dma_start3A, %dma_start3A_68] : memref<32x125x80xi32, #tpu.memory_space<hbm>> -> memref<1x125x80xi32, #tpu.memory_space<hbm>>
      %dma_start3A_70 = tpu.memref_squeeze %dma_start3A_69 : memref<1x125x80xi32, #tpu.memory_space<hbm>> -> memref<125x80xi32, #tpu.memory_space<hbm>>
      %dma_start3A_71 = arith.constant 0 : i32
      %dma_start3A_72 = arith.constant 0 : i32
      %dma_start3A_73 = tpu.memref_slice %arg2[%add3A, %dma_start3A_71, %dma_start3A_72] : memref<32x125x80xi32, #tpu.memory_space<hbm>> -> memref<1x125x80xi32, #tpu.memory_space<hbm>>
      %dma_start3A_74 = tpu.memref_squeeze %dma_start3A_73 : memref<1x125x80xi32, #tpu.memory_space<hbm>> -> memref<125x80xi32, #tpu.memory_space<hbm>>
      tpu.enqueue_dma source(%dma_start3A_74 : memref<125x80xi32, #tpu.memory_space<hbm>>) target(%arg6 : memref<125x80xi32, #tpu.memory_space<vmem>>) target_semaphore(%run_scoped3A : memref<!tpu.dma_semaphore, #tpu.memory_space<semaphore_mem>>)
      %dma_wait3A_75 = arith.constant 0 : i32
      %dma_wait3A_76 = arith.constant 0 : i32
      %dma_wait3A_77 = tpu.memref_slice %arg2[%add3A, %dma_wait3A_75, %dma_wait3A_76] : memref<32x125x80xi32, #tpu.memory_space<hbm>> -> memref<1x125x80xi32, #tpu.memory_space<hbm>>
      %dma_wait3A_78 = tpu.memref_squeeze %dma_wait3A_77 : memref<1x125x80xi32, #tpu.memory_space<hbm>> -> memref<125x80xi32, #tpu.memory_space<hbm>>
      %dma_wait3A_79 = arith.constant 0 : i32
      %dma_wait3A_80 = arith.constant 0 : i32
      %dma_wait3A_81 = tpu.memref_slice %arg2[%add3A, %dma_wait3A_79, %dma_wait3A_80] : memref<32x125x80xi32, #tpu.memory_space<hbm>> -> memref<1x125x80xi32, #tpu.memory_space<hbm>>
      %dma_wait3A_82 = tpu.memref_squeeze %dma_wait3A_81 : memref<1x125x80xi32, #tpu.memory_space<hbm>> -> memref<125x80xi32, #tpu.memory_space<hbm>>
      tpu.wait_dma2 semaphore(%run_scoped3A : memref<!tpu.dma_semaphore, #tpu.memory_space<semaphore_mem>>) src(%dma_wait3A_82 : memref<125x80xi32, #tpu.memory_space<hbm>>) dst(%arg6 : memref<125x80xi32, #tpu.memory_space<vmem>>)
      tpu.yield
    }) : () -> ()
    "tpu.region"() ({
      %run_scoped3A = tpu.sem_alloc : memref<!tpu.dma_semaphore, #tpu.memory_space<semaphore_mem>>
      tpu.enqueue_dma source(%arg3 : memref<632x16xf32, #tpu.memory_space<hbm>>) target(%arg7 : memref<632x16xf32, #tpu.memory_space<vmem>>) target_semaphore(%run_scoped3A : memref<!tpu.dma_semaphore, #tpu.memory_space<semaphore_mem>>)
      tpu.wait_dma2 semaphore(%run_scoped3A : memref<!tpu.dma_semaphore, #tpu.memory_space<semaphore_mem>>) src(%arg3 : memref<632x16xf32, #tpu.memory_space<hbm>>) dst(%arg7 : memref<632x16xf32, #tpu.memory_space<vmem>>)
      tpu.yield
    }) : () -> ()
    "tpu.region"() ({
      %run_scoped3A = tpu.sem_alloc : memref<!tpu.dma_semaphore, #tpu.memory_space<semaphore_mem>>
      tpu.enqueue_dma source(%arg4 : memref<80x16xf32, #tpu.memory_space<hbm>>) target(%arg8 : memref<80x16xf32, #tpu.memory_space<vmem>>) target_semaphore(%run_scoped3A : memref<!tpu.dma_semaphore, #tpu.memory_space<semaphore_mem>>)
      tpu.wait_dma2 semaphore(%run_scoped3A : memref<!tpu.dma_semaphore, #tpu.memory_space<semaphore_mem>>) src(%arg4 : memref<80x16xf32, #tpu.memory_space<hbm>>) dst(%arg8 : memref<80x16xf32, #tpu.memory_space<vmem>>)
      tpu.yield
    }) : () -> ()
    %mul3A_1 = arith.constant 632 : i32
    %mul3A_2 = arith.muli %arg1, %mul3A_1 : i32
    "tpu.region"() ({
      %run_scoped3A = tpu.sem_alloc : memref<!tpu.dma_semaphore, #tpu.memory_space<semaphore_mem>>
      %dma_start3A = arith.constant 0 : i32
      %dma_start3A_68 = tpu.memref_slice %arg9[%mul3A_2, %dma_start3A] : memref<10112x16xf32, #tpu.memory_space<vmem_shared>> -> memref<632x16xf32, #tpu.memory_space<vmem_shared>>
      %dma_start3A_69 = arith.constant 0 : i32
      %dma_start3A_70 = tpu.memref_slice %arg9[%mul3A_2, %dma_start3A_69] : memref<10112x16xf32, #tpu.memory_space<vmem_shared>> -> memref<632x16xf32, #tpu.memory_space<vmem_shared>>
      tpu.enqueue_dma source(%arg7 : memref<632x16xf32, #tpu.memory_space<vmem>>) target(%dma_start3A_70 : memref<632x16xf32, #tpu.memory_space<vmem_shared>>) target_semaphore(%run_scoped3A : memref<!tpu.dma_semaphore, #tpu.memory_space<semaphore_mem>>)
      %dma_wait3A_71 = arith.constant 0 : i32
      %dma_wait3A_72 = tpu.memref_slice %arg9[%mul3A_2, %dma_wait3A_71] : memref<10112x16xf32, #tpu.memory_space<vmem_shared>> -> memref<632x16xf32, #tpu.memory_space<vmem_shared>>
      %dma_wait3A_73 = arith.constant 0 : i32
      %dma_wait3A_74 = tpu.memref_slice %arg9[%mul3A_2, %dma_wait3A_73] : memref<10112x16xf32, #tpu.memory_space<vmem_shared>> -> memref<632x16xf32, #tpu.memory_space<vmem_shared>>
      tpu.wait_dma2 semaphore(%run_scoped3A : memref<!tpu.dma_semaphore, #tpu.memory_space<semaphore_mem>>) src(%arg7 : memref<632x16xf32, #tpu.memory_space<vmem>>) dst(%dma_wait3A_74 : memref<632x16xf32, #tpu.memory_space<vmem_shared>>)
      tpu.yield
    }) : () -> ()
    %barrier3A = arith.constant 0 : index
    tpu.barrier barrier_id(%barrier3A)
    %scan3A = arith.constant 0 : i32
    %scan3A_3 = arith.constant 0 : i32
    %scan3A_4 = arith.constant 125 : i32
    %scan3A_5 = arith.addi %scan3A_3, %scan3A_4 : i32
    %scan3A_6 = arith.constant 1 : i32
    scf.for %scan3A_68 = %scan3A_3 to %scan3A_5 step %scan3A_6  : i32 {
      %dma_start3A = arith.constant 0 : i32
      %dma_start3A_69 = tpu.memref_slice %arg6[%scan3A_68, %dma_start3A] : memref<125x80xi32, #tpu.memory_space<vmem>> -> memref<1x80xi32, #tpu.memory_space<vmem>>
      %dma_start3A_70 = tpu.memref_squeeze %dma_start3A_69 : memref<1x80xi32, #tpu.memory_space<vmem>> -> memref<80xi32, #tpu.memory_space<vmem>>
      %dma_start3A_71 = arith.constant 0 : i32
      %dma_start3A_72 = arith.constant 0 : i32
      %dma_start3A_73 = tpu.memref_slice %arg9[%dma_start3A_71, %dma_start3A_72] : memref<10112x16xf32, #tpu.memory_space<vmem_shared>> -> memref<10112x16xf32, #tpu.memory_space<vmem_shared>>
      tpu.enqueue_indirect_dma source(%arg8 : memref<80x16xf32, #tpu.memory_space<vmem>>) target(%dma_start3A_73 : memref<10112x16xf32, #tpu.memory_space<vmem_shared>>) offsets(%dma_start3A_70 : memref<80xi32, #tpu.memory_space<vmem>>) semaphore(%arg10 : memref<!tpu.dma_semaphore, #tpu.memory_space<semaphore_mem>>) {add = true}
      %ge3A = arith.constant 8 : i32
      %ge3A_74 = arith.cmpi sge, %scan3A_68, %ge3A : i32
      %convert_element_type3A = arith.extui %ge3A_74 : i1 to i32
      %cond3A = arith.constant 0 : i32
      %cond3A_75 = arith.cmpi ne, %convert_element_type3A, %cond3A : i32
      scf.if %cond3A_75 {
        %dma_wait3A_76 = arith.constant 0 : i32
        %dma_wait3A_77 = arith.constant 0 : i32
        %dma_wait3A_78 = tpu.memref_slice %arg6[%dma_wait3A_76, %dma_wait3A_77] : memref<125x80xi32, #tpu.memory_space<vmem>> -> memref<1x80xi32, #tpu.memory_space<vmem>>
        %dma_wait3A_79 = tpu.memref_squeeze %dma_wait3A_78 : memref<1x80xi32, #tpu.memory_space<vmem>> -> memref<80xi32, #tpu.memory_space<vmem>>
        %dma_wait3A_80 = arith.constant 0 : i32
        %dma_wait3A_81 = arith.constant 0 : i32
        %dma_wait3A_82 = tpu.memref_slice %arg9[%dma_wait3A_80, %dma_wait3A_81] : memref<10112x16xf32, #tpu.memory_space<vmem_shared>> -> memref<10112x16xf32, #tpu.memory_space<vmem_shared>>
        tpu.wait_indirect_dma semaphore(%arg10 : memref<!tpu.dma_semaphore, #tpu.memory_space<semaphore_mem>>) src(%arg8 : memref<80x16xf32, #tpu.memory_space<vmem>>) dst(%dma_wait3A_82 : memref<10112x16xf32, #tpu.memory_space<vmem_shared>>)
      } else {
      }
    }
    %scan3A_7 = arith.constant 125 : i32
    %dma_wait3A = arith.constant 0 : i32
    %dma_wait3A_8 = arith.constant 0 : i32
    %dma_wait3A_9 = tpu.memref_slice %arg6[%dma_wait3A, %dma_wait3A_8] : memref<125x80xi32, #tpu.memory_space<vmem>> -> memref<1x80xi32, #tpu.memory_space<vmem>>
    %dma_wait3A_10 = tpu.memref_squeeze %dma_wait3A_9 : memref<1x80xi32, #tpu.memory_space<vmem>> -> memref<80xi32, #tpu.memory_space<vmem>>
    %dma_wait3A_11 = arith.constant 0 : i32
    %dma_wait3A_12 = arith.constant 0 : i32
    %dma_wait3A_13 = tpu.memref_slice %arg9[%dma_wait3A_11, %dma_wait3A_12] : memref<10112x16xf32, #tpu.memory_space<vmem_shared>> -> memref<10112x16xf32, #tpu.memory_space<vmem_shared>>
    tpu.wait_indirect_dma semaphore(%arg10 : memref<!tpu.dma_semaphore, #tpu.memory_space<semaphore_mem>>) src(%arg8 : memref<80x16xf32, #tpu.memory_space<vmem>>) dst(%dma_wait3A_13 : memref<10112x16xf32, #tpu.memory_space<vmem_shared>>)
    %dma_wait3A_14 = arith.constant 0 : i32
    %dma_wait3A_15 = arith.constant 0 : i32
    %dma_wait3A_16 = tpu.memref_slice %arg6[%dma_wait3A_14, %dma_wait3A_15] : memref<125x80xi32, #tpu.memory_space<vmem>> -> memref<1x80xi32, #tpu.memory_space<vmem>>
    %dma_wait3A_17 = tpu.memref_squeeze %dma_wait3A_16 : memref<1x80xi32, #tpu.memory_space<vmem>> -> memref<80xi32, #tpu.memory_space<vmem>>
    %dma_wait3A_18 = arith.constant 0 : i32
    %dma_wait3A_19 = arith.constant 0 : i32
    %dma_wait3A_20 = tpu.memref_slice %arg9[%dma_wait3A_18, %dma_wait3A_19] : memref<10112x16xf32, #tpu.memory_space<vmem_shared>> -> memref<10112x16xf32, #tpu.memory_space<vmem_shared>>
    tpu.wait_indirect_dma semaphore(%arg10 : memref<!tpu.dma_semaphore, #tpu.memory_space<semaphore_mem>>) src(%arg8 : memref<80x16xf32, #tpu.memory_space<vmem>>) dst(%dma_wait3A_20 : memref<10112x16xf32, #tpu.memory_space<vmem_shared>>)
    %dma_wait3A_21 = arith.constant 0 : i32
    %dma_wait3A_22 = arith.constant 0 : i32
    %dma_wait3A_23 = tpu.memref_slice %arg6[%dma_wait3A_21, %dma_wait3A_22] : memref<125x80xi32, #tpu.memory_space<vmem>> -> memref<1x80xi32, #tpu.memory_space<vmem>>
    %dma_wait3A_24 = tpu.memref_squeeze %dma_wait3A_23 : memref<1x80xi32, #tpu.memory_space<vmem>> -> memref<80xi32, #tpu.memory_space<vmem>>
    %dma_wait3A_25 = arith.constant 0 : i32
    %dma_wait3A_26 = arith.constant 0 : i32
    %dma_wait3A_27 = tpu.memref_slice %arg9[%dma_wait3A_25, %dma_wait3A_26] : memref<10112x16xf32, #tpu.memory_space<vmem_shared>> -> memref<10112x16xf32, #tpu.memory_space<vmem_shared>>
    tpu.wait_indirect_dma semaphore(%arg10 : memref<!tpu.dma_semaphore, #tpu.memory_space<semaphore_mem>>) src(%arg8 : memref<80x16xf32, #tpu.memory_space<vmem>>) dst(%dma_wait3A_27 : memref<10112x16xf32, #tpu.memory_space<vmem_shared>>)
    %dma_wait3A_28 = arith.constant 0 : i32
    %dma_wait3A_29 = arith.constant 0 : i32
    %dma_wait3A_30 = tpu.memref_slice %arg6[%dma_wait3A_28, %dma_wait3A_29] : memref<125x80xi32, #tpu.memory_space<vmem>> -> memref<1x80xi32, #tpu.memory_space<vmem>>
    %dma_wait3A_31 = tpu.memref_squeeze %dma_wait3A_30 : memref<1x80xi32, #tpu.memory_space<vmem>> -> memref<80xi32, #tpu.memory_space<vmem>>
    %dma_wait3A_32 = arith.constant 0 : i32
    %dma_wait3A_33 = arith.constant 0 : i32
    %dma_wait3A_34 = tpu.memref_slice %arg9[%dma_wait3A_32, %dma_wait3A_33] : memref<10112x16xf32, #tpu.memory_space<vmem_shared>> -> memref<10112x16xf32, #tpu.memory_space<vmem_shared>>
    tpu.wait_indirect_dma semaphore(%arg10 : memref<!tpu.dma_semaphore, #tpu.memory_space<semaphore_mem>>) src(%arg8 : memref<80x16xf32, #tpu.memory_space<vmem>>) dst(%dma_wait3A_34 : memref<10112x16xf32, #tpu.memory_space<vmem_shared>>)
    %dma_wait3A_35 = arith.constant 0 : i32
    %dma_wait3A_36 = arith.constant 0 : i32
    %dma_wait3A_37 = tpu.memref_slice %arg6[%dma_wait3A_35, %dma_wait3A_36] : memref<125x80xi32, #tpu.memory_space<vmem>> -> memref<1x80xi32, #tpu.memory_space<vmem>>
    %dma_wait3A_38 = tpu.memref_squeeze %dma_wait3A_37 : memref<1x80xi32, #tpu.memory_space<vmem>> -> memref<80xi32, #tpu.memory_space<vmem>>
    %dma_wait3A_39 = arith.constant 0 : i32
    %dma_wait3A_40 = arith.constant 0 : i32
    %dma_wait3A_41 = tpu.memref_slice %arg9[%dma_wait3A_39, %dma_wait3A_40] : memref<10112x16xf32, #tpu.memory_space<vmem_shared>> -> memref<10112x16xf32, #tpu.memory_space<vmem_shared>>
    tpu.wait_indirect_dma semaphore(%arg10 : memref<!tpu.dma_semaphore, #tpu.memory_space<semaphore_mem>>) src(%arg8 : memref<80x16xf32, #tpu.memory_space<vmem>>) dst(%dma_wait3A_41 : memref<10112x16xf32, #tpu.memory_space<vmem_shared>>)
    %dma_wait3A_42 = arith.constant 0 : i32
    %dma_wait3A_43 = arith.constant 0 : i32
    %dma_wait3A_44 = tpu.memref_slice %arg6[%dma_wait3A_42, %dma_wait3A_43] : memref<125x80xi32, #tpu.memory_space<vmem>> -> memref<1x80xi32, #tpu.memory_space<vmem>>
    %dma_wait3A_45 = tpu.memref_squeeze %dma_wait3A_44 : memref<1x80xi32, #tpu.memory_space<vmem>> -> memref<80xi32, #tpu.memory_space<vmem>>
    %dma_wait3A_46 = arith.constant 0 : i32
    %dma_wait3A_47 = arith.constant 0 : i32
    %dma_wait3A_48 = tpu.memref_slice %arg9[%dma_wait3A_46, %dma_wait3A_47] : memref<10112x16xf32, #tpu.memory_space<vmem_shared>> -> memref<10112x16xf32, #tpu.memory_space<vmem_shared>>
    tpu.wait_indirect_dma semaphore(%arg10 : memref<!tpu.dma_semaphore, #tpu.memory_space<semaphore_mem>>) src(%arg8 : memref<80x16xf32, #tpu.memory_space<vmem>>) dst(%dma_wait3A_48 : memref<10112x16xf32, #tpu.memory_space<vmem_shared>>)
    %dma_wait3A_49 = arith.constant 0 : i32
    %dma_wait3A_50 = arith.constant 0 : i32
    %dma_wait3A_51 = tpu.memref_slice %arg6[%dma_wait3A_49, %dma_wait3A_50] : memref<125x80xi32, #tpu.memory_space<vmem>> -> memref<1x80xi32, #tpu.memory_space<vmem>>
    %dma_wait3A_52 = tpu.memref_squeeze %dma_wait3A_51 : memref<1x80xi32, #tpu.memory_space<vmem>> -> memref<80xi32, #tpu.memory_space<vmem>>
    %dma_wait3A_53 = arith.constant 0 : i32
    %dma_wait3A_54 = arith.constant 0 : i32
    %dma_wait3A_55 = tpu.memref_slice %arg9[%dma_wait3A_53, %dma_wait3A_54] : memref<10112x16xf32, #tpu.memory_space<vmem_shared>> -> memref<10112x16xf32, #tpu.memory_space<vmem_shared>>
    tpu.wait_indirect_dma semaphore(%arg10 : memref<!tpu.dma_semaphore, #tpu.memory_space<semaphore_mem>>) src(%arg8 : memref<80x16xf32, #tpu.memory_space<vmem>>) dst(%dma_wait3A_55 : memref<10112x16xf32, #tpu.memory_space<vmem_shared>>)
    %dma_wait3A_56 = arith.constant 0 : i32
    %dma_wait3A_57 = arith.constant 0 : i32
    %dma_wait3A_58 = tpu.memref_slice %arg6[%dma_wait3A_56, %dma_wait3A_57] : memref<125x80xi32, #tpu.memory_space<vmem>> -> memref<1x80xi32, #tpu.memory_space<vmem>>
    %dma_wait3A_59 = tpu.memref_squeeze %dma_wait3A_58 : memref<1x80xi32, #tpu.memory_space<vmem>> -> memref<80xi32, #tpu.memory_space<vmem>>
    %dma_wait3A_60 = arith.constant 0 : i32
    %dma_wait3A_61 = arith.constant 0 : i32
    %dma_wait3A_62 = tpu.memref_slice %arg9[%dma_wait3A_60, %dma_wait3A_61] : memref<10112x16xf32, #tpu.memory_space<vmem_shared>> -> memref<10112x16xf32, #tpu.memory_space<vmem_shared>>
    tpu.wait_indirect_dma semaphore(%arg10 : memref<!tpu.dma_semaphore, #tpu.memory_space<semaphore_mem>>) src(%arg8 : memref<80x16xf32, #tpu.memory_space<vmem>>) dst(%dma_wait3A_62 : memref<10112x16xf32, #tpu.memory_space<vmem_shared>>)
    %barrier3A_63 = arith.constant 0 : index
    tpu.barrier barrier_id(%barrier3A_63)
    %mul3A_64 = arith.constant 632 : i32
    %mul3A_65 = arith.muli %arg1, %mul3A_64 : i32
    "tpu.region"() ({
      %run_scoped3A = tpu.sem_alloc : memref<!tpu.dma_semaphore, #tpu.memory_space<semaphore_mem>>
      %dma_start3A = arith.constant 0 : i32
      %dma_start3A_68 = tpu.memref_slice %arg9[%mul3A_65, %dma_start3A] : memref<10112x16xf32, #tpu.memory_space<vmem_shared>> -> memref<632x16xf32, #tpu.memory_space<vmem_shared>>
      %dma_start3A_69 = arith.constant 0 : i32
      %dma_start3A_70 = tpu.memref_slice %arg9[%mul3A_65, %dma_start3A_69] : memref<10112x16xf32, #tpu.memory_space<vmem_shared>> -> memref<632x16xf32, #tpu.memory_space<vmem_shared>>
      tpu.enqueue_dma source(%dma_start3A_70 : memref<632x16xf32, #tpu.memory_space<vmem_shared>>) target(%arg7 : memref<632x16xf32, #tpu.memory_space<vmem>>) target_semaphore(%run_scoped3A : memref<!tpu.dma_semaphore, #tpu.memory_space<semaphore_mem>>)
      %dma_wait3A_71 = arith.constant 0 : i32
      %dma_wait3A_72 = tpu.memref_slice %arg9[%mul3A_65, %dma_wait3A_71] : memref<10112x16xf32, #tpu.memory_space<vmem_shared>> -> memref<632x16xf32, #tpu.memory_space<vmem_shared>>
      %dma_wait3A_73 = arith.constant 0 : i32
      %dma_wait3A_74 = tpu.memref_slice %arg9[%mul3A_65, %dma_wait3A_73] : memref<10112x16xf32, #tpu.memory_space<vmem_shared>> -> memref<632x16xf32, #tpu.memory_space<vmem_shared>>
      tpu.wait_dma2 semaphore(%run_scoped3A : memref<!tpu.dma_semaphore, #tpu.memory_space<semaphore_mem>>) src(%dma_wait3A_74 : memref<632x16xf32, #tpu.memory_space<vmem_shared>>) dst(%arg7 : memref<632x16xf32, #tpu.memory_space<vmem>>)
      tpu.yield
    }) : () -> ()
    %mul3A_66 = arith.constant 632 : i32
    %mul3A_67 = arith.muli %arg1, %mul3A_66 : i32
    "tpu.region"() ({
      %run_scoped3A = tpu.sem_alloc : memref<!tpu.dma_semaphore, #tpu.memory_space<semaphore_mem>>
      %dma_start3A = arith.constant 0 : i32
      %dma_start3A_68 = tpu.memref_slice %arg5[%arg0, %mul3A_67, %dma_start3A] : memref<2x10112x16xf32, #tpu.memory_space<hbm>> -> memref<1x632x16xf32, #tpu.memory_space<hbm>>
      %dma_start3A_69 = tpu.memref_squeeze %dma_start3A_68 : memref<1x632x16xf32, #tpu.memory_space<hbm>> -> memref<632x16xf32, #tpu.memory_space<hbm>>
      %dma_start3A_70 = arith.constant 0 : i32
      %dma_start3A_71 = tpu.memref_slice %arg5[%arg0, %mul3A_67, %dma_start3A_70] : memref<2x10112x16xf32, #tpu.memory_space<hbm>> -> memref<1x632x16xf32, #tpu.memory_space<hbm>>
      %dma_start3A_72 = tpu.memref_squeeze %dma_start3A_71 : memref<1x632x16xf32, #tpu.memory_space<hbm>> -> memref<632x16xf32, #tpu.memory_space<hbm>>
      tpu.enqueue_dma source(%arg7 : memref<632x16xf32, #tpu.memory_space<vmem>>) target(%dma_start3A_72 : memref<632x16xf32, #tpu.memory_space<hbm>>) target_semaphore(%run_scoped3A : memref<!tpu.dma_semaphore, #tpu.memory_space<semaphore_mem>>)
      %dma_wait3A_73 = arith.constant 0 : i32
      %dma_wait3A_74 = tpu.memref_slice %arg5[%arg0, %mul3A_67, %dma_wait3A_73] : memref<2x10112x16xf32, #tpu.memory_space<hbm>> -> memref<1x632x16xf32, #tpu.memory_space<hbm>>
      %dma_wait3A_75 = tpu.memref_squeeze %dma_wait3A_74 : memref<1x632x16xf32, #tpu.memory_space<hbm>> -> memref<632x16xf32, #tpu.memory_space<hbm>>
      %dma_wait3A_76 = arith.constant 0 : i32
      %dma_wait3A_77 = tpu.memref_slice %arg5[%arg0, %mul3A_67, %dma_wait3A_76] : memref<2x10112x16xf32, #tpu.memory_space<hbm>> -> memref<1x632x16xf32, #tpu.memory_space<hbm>>
      %dma_wait3A_78 = tpu.memref_squeeze %dma_wait3A_77 : memref<1x632x16xf32, #tpu.memory_space<hbm>> -> memref<632x16xf32, #tpu.memory_space<hbm>>
      tpu.wait_dma2 semaphore(%run_scoped3A : memref<!tpu.dma_semaphore, #tpu.memory_space<semaphore_mem>>) src(%arg7 : memref<632x16xf32, #tpu.memory_space<vmem>>) dst(%dma_wait3A_78 : memref<632x16xf32, #tpu.memory_space<hbm>>)
      tpu.yield
    }) : () -> ()
    return
  }
}

#map = affine_map<(d0, d1) -> (0, 0)>
#map1 = affine_map<(d0, d1) -> (0, 0, 0, 0)>
#map2 = affine_map<(d0, d1) -> (0, 0, 0)>
module attributes {stable_mosaic.version = 14 : i64} {
  func.func @_agg_body(%arg0: i32, %arg1: i32, %arg2: memref<20000x64xf32, #tpu.memory_space<hbm>>, %arg3: memref<2x16x250x80xi32, #tpu.memory_space<hbm>>, %arg4: memref<16x250x80xi32, #tpu.memory_space<hbm>>, %arg5: memref<80x64xf32, #tpu.memory_space<hbm>>, %arg6: memref<2x10112x64xf32, #tpu.memory_space<hbm>>, %arg7: memref<250x80xi32, #tpu.memory_space<vmem>>, %arg8: memref<250x80xi32, #tpu.memory_space<vmem>>, %arg9: memref<80x64xf32, #tpu.memory_space<vmem>>, %arg10: memref<80x64xf32, #tpu.memory_space<vmem>>, %arg11: memref<80x64xf32, #tpu.memory_space<vmem>>, %arg12: memref<80x64xf32, #tpu.memory_space<vmem>>, %arg13: memref<80x64xf32, #tpu.memory_space<vmem>>, %arg14: memref<10112x64xf32, #tpu.memory_space<vmem_shared>>, %arg15: memref<!tpu.dma_semaphore, #tpu.memory_space<semaphore_mem>>, %arg16: memref<!tpu.dma_semaphore, #tpu.memory_space<semaphore_mem>>, %arg17: memref<!tpu.dma_semaphore, #tpu.memory_space<semaphore_mem>>, %arg18: memref<!tpu.dma_semaphore, #tpu.memory_space<semaphore_mem>>, %arg19: memref<!tpu.dma_semaphore, #tpu.memory_space<semaphore_mem>>, %arg20: memref<!tpu.dma_semaphore, #tpu.memory_space<semaphore_mem>>, %arg21: memref<!tpu.dma_semaphore, #tpu.memory_space<semaphore_mem>>, %arg22: memref<!tpu.dma_semaphore, #tpu.memory_space<semaphore_mem>>, %arg23: memref<!tpu.dma_semaphore, #tpu.memory_space<semaphore_mem>>, %arg24: memref<!tpu.dma_semaphore, #tpu.memory_space<semaphore_mem>>) attributes {dimension_semantics = [#tpu.dimension_semantics<core_parallel>, #tpu.dimension_semantics<subcore_parallel>], iteration_bounds = array<i64: 2, 16>, scalar_prefetch = 0 : i64, scratch_operands = 18 : i64, tpu.core_type = #tpu.core_type<sc_vector_subcore>, window_params = [{transform_indices = #map}, {transform_indices = #map1}, {transform_indices = #map2}, {transform_indices = #map}, {transform_indices = #map2}]} {
    "tpu.region"() ({
      %run_scoped3A = tpu.sem_alloc : memref<!tpu.dma_semaphore, #tpu.memory_space<semaphore_mem>>
      %dma_start3A_122 = arith.constant 0 : i32
      %dma_start3A_123 = arith.constant 0 : i32
      %dma_start3A_124 = tpu.memref_slice %arg3[%arg0, %arg1, %dma_start3A_122, %dma_start3A_123] : memref<2x16x250x80xi32, #tpu.memory_space<hbm>> -> memref<1x1x250x80xi32, #tpu.memory_space<hbm>>
      %dma_start3A_125 = tpu.memref_squeeze %dma_start3A_124 : memref<1x1x250x80xi32, #tpu.memory_space<hbm>> -> memref<250x80xi32, #tpu.memory_space<hbm>>
      %dma_start3A_126 = arith.constant 0 : i32
      %dma_start3A_127 = arith.constant 0 : i32
      %dma_start3A_128 = tpu.memref_slice %arg3[%arg0, %arg1, %dma_start3A_126, %dma_start3A_127] : memref<2x16x250x80xi32, #tpu.memory_space<hbm>> -> memref<1x1x250x80xi32, #tpu.memory_space<hbm>>
      %dma_start3A_129 = tpu.memref_squeeze %dma_start3A_128 : memref<1x1x250x80xi32, #tpu.memory_space<hbm>> -> memref<250x80xi32, #tpu.memory_space<hbm>>
      tpu.enqueue_dma source(%dma_start3A_129 : memref<250x80xi32, #tpu.memory_space<hbm>>) target(%arg7 : memref<250x80xi32, #tpu.memory_space<vmem>>) target_semaphore(%run_scoped3A : memref<!tpu.dma_semaphore, #tpu.memory_space<semaphore_mem>>)
      %dma_wait3A_130 = arith.constant 0 : i32
      %dma_wait3A_131 = arith.constant 0 : i32
      %dma_wait3A_132 = tpu.memref_slice %arg3[%arg0, %arg1, %dma_wait3A_130, %dma_wait3A_131] : memref<2x16x250x80xi32, #tpu.memory_space<hbm>> -> memref<1x1x250x80xi32, #tpu.memory_space<hbm>>
      %dma_wait3A_133 = tpu.memref_squeeze %dma_wait3A_132 : memref<1x1x250x80xi32, #tpu.memory_space<hbm>> -> memref<250x80xi32, #tpu.memory_space<hbm>>
      %dma_wait3A_134 = arith.constant 0 : i32
      %dma_wait3A_135 = arith.constant 0 : i32
      %dma_wait3A_136 = tpu.memref_slice %arg3[%arg0, %arg1, %dma_wait3A_134, %dma_wait3A_135] : memref<2x16x250x80xi32, #tpu.memory_space<hbm>> -> memref<1x1x250x80xi32, #tpu.memory_space<hbm>>
      %dma_wait3A_137 = tpu.memref_squeeze %dma_wait3A_136 : memref<1x1x250x80xi32, #tpu.memory_space<hbm>> -> memref<250x80xi32, #tpu.memory_space<hbm>>
      tpu.wait_dma2 semaphore(%run_scoped3A : memref<!tpu.dma_semaphore, #tpu.memory_space<semaphore_mem>>) src(%dma_wait3A_137 : memref<250x80xi32, #tpu.memory_space<hbm>>) dst(%arg7 : memref<250x80xi32, #tpu.memory_space<vmem>>)
      tpu.yield
    }) : () -> ()
    "tpu.region"() ({
      %run_scoped3A = tpu.sem_alloc : memref<!tpu.dma_semaphore, #tpu.memory_space<semaphore_mem>>
      %dma_start3A_122 = arith.constant 0 : i32
      %dma_start3A_123 = arith.constant 0 : i32
      %dma_start3A_124 = tpu.memref_slice %arg4[%arg1, %dma_start3A_122, %dma_start3A_123] : memref<16x250x80xi32, #tpu.memory_space<hbm>> -> memref<1x250x80xi32, #tpu.memory_space<hbm>>
      %dma_start3A_125 = tpu.memref_squeeze %dma_start3A_124 : memref<1x250x80xi32, #tpu.memory_space<hbm>> -> memref<250x80xi32, #tpu.memory_space<hbm>>
      %dma_start3A_126 = arith.constant 0 : i32
      %dma_start3A_127 = arith.constant 0 : i32
      %dma_start3A_128 = tpu.memref_slice %arg4[%arg1, %dma_start3A_126, %dma_start3A_127] : memref<16x250x80xi32, #tpu.memory_space<hbm>> -> memref<1x250x80xi32, #tpu.memory_space<hbm>>
      %dma_start3A_129 = tpu.memref_squeeze %dma_start3A_128 : memref<1x250x80xi32, #tpu.memory_space<hbm>> -> memref<250x80xi32, #tpu.memory_space<hbm>>
      tpu.enqueue_dma source(%dma_start3A_129 : memref<250x80xi32, #tpu.memory_space<hbm>>) target(%arg8 : memref<250x80xi32, #tpu.memory_space<vmem>>) target_semaphore(%run_scoped3A : memref<!tpu.dma_semaphore, #tpu.memory_space<semaphore_mem>>)
      %dma_wait3A_130 = arith.constant 0 : i32
      %dma_wait3A_131 = arith.constant 0 : i32
      %dma_wait3A_132 = tpu.memref_slice %arg4[%arg1, %dma_wait3A_130, %dma_wait3A_131] : memref<16x250x80xi32, #tpu.memory_space<hbm>> -> memref<1x250x80xi32, #tpu.memory_space<hbm>>
      %dma_wait3A_133 = tpu.memref_squeeze %dma_wait3A_132 : memref<1x250x80xi32, #tpu.memory_space<hbm>> -> memref<250x80xi32, #tpu.memory_space<hbm>>
      %dma_wait3A_134 = arith.constant 0 : i32
      %dma_wait3A_135 = arith.constant 0 : i32
      %dma_wait3A_136 = tpu.memref_slice %arg4[%arg1, %dma_wait3A_134, %dma_wait3A_135] : memref<16x250x80xi32, #tpu.memory_space<hbm>> -> memref<1x250x80xi32, #tpu.memory_space<hbm>>
      %dma_wait3A_137 = tpu.memref_squeeze %dma_wait3A_136 : memref<1x250x80xi32, #tpu.memory_space<hbm>> -> memref<250x80xi32, #tpu.memory_space<hbm>>
      tpu.wait_dma2 semaphore(%run_scoped3A : memref<!tpu.dma_semaphore, #tpu.memory_space<semaphore_mem>>) src(%dma_wait3A_137 : memref<250x80xi32, #tpu.memory_space<hbm>>) dst(%arg8 : memref<250x80xi32, #tpu.memory_space<vmem>>)
      tpu.yield
    }) : () -> ()
    "tpu.region"() ({
      %run_scoped3A = tpu.sem_alloc : memref<!tpu.dma_semaphore, #tpu.memory_space<semaphore_mem>>
      tpu.enqueue_dma source(%arg5 : memref<80x64xf32, #tpu.memory_space<hbm>>) target(%arg9 : memref<80x64xf32, #tpu.memory_space<vmem>>) target_semaphore(%run_scoped3A : memref<!tpu.dma_semaphore, #tpu.memory_space<semaphore_mem>>)
      tpu.wait_dma2 semaphore(%run_scoped3A : memref<!tpu.dma_semaphore, #tpu.memory_space<semaphore_mem>>) src(%arg5 : memref<80x64xf32, #tpu.memory_space<hbm>>) dst(%arg9 : memref<80x64xf32, #tpu.memory_space<vmem>>)
      tpu.yield
    }) : () -> ()
    %mul3A = arith.constant 632 : i32
    %mul3A_0 = arith.muli %arg1, %mul3A : i32
    %add3A = arith.constant 0 : i32
    %add3A_1 = arith.addi %mul3A_0, %add3A : i32
    "tpu.region"() ({
      %run_scoped3A = tpu.sem_alloc : memref<!tpu.dma_semaphore, #tpu.memory_space<semaphore_mem>>
      %dma_start3A_122 = arith.constant 0 : i32
      %dma_start3A_123 = arith.constant 0 : i32
      %dma_start3A_124 = tpu.memref_slice %arg9[%dma_start3A_122, %dma_start3A_123] : memref<80x64xf32, #tpu.memory_space<vmem>> -> memref<80x64xf32, #tpu.memory_space<vmem>>
      %dma_start3A_125 = arith.constant 0 : i32
      %dma_start3A_126 = tpu.memref_slice %arg14[%add3A_1, %dma_start3A_125] : memref<10112x64xf32, #tpu.memory_space<vmem_shared>> -> memref<80x64xf32, #tpu.memory_space<vmem_shared>>
      %dma_start3A_127 = arith.constant 0 : i32
      %dma_start3A_128 = tpu.memref_slice %arg14[%add3A_1, %dma_start3A_127] : memref<10112x64xf32, #tpu.memory_space<vmem_shared>> -> memref<80x64xf32, #tpu.memory_space<vmem_shared>>
      %dma_start3A_129 = arith.constant 0 : i32
      %dma_start3A_130 = arith.constant 0 : i32
      %dma_start3A_131 = tpu.memref_slice %arg9[%dma_start3A_129, %dma_start3A_130] : memref<80x64xf32, #tpu.memory_space<vmem>> -> memref<80x64xf32, #tpu.memory_space<vmem>>
      tpu.enqueue_dma source(%dma_start3A_131 : memref<80x64xf32, #tpu.memory_space<vmem>>) target(%dma_start3A_128 : memref<80x64xf32, #tpu.memory_space<vmem_shared>>) target_semaphore(%run_scoped3A : memref<!tpu.dma_semaphore, #tpu.memory_space<semaphore_mem>>)
      %dma_wait3A_132 = arith.constant 0 : i32
      %dma_wait3A_133 = arith.constant 0 : i32
      %dma_wait3A_134 = tpu.memref_slice %arg9[%dma_wait3A_132, %dma_wait3A_133] : memref<80x64xf32, #tpu.memory_space<vmem>> -> memref<80x64xf32, #tpu.memory_space<vmem>>
      %dma_wait3A_135 = arith.constant 0 : i32
      %dma_wait3A_136 = tpu.memref_slice %arg14[%add3A_1, %dma_wait3A_135] : memref<10112x64xf32, #tpu.memory_space<vmem_shared>> -> memref<80x64xf32, #tpu.memory_space<vmem_shared>>
      %dma_wait3A_137 = arith.constant 0 : i32
      %dma_wait3A_138 = tpu.memref_slice %arg14[%add3A_1, %dma_wait3A_137] : memref<10112x64xf32, #tpu.memory_space<vmem_shared>> -> memref<80x64xf32, #tpu.memory_space<vmem_shared>>
      %dma_wait3A_139 = arith.constant 0 : i32
      %dma_wait3A_140 = arith.constant 0 : i32
      %dma_wait3A_141 = tpu.memref_slice %arg9[%dma_wait3A_139, %dma_wait3A_140] : memref<80x64xf32, #tpu.memory_space<vmem>> -> memref<80x64xf32, #tpu.memory_space<vmem>>
      tpu.wait_dma2 semaphore(%run_scoped3A : memref<!tpu.dma_semaphore, #tpu.memory_space<semaphore_mem>>) src(%dma_wait3A_141 : memref<80x64xf32, #tpu.memory_space<vmem>>) dst(%dma_wait3A_138 : memref<80x64xf32, #tpu.memory_space<vmem_shared>>)
      tpu.yield
    }) : () -> ()
    %add3A_2 = arith.constant 80 : i32
    %add3A_3 = arith.addi %mul3A_0, %add3A_2 : i32
    "tpu.region"() ({
      %run_scoped3A = tpu.sem_alloc : memref<!tpu.dma_semaphore, #tpu.memory_space<semaphore_mem>>
      %dma_start3A_122 = arith.constant 0 : i32
      %dma_start3A_123 = arith.constant 0 : i32
      %dma_start3A_124 = tpu.memref_slice %arg9[%dma_start3A_122, %dma_start3A_123] : memref<80x64xf32, #tpu.memory_space<vmem>> -> memref<80x64xf32, #tpu.memory_space<vmem>>
      %dma_start3A_125 = arith.constant 0 : i32
      %dma_start3A_126 = tpu.memref_slice %arg14[%add3A_3, %dma_start3A_125] : memref<10112x64xf32, #tpu.memory_space<vmem_shared>> -> memref<80x64xf32, #tpu.memory_space<vmem_shared>>
      %dma_start3A_127 = arith.constant 0 : i32
      %dma_start3A_128 = tpu.memref_slice %arg14[%add3A_3, %dma_start3A_127] : memref<10112x64xf32, #tpu.memory_space<vmem_shared>> -> memref<80x64xf32, #tpu.memory_space<vmem_shared>>
      %dma_start3A_129 = arith.constant 0 : i32
      %dma_start3A_130 = arith.constant 0 : i32
      %dma_start3A_131 = tpu.memref_slice %arg9[%dma_start3A_129, %dma_start3A_130] : memref<80x64xf32, #tpu.memory_space<vmem>> -> memref<80x64xf32, #tpu.memory_space<vmem>>
      tpu.enqueue_dma source(%dma_start3A_131 : memref<80x64xf32, #tpu.memory_space<vmem>>) target(%dma_start3A_128 : memref<80x64xf32, #tpu.memory_space<vmem_shared>>) target_semaphore(%run_scoped3A : memref<!tpu.dma_semaphore, #tpu.memory_space<semaphore_mem>>)
      %dma_wait3A_132 = arith.constant 0 : i32
      %dma_wait3A_133 = arith.constant 0 : i32
      %dma_wait3A_134 = tpu.memref_slice %arg9[%dma_wait3A_132, %dma_wait3A_133] : memref<80x64xf32, #tpu.memory_space<vmem>> -> memref<80x64xf32, #tpu.memory_space<vmem>>
      %dma_wait3A_135 = arith.constant 0 : i32
      %dma_wait3A_136 = tpu.memref_slice %arg14[%add3A_3, %dma_wait3A_135] : memref<10112x64xf32, #tpu.memory_space<vmem_shared>> -> memref<80x64xf32, #tpu.memory_space<vmem_shared>>
      %dma_wait3A_137 = arith.constant 0 : i32
      %dma_wait3A_138 = tpu.memref_slice %arg14[%add3A_3, %dma_wait3A_137] : memref<10112x64xf32, #tpu.memory_space<vmem_shared>> -> memref<80x64xf32, #tpu.memory_space<vmem_shared>>
      %dma_wait3A_139 = arith.constant 0 : i32
      %dma_wait3A_140 = arith.constant 0 : i32
      %dma_wait3A_141 = tpu.memref_slice %arg9[%dma_wait3A_139, %dma_wait3A_140] : memref<80x64xf32, #tpu.memory_space<vmem>> -> memref<80x64xf32, #tpu.memory_space<vmem>>
      tpu.wait_dma2 semaphore(%run_scoped3A : memref<!tpu.dma_semaphore, #tpu.memory_space<semaphore_mem>>) src(%dma_wait3A_141 : memref<80x64xf32, #tpu.memory_space<vmem>>) dst(%dma_wait3A_138 : memref<80x64xf32, #tpu.memory_space<vmem_shared>>)
      tpu.yield
    }) : () -> ()
    %add3A_4 = arith.constant 160 : i32
    %add3A_5 = arith.addi %mul3A_0, %add3A_4 : i32
    "tpu.region"() ({
      %run_scoped3A = tpu.sem_alloc : memref<!tpu.dma_semaphore, #tpu.memory_space<semaphore_mem>>
      %dma_start3A_122 = arith.constant 0 : i32
      %dma_start3A_123 = arith.constant 0 : i32
      %dma_start3A_124 = tpu.memref_slice %arg9[%dma_start3A_122, %dma_start3A_123] : memref<80x64xf32, #tpu.memory_space<vmem>> -> memref<80x64xf32, #tpu.memory_space<vmem>>
      %dma_start3A_125 = arith.constant 0 : i32
      %dma_start3A_126 = tpu.memref_slice %arg14[%add3A_5, %dma_start3A_125] : memref<10112x64xf32, #tpu.memory_space<vmem_shared>> -> memref<80x64xf32, #tpu.memory_space<vmem_shared>>
      %dma_start3A_127 = arith.constant 0 : i32
      %dma_start3A_128 = tpu.memref_slice %arg14[%add3A_5, %dma_start3A_127] : memref<10112x64xf32, #tpu.memory_space<vmem_shared>> -> memref<80x64xf32, #tpu.memory_space<vmem_shared>>
      %dma_start3A_129 = arith.constant 0 : i32
      %dma_start3A_130 = arith.constant 0 : i32
      %dma_start3A_131 = tpu.memref_slice %arg9[%dma_start3A_129, %dma_start3A_130] : memref<80x64xf32, #tpu.memory_space<vmem>> -> memref<80x64xf32, #tpu.memory_space<vmem>>
      tpu.enqueue_dma source(%dma_start3A_131 : memref<80x64xf32, #tpu.memory_space<vmem>>) target(%dma_start3A_128 : memref<80x64xf32, #tpu.memory_space<vmem_shared>>) target_semaphore(%run_scoped3A : memref<!tpu.dma_semaphore, #tpu.memory_space<semaphore_mem>>)
      %dma_wait3A_132 = arith.constant 0 : i32
      %dma_wait3A_133 = arith.constant 0 : i32
      %dma_wait3A_134 = tpu.memref_slice %arg9[%dma_wait3A_132, %dma_wait3A_133] : memref<80x64xf32, #tpu.memory_space<vmem>> -> memref<80x64xf32, #tpu.memory_space<vmem>>
      %dma_wait3A_135 = arith.constant 0 : i32
      %dma_wait3A_136 = tpu.memref_slice %arg14[%add3A_5, %dma_wait3A_135] : memref<10112x64xf32, #tpu.memory_space<vmem_shared>> -> memref<80x64xf32, #tpu.memory_space<vmem_shared>>
      %dma_wait3A_137 = arith.constant 0 : i32
      %dma_wait3A_138 = tpu.memref_slice %arg14[%add3A_5, %dma_wait3A_137] : memref<10112x64xf32, #tpu.memory_space<vmem_shared>> -> memref<80x64xf32, #tpu.memory_space<vmem_shared>>
      %dma_wait3A_139 = arith.constant 0 : i32
      %dma_wait3A_140 = arith.constant 0 : i32
      %dma_wait3A_141 = tpu.memref_slice %arg9[%dma_wait3A_139, %dma_wait3A_140] : memref<80x64xf32, #tpu.memory_space<vmem>> -> memref<80x64xf32, #tpu.memory_space<vmem>>
      tpu.wait_dma2 semaphore(%run_scoped3A : memref<!tpu.dma_semaphore, #tpu.memory_space<semaphore_mem>>) src(%dma_wait3A_141 : memref<80x64xf32, #tpu.memory_space<vmem>>) dst(%dma_wait3A_138 : memref<80x64xf32, #tpu.memory_space<vmem_shared>>)
      tpu.yield
    }) : () -> ()
    %add3A_6 = arith.constant 240 : i32
    %add3A_7 = arith.addi %mul3A_0, %add3A_6 : i32
    "tpu.region"() ({
      %run_scoped3A = tpu.sem_alloc : memref<!tpu.dma_semaphore, #tpu.memory_space<semaphore_mem>>
      %dma_start3A_122 = arith.constant 0 : i32
      %dma_start3A_123 = arith.constant 0 : i32
      %dma_start3A_124 = tpu.memref_slice %arg9[%dma_start3A_122, %dma_start3A_123] : memref<80x64xf32, #tpu.memory_space<vmem>> -> memref<80x64xf32, #tpu.memory_space<vmem>>
      %dma_start3A_125 = arith.constant 0 : i32
      %dma_start3A_126 = tpu.memref_slice %arg14[%add3A_7, %dma_start3A_125] : memref<10112x64xf32, #tpu.memory_space<vmem_shared>> -> memref<80x64xf32, #tpu.memory_space<vmem_shared>>
      %dma_start3A_127 = arith.constant 0 : i32
      %dma_start3A_128 = tpu.memref_slice %arg14[%add3A_7, %dma_start3A_127] : memref<10112x64xf32, #tpu.memory_space<vmem_shared>> -> memref<80x64xf32, #tpu.memory_space<vmem_shared>>
      %dma_start3A_129 = arith.constant 0 : i32
      %dma_start3A_130 = arith.constant 0 : i32
      %dma_start3A_131 = tpu.memref_slice %arg9[%dma_start3A_129, %dma_start3A_130] : memref<80x64xf32, #tpu.memory_space<vmem>> -> memref<80x64xf32, #tpu.memory_space<vmem>>
      tpu.enqueue_dma source(%dma_start3A_131 : memref<80x64xf32, #tpu.memory_space<vmem>>) target(%dma_start3A_128 : memref<80x64xf32, #tpu.memory_space<vmem_shared>>) target_semaphore(%run_scoped3A : memref<!tpu.dma_semaphore, #tpu.memory_space<semaphore_mem>>)
      %dma_wait3A_132 = arith.constant 0 : i32
      %dma_wait3A_133 = arith.constant 0 : i32
      %dma_wait3A_134 = tpu.memref_slice %arg9[%dma_wait3A_132, %dma_wait3A_133] : memref<80x64xf32, #tpu.memory_space<vmem>> -> memref<80x64xf32, #tpu.memory_space<vmem>>
      %dma_wait3A_135 = arith.constant 0 : i32
      %dma_wait3A_136 = tpu.memref_slice %arg14[%add3A_7, %dma_wait3A_135] : memref<10112x64xf32, #tpu.memory_space<vmem_shared>> -> memref<80x64xf32, #tpu.memory_space<vmem_shared>>
      %dma_wait3A_137 = arith.constant 0 : i32
      %dma_wait3A_138 = tpu.memref_slice %arg14[%add3A_7, %dma_wait3A_137] : memref<10112x64xf32, #tpu.memory_space<vmem_shared>> -> memref<80x64xf32, #tpu.memory_space<vmem_shared>>
      %dma_wait3A_139 = arith.constant 0 : i32
      %dma_wait3A_140 = arith.constant 0 : i32
      %dma_wait3A_141 = tpu.memref_slice %arg9[%dma_wait3A_139, %dma_wait3A_140] : memref<80x64xf32, #tpu.memory_space<vmem>> -> memref<80x64xf32, #tpu.memory_space<vmem>>
      tpu.wait_dma2 semaphore(%run_scoped3A : memref<!tpu.dma_semaphore, #tpu.memory_space<semaphore_mem>>) src(%dma_wait3A_141 : memref<80x64xf32, #tpu.memory_space<vmem>>) dst(%dma_wait3A_138 : memref<80x64xf32, #tpu.memory_space<vmem_shared>>)
      tpu.yield
    }) : () -> ()
    %add3A_8 = arith.constant 320 : i32
    %add3A_9 = arith.addi %mul3A_0, %add3A_8 : i32
    "tpu.region"() ({
      %run_scoped3A = tpu.sem_alloc : memref<!tpu.dma_semaphore, #tpu.memory_space<semaphore_mem>>
      %dma_start3A_122 = arith.constant 0 : i32
      %dma_start3A_123 = arith.constant 0 : i32
      %dma_start3A_124 = tpu.memref_slice %arg9[%dma_start3A_122, %dma_start3A_123] : memref<80x64xf32, #tpu.memory_space<vmem>> -> memref<80x64xf32, #tpu.memory_space<vmem>>
      %dma_start3A_125 = arith.constant 0 : i32
      %dma_start3A_126 = tpu.memref_slice %arg14[%add3A_9, %dma_start3A_125] : memref<10112x64xf32, #tpu.memory_space<vmem_shared>> -> memref<80x64xf32, #tpu.memory_space<vmem_shared>>
      %dma_start3A_127 = arith.constant 0 : i32
      %dma_start3A_128 = tpu.memref_slice %arg14[%add3A_9, %dma_start3A_127] : memref<10112x64xf32, #tpu.memory_space<vmem_shared>> -> memref<80x64xf32, #tpu.memory_space<vmem_shared>>
      %dma_start3A_129 = arith.constant 0 : i32
      %dma_start3A_130 = arith.constant 0 : i32
      %dma_start3A_131 = tpu.memref_slice %arg9[%dma_start3A_129, %dma_start3A_130] : memref<80x64xf32, #tpu.memory_space<vmem>> -> memref<80x64xf32, #tpu.memory_space<vmem>>
      tpu.enqueue_dma source(%dma_start3A_131 : memref<80x64xf32, #tpu.memory_space<vmem>>) target(%dma_start3A_128 : memref<80x64xf32, #tpu.memory_space<vmem_shared>>) target_semaphore(%run_scoped3A : memref<!tpu.dma_semaphore, #tpu.memory_space<semaphore_mem>>)
      %dma_wait3A_132 = arith.constant 0 : i32
      %dma_wait3A_133 = arith.constant 0 : i32
      %dma_wait3A_134 = tpu.memref_slice %arg9[%dma_wait3A_132, %dma_wait3A_133] : memref<80x64xf32, #tpu.memory_space<vmem>> -> memref<80x64xf32, #tpu.memory_space<vmem>>
      %dma_wait3A_135 = arith.constant 0 : i32
      %dma_wait3A_136 = tpu.memref_slice %arg14[%add3A_9, %dma_wait3A_135] : memref<10112x64xf32, #tpu.memory_space<vmem_shared>> -> memref<80x64xf32, #tpu.memory_space<vmem_shared>>
      %dma_wait3A_137 = arith.constant 0 : i32
      %dma_wait3A_138 = tpu.memref_slice %arg14[%add3A_9, %dma_wait3A_137] : memref<10112x64xf32, #tpu.memory_space<vmem_shared>> -> memref<80x64xf32, #tpu.memory_space<vmem_shared>>
      %dma_wait3A_139 = arith.constant 0 : i32
      %dma_wait3A_140 = arith.constant 0 : i32
      %dma_wait3A_141 = tpu.memref_slice %arg9[%dma_wait3A_139, %dma_wait3A_140] : memref<80x64xf32, #tpu.memory_space<vmem>> -> memref<80x64xf32, #tpu.memory_space<vmem>>
      tpu.wait_dma2 semaphore(%run_scoped3A : memref<!tpu.dma_semaphore, #tpu.memory_space<semaphore_mem>>) src(%dma_wait3A_141 : memref<80x64xf32, #tpu.memory_space<vmem>>) dst(%dma_wait3A_138 : memref<80x64xf32, #tpu.memory_space<vmem_shared>>)
      tpu.yield
    }) : () -> ()
    %add3A_10 = arith.constant 400 : i32
    %add3A_11 = arith.addi %mul3A_0, %add3A_10 : i32
    "tpu.region"() ({
      %run_scoped3A = tpu.sem_alloc : memref<!tpu.dma_semaphore, #tpu.memory_space<semaphore_mem>>
      %dma_start3A_122 = arith.constant 0 : i32
      %dma_start3A_123 = arith.constant 0 : i32
      %dma_start3A_124 = tpu.memref_slice %arg9[%dma_start3A_122, %dma_start3A_123] : memref<80x64xf32, #tpu.memory_space<vmem>> -> memref<80x64xf32, #tpu.memory_space<vmem>>
      %dma_start3A_125 = arith.constant 0 : i32
      %dma_start3A_126 = tpu.memref_slice %arg14[%add3A_11, %dma_start3A_125] : memref<10112x64xf32, #tpu.memory_space<vmem_shared>> -> memref<80x64xf32, #tpu.memory_space<vmem_shared>>
      %dma_start3A_127 = arith.constant 0 : i32
      %dma_start3A_128 = tpu.memref_slice %arg14[%add3A_11, %dma_start3A_127] : memref<10112x64xf32, #tpu.memory_space<vmem_shared>> -> memref<80x64xf32, #tpu.memory_space<vmem_shared>>
      %dma_start3A_129 = arith.constant 0 : i32
      %dma_start3A_130 = arith.constant 0 : i32
      %dma_start3A_131 = tpu.memref_slice %arg9[%dma_start3A_129, %dma_start3A_130] : memref<80x64xf32, #tpu.memory_space<vmem>> -> memref<80x64xf32, #tpu.memory_space<vmem>>
      tpu.enqueue_dma source(%dma_start3A_131 : memref<80x64xf32, #tpu.memory_space<vmem>>) target(%dma_start3A_128 : memref<80x64xf32, #tpu.memory_space<vmem_shared>>) target_semaphore(%run_scoped3A : memref<!tpu.dma_semaphore, #tpu.memory_space<semaphore_mem>>)
      %dma_wait3A_132 = arith.constant 0 : i32
      %dma_wait3A_133 = arith.constant 0 : i32
      %dma_wait3A_134 = tpu.memref_slice %arg9[%dma_wait3A_132, %dma_wait3A_133] : memref<80x64xf32, #tpu.memory_space<vmem>> -> memref<80x64xf32, #tpu.memory_space<vmem>>
      %dma_wait3A_135 = arith.constant 0 : i32
      %dma_wait3A_136 = tpu.memref_slice %arg14[%add3A_11, %dma_wait3A_135] : memref<10112x64xf32, #tpu.memory_space<vmem_shared>> -> memref<80x64xf32, #tpu.memory_space<vmem_shared>>
      %dma_wait3A_137 = arith.constant 0 : i32
      %dma_wait3A_138 = tpu.memref_slice %arg14[%add3A_11, %dma_wait3A_137] : memref<10112x64xf32, #tpu.memory_space<vmem_shared>> -> memref<80x64xf32, #tpu.memory_space<vmem_shared>>
      %dma_wait3A_139 = arith.constant 0 : i32
      %dma_wait3A_140 = arith.constant 0 : i32
      %dma_wait3A_141 = tpu.memref_slice %arg9[%dma_wait3A_139, %dma_wait3A_140] : memref<80x64xf32, #tpu.memory_space<vmem>> -> memref<80x64xf32, #tpu.memory_space<vmem>>
      tpu.wait_dma2 semaphore(%run_scoped3A : memref<!tpu.dma_semaphore, #tpu.memory_space<semaphore_mem>>) src(%dma_wait3A_141 : memref<80x64xf32, #tpu.memory_space<vmem>>) dst(%dma_wait3A_138 : memref<80x64xf32, #tpu.memory_space<vmem_shared>>)
      tpu.yield
    }) : () -> ()
    %add3A_12 = arith.constant 480 : i32
    %add3A_13 = arith.addi %mul3A_0, %add3A_12 : i32
    "tpu.region"() ({
      %run_scoped3A = tpu.sem_alloc : memref<!tpu.dma_semaphore, #tpu.memory_space<semaphore_mem>>
      %dma_start3A_122 = arith.constant 0 : i32
      %dma_start3A_123 = arith.constant 0 : i32
      %dma_start3A_124 = tpu.memref_slice %arg9[%dma_start3A_122, %dma_start3A_123] : memref<80x64xf32, #tpu.memory_space<vmem>> -> memref<80x64xf32, #tpu.memory_space<vmem>>
      %dma_start3A_125 = arith.constant 0 : i32
      %dma_start3A_126 = tpu.memref_slice %arg14[%add3A_13, %dma_start3A_125] : memref<10112x64xf32, #tpu.memory_space<vmem_shared>> -> memref<80x64xf32, #tpu.memory_space<vmem_shared>>
      %dma_start3A_127 = arith.constant 0 : i32
      %dma_start3A_128 = tpu.memref_slice %arg14[%add3A_13, %dma_start3A_127] : memref<10112x64xf32, #tpu.memory_space<vmem_shared>> -> memref<80x64xf32, #tpu.memory_space<vmem_shared>>
      %dma_start3A_129 = arith.constant 0 : i32
      %dma_start3A_130 = arith.constant 0 : i32
      %dma_start3A_131 = tpu.memref_slice %arg9[%dma_start3A_129, %dma_start3A_130] : memref<80x64xf32, #tpu.memory_space<vmem>> -> memref<80x64xf32, #tpu.memory_space<vmem>>
      tpu.enqueue_dma source(%dma_start3A_131 : memref<80x64xf32, #tpu.memory_space<vmem>>) target(%dma_start3A_128 : memref<80x64xf32, #tpu.memory_space<vmem_shared>>) target_semaphore(%run_scoped3A : memref<!tpu.dma_semaphore, #tpu.memory_space<semaphore_mem>>)
      %dma_wait3A_132 = arith.constant 0 : i32
      %dma_wait3A_133 = arith.constant 0 : i32
      %dma_wait3A_134 = tpu.memref_slice %arg9[%dma_wait3A_132, %dma_wait3A_133] : memref<80x64xf32, #tpu.memory_space<vmem>> -> memref<80x64xf32, #tpu.memory_space<vmem>>
      %dma_wait3A_135 = arith.constant 0 : i32
      %dma_wait3A_136 = tpu.memref_slice %arg14[%add3A_13, %dma_wait3A_135] : memref<10112x64xf32, #tpu.memory_space<vmem_shared>> -> memref<80x64xf32, #tpu.memory_space<vmem_shared>>
      %dma_wait3A_137 = arith.constant 0 : i32
      %dma_wait3A_138 = tpu.memref_slice %arg14[%add3A_13, %dma_wait3A_137] : memref<10112x64xf32, #tpu.memory_space<vmem_shared>> -> memref<80x64xf32, #tpu.memory_space<vmem_shared>>
      %dma_wait3A_139 = arith.constant 0 : i32
      %dma_wait3A_140 = arith.constant 0 : i32
      %dma_wait3A_141 = tpu.memref_slice %arg9[%dma_wait3A_139, %dma_wait3A_140] : memref<80x64xf32, #tpu.memory_space<vmem>> -> memref<80x64xf32, #tpu.memory_space<vmem>>
      tpu.wait_dma2 semaphore(%run_scoped3A : memref<!tpu.dma_semaphore, #tpu.memory_space<semaphore_mem>>) src(%dma_wait3A_141 : memref<80x64xf32, #tpu.memory_space<vmem>>) dst(%dma_wait3A_138 : memref<80x64xf32, #tpu.memory_space<vmem_shared>>)
      tpu.yield
    }) : () -> ()
    %add3A_14 = arith.constant 560 : i32
    %add3A_15 = arith.addi %mul3A_0, %add3A_14 : i32
    "tpu.region"() ({
      %run_scoped3A = tpu.sem_alloc : memref<!tpu.dma_semaphore, #tpu.memory_space<semaphore_mem>>
      %dma_start3A_122 = arith.constant 0 : i32
      %dma_start3A_123 = arith.constant 0 : i32
      %dma_start3A_124 = tpu.memref_slice %arg9[%dma_start3A_122, %dma_start3A_123] : memref<80x64xf32, #tpu.memory_space<vmem>> -> memref<72x64xf32, #tpu.memory_space<vmem>>
      %dma_start3A_125 = arith.constant 0 : i32
      %dma_start3A_126 = tpu.memref_slice %arg14[%add3A_15, %dma_start3A_125] : memref<10112x64xf32, #tpu.memory_space<vmem_shared>> -> memref<72x64xf32, #tpu.memory_space<vmem_shared>>
      %dma_start3A_127 = arith.constant 0 : i32
      %dma_start3A_128 = tpu.memref_slice %arg14[%add3A_15, %dma_start3A_127] : memref<10112x64xf32, #tpu.memory_space<vmem_shared>> -> memref<72x64xf32, #tpu.memory_space<vmem_shared>>
      %dma_start3A_129 = arith.constant 0 : i32
      %dma_start3A_130 = arith.constant 0 : i32
      %dma_start3A_131 = tpu.memref_slice %arg9[%dma_start3A_129, %dma_start3A_130] : memref<80x64xf32, #tpu.memory_space<vmem>> -> memref<72x64xf32, #tpu.memory_space<vmem>>
      tpu.enqueue_dma source(%dma_start3A_131 : memref<72x64xf32, #tpu.memory_space<vmem>>) target(%dma_start3A_128 : memref<72x64xf32, #tpu.memory_space<vmem_shared>>) target_semaphore(%run_scoped3A : memref<!tpu.dma_semaphore, #tpu.memory_space<semaphore_mem>>)
      %dma_wait3A_132 = arith.constant 0 : i32
      %dma_wait3A_133 = arith.constant 0 : i32
      %dma_wait3A_134 = tpu.memref_slice %arg9[%dma_wait3A_132, %dma_wait3A_133] : memref<80x64xf32, #tpu.memory_space<vmem>> -> memref<72x64xf32, #tpu.memory_space<vmem>>
      %dma_wait3A_135 = arith.constant 0 : i32
      %dma_wait3A_136 = tpu.memref_slice %arg14[%add3A_15, %dma_wait3A_135] : memref<10112x64xf32, #tpu.memory_space<vmem_shared>> -> memref<72x64xf32, #tpu.memory_space<vmem_shared>>
      %dma_wait3A_137 = arith.constant 0 : i32
      %dma_wait3A_138 = tpu.memref_slice %arg14[%add3A_15, %dma_wait3A_137] : memref<10112x64xf32, #tpu.memory_space<vmem_shared>> -> memref<72x64xf32, #tpu.memory_space<vmem_shared>>
      %dma_wait3A_139 = arith.constant 0 : i32
      %dma_wait3A_140 = arith.constant 0 : i32
      %dma_wait3A_141 = tpu.memref_slice %arg9[%dma_wait3A_139, %dma_wait3A_140] : memref<80x64xf32, #tpu.memory_space<vmem>> -> memref<72x64xf32, #tpu.memory_space<vmem>>
      tpu.wait_dma2 semaphore(%run_scoped3A : memref<!tpu.dma_semaphore, #tpu.memory_space<semaphore_mem>>) src(%dma_wait3A_141 : memref<72x64xf32, #tpu.memory_space<vmem>>) dst(%dma_wait3A_138 : memref<72x64xf32, #tpu.memory_space<vmem_shared>>)
      tpu.yield
    }) : () -> ()
    %barrier3A = arith.constant 0 : index
    tpu.barrier barrier_id(%barrier3A)
    %dma_start3A = arith.constant 0 : i32
    %dma_start3A_16 = arith.constant 0 : i32
    %dma_start3A_17 = tpu.memref_slice %arg7[%dma_start3A, %dma_start3A_16] : memref<250x80xi32, #tpu.memory_space<vmem>> -> memref<1x80xi32, #tpu.memory_space<vmem>>
    %dma_start3A_18 = tpu.memref_squeeze %dma_start3A_17 : memref<1x80xi32, #tpu.memory_space<vmem>> -> memref<80xi32, #tpu.memory_space<vmem>>
    %dma_start3A_19 = arith.constant 0 : i32
    %dma_start3A_20 = arith.constant 0 : i32
    %dma_start3A_21 = tpu.memref_slice %arg2[%dma_start3A_19, %dma_start3A_20] : memref<20000x64xf32, #tpu.memory_space<hbm>> -> memref<20000x64xf32, #tpu.memory_space<hbm>>
    tpu.enqueue_indirect_dma source(%dma_start3A_21 : memref<20000x64xf32, #tpu.memory_space<hbm>>) target(%arg9 : memref<80x64xf32, #tpu.memory_space<vmem>>) offsets(%dma_start3A_18 : memref<80xi32, #tpu.memory_space<vmem>>) semaphore(%arg15 : memref<!tpu.dma_semaphore, #tpu.memory_space<semaphore_mem>>)
    %dma_start3A_22 = arith.constant 1 : i32
    %dma_start3A_23 = arith.constant 0 : i32
    %dma_start3A_24 = tpu.memref_slice %arg7[%dma_start3A_22, %dma_start3A_23] : memref<250x80xi32, #tpu.memory_space<vmem>> -> memref<1x80xi32, #tpu.memory_space<vmem>>
    %dma_start3A_25 = tpu.memref_squeeze %dma_start3A_24 : memref<1x80xi32, #tpu.memory_space<vmem>> -> memref<80xi32, #tpu.memory_space<vmem>>
    %dma_start3A_26 = arith.constant 0 : i32
    %dma_start3A_27 = arith.constant 0 : i32
    %dma_start3A_28 = tpu.memref_slice %arg2[%dma_start3A_26, %dma_start3A_27] : memref<20000x64xf32, #tpu.memory_space<hbm>> -> memref<20000x64xf32, #tpu.memory_space<hbm>>
    tpu.enqueue_indirect_dma source(%dma_start3A_28 : memref<20000x64xf32, #tpu.memory_space<hbm>>) target(%arg10 : memref<80x64xf32, #tpu.memory_space<vmem>>) offsets(%dma_start3A_25 : memref<80xi32, #tpu.memory_space<vmem>>) semaphore(%arg16 : memref<!tpu.dma_semaphore, #tpu.memory_space<semaphore_mem>>)
    %dma_start3A_29 = arith.constant 2 : i32
    %dma_start3A_30 = arith.constant 0 : i32
    %dma_start3A_31 = tpu.memref_slice %arg7[%dma_start3A_29, %dma_start3A_30] : memref<250x80xi32, #tpu.memory_space<vmem>> -> memref<1x80xi32, #tpu.memory_space<vmem>>
    %dma_start3A_32 = tpu.memref_squeeze %dma_start3A_31 : memref<1x80xi32, #tpu.memory_space<vmem>> -> memref<80xi32, #tpu.memory_space<vmem>>
    %dma_start3A_33 = arith.constant 0 : i32
    %dma_start3A_34 = arith.constant 0 : i32
    %dma_start3A_35 = tpu.memref_slice %arg2[%dma_start3A_33, %dma_start3A_34] : memref<20000x64xf32, #tpu.memory_space<hbm>> -> memref<20000x64xf32, #tpu.memory_space<hbm>>
    tpu.enqueue_indirect_dma source(%dma_start3A_35 : memref<20000x64xf32, #tpu.memory_space<hbm>>) target(%arg11 : memref<80x64xf32, #tpu.memory_space<vmem>>) offsets(%dma_start3A_32 : memref<80xi32, #tpu.memory_space<vmem>>) semaphore(%arg17 : memref<!tpu.dma_semaphore, #tpu.memory_space<semaphore_mem>>)
    %dma_start3A_36 = arith.constant 3 : i32
    %dma_start3A_37 = arith.constant 0 : i32
    %dma_start3A_38 = tpu.memref_slice %arg7[%dma_start3A_36, %dma_start3A_37] : memref<250x80xi32, #tpu.memory_space<vmem>> -> memref<1x80xi32, #tpu.memory_space<vmem>>
    %dma_start3A_39 = tpu.memref_squeeze %dma_start3A_38 : memref<1x80xi32, #tpu.memory_space<vmem>> -> memref<80xi32, #tpu.memory_space<vmem>>
    %dma_start3A_40 = arith.constant 0 : i32
    %dma_start3A_41 = arith.constant 0 : i32
    %dma_start3A_42 = tpu.memref_slice %arg2[%dma_start3A_40, %dma_start3A_41] : memref<20000x64xf32, #tpu.memory_space<hbm>> -> memref<20000x64xf32, #tpu.memory_space<hbm>>
    tpu.enqueue_indirect_dma source(%dma_start3A_42 : memref<20000x64xf32, #tpu.memory_space<hbm>>) target(%arg12 : memref<80x64xf32, #tpu.memory_space<vmem>>) offsets(%dma_start3A_39 : memref<80xi32, #tpu.memory_space<vmem>>) semaphore(%arg18 : memref<!tpu.dma_semaphore, #tpu.memory_space<semaphore_mem>>)
    %dma_start3A_43 = arith.constant 4 : i32
    %dma_start3A_44 = arith.constant 0 : i32
    %dma_start3A_45 = tpu.memref_slice %arg7[%dma_start3A_43, %dma_start3A_44] : memref<250x80xi32, #tpu.memory_space<vmem>> -> memref<1x80xi32, #tpu.memory_space<vmem>>
    %dma_start3A_46 = tpu.memref_squeeze %dma_start3A_45 : memref<1x80xi32, #tpu.memory_space<vmem>> -> memref<80xi32, #tpu.memory_space<vmem>>
    %dma_start3A_47 = arith.constant 0 : i32
    %dma_start3A_48 = arith.constant 0 : i32
    %dma_start3A_49 = tpu.memref_slice %arg2[%dma_start3A_47, %dma_start3A_48] : memref<20000x64xf32, #tpu.memory_space<hbm>> -> memref<20000x64xf32, #tpu.memory_space<hbm>>
    tpu.enqueue_indirect_dma source(%dma_start3A_49 : memref<20000x64xf32, #tpu.memory_space<hbm>>) target(%arg13 : memref<80x64xf32, #tpu.memory_space<vmem>>) offsets(%dma_start3A_46 : memref<80xi32, #tpu.memory_space<vmem>>) semaphore(%arg19 : memref<!tpu.dma_semaphore, #tpu.memory_space<semaphore_mem>>)
    %scan3A = arith.constant 0 : i32
    %scan3A_50 = arith.constant 0 : i32
    %scan3A_51 = arith.constant 50 : i32
    %scan3A_52 = arith.addi %scan3A_50, %scan3A_51 : i32
    %scan3A_53 = arith.constant 1 : i32
    scf.for %scan3A_122 = %scan3A_50 to %scan3A_52 step %scan3A_53  : i32 {
      %mul3A_123 = arith.constant 5 : i32
      %mul3A_124 = arith.muli %mul3A_123, %scan3A_122 : i32
      %add3A_125 = arith.constant 0 : i32
      %add3A_126 = arith.addi %mul3A_124, %add3A_125 : i32
      %dma_wait3A_127 = arith.constant 0 : i32
      %dma_wait3A_128 = tpu.memref_slice %arg7[%add3A_126, %dma_wait3A_127] : memref<250x80xi32, #tpu.memory_space<vmem>> -> memref<1x80xi32, #tpu.memory_space<vmem>>
      %dma_wait3A_129 = tpu.memref_squeeze %dma_wait3A_128 : memref<1x80xi32, #tpu.memory_space<vmem>> -> memref<80xi32, #tpu.memory_space<vmem>>
      %dma_wait3A_130 = arith.constant 0 : i32
      %dma_wait3A_131 = arith.constant 0 : i32
      %dma_wait3A_132 = tpu.memref_slice %arg2[%dma_wait3A_130, %dma_wait3A_131] : memref<20000x64xf32, #tpu.memory_space<hbm>> -> memref<20000x64xf32, #tpu.memory_space<hbm>>
      tpu.wait_indirect_dma semaphore(%arg15 : memref<!tpu.dma_semaphore, #tpu.memory_space<semaphore_mem>>) src(%dma_wait3A_132 : memref<20000x64xf32, #tpu.memory_space<hbm>>) dst(%arg9 : memref<80x64xf32, #tpu.memory_space<vmem>>)
      %dma_start3A_133 = arith.constant 0 : i32
      %dma_start3A_134 = tpu.memref_slice %arg8[%add3A_126, %dma_start3A_133] : memref<250x80xi32, #tpu.memory_space<vmem>> -> memref<1x80xi32, #tpu.memory_space<vmem>>
      %dma_start3A_135 = tpu.memref_squeeze %dma_start3A_134 : memref<1x80xi32, #tpu.memory_space<vmem>> -> memref<80xi32, #tpu.memory_space<vmem>>
      %dma_start3A_136 = arith.constant 0 : i32
      %dma_start3A_137 = arith.constant 0 : i32
      %dma_start3A_138 = tpu.memref_slice %arg14[%dma_start3A_136, %dma_start3A_137] : memref<10112x64xf32, #tpu.memory_space<vmem_shared>> -> memref<10112x64xf32, #tpu.memory_space<vmem_shared>>
      tpu.enqueue_indirect_dma source(%arg9 : memref<80x64xf32, #tpu.memory_space<vmem>>) target(%dma_start3A_138 : memref<10112x64xf32, #tpu.memory_space<vmem_shared>>) offsets(%dma_start3A_135 : memref<80xi32, #tpu.memory_space<vmem>>) semaphore(%arg20 : memref<!tpu.dma_semaphore, #tpu.memory_space<semaphore_mem>>) {add = true}
      %add3A_139 = arith.constant 5 : i32
      %add3A_140 = arith.addi %add3A_126, %add3A_139 : i32
      %sub3A = arith.constant 1 : i32
      %sub3A_141 = arith.subi %add3A_140, %sub3A : i32
      %ge3A = arith.constant 5 : i32
      %ge3A_142 = arith.cmpi sge, %sub3A_141, %ge3A : i32
      %lt3A = arith.constant 250 : i32
      %lt3A_143 = arith.cmpi slt, %sub3A_141, %lt3A : i32
      %and3A = arith.andi %ge3A_142, %lt3A_143 : i1
      %convert_element_type3A = arith.extui %and3A : i1 to i32
      %cond3A = arith.constant 0 : i32
      %cond3A_144 = arith.cmpi ne, %convert_element_type3A, %cond3A : i32
      scf.if %cond3A_144 {
        %sub3A_257 = arith.constant 1 : i32
        %sub3A_258 = arith.subi %add3A_126, %sub3A_257 : i32
        %dma_wait3A_259 = arith.constant 0 : i32
        %dma_wait3A_260 = tpu.memref_slice %arg8[%sub3A_258, %dma_wait3A_259] : memref<250x80xi32, #tpu.memory_space<vmem>> -> memref<1x80xi32, #tpu.memory_space<vmem>>
        %dma_wait3A_261 = tpu.memref_squeeze %dma_wait3A_260 : memref<1x80xi32, #tpu.memory_space<vmem>> -> memref<80xi32, #tpu.memory_space<vmem>>
        %dma_wait3A_262 = arith.constant 0 : i32
        %dma_wait3A_263 = arith.constant 0 : i32
        %dma_wait3A_264 = tpu.memref_slice %arg14[%dma_wait3A_262, %dma_wait3A_263] : memref<10112x64xf32, #tpu.memory_space<vmem_shared>> -> memref<10112x64xf32, #tpu.memory_space<vmem_shared>>
        tpu.wait_indirect_dma semaphore(%arg24 : memref<!tpu.dma_semaphore, #tpu.memory_space<semaphore_mem>>) src(%arg13 : memref<80x64xf32, #tpu.memory_space<vmem>>) dst(%dma_wait3A_264 : memref<10112x64xf32, #tpu.memory_space<vmem_shared>>)
        %dma_start3A_265 = arith.constant 0 : i32
        %dma_start3A_266 = tpu.memref_slice %arg7[%sub3A_141, %dma_start3A_265] : memref<250x80xi32, #tpu.memory_space<vmem>> -> memref<1x80xi32, #tpu.memory_space<vmem>>
        %dma_start3A_267 = tpu.memref_squeeze %dma_start3A_266 : memref<1x80xi32, #tpu.memory_space<vmem>> -> memref<80xi32, #tpu.memory_space<vmem>>
        %dma_start3A_268 = arith.constant 0 : i32
        %dma_start3A_269 = arith.constant 0 : i32
        %dma_start3A_270 = tpu.memref_slice %arg2[%dma_start3A_268, %dma_start3A_269] : memref<20000x64xf32, #tpu.memory_space<hbm>> -> memref<20000x64xf32, #tpu.memory_space<hbm>>
        tpu.enqueue_indirect_dma source(%dma_start3A_270 : memref<20000x64xf32, #tpu.memory_space<hbm>>) target(%arg13 : memref<80x64xf32, #tpu.memory_space<vmem>>) offsets(%dma_start3A_267 : memref<80xi32, #tpu.memory_space<vmem>>) semaphore(%arg19 : memref<!tpu.dma_semaphore, #tpu.memory_space<semaphore_mem>>)
      } else {
      }
      %mul3A_145 = arith.constant 5 : i32
      %mul3A_146 = arith.muli %mul3A_145, %scan3A_122 : i32
      %add3A_147 = arith.constant 1 : i32
      %add3A_148 = arith.addi %mul3A_146, %add3A_147 : i32
      %dma_wait3A_149 = arith.constant 0 : i32
      %dma_wait3A_150 = tpu.memref_slice %arg7[%add3A_148, %dma_wait3A_149] : memref<250x80xi32, #tpu.memory_space<vmem>> -> memref<1x80xi32, #tpu.memory_space<vmem>>
      %dma_wait3A_151 = tpu.memref_squeeze %dma_wait3A_150 : memref<1x80xi32, #tpu.memory_space<vmem>> -> memref<80xi32, #tpu.memory_space<vmem>>
      %dma_wait3A_152 = arith.constant 0 : i32
      %dma_wait3A_153 = arith.constant 0 : i32
      %dma_wait3A_154 = tpu.memref_slice %arg2[%dma_wait3A_152, %dma_wait3A_153] : memref<20000x64xf32, #tpu.memory_space<hbm>> -> memref<20000x64xf32, #tpu.memory_space<hbm>>
      tpu.wait_indirect_dma semaphore(%arg16 : memref<!tpu.dma_semaphore, #tpu.memory_space<semaphore_mem>>) src(%dma_wait3A_154 : memref<20000x64xf32, #tpu.memory_space<hbm>>) dst(%arg10 : memref<80x64xf32, #tpu.memory_space<vmem>>)
      %dma_start3A_155 = arith.constant 0 : i32
      %dma_start3A_156 = tpu.memref_slice %arg8[%add3A_148, %dma_start3A_155] : memref<250x80xi32, #tpu.memory_space<vmem>> -> memref<1x80xi32, #tpu.memory_space<vmem>>
      %dma_start3A_157 = tpu.memref_squeeze %dma_start3A_156 : memref<1x80xi32, #tpu.memory_space<vmem>> -> memref<80xi32, #tpu.memory_space<vmem>>
      %dma_start3A_158 = arith.constant 0 : i32
      %dma_start3A_159 = arith.constant 0 : i32
      %dma_start3A_160 = tpu.memref_slice %arg14[%dma_start3A_158, %dma_start3A_159] : memref<10112x64xf32, #tpu.memory_space<vmem_shared>> -> memref<10112x64xf32, #tpu.memory_space<vmem_shared>>
      tpu.enqueue_indirect_dma source(%arg10 : memref<80x64xf32, #tpu.memory_space<vmem>>) target(%dma_start3A_160 : memref<10112x64xf32, #tpu.memory_space<vmem_shared>>) offsets(%dma_start3A_157 : memref<80xi32, #tpu.memory_space<vmem>>) semaphore(%arg21 : memref<!tpu.dma_semaphore, #tpu.memory_space<semaphore_mem>>) {add = true}
      %add3A_161 = arith.constant 5 : i32
      %add3A_162 = arith.addi %add3A_148, %add3A_161 : i32
      %sub3A_163 = arith.constant 1 : i32
      %sub3A_164 = arith.subi %add3A_162, %sub3A_163 : i32
      %ge3A_165 = arith.constant 5 : i32
      %ge3A_166 = arith.cmpi sge, %sub3A_164, %ge3A_165 : i32
      %lt3A_167 = arith.constant 250 : i32
      %lt3A_168 = arith.cmpi slt, %sub3A_164, %lt3A_167 : i32
      %and3A_169 = arith.andi %ge3A_166, %lt3A_168 : i1
      %convert_element_type3A_170 = arith.extui %and3A_169 : i1 to i32
      %cond3A_171 = arith.constant 0 : i32
      %cond3A_172 = arith.cmpi ne, %convert_element_type3A_170, %cond3A_171 : i32
      scf.if %cond3A_172 {
        %sub3A_257 = arith.constant 1 : i32
        %sub3A_258 = arith.subi %add3A_148, %sub3A_257 : i32
        %dma_wait3A_259 = arith.constant 0 : i32
        %dma_wait3A_260 = tpu.memref_slice %arg8[%sub3A_258, %dma_wait3A_259] : memref<250x80xi32, #tpu.memory_space<vmem>> -> memref<1x80xi32, #tpu.memory_space<vmem>>
        %dma_wait3A_261 = tpu.memref_squeeze %dma_wait3A_260 : memref<1x80xi32, #tpu.memory_space<vmem>> -> memref<80xi32, #tpu.memory_space<vmem>>
        %dma_wait3A_262 = arith.constant 0 : i32
        %dma_wait3A_263 = arith.constant 0 : i32
        %dma_wait3A_264 = tpu.memref_slice %arg14[%dma_wait3A_262, %dma_wait3A_263] : memref<10112x64xf32, #tpu.memory_space<vmem_shared>> -> memref<10112x64xf32, #tpu.memory_space<vmem_shared>>
        tpu.wait_indirect_dma semaphore(%arg20 : memref<!tpu.dma_semaphore, #tpu.memory_space<semaphore_mem>>) src(%arg9 : memref<80x64xf32, #tpu.memory_space<vmem>>) dst(%dma_wait3A_264 : memref<10112x64xf32, #tpu.memory_space<vmem_shared>>)
        %dma_start3A_265 = arith.constant 0 : i32
        %dma_start3A_266 = tpu.memref_slice %arg7[%sub3A_164, %dma_start3A_265] : memref<250x80xi32, #tpu.memory_space<vmem>> -> memref<1x80xi32, #tpu.memory_space<vmem>>
        %dma_start3A_267 = tpu.memref_squeeze %dma_start3A_266 : memref<1x80xi32, #tpu.memory_space<vmem>> -> memref<80xi32, #tpu.memory_space<vmem>>
        %dma_start3A_268 = arith.constant 0 : i32
        %dma_start3A_269 = arith.constant 0 : i32
        %dma_start3A_270 = tpu.memref_slice %arg2[%dma_start3A_268, %dma_start3A_269] : memref<20000x64xf32, #tpu.memory_space<hbm>> -> memref<20000x64xf32, #tpu.memory_space<hbm>>
        tpu.enqueue_indirect_dma source(%dma_start3A_270 : memref<20000x64xf32, #tpu.memory_space<hbm>>) target(%arg9 : memref<80x64xf32, #tpu.memory_space<vmem>>) offsets(%dma_start3A_267 : memref<80xi32, #tpu.memory_space<vmem>>) semaphore(%arg15 : memref<!tpu.dma_semaphore, #tpu.memory_space<semaphore_mem>>)
      } else {
      }
      %mul3A_173 = arith.constant 5 : i32
      %mul3A_174 = arith.muli %mul3A_173, %scan3A_122 : i32
      %add3A_175 = arith.constant 2 : i32
      %add3A_176 = arith.addi %mul3A_174, %add3A_175 : i32
      %dma_wait3A_177 = arith.constant 0 : i32
      %dma_wait3A_178 = tpu.memref_slice %arg7[%add3A_176, %dma_wait3A_177] : memref<250x80xi32, #tpu.memory_space<vmem>> -> memref<1x80xi32, #tpu.memory_space<vmem>>
      %dma_wait3A_179 = tpu.memref_squeeze %dma_wait3A_178 : memref<1x80xi32, #tpu.memory_space<vmem>> -> memref<80xi32, #tpu.memory_space<vmem>>
      %dma_wait3A_180 = arith.constant 0 : i32
      %dma_wait3A_181 = arith.constant 0 : i32
      %dma_wait3A_182 = tpu.memref_slice %arg2[%dma_wait3A_180, %dma_wait3A_181] : memref<20000x64xf32, #tpu.memory_space<hbm>> -> memref<20000x64xf32, #tpu.memory_space<hbm>>
      tpu.wait_indirect_dma semaphore(%arg17 : memref<!tpu.dma_semaphore, #tpu.memory_space<semaphore_mem>>) src(%dma_wait3A_182 : memref<20000x64xf32, #tpu.memory_space<hbm>>) dst(%arg11 : memref<80x64xf32, #tpu.memory_space<vmem>>)
      %dma_start3A_183 = arith.constant 0 : i32
      %dma_start3A_184 = tpu.memref_slice %arg8[%add3A_176, %dma_start3A_183] : memref<250x80xi32, #tpu.memory_space<vmem>> -> memref<1x80xi32, #tpu.memory_space<vmem>>
      %dma_start3A_185 = tpu.memref_squeeze %dma_start3A_184 : memref<1x80xi32, #tpu.memory_space<vmem>> -> memref<80xi32, #tpu.memory_space<vmem>>
      %dma_start3A_186 = arith.constant 0 : i32
      %dma_start3A_187 = arith.constant 0 : i32
      %dma_start3A_188 = tpu.memref_slice %arg14[%dma_start3A_186, %dma_start3A_187] : memref<10112x64xf32, #tpu.memory_space<vmem_shared>> -> memref<10112x64xf32, #tpu.memory_space<vmem_shared>>
      tpu.enqueue_indirect_dma source(%arg11 : memref<80x64xf32, #tpu.memory_space<vmem>>) target(%dma_start3A_188 : memref<10112x64xf32, #tpu.memory_space<vmem_shared>>) offsets(%dma_start3A_185 : memref<80xi32, #tpu.memory_space<vmem>>) semaphore(%arg22 : memref<!tpu.dma_semaphore, #tpu.memory_space<semaphore_mem>>) {add = true}
      %add3A_189 = arith.constant 5 : i32
      %add3A_190 = arith.addi %add3A_176, %add3A_189 : i32
      %sub3A_191 = arith.constant 1 : i32
      %sub3A_192 = arith.subi %add3A_190, %sub3A_191 : i32
      %ge3A_193 = arith.constant 5 : i32
      %ge3A_194 = arith.cmpi sge, %sub3A_192, %ge3A_193 : i32
      %lt3A_195 = arith.constant 250 : i32
      %lt3A_196 = arith.cmpi slt, %sub3A_192, %lt3A_195 : i32
      %and3A_197 = arith.andi %ge3A_194, %lt3A_196 : i1
      %convert_element_type3A_198 = arith.extui %and3A_197 : i1 to i32
      %cond3A_199 = arith.constant 0 : i32
      %cond3A_200 = arith.cmpi ne, %convert_element_type3A_198, %cond3A_199 : i32
      scf.if %cond3A_200 {
        %sub3A_257 = arith.constant 1 : i32
        %sub3A_258 = arith.subi %add3A_176, %sub3A_257 : i32
        %dma_wait3A_259 = arith.constant 0 : i32
        %dma_wait3A_260 = tpu.memref_slice %arg8[%sub3A_258, %dma_wait3A_259] : memref<250x80xi32, #tpu.memory_space<vmem>> -> memref<1x80xi32, #tpu.memory_space<vmem>>
        %dma_wait3A_261 = tpu.memref_squeeze %dma_wait3A_260 : memref<1x80xi32, #tpu.memory_space<vmem>> -> memref<80xi32, #tpu.memory_space<vmem>>
        %dma_wait3A_262 = arith.constant 0 : i32
        %dma_wait3A_263 = arith.constant 0 : i32
        %dma_wait3A_264 = tpu.memref_slice %arg14[%dma_wait3A_262, %dma_wait3A_263] : memref<10112x64xf32, #tpu.memory_space<vmem_shared>> -> memref<10112x64xf32, #tpu.memory_space<vmem_shared>>
        tpu.wait_indirect_dma semaphore(%arg21 : memref<!tpu.dma_semaphore, #tpu.memory_space<semaphore_mem>>) src(%arg10 : memref<80x64xf32, #tpu.memory_space<vmem>>) dst(%dma_wait3A_264 : memref<10112x64xf32, #tpu.memory_space<vmem_shared>>)
        %dma_start3A_265 = arith.constant 0 : i32
        %dma_start3A_266 = tpu.memref_slice %arg7[%sub3A_192, %dma_start3A_265] : memref<250x80xi32, #tpu.memory_space<vmem>> -> memref<1x80xi32, #tpu.memory_space<vmem>>
        %dma_start3A_267 = tpu.memref_squeeze %dma_start3A_266 : memref<1x80xi32, #tpu.memory_space<vmem>> -> memref<80xi32, #tpu.memory_space<vmem>>
        %dma_start3A_268 = arith.constant 0 : i32
        %dma_start3A_269 = arith.constant 0 : i32
        %dma_start3A_270 = tpu.memref_slice %arg2[%dma_start3A_268, %dma_start3A_269] : memref<20000x64xf32, #tpu.memory_space<hbm>> -> memref<20000x64xf32, #tpu.memory_space<hbm>>
        tpu.enqueue_indirect_dma source(%dma_start3A_270 : memref<20000x64xf32, #tpu.memory_space<hbm>>) target(%arg10 : memref<80x64xf32, #tpu.memory_space<vmem>>) offsets(%dma_start3A_267 : memref<80xi32, #tpu.memory_space<vmem>>) semaphore(%arg16 : memref<!tpu.dma_semaphore, #tpu.memory_space<semaphore_mem>>)
      } else {
      }
      %mul3A_201 = arith.constant 5 : i32
      %mul3A_202 = arith.muli %mul3A_201, %scan3A_122 : i32
      %add3A_203 = arith.constant 3 : i32
      %add3A_204 = arith.addi %mul3A_202, %add3A_203 : i32
      %dma_wait3A_205 = arith.constant 0 : i32
      %dma_wait3A_206 = tpu.memref_slice %arg7[%add3A_204, %dma_wait3A_205] : memref<250x80xi32, #tpu.memory_space<vmem>> -> memref<1x80xi32, #tpu.memory_space<vmem>>
      %dma_wait3A_207 = tpu.memref_squeeze %dma_wait3A_206 : memref<1x80xi32, #tpu.memory_space<vmem>> -> memref<80xi32, #tpu.memory_space<vmem>>
      %dma_wait3A_208 = arith.constant 0 : i32
      %dma_wait3A_209 = arith.constant 0 : i32
      %dma_wait3A_210 = tpu.memref_slice %arg2[%dma_wait3A_208, %dma_wait3A_209] : memref<20000x64xf32, #tpu.memory_space<hbm>> -> memref<20000x64xf32, #tpu.memory_space<hbm>>
      tpu.wait_indirect_dma semaphore(%arg18 : memref<!tpu.dma_semaphore, #tpu.memory_space<semaphore_mem>>) src(%dma_wait3A_210 : memref<20000x64xf32, #tpu.memory_space<hbm>>) dst(%arg12 : memref<80x64xf32, #tpu.memory_space<vmem>>)
      %dma_start3A_211 = arith.constant 0 : i32
      %dma_start3A_212 = tpu.memref_slice %arg8[%add3A_204, %dma_start3A_211] : memref<250x80xi32, #tpu.memory_space<vmem>> -> memref<1x80xi32, #tpu.memory_space<vmem>>
      %dma_start3A_213 = tpu.memref_squeeze %dma_start3A_212 : memref<1x80xi32, #tpu.memory_space<vmem>> -> memref<80xi32, #tpu.memory_space<vmem>>
      %dma_start3A_214 = arith.constant 0 : i32
      %dma_start3A_215 = arith.constant 0 : i32
      %dma_start3A_216 = tpu.memref_slice %arg14[%dma_start3A_214, %dma_start3A_215] : memref<10112x64xf32, #tpu.memory_space<vmem_shared>> -> memref<10112x64xf32, #tpu.memory_space<vmem_shared>>
      tpu.enqueue_indirect_dma source(%arg12 : memref<80x64xf32, #tpu.memory_space<vmem>>) target(%dma_start3A_216 : memref<10112x64xf32, #tpu.memory_space<vmem_shared>>) offsets(%dma_start3A_213 : memref<80xi32, #tpu.memory_space<vmem>>) semaphore(%arg23 : memref<!tpu.dma_semaphore, #tpu.memory_space<semaphore_mem>>) {add = true}
      %add3A_217 = arith.constant 5 : i32
      %add3A_218 = arith.addi %add3A_204, %add3A_217 : i32
      %sub3A_219 = arith.constant 1 : i32
      %sub3A_220 = arith.subi %add3A_218, %sub3A_219 : i32
      %ge3A_221 = arith.constant 5 : i32
      %ge3A_222 = arith.cmpi sge, %sub3A_220, %ge3A_221 : i32
      %lt3A_223 = arith.constant 250 : i32
      %lt3A_224 = arith.cmpi slt, %sub3A_220, %lt3A_223 : i32
      %and3A_225 = arith.andi %ge3A_222, %lt3A_224 : i1
      %convert_element_type3A_226 = arith.extui %and3A_225 : i1 to i32
      %cond3A_227 = arith.constant 0 : i32
      %cond3A_228 = arith.cmpi ne, %convert_element_type3A_226, %cond3A_227 : i32
      scf.if %cond3A_228 {
        %sub3A_257 = arith.constant 1 : i32
        %sub3A_258 = arith.subi %add3A_204, %sub3A_257 : i32
        %dma_wait3A_259 = arith.constant 0 : i32
        %dma_wait3A_260 = tpu.memref_slice %arg8[%sub3A_258, %dma_wait3A_259] : memref<250x80xi32, #tpu.memory_space<vmem>> -> memref<1x80xi32, #tpu.memory_space<vmem>>
        %dma_wait3A_261 = tpu.memref_squeeze %dma_wait3A_260 : memref<1x80xi32, #tpu.memory_space<vmem>> -> memref<80xi32, #tpu.memory_space<vmem>>
        %dma_wait3A_262 = arith.constant 0 : i32
        %dma_wait3A_263 = arith.constant 0 : i32
        %dma_wait3A_264 = tpu.memref_slice %arg14[%dma_wait3A_262, %dma_wait3A_263] : memref<10112x64xf32, #tpu.memory_space<vmem_shared>> -> memref<10112x64xf32, #tpu.memory_space<vmem_shared>>
        tpu.wait_indirect_dma semaphore(%arg22 : memref<!tpu.dma_semaphore, #tpu.memory_space<semaphore_mem>>) src(%arg11 : memref<80x64xf32, #tpu.memory_space<vmem>>) dst(%dma_wait3A_264 : memref<10112x64xf32, #tpu.memory_space<vmem_shared>>)
        %dma_start3A_265 = arith.constant 0 : i32
        %dma_start3A_266 = tpu.memref_slice %arg7[%sub3A_220, %dma_start3A_265] : memref<250x80xi32, #tpu.memory_space<vmem>> -> memref<1x80xi32, #tpu.memory_space<vmem>>
        %dma_start3A_267 = tpu.memref_squeeze %dma_start3A_266 : memref<1x80xi32, #tpu.memory_space<vmem>> -> memref<80xi32, #tpu.memory_space<vmem>>
        %dma_start3A_268 = arith.constant 0 : i32
        %dma_start3A_269 = arith.constant 0 : i32
        %dma_start3A_270 = tpu.memref_slice %arg2[%dma_start3A_268, %dma_start3A_269] : memref<20000x64xf32, #tpu.memory_space<hbm>> -> memref<20000x64xf32, #tpu.memory_space<hbm>>
        tpu.enqueue_indirect_dma source(%dma_start3A_270 : memref<20000x64xf32, #tpu.memory_space<hbm>>) target(%arg11 : memref<80x64xf32, #tpu.memory_space<vmem>>) offsets(%dma_start3A_267 : memref<80xi32, #tpu.memory_space<vmem>>) semaphore(%arg17 : memref<!tpu.dma_semaphore, #tpu.memory_space<semaphore_mem>>)
      } else {
      }
      %mul3A_229 = arith.constant 5 : i32
      %mul3A_230 = arith.muli %mul3A_229, %scan3A_122 : i32
      %add3A_231 = arith.constant 4 : i32
      %add3A_232 = arith.addi %mul3A_230, %add3A_231 : i32
      %dma_wait3A_233 = arith.constant 0 : i32
      %dma_wait3A_234 = tpu.memref_slice %arg7[%add3A_232, %dma_wait3A_233] : memref<250x80xi32, #tpu.memory_space<vmem>> -> memref<1x80xi32, #tpu.memory_space<vmem>>
      %dma_wait3A_235 = tpu.memref_squeeze %dma_wait3A_234 : memref<1x80xi32, #tpu.memory_space<vmem>> -> memref<80xi32, #tpu.memory_space<vmem>>
      %dma_wait3A_236 = arith.constant 0 : i32
      %dma_wait3A_237 = arith.constant 0 : i32
      %dma_wait3A_238 = tpu.memref_slice %arg2[%dma_wait3A_236, %dma_wait3A_237] : memref<20000x64xf32, #tpu.memory_space<hbm>> -> memref<20000x64xf32, #tpu.memory_space<hbm>>
      tpu.wait_indirect_dma semaphore(%arg19 : memref<!tpu.dma_semaphore, #tpu.memory_space<semaphore_mem>>) src(%dma_wait3A_238 : memref<20000x64xf32, #tpu.memory_space<hbm>>) dst(%arg13 : memref<80x64xf32, #tpu.memory_space<vmem>>)
      %dma_start3A_239 = arith.constant 0 : i32
      %dma_start3A_240 = tpu.memref_slice %arg8[%add3A_232, %dma_start3A_239] : memref<250x80xi32, #tpu.memory_space<vmem>> -> memref<1x80xi32, #tpu.memory_space<vmem>>
      %dma_start3A_241 = tpu.memref_squeeze %dma_start3A_240 : memref<1x80xi32, #tpu.memory_space<vmem>> -> memref<80xi32, #tpu.memory_space<vmem>>
      %dma_start3A_242 = arith.constant 0 : i32
      %dma_start3A_243 = arith.constant 0 : i32
      %dma_start3A_244 = tpu.memref_slice %arg14[%dma_start3A_242, %dma_start3A_243] : memref<10112x64xf32, #tpu.memory_space<vmem_shared>> -> memref<10112x64xf32, #tpu.memory_space<vmem_shared>>
      tpu.enqueue_indirect_dma source(%arg13 : memref<80x64xf32, #tpu.memory_space<vmem>>) target(%dma_start3A_244 : memref<10112x64xf32, #tpu.memory_space<vmem_shared>>) offsets(%dma_start3A_241 : memref<80xi32, #tpu.memory_space<vmem>>) semaphore(%arg24 : memref<!tpu.dma_semaphore, #tpu.memory_space<semaphore_mem>>) {add = true}
      %add3A_245 = arith.constant 5 : i32
      %add3A_246 = arith.addi %add3A_232, %add3A_245 : i32
      %sub3A_247 = arith.constant 1 : i32
      %sub3A_248 = arith.subi %add3A_246, %sub3A_247 : i32
      %ge3A_249 = arith.constant 5 : i32
      %ge3A_250 = arith.cmpi sge, %sub3A_248, %ge3A_249 : i32
      %lt3A_251 = arith.constant 250 : i32
      %lt3A_252 = arith.cmpi slt, %sub3A_248, %lt3A_251 : i32
      %and3A_253 = arith.andi %ge3A_250, %lt3A_252 : i1
      %convert_element_type3A_254 = arith.extui %and3A_253 : i1 to i32
      %cond3A_255 = arith.constant 0 : i32
      %cond3A_256 = arith.cmpi ne, %convert_element_type3A_254, %cond3A_255 : i32
      scf.if %cond3A_256 {
        %sub3A_257 = arith.constant 1 : i32
        %sub3A_258 = arith.subi %add3A_232, %sub3A_257 : i32
        %dma_wait3A_259 = arith.constant 0 : i32
        %dma_wait3A_260 = tpu.memref_slice %arg8[%sub3A_258, %dma_wait3A_259] : memref<250x80xi32, #tpu.memory_space<vmem>> -> memref<1x80xi32, #tpu.memory_space<vmem>>
        %dma_wait3A_261 = tpu.memref_squeeze %dma_wait3A_260 : memref<1x80xi32, #tpu.memory_space<vmem>> -> memref<80xi32, #tpu.memory_space<vmem>>
        %dma_wait3A_262 = arith.constant 0 : i32
        %dma_wait3A_263 = arith.constant 0 : i32
        %dma_wait3A_264 = tpu.memref_slice %arg14[%dma_wait3A_262, %dma_wait3A_263] : memref<10112x64xf32, #tpu.memory_space<vmem_shared>> -> memref<10112x64xf32, #tpu.memory_space<vmem_shared>>
        tpu.wait_indirect_dma semaphore(%arg23 : memref<!tpu.dma_semaphore, #tpu.memory_space<semaphore_mem>>) src(%arg12 : memref<80x64xf32, #tpu.memory_space<vmem>>) dst(%dma_wait3A_264 : memref<10112x64xf32, #tpu.memory_space<vmem_shared>>)
        %dma_start3A_265 = arith.constant 0 : i32
        %dma_start3A_266 = tpu.memref_slice %arg7[%sub3A_248, %dma_start3A_265] : memref<250x80xi32, #tpu.memory_space<vmem>> -> memref<1x80xi32, #tpu.memory_space<vmem>>
        %dma_start3A_267 = tpu.memref_squeeze %dma_start3A_266 : memref<1x80xi32, #tpu.memory_space<vmem>> -> memref<80xi32, #tpu.memory_space<vmem>>
        %dma_start3A_268 = arith.constant 0 : i32
        %dma_start3A_269 = arith.constant 0 : i32
        %dma_start3A_270 = tpu.memref_slice %arg2[%dma_start3A_268, %dma_start3A_269] : memref<20000x64xf32, #tpu.memory_space<hbm>> -> memref<20000x64xf32, #tpu.memory_space<hbm>>
        tpu.enqueue_indirect_dma source(%dma_start3A_270 : memref<20000x64xf32, #tpu.memory_space<hbm>>) target(%arg12 : memref<80x64xf32, #tpu.memory_space<vmem>>) offsets(%dma_start3A_267 : memref<80xi32, #tpu.memory_space<vmem>>) semaphore(%arg18 : memref<!tpu.dma_semaphore, #tpu.memory_space<semaphore_mem>>)
      } else {
      }
    }
    %scan3A_54 = arith.constant 50 : i32
    %dma_wait3A = arith.constant 245 : i32
    %dma_wait3A_55 = arith.constant 0 : i32
    %dma_wait3A_56 = tpu.memref_slice %arg8[%dma_wait3A, %dma_wait3A_55] : memref<250x80xi32, #tpu.memory_space<vmem>> -> memref<1x80xi32, #tpu.memory_space<vmem>>
    %dma_wait3A_57 = tpu.memref_squeeze %dma_wait3A_56 : memref<1x80xi32, #tpu.memory_space<vmem>> -> memref<80xi32, #tpu.memory_space<vmem>>
    %dma_wait3A_58 = arith.constant 0 : i32
    %dma_wait3A_59 = arith.constant 0 : i32
    %dma_wait3A_60 = tpu.memref_slice %arg14[%dma_wait3A_58, %dma_wait3A_59] : memref<10112x64xf32, #tpu.memory_space<vmem_shared>> -> memref<10112x64xf32, #tpu.memory_space<vmem_shared>>
    tpu.wait_indirect_dma semaphore(%arg20 : memref<!tpu.dma_semaphore, #tpu.memory_space<semaphore_mem>>) src(%arg9 : memref<80x64xf32, #tpu.memory_space<vmem>>) dst(%dma_wait3A_60 : memref<10112x64xf32, #tpu.memory_space<vmem_shared>>)
    %dma_wait3A_61 = arith.constant 246 : i32
    %dma_wait3A_62 = arith.constant 0 : i32
    %dma_wait3A_63 = tpu.memref_slice %arg8[%dma_wait3A_61, %dma_wait3A_62] : memref<250x80xi32, #tpu.memory_space<vmem>> -> memref<1x80xi32, #tpu.memory_space<vmem>>
    %dma_wait3A_64 = tpu.memref_squeeze %dma_wait3A_63 : memref<1x80xi32, #tpu.memory_space<vmem>> -> memref<80xi32, #tpu.memory_space<vmem>>
    %dma_wait3A_65 = arith.constant 0 : i32
    %dma_wait3A_66 = arith.constant 0 : i32
    %dma_wait3A_67 = tpu.memref_slice %arg14[%dma_wait3A_65, %dma_wait3A_66] : memref<10112x64xf32, #tpu.memory_space<vmem_shared>> -> memref<10112x64xf32, #tpu.memory_space<vmem_shared>>
    tpu.wait_indirect_dma semaphore(%arg21 : memref<!tpu.dma_semaphore, #tpu.memory_space<semaphore_mem>>) src(%arg10 : memref<80x64xf32, #tpu.memory_space<vmem>>) dst(%dma_wait3A_67 : memref<10112x64xf32, #tpu.memory_space<vmem_shared>>)
    %dma_wait3A_68 = arith.constant 247 : i32
    %dma_wait3A_69 = arith.constant 0 : i32
    %dma_wait3A_70 = tpu.memref_slice %arg8[%dma_wait3A_68, %dma_wait3A_69] : memref<250x80xi32, #tpu.memory_space<vmem>> -> memref<1x80xi32, #tpu.memory_space<vmem>>
    %dma_wait3A_71 = tpu.memref_squeeze %dma_wait3A_70 : memref<1x80xi32, #tpu.memory_space<vmem>> -> memref<80xi32, #tpu.memory_space<vmem>>
    %dma_wait3A_72 = arith.constant 0 : i32
    %dma_wait3A_73 = arith.constant 0 : i32
    %dma_wait3A_74 = tpu.memref_slice %arg14[%dma_wait3A_72, %dma_wait3A_73] : memref<10112x64xf32, #tpu.memory_space<vmem_shared>> -> memref<10112x64xf32, #tpu.memory_space<vmem_shared>>
    tpu.wait_indirect_dma semaphore(%arg22 : memref<!tpu.dma_semaphore, #tpu.memory_space<semaphore_mem>>) src(%arg11 : memref<80x64xf32, #tpu.memory_space<vmem>>) dst(%dma_wait3A_74 : memref<10112x64xf32, #tpu.memory_space<vmem_shared>>)
    %dma_wait3A_75 = arith.constant 248 : i32
    %dma_wait3A_76 = arith.constant 0 : i32
    %dma_wait3A_77 = tpu.memref_slice %arg8[%dma_wait3A_75, %dma_wait3A_76] : memref<250x80xi32, #tpu.memory_space<vmem>> -> memref<1x80xi32, #tpu.memory_space<vmem>>
    %dma_wait3A_78 = tpu.memref_squeeze %dma_wait3A_77 : memref<1x80xi32, #tpu.memory_space<vmem>> -> memref<80xi32, #tpu.memory_space<vmem>>
    %dma_wait3A_79 = arith.constant 0 : i32
    %dma_wait3A_80 = arith.constant 0 : i32
    %dma_wait3A_81 = tpu.memref_slice %arg14[%dma_wait3A_79, %dma_wait3A_80] : memref<10112x64xf32, #tpu.memory_space<vmem_shared>> -> memref<10112x64xf32, #tpu.memory_space<vmem_shared>>
    tpu.wait_indirect_dma semaphore(%arg23 : memref<!tpu.dma_semaphore, #tpu.memory_space<semaphore_mem>>) src(%arg12 : memref<80x64xf32, #tpu.memory_space<vmem>>) dst(%dma_wait3A_81 : memref<10112x64xf32, #tpu.memory_space<vmem_shared>>)
    %dma_wait3A_82 = arith.constant 249 : i32
    %dma_wait3A_83 = arith.constant 0 : i32
    %dma_wait3A_84 = tpu.memref_slice %arg8[%dma_wait3A_82, %dma_wait3A_83] : memref<250x80xi32, #tpu.memory_space<vmem>> -> memref<1x80xi32, #tpu.memory_space<vmem>>
    %dma_wait3A_85 = tpu.memref_squeeze %dma_wait3A_84 : memref<1x80xi32, #tpu.memory_space<vmem>> -> memref<80xi32, #tpu.memory_space<vmem>>
    %dma_wait3A_86 = arith.constant 0 : i32
    %dma_wait3A_87 = arith.constant 0 : i32
    %dma_wait3A_88 = tpu.memref_slice %arg14[%dma_wait3A_86, %dma_wait3A_87] : memref<10112x64xf32, #tpu.memory_space<vmem_shared>> -> memref<10112x64xf32, #tpu.memory_space<vmem_shared>>
    tpu.wait_indirect_dma semaphore(%arg24 : memref<!tpu.dma_semaphore, #tpu.memory_space<semaphore_mem>>) src(%arg13 : memref<80x64xf32, #tpu.memory_space<vmem>>) dst(%dma_wait3A_88 : memref<10112x64xf32, #tpu.memory_space<vmem_shared>>)
    %barrier3A_89 = arith.constant 0 : index
    tpu.barrier barrier_id(%barrier3A_89)
    %add3A_90 = arith.constant 0 : i32
    %add3A_91 = arith.addi %mul3A_0, %add3A_90 : i32
    "tpu.region"() ({
      %run_scoped3A = tpu.sem_alloc : memref<!tpu.dma_semaphore, #tpu.memory_space<semaphore_mem>>
      %dma_start3A_122 = arith.constant 0 : i32
      %dma_start3A_123 = arith.constant 0 : i32
      %dma_start3A_124 = tpu.memref_slice %arg9[%dma_start3A_122, %dma_start3A_123] : memref<80x64xf32, #tpu.memory_space<vmem>> -> memref<80x64xf32, #tpu.memory_space<vmem>>
      %dma_start3A_125 = arith.constant 0 : i32
      %dma_start3A_126 = tpu.memref_slice %arg14[%add3A_91, %dma_start3A_125] : memref<10112x64xf32, #tpu.memory_space<vmem_shared>> -> memref<80x64xf32, #tpu.memory_space<vmem_shared>>
      %dma_start3A_127 = arith.constant 0 : i32
      %dma_start3A_128 = arith.constant 0 : i32
      %dma_start3A_129 = tpu.memref_slice %arg9[%dma_start3A_127, %dma_start3A_128] : memref<80x64xf32, #tpu.memory_space<vmem>> -> memref<80x64xf32, #tpu.memory_space<vmem>>
      %dma_start3A_130 = arith.constant 0 : i32
      %dma_start3A_131 = tpu.memref_slice %arg14[%add3A_91, %dma_start3A_130] : memref<10112x64xf32, #tpu.memory_space<vmem_shared>> -> memref<80x64xf32, #tpu.memory_space<vmem_shared>>
      tpu.enqueue_dma source(%dma_start3A_131 : memref<80x64xf32, #tpu.memory_space<vmem_shared>>) target(%dma_start3A_129 : memref<80x64xf32, #tpu.memory_space<vmem>>) target_semaphore(%run_scoped3A : memref<!tpu.dma_semaphore, #tpu.memory_space<semaphore_mem>>)
      %dma_wait3A_132 = arith.constant 0 : i32
      %dma_wait3A_133 = arith.constant 0 : i32
      %dma_wait3A_134 = tpu.memref_slice %arg9[%dma_wait3A_132, %dma_wait3A_133] : memref<80x64xf32, #tpu.memory_space<vmem>> -> memref<80x64xf32, #tpu.memory_space<vmem>>
      %dma_wait3A_135 = arith.constant 0 : i32
      %dma_wait3A_136 = tpu.memref_slice %arg14[%add3A_91, %dma_wait3A_135] : memref<10112x64xf32, #tpu.memory_space<vmem_shared>> -> memref<80x64xf32, #tpu.memory_space<vmem_shared>>
      %dma_wait3A_137 = arith.constant 0 : i32
      %dma_wait3A_138 = arith.constant 0 : i32
      %dma_wait3A_139 = tpu.memref_slice %arg9[%dma_wait3A_137, %dma_wait3A_138] : memref<80x64xf32, #tpu.memory_space<vmem>> -> memref<80x64xf32, #tpu.memory_space<vmem>>
      %dma_wait3A_140 = arith.constant 0 : i32
      %dma_wait3A_141 = tpu.memref_slice %arg14[%add3A_91, %dma_wait3A_140] : memref<10112x64xf32, #tpu.memory_space<vmem_shared>> -> memref<80x64xf32, #tpu.memory_space<vmem_shared>>
      tpu.wait_dma2 semaphore(%run_scoped3A : memref<!tpu.dma_semaphore, #tpu.memory_space<semaphore_mem>>) src(%dma_wait3A_141 : memref<80x64xf32, #tpu.memory_space<vmem_shared>>) dst(%dma_wait3A_139 : memref<80x64xf32, #tpu.memory_space<vmem>>)
      tpu.yield
    }) : () -> ()
    %add3A_92 = arith.constant 0 : i32
    %add3A_93 = arith.addi %mul3A_0, %add3A_92 : i32
    "tpu.region"() ({
      %run_scoped3A = tpu.sem_alloc : memref<!tpu.dma_semaphore, #tpu.memory_space<semaphore_mem>>
      %dma_start3A_122 = arith.constant 0 : i32
      %dma_start3A_123 = arith.constant 0 : i32
      %dma_start3A_124 = tpu.memref_slice %arg9[%dma_start3A_122, %dma_start3A_123] : memref<80x64xf32, #tpu.memory_space<vmem>> -> memref<80x64xf32, #tpu.memory_space<vmem>>
      %dma_start3A_125 = arith.constant 0 : i32
      %dma_start3A_126 = tpu.memref_slice %arg6[%arg0, %add3A_93, %dma_start3A_125] : memref<2x10112x64xf32, #tpu.memory_space<hbm>> -> memref<1x80x64xf32, #tpu.memory_space<hbm>>
      %dma_start3A_127 = tpu.memref_squeeze %dma_start3A_126 : memref<1x80x64xf32, #tpu.memory_space<hbm>> -> memref<80x64xf32, #tpu.memory_space<hbm>>
      %dma_start3A_128 = arith.constant 0 : i32
      %dma_start3A_129 = tpu.memref_slice %arg6[%arg0, %add3A_93, %dma_start3A_128] : memref<2x10112x64xf32, #tpu.memory_space<hbm>> -> memref<1x80x64xf32, #tpu.memory_space<hbm>>
      %dma_start3A_130 = tpu.memref_squeeze %dma_start3A_129 : memref<1x80x64xf32, #tpu.memory_space<hbm>> -> memref<80x64xf32, #tpu.memory_space<hbm>>
      %dma_start3A_131 = arith.constant 0 : i32
      %dma_start3A_132 = arith.constant 0 : i32
      %dma_start3A_133 = tpu.memref_slice %arg9[%dma_start3A_131, %dma_start3A_132] : memref<80x64xf32, #tpu.memory_space<vmem>> -> memref<80x64xf32, #tpu.memory_space<vmem>>
      tpu.enqueue_dma source(%dma_start3A_133 : memref<80x64xf32, #tpu.memory_space<vmem>>) target(%dma_start3A_130 : memref<80x64xf32, #tpu.memory_space<hbm>>) target_semaphore(%run_scoped3A : memref<!tpu.dma_semaphore, #tpu.memory_space<semaphore_mem>>)
      %dma_wait3A_134 = arith.constant 0 : i32
      %dma_wait3A_135 = arith.constant 0 : i32
      %dma_wait3A_136 = tpu.memref_slice %arg9[%dma_wait3A_134, %dma_wait3A_135] : memref<80x64xf32, #tpu.memory_space<vmem>> -> memref<80x64xf32, #tpu.memory_space<vmem>>
      %dma_wait3A_137 = arith.constant 0 : i32
      %dma_wait3A_138 = tpu.memref_slice %arg6[%arg0, %add3A_93, %dma_wait3A_137] : memref<2x10112x64xf32, #tpu.memory_space<hbm>> -> memref<1x80x64xf32, #tpu.memory_space<hbm>>
      %dma_wait3A_139 = tpu.memref_squeeze %dma_wait3A_138 : memref<1x80x64xf32, #tpu.memory_space<hbm>> -> memref<80x64xf32, #tpu.memory_space<hbm>>
      %dma_wait3A_140 = arith.constant 0 : i32
      %dma_wait3A_141 = tpu.memref_slice %arg6[%arg0, %add3A_93, %dma_wait3A_140] : memref<2x10112x64xf32, #tpu.memory_space<hbm>> -> memref<1x80x64xf32, #tpu.memory_space<hbm>>
      %dma_wait3A_142 = tpu.memref_squeeze %dma_wait3A_141 : memref<1x80x64xf32, #tpu.memory_space<hbm>> -> memref<80x64xf32, #tpu.memory_space<hbm>>
      %dma_wait3A_143 = arith.constant 0 : i32
      %dma_wait3A_144 = arith.constant 0 : i32
      %dma_wait3A_145 = tpu.memref_slice %arg9[%dma_wait3A_143, %dma_wait3A_144] : memref<80x64xf32, #tpu.memory_space<vmem>> -> memref<80x64xf32, #tpu.memory_space<vmem>>
      tpu.wait_dma2 semaphore(%run_scoped3A : memref<!tpu.dma_semaphore, #tpu.memory_space<semaphore_mem>>) src(%dma_wait3A_145 : memref<80x64xf32, #tpu.memory_space<vmem>>) dst(%dma_wait3A_142 : memref<80x64xf32, #tpu.memory_space<hbm>>)
      tpu.yield
    }) : () -> ()
    %add3A_94 = arith.constant 80 : i32
    %add3A_95 = arith.addi %mul3A_0, %add3A_94 : i32
    "tpu.region"() ({
      %run_scoped3A = tpu.sem_alloc : memref<!tpu.dma_semaphore, #tpu.memory_space<semaphore_mem>>
      %dma_start3A_122 = arith.constant 0 : i32
      %dma_start3A_123 = arith.constant 0 : i32
      %dma_start3A_124 = tpu.memref_slice %arg9[%dma_start3A_122, %dma_start3A_123] : memref<80x64xf32, #tpu.memory_space<vmem>> -> memref<80x64xf32, #tpu.memory_space<vmem>>
      %dma_start3A_125 = arith.constant 0 : i32
      %dma_start3A_126 = tpu.memref_slice %arg14[%add3A_95, %dma_start3A_125] : memref<10112x64xf32, #tpu.memory_space<vmem_shared>> -> memref<80x64xf32, #tpu.memory_space<vmem_shared>>
      %dma_start3A_127 = arith.constant 0 : i32
      %dma_start3A_128 = arith.constant 0 : i32
      %dma_start3A_129 = tpu.memref_slice %arg9[%dma_start3A_127, %dma_start3A_128] : memref<80x64xf32, #tpu.memory_space<vmem>> -> memref<80x64xf32, #tpu.memory_space<vmem>>
      %dma_start3A_130 = arith.constant 0 : i32
      %dma_start3A_131 = tpu.memref_slice %arg14[%add3A_95, %dma_start3A_130] : memref<10112x64xf32, #tpu.memory_space<vmem_shared>> -> memref<80x64xf32, #tpu.memory_space<vmem_shared>>
      tpu.enqueue_dma source(%dma_start3A_131 : memref<80x64xf32, #tpu.memory_space<vmem_shared>>) target(%dma_start3A_129 : memref<80x64xf32, #tpu.memory_space<vmem>>) target_semaphore(%run_scoped3A : memref<!tpu.dma_semaphore, #tpu.memory_space<semaphore_mem>>)
      %dma_wait3A_132 = arith.constant 0 : i32
      %dma_wait3A_133 = arith.constant 0 : i32
      %dma_wait3A_134 = tpu.memref_slice %arg9[%dma_wait3A_132, %dma_wait3A_133] : memref<80x64xf32, #tpu.memory_space<vmem>> -> memref<80x64xf32, #tpu.memory_space<vmem>>
      %dma_wait3A_135 = arith.constant 0 : i32
      %dma_wait3A_136 = tpu.memref_slice %arg14[%add3A_95, %dma_wait3A_135] : memref<10112x64xf32, #tpu.memory_space<vmem_shared>> -> memref<80x64xf32, #tpu.memory_space<vmem_shared>>
      %dma_wait3A_137 = arith.constant 0 : i32
      %dma_wait3A_138 = arith.constant 0 : i32
      %dma_wait3A_139 = tpu.memref_slice %arg9[%dma_wait3A_137, %dma_wait3A_138] : memref<80x64xf32, #tpu.memory_space<vmem>> -> memref<80x64xf32, #tpu.memory_space<vmem>>
      %dma_wait3A_140 = arith.constant 0 : i32
      %dma_wait3A_141 = tpu.memref_slice %arg14[%add3A_95, %dma_wait3A_140] : memref<10112x64xf32, #tpu.memory_space<vmem_shared>> -> memref<80x64xf32, #tpu.memory_space<vmem_shared>>
      tpu.wait_dma2 semaphore(%run_scoped3A : memref<!tpu.dma_semaphore, #tpu.memory_space<semaphore_mem>>) src(%dma_wait3A_141 : memref<80x64xf32, #tpu.memory_space<vmem_shared>>) dst(%dma_wait3A_139 : memref<80x64xf32, #tpu.memory_space<vmem>>)
      tpu.yield
    }) : () -> ()
    %add3A_96 = arith.constant 80 : i32
    %add3A_97 = arith.addi %mul3A_0, %add3A_96 : i32
    "tpu.region"() ({
      %run_scoped3A = tpu.sem_alloc : memref<!tpu.dma_semaphore, #tpu.memory_space<semaphore_mem>>
      %dma_start3A_122 = arith.constant 0 : i32
      %dma_start3A_123 = arith.constant 0 : i32
      %dma_start3A_124 = tpu.memref_slice %arg9[%dma_start3A_122, %dma_start3A_123] : memref<80x64xf32, #tpu.memory_space<vmem>> -> memref<80x64xf32, #tpu.memory_space<vmem>>
      %dma_start3A_125 = arith.constant 0 : i32
      %dma_start3A_126 = tpu.memref_slice %arg6[%arg0, %add3A_97, %dma_start3A_125] : memref<2x10112x64xf32, #tpu.memory_space<hbm>> -> memref<1x80x64xf32, #tpu.memory_space<hbm>>
      %dma_start3A_127 = tpu.memref_squeeze %dma_start3A_126 : memref<1x80x64xf32, #tpu.memory_space<hbm>> -> memref<80x64xf32, #tpu.memory_space<hbm>>
      %dma_start3A_128 = arith.constant 0 : i32
      %dma_start3A_129 = tpu.memref_slice %arg6[%arg0, %add3A_97, %dma_start3A_128] : memref<2x10112x64xf32, #tpu.memory_space<hbm>> -> memref<1x80x64xf32, #tpu.memory_space<hbm>>
      %dma_start3A_130 = tpu.memref_squeeze %dma_start3A_129 : memref<1x80x64xf32, #tpu.memory_space<hbm>> -> memref<80x64xf32, #tpu.memory_space<hbm>>
      %dma_start3A_131 = arith.constant 0 : i32
      %dma_start3A_132 = arith.constant 0 : i32
      %dma_start3A_133 = tpu.memref_slice %arg9[%dma_start3A_131, %dma_start3A_132] : memref<80x64xf32, #tpu.memory_space<vmem>> -> memref<80x64xf32, #tpu.memory_space<vmem>>
      tpu.enqueue_dma source(%dma_start3A_133 : memref<80x64xf32, #tpu.memory_space<vmem>>) target(%dma_start3A_130 : memref<80x64xf32, #tpu.memory_space<hbm>>) target_semaphore(%run_scoped3A : memref<!tpu.dma_semaphore, #tpu.memory_space<semaphore_mem>>)
      %dma_wait3A_134 = arith.constant 0 : i32
      %dma_wait3A_135 = arith.constant 0 : i32
      %dma_wait3A_136 = tpu.memref_slice %arg9[%dma_wait3A_134, %dma_wait3A_135] : memref<80x64xf32, #tpu.memory_space<vmem>> -> memref<80x64xf32, #tpu.memory_space<vmem>>
      %dma_wait3A_137 = arith.constant 0 : i32
      %dma_wait3A_138 = tpu.memref_slice %arg6[%arg0, %add3A_97, %dma_wait3A_137] : memref<2x10112x64xf32, #tpu.memory_space<hbm>> -> memref<1x80x64xf32, #tpu.memory_space<hbm>>
      %dma_wait3A_139 = tpu.memref_squeeze %dma_wait3A_138 : memref<1x80x64xf32, #tpu.memory_space<hbm>> -> memref<80x64xf32, #tpu.memory_space<hbm>>
      %dma_wait3A_140 = arith.constant 0 : i32
      %dma_wait3A_141 = tpu.memref_slice %arg6[%arg0, %add3A_97, %dma_wait3A_140] : memref<2x10112x64xf32, #tpu.memory_space<hbm>> -> memref<1x80x64xf32, #tpu.memory_space<hbm>>
      %dma_wait3A_142 = tpu.memref_squeeze %dma_wait3A_141 : memref<1x80x64xf32, #tpu.memory_space<hbm>> -> memref<80x64xf32, #tpu.memory_space<hbm>>
      %dma_wait3A_143 = arith.constant 0 : i32
      %dma_wait3A_144 = arith.constant 0 : i32
      %dma_wait3A_145 = tpu.memref_slice %arg9[%dma_wait3A_143, %dma_wait3A_144] : memref<80x64xf32, #tpu.memory_space<vmem>> -> memref<80x64xf32, #tpu.memory_space<vmem>>
      tpu.wait_dma2 semaphore(%run_scoped3A : memref<!tpu.dma_semaphore, #tpu.memory_space<semaphore_mem>>) src(%dma_wait3A_145 : memref<80x64xf32, #tpu.memory_space<vmem>>) dst(%dma_wait3A_142 : memref<80x64xf32, #tpu.memory_space<hbm>>)
      tpu.yield
    }) : () -> ()
    %add3A_98 = arith.constant 160 : i32
    %add3A_99 = arith.addi %mul3A_0, %add3A_98 : i32
    "tpu.region"() ({
      %run_scoped3A = tpu.sem_alloc : memref<!tpu.dma_semaphore, #tpu.memory_space<semaphore_mem>>
      %dma_start3A_122 = arith.constant 0 : i32
      %dma_start3A_123 = arith.constant 0 : i32
      %dma_start3A_124 = tpu.memref_slice %arg9[%dma_start3A_122, %dma_start3A_123] : memref<80x64xf32, #tpu.memory_space<vmem>> -> memref<80x64xf32, #tpu.memory_space<vmem>>
      %dma_start3A_125 = arith.constant 0 : i32
      %dma_start3A_126 = tpu.memref_slice %arg14[%add3A_99, %dma_start3A_125] : memref<10112x64xf32, #tpu.memory_space<vmem_shared>> -> memref<80x64xf32, #tpu.memory_space<vmem_shared>>
      %dma_start3A_127 = arith.constant 0 : i32
      %dma_start3A_128 = arith.constant 0 : i32
      %dma_start3A_129 = tpu.memref_slice %arg9[%dma_start3A_127, %dma_start3A_128] : memref<80x64xf32, #tpu.memory_space<vmem>> -> memref<80x64xf32, #tpu.memory_space<vmem>>
      %dma_start3A_130 = arith.constant 0 : i32
      %dma_start3A_131 = tpu.memref_slice %arg14[%add3A_99, %dma_start3A_130] : memref<10112x64xf32, #tpu.memory_space<vmem_shared>> -> memref<80x64xf32, #tpu.memory_space<vmem_shared>>
      tpu.enqueue_dma source(%dma_start3A_131 : memref<80x64xf32, #tpu.memory_space<vmem_shared>>) target(%dma_start3A_129 : memref<80x64xf32, #tpu.memory_space<vmem>>) target_semaphore(%run_scoped3A : memref<!tpu.dma_semaphore, #tpu.memory_space<semaphore_mem>>)
      %dma_wait3A_132 = arith.constant 0 : i32
      %dma_wait3A_133 = arith.constant 0 : i32
      %dma_wait3A_134 = tpu.memref_slice %arg9[%dma_wait3A_132, %dma_wait3A_133] : memref<80x64xf32, #tpu.memory_space<vmem>> -> memref<80x64xf32, #tpu.memory_space<vmem>>
      %dma_wait3A_135 = arith.constant 0 : i32
      %dma_wait3A_136 = tpu.memref_slice %arg14[%add3A_99, %dma_wait3A_135] : memref<10112x64xf32, #tpu.memory_space<vmem_shared>> -> memref<80x64xf32, #tpu.memory_space<vmem_shared>>
      %dma_wait3A_137 = arith.constant 0 : i32
      %dma_wait3A_138 = arith.constant 0 : i32
      %dma_wait3A_139 = tpu.memref_slice %arg9[%dma_wait3A_137, %dma_wait3A_138] : memref<80x64xf32, #tpu.memory_space<vmem>> -> memref<80x64xf32, #tpu.memory_space<vmem>>
      %dma_wait3A_140 = arith.constant 0 : i32
      %dma_wait3A_141 = tpu.memref_slice %arg14[%add3A_99, %dma_wait3A_140] : memref<10112x64xf32, #tpu.memory_space<vmem_shared>> -> memref<80x64xf32, #tpu.memory_space<vmem_shared>>
      tpu.wait_dma2 semaphore(%run_scoped3A : memref<!tpu.dma_semaphore, #tpu.memory_space<semaphore_mem>>) src(%dma_wait3A_141 : memref<80x64xf32, #tpu.memory_space<vmem_shared>>) dst(%dma_wait3A_139 : memref<80x64xf32, #tpu.memory_space<vmem>>)
      tpu.yield
    }) : () -> ()
    %add3A_100 = arith.constant 160 : i32
    %add3A_101 = arith.addi %mul3A_0, %add3A_100 : i32
    "tpu.region"() ({
      %run_scoped3A = tpu.sem_alloc : memref<!tpu.dma_semaphore, #tpu.memory_space<semaphore_mem>>
      %dma_start3A_122 = arith.constant 0 : i32
      %dma_start3A_123 = arith.constant 0 : i32
      %dma_start3A_124 = tpu.memref_slice %arg9[%dma_start3A_122, %dma_start3A_123] : memref<80x64xf32, #tpu.memory_space<vmem>> -> memref<80x64xf32, #tpu.memory_space<vmem>>
      %dma_start3A_125 = arith.constant 0 : i32
      %dma_start3A_126 = tpu.memref_slice %arg6[%arg0, %add3A_101, %dma_start3A_125] : memref<2x10112x64xf32, #tpu.memory_space<hbm>> -> memref<1x80x64xf32, #tpu.memory_space<hbm>>
      %dma_start3A_127 = tpu.memref_squeeze %dma_start3A_126 : memref<1x80x64xf32, #tpu.memory_space<hbm>> -> memref<80x64xf32, #tpu.memory_space<hbm>>
      %dma_start3A_128 = arith.constant 0 : i32
      %dma_start3A_129 = tpu.memref_slice %arg6[%arg0, %add3A_101, %dma_start3A_128] : memref<2x10112x64xf32, #tpu.memory_space<hbm>> -> memref<1x80x64xf32, #tpu.memory_space<hbm>>
      %dma_start3A_130 = tpu.memref_squeeze %dma_start3A_129 : memref<1x80x64xf32, #tpu.memory_space<hbm>> -> memref<80x64xf32, #tpu.memory_space<hbm>>
      %dma_start3A_131 = arith.constant 0 : i32
      %dma_start3A_132 = arith.constant 0 : i32
      %dma_start3A_133 = tpu.memref_slice %arg9[%dma_start3A_131, %dma_start3A_132] : memref<80x64xf32, #tpu.memory_space<vmem>> -> memref<80x64xf32, #tpu.memory_space<vmem>>
      tpu.enqueue_dma source(%dma_start3A_133 : memref<80x64xf32, #tpu.memory_space<vmem>>) target(%dma_start3A_130 : memref<80x64xf32, #tpu.memory_space<hbm>>) target_semaphore(%run_scoped3A : memref<!tpu.dma_semaphore, #tpu.memory_space<semaphore_mem>>)
      %dma_wait3A_134 = arith.constant 0 : i32
      %dma_wait3A_135 = arith.constant 0 : i32
      %dma_wait3A_136 = tpu.memref_slice %arg9[%dma_wait3A_134, %dma_wait3A_135] : memref<80x64xf32, #tpu.memory_space<vmem>> -> memref<80x64xf32, #tpu.memory_space<vmem>>
      %dma_wait3A_137 = arith.constant 0 : i32
      %dma_wait3A_138 = tpu.memref_slice %arg6[%arg0, %add3A_101, %dma_wait3A_137] : memref<2x10112x64xf32, #tpu.memory_space<hbm>> -> memref<1x80x64xf32, #tpu.memory_space<hbm>>
      %dma_wait3A_139 = tpu.memref_squeeze %dma_wait3A_138 : memref<1x80x64xf32, #tpu.memory_space<hbm>> -> memref<80x64xf32, #tpu.memory_space<hbm>>
      %dma_wait3A_140 = arith.constant 0 : i32
      %dma_wait3A_141 = tpu.memref_slice %arg6[%arg0, %add3A_101, %dma_wait3A_140] : memref<2x10112x64xf32, #tpu.memory_space<hbm>> -> memref<1x80x64xf32, #tpu.memory_space<hbm>>
      %dma_wait3A_142 = tpu.memref_squeeze %dma_wait3A_141 : memref<1x80x64xf32, #tpu.memory_space<hbm>> -> memref<80x64xf32, #tpu.memory_space<hbm>>
      %dma_wait3A_143 = arith.constant 0 : i32
      %dma_wait3A_144 = arith.constant 0 : i32
      %dma_wait3A_145 = tpu.memref_slice %arg9[%dma_wait3A_143, %dma_wait3A_144] : memref<80x64xf32, #tpu.memory_space<vmem>> -> memref<80x64xf32, #tpu.memory_space<vmem>>
      tpu.wait_dma2 semaphore(%run_scoped3A : memref<!tpu.dma_semaphore, #tpu.memory_space<semaphore_mem>>) src(%dma_wait3A_145 : memref<80x64xf32, #tpu.memory_space<vmem>>) dst(%dma_wait3A_142 : memref<80x64xf32, #tpu.memory_space<hbm>>)
      tpu.yield
    }) : () -> ()
    %add3A_102 = arith.constant 240 : i32
    %add3A_103 = arith.addi %mul3A_0, %add3A_102 : i32
    "tpu.region"() ({
      %run_scoped3A = tpu.sem_alloc : memref<!tpu.dma_semaphore, #tpu.memory_space<semaphore_mem>>
      %dma_start3A_122 = arith.constant 0 : i32
      %dma_start3A_123 = arith.constant 0 : i32
      %dma_start3A_124 = tpu.memref_slice %arg9[%dma_start3A_122, %dma_start3A_123] : memref<80x64xf32, #tpu.memory_space<vmem>> -> memref<80x64xf32, #tpu.memory_space<vmem>>
      %dma_start3A_125 = arith.constant 0 : i32
      %dma_start3A_126 = tpu.memref_slice %arg14[%add3A_103, %dma_start3A_125] : memref<10112x64xf32, #tpu.memory_space<vmem_shared>> -> memref<80x64xf32, #tpu.memory_space<vmem_shared>>
      %dma_start3A_127 = arith.constant 0 : i32
      %dma_start3A_128 = arith.constant 0 : i32
      %dma_start3A_129 = tpu.memref_slice %arg9[%dma_start3A_127, %dma_start3A_128] : memref<80x64xf32, #tpu.memory_space<vmem>> -> memref<80x64xf32, #tpu.memory_space<vmem>>
      %dma_start3A_130 = arith.constant 0 : i32
      %dma_start3A_131 = tpu.memref_slice %arg14[%add3A_103, %dma_start3A_130] : memref<10112x64xf32, #tpu.memory_space<vmem_shared>> -> memref<80x64xf32, #tpu.memory_space<vmem_shared>>
      tpu.enqueue_dma source(%dma_start3A_131 : memref<80x64xf32, #tpu.memory_space<vmem_shared>>) target(%dma_start3A_129 : memref<80x64xf32, #tpu.memory_space<vmem>>) target_semaphore(%run_scoped3A : memref<!tpu.dma_semaphore, #tpu.memory_space<semaphore_mem>>)
      %dma_wait3A_132 = arith.constant 0 : i32
      %dma_wait3A_133 = arith.constant 0 : i32
      %dma_wait3A_134 = tpu.memref_slice %arg9[%dma_wait3A_132, %dma_wait3A_133] : memref<80x64xf32, #tpu.memory_space<vmem>> -> memref<80x64xf32, #tpu.memory_space<vmem>>
      %dma_wait3A_135 = arith.constant 0 : i32
      %dma_wait3A_136 = tpu.memref_slice %arg14[%add3A_103, %dma_wait3A_135] : memref<10112x64xf32, #tpu.memory_space<vmem_shared>> -> memref<80x64xf32, #tpu.memory_space<vmem_shared>>
      %dma_wait3A_137 = arith.constant 0 : i32
      %dma_wait3A_138 = arith.constant 0 : i32
      %dma_wait3A_139 = tpu.memref_slice %arg9[%dma_wait3A_137, %dma_wait3A_138] : memref<80x64xf32, #tpu.memory_space<vmem>> -> memref<80x64xf32, #tpu.memory_space<vmem>>
      %dma_wait3A_140 = arith.constant 0 : i32
      %dma_wait3A_141 = tpu.memref_slice %arg14[%add3A_103, %dma_wait3A_140] : memref<10112x64xf32, #tpu.memory_space<vmem_shared>> -> memref<80x64xf32, #tpu.memory_space<vmem_shared>>
      tpu.wait_dma2 semaphore(%run_scoped3A : memref<!tpu.dma_semaphore, #tpu.memory_space<semaphore_mem>>) src(%dma_wait3A_141 : memref<80x64xf32, #tpu.memory_space<vmem_shared>>) dst(%dma_wait3A_139 : memref<80x64xf32, #tpu.memory_space<vmem>>)
      tpu.yield
    }) : () -> ()
    %add3A_104 = arith.constant 240 : i32
    %add3A_105 = arith.addi %mul3A_0, %add3A_104 : i32
    "tpu.region"() ({
      %run_scoped3A = tpu.sem_alloc : memref<!tpu.dma_semaphore, #tpu.memory_space<semaphore_mem>>
      %dma_start3A_122 = arith.constant 0 : i32
      %dma_start3A_123 = arith.constant 0 : i32
      %dma_start3A_124 = tpu.memref_slice %arg9[%dma_start3A_122, %dma_start3A_123] : memref<80x64xf32, #tpu.memory_space<vmem>> -> memref<80x64xf32, #tpu.memory_space<vmem>>
      %dma_start3A_125 = arith.constant 0 : i32
      %dma_start3A_126 = tpu.memref_slice %arg6[%arg0, %add3A_105, %dma_start3A_125] : memref<2x10112x64xf32, #tpu.memory_space<hbm>> -> memref<1x80x64xf32, #tpu.memory_space<hbm>>
      %dma_start3A_127 = tpu.memref_squeeze %dma_start3A_126 : memref<1x80x64xf32, #tpu.memory_space<hbm>> -> memref<80x64xf32, #tpu.memory_space<hbm>>
      %dma_start3A_128 = arith.constant 0 : i32
      %dma_start3A_129 = tpu.memref_slice %arg6[%arg0, %add3A_105, %dma_start3A_128] : memref<2x10112x64xf32, #tpu.memory_space<hbm>> -> memref<1x80x64xf32, #tpu.memory_space<hbm>>
      %dma_start3A_130 = tpu.memref_squeeze %dma_start3A_129 : memref<1x80x64xf32, #tpu.memory_space<hbm>> -> memref<80x64xf32, #tpu.memory_space<hbm>>
      %dma_start3A_131 = arith.constant 0 : i32
      %dma_start3A_132 = arith.constant 0 : i32
      %dma_start3A_133 = tpu.memref_slice %arg9[%dma_start3A_131, %dma_start3A_132] : memref<80x64xf32, #tpu.memory_space<vmem>> -> memref<80x64xf32, #tpu.memory_space<vmem>>
      tpu.enqueue_dma source(%dma_start3A_133 : memref<80x64xf32, #tpu.memory_space<vmem>>) target(%dma_start3A_130 : memref<80x64xf32, #tpu.memory_space<hbm>>) target_semaphore(%run_scoped3A : memref<!tpu.dma_semaphore, #tpu.memory_space<semaphore_mem>>)
      %dma_wait3A_134 = arith.constant 0 : i32
      %dma_wait3A_135 = arith.constant 0 : i32
      %dma_wait3A_136 = tpu.memref_slice %arg9[%dma_wait3A_134, %dma_wait3A_135] : memref<80x64xf32, #tpu.memory_space<vmem>> -> memref<80x64xf32, #tpu.memory_space<vmem>>
      %dma_wait3A_137 = arith.constant 0 : i32
      %dma_wait3A_138 = tpu.memref_slice %arg6[%arg0, %add3A_105, %dma_wait3A_137] : memref<2x10112x64xf32, #tpu.memory_space<hbm>> -> memref<1x80x64xf32, #tpu.memory_space<hbm>>
      %dma_wait3A_139 = tpu.memref_squeeze %dma_wait3A_138 : memref<1x80x64xf32, #tpu.memory_space<hbm>> -> memref<80x64xf32, #tpu.memory_space<hbm>>
      %dma_wait3A_140 = arith.constant 0 : i32
      %dma_wait3A_141 = tpu.memref_slice %arg6[%arg0, %add3A_105, %dma_wait3A_140] : memref<2x10112x64xf32, #tpu.memory_space<hbm>> -> memref<1x80x64xf32, #tpu.memory_space<hbm>>
      %dma_wait3A_142 = tpu.memref_squeeze %dma_wait3A_141 : memref<1x80x64xf32, #tpu.memory_space<hbm>> -> memref<80x64xf32, #tpu.memory_space<hbm>>
      %dma_wait3A_143 = arith.constant 0 : i32
      %dma_wait3A_144 = arith.constant 0 : i32
      %dma_wait3A_145 = tpu.memref_slice %arg9[%dma_wait3A_143, %dma_wait3A_144] : memref<80x64xf32, #tpu.memory_space<vmem>> -> memref<80x64xf32, #tpu.memory_space<vmem>>
      tpu.wait_dma2 semaphore(%run_scoped3A : memref<!tpu.dma_semaphore, #tpu.memory_space<semaphore_mem>>) src(%dma_wait3A_145 : memref<80x64xf32, #tpu.memory_space<vmem>>) dst(%dma_wait3A_142 : memref<80x64xf32, #tpu.memory_space<hbm>>)
      tpu.yield
    }) : () -> ()
    %add3A_106 = arith.constant 320 : i32
    %add3A_107 = arith.addi %mul3A_0, %add3A_106 : i32
    "tpu.region"() ({
      %run_scoped3A = tpu.sem_alloc : memref<!tpu.dma_semaphore, #tpu.memory_space<semaphore_mem>>
      %dma_start3A_122 = arith.constant 0 : i32
      %dma_start3A_123 = arith.constant 0 : i32
      %dma_start3A_124 = tpu.memref_slice %arg9[%dma_start3A_122, %dma_start3A_123] : memref<80x64xf32, #tpu.memory_space<vmem>> -> memref<80x64xf32, #tpu.memory_space<vmem>>
      %dma_start3A_125 = arith.constant 0 : i32
      %dma_start3A_126 = tpu.memref_slice %arg14[%add3A_107, %dma_start3A_125] : memref<10112x64xf32, #tpu.memory_space<vmem_shared>> -> memref<80x64xf32, #tpu.memory_space<vmem_shared>>
      %dma_start3A_127 = arith.constant 0 : i32
      %dma_start3A_128 = arith.constant 0 : i32
      %dma_start3A_129 = tpu.memref_slice %arg9[%dma_start3A_127, %dma_start3A_128] : memref<80x64xf32, #tpu.memory_space<vmem>> -> memref<80x64xf32, #tpu.memory_space<vmem>>
      %dma_start3A_130 = arith.constant 0 : i32
      %dma_start3A_131 = tpu.memref_slice %arg14[%add3A_107, %dma_start3A_130] : memref<10112x64xf32, #tpu.memory_space<vmem_shared>> -> memref<80x64xf32, #tpu.memory_space<vmem_shared>>
      tpu.enqueue_dma source(%dma_start3A_131 : memref<80x64xf32, #tpu.memory_space<vmem_shared>>) target(%dma_start3A_129 : memref<80x64xf32, #tpu.memory_space<vmem>>) target_semaphore(%run_scoped3A : memref<!tpu.dma_semaphore, #tpu.memory_space<semaphore_mem>>)
      %dma_wait3A_132 = arith.constant 0 : i32
      %dma_wait3A_133 = arith.constant 0 : i32
      %dma_wait3A_134 = tpu.memref_slice %arg9[%dma_wait3A_132, %dma_wait3A_133] : memref<80x64xf32, #tpu.memory_space<vmem>> -> memref<80x64xf32, #tpu.memory_space<vmem>>
      %dma_wait3A_135 = arith.constant 0 : i32
      %dma_wait3A_136 = tpu.memref_slice %arg14[%add3A_107, %dma_wait3A_135] : memref<10112x64xf32, #tpu.memory_space<vmem_shared>> -> memref<80x64xf32, #tpu.memory_space<vmem_shared>>
      %dma_wait3A_137 = arith.constant 0 : i32
      %dma_wait3A_138 = arith.constant 0 : i32
      %dma_wait3A_139 = tpu.memref_slice %arg9[%dma_wait3A_137, %dma_wait3A_138] : memref<80x64xf32, #tpu.memory_space<vmem>> -> memref<80x64xf32, #tpu.memory_space<vmem>>
      %dma_wait3A_140 = arith.constant 0 : i32
      %dma_wait3A_141 = tpu.memref_slice %arg14[%add3A_107, %dma_wait3A_140] : memref<10112x64xf32, #tpu.memory_space<vmem_shared>> -> memref<80x64xf32, #tpu.memory_space<vmem_shared>>
      tpu.wait_dma2 semaphore(%run_scoped3A : memref<!tpu.dma_semaphore, #tpu.memory_space<semaphore_mem>>) src(%dma_wait3A_141 : memref<80x64xf32, #tpu.memory_space<vmem_shared>>) dst(%dma_wait3A_139 : memref<80x64xf32, #tpu.memory_space<vmem>>)
      tpu.yield
    }) : () -> ()
    %add3A_108 = arith.constant 320 : i32
    %add3A_109 = arith.addi %mul3A_0, %add3A_108 : i32
    "tpu.region"() ({
      %run_scoped3A = tpu.sem_alloc : memref<!tpu.dma_semaphore, #tpu.memory_space<semaphore_mem>>
      %dma_start3A_122 = arith.constant 0 : i32
      %dma_start3A_123 = arith.constant 0 : i32
      %dma_start3A_124 = tpu.memref_slice %arg9[%dma_start3A_122, %dma_start3A_123] : memref<80x64xf32, #tpu.memory_space<vmem>> -> memref<80x64xf32, #tpu.memory_space<vmem>>
      %dma_start3A_125 = arith.constant 0 : i32
      %dma_start3A_126 = tpu.memref_slice %arg6[%arg0, %add3A_109, %dma_start3A_125] : memref<2x10112x64xf32, #tpu.memory_space<hbm>> -> memref<1x80x64xf32, #tpu.memory_space<hbm>>
      %dma_start3A_127 = tpu.memref_squeeze %dma_start3A_126 : memref<1x80x64xf32, #tpu.memory_space<hbm>> -> memref<80x64xf32, #tpu.memory_space<hbm>>
      %dma_start3A_128 = arith.constant 0 : i32
      %dma_start3A_129 = tpu.memref_slice %arg6[%arg0, %add3A_109, %dma_start3A_128] : memref<2x10112x64xf32, #tpu.memory_space<hbm>> -> memref<1x80x64xf32, #tpu.memory_space<hbm>>
      %dma_start3A_130 = tpu.memref_squeeze %dma_start3A_129 : memref<1x80x64xf32, #tpu.memory_space<hbm>> -> memref<80x64xf32, #tpu.memory_space<hbm>>
      %dma_start3A_131 = arith.constant 0 : i32
      %dma_start3A_132 = arith.constant 0 : i32
      %dma_start3A_133 = tpu.memref_slice %arg9[%dma_start3A_131, %dma_start3A_132] : memref<80x64xf32, #tpu.memory_space<vmem>> -> memref<80x64xf32, #tpu.memory_space<vmem>>
      tpu.enqueue_dma source(%dma_start3A_133 : memref<80x64xf32, #tpu.memory_space<vmem>>) target(%dma_start3A_130 : memref<80x64xf32, #tpu.memory_space<hbm>>) target_semaphore(%run_scoped3A : memref<!tpu.dma_semaphore, #tpu.memory_space<semaphore_mem>>)
      %dma_wait3A_134 = arith.constant 0 : i32
      %dma_wait3A_135 = arith.constant 0 : i32
      %dma_wait3A_136 = tpu.memref_slice %arg9[%dma_wait3A_134, %dma_wait3A_135] : memref<80x64xf32, #tpu.memory_space<vmem>> -> memref<80x64xf32, #tpu.memory_space<vmem>>
      %dma_wait3A_137 = arith.constant 0 : i32
      %dma_wait3A_138 = tpu.memref_slice %arg6[%arg0, %add3A_109, %dma_wait3A_137] : memref<2x10112x64xf32, #tpu.memory_space<hbm>> -> memref<1x80x64xf32, #tpu.memory_space<hbm>>
      %dma_wait3A_139 = tpu.memref_squeeze %dma_wait3A_138 : memref<1x80x64xf32, #tpu.memory_space<hbm>> -> memref<80x64xf32, #tpu.memory_space<hbm>>
      %dma_wait3A_140 = arith.constant 0 : i32
      %dma_wait3A_141 = tpu.memref_slice %arg6[%arg0, %add3A_109, %dma_wait3A_140] : memref<2x10112x64xf32, #tpu.memory_space<hbm>> -> memref<1x80x64xf32, #tpu.memory_space<hbm>>
      %dma_wait3A_142 = tpu.memref_squeeze %dma_wait3A_141 : memref<1x80x64xf32, #tpu.memory_space<hbm>> -> memref<80x64xf32, #tpu.memory_space<hbm>>
      %dma_wait3A_143 = arith.constant 0 : i32
      %dma_wait3A_144 = arith.constant 0 : i32
      %dma_wait3A_145 = tpu.memref_slice %arg9[%dma_wait3A_143, %dma_wait3A_144] : memref<80x64xf32, #tpu.memory_space<vmem>> -> memref<80x64xf32, #tpu.memory_space<vmem>>
      tpu.wait_dma2 semaphore(%run_scoped3A : memref<!tpu.dma_semaphore, #tpu.memory_space<semaphore_mem>>) src(%dma_wait3A_145 : memref<80x64xf32, #tpu.memory_space<vmem>>) dst(%dma_wait3A_142 : memref<80x64xf32, #tpu.memory_space<hbm>>)
      tpu.yield
    }) : () -> ()
    %add3A_110 = arith.constant 400 : i32
    %add3A_111 = arith.addi %mul3A_0, %add3A_110 : i32
    "tpu.region"() ({
      %run_scoped3A = tpu.sem_alloc : memref<!tpu.dma_semaphore, #tpu.memory_space<semaphore_mem>>
      %dma_start3A_122 = arith.constant 0 : i32
      %dma_start3A_123 = arith.constant 0 : i32
      %dma_start3A_124 = tpu.memref_slice %arg9[%dma_start3A_122, %dma_start3A_123] : memref<80x64xf32, #tpu.memory_space<vmem>> -> memref<80x64xf32, #tpu.memory_space<vmem>>
      %dma_start3A_125 = arith.constant 0 : i32
      %dma_start3A_126 = tpu.memref_slice %arg14[%add3A_111, %dma_start3A_125] : memref<10112x64xf32, #tpu.memory_space<vmem_shared>> -> memref<80x64xf32, #tpu.memory_space<vmem_shared>>
      %dma_start3A_127 = arith.constant 0 : i32
      %dma_start3A_128 = arith.constant 0 : i32
      %dma_start3A_129 = tpu.memref_slice %arg9[%dma_start3A_127, %dma_start3A_128] : memref<80x64xf32, #tpu.memory_space<vmem>> -> memref<80x64xf32, #tpu.memory_space<vmem>>
      %dma_start3A_130 = arith.constant 0 : i32
      %dma_start3A_131 = tpu.memref_slice %arg14[%add3A_111, %dma_start3A_130] : memref<10112x64xf32, #tpu.memory_space<vmem_shared>> -> memref<80x64xf32, #tpu.memory_space<vmem_shared>>
      tpu.enqueue_dma source(%dma_start3A_131 : memref<80x64xf32, #tpu.memory_space<vmem_shared>>) target(%dma_start3A_129 : memref<80x64xf32, #tpu.memory_space<vmem>>) target_semaphore(%run_scoped3A : memref<!tpu.dma_semaphore, #tpu.memory_space<semaphore_mem>>)
      %dma_wait3A_132 = arith.constant 0 : i32
      %dma_wait3A_133 = arith.constant 0 : i32
      %dma_wait3A_134 = tpu.memref_slice %arg9[%dma_wait3A_132, %dma_wait3A_133] : memref<80x64xf32, #tpu.memory_space<vmem>> -> memref<80x64xf32, #tpu.memory_space<vmem>>
      %dma_wait3A_135 = arith.constant 0 : i32
      %dma_wait3A_136 = tpu.memref_slice %arg14[%add3A_111, %dma_wait3A_135] : memref<10112x64xf32, #tpu.memory_space<vmem_shared>> -> memref<80x64xf32, #tpu.memory_space<vmem_shared>>
      %dma_wait3A_137 = arith.constant 0 : i32
      %dma_wait3A_138 = arith.constant 0 : i32
      %dma_wait3A_139 = tpu.memref_slice %arg9[%dma_wait3A_137, %dma_wait3A_138] : memref<80x64xf32, #tpu.memory_space<vmem>> -> memref<80x64xf32, #tpu.memory_space<vmem>>
      %dma_wait3A_140 = arith.constant 0 : i32
      %dma_wait3A_141 = tpu.memref_slice %arg14[%add3A_111, %dma_wait3A_140] : memref<10112x64xf32, #tpu.memory_space<vmem_shared>> -> memref<80x64xf32, #tpu.memory_space<vmem_shared>>
      tpu.wait_dma2 semaphore(%run_scoped3A : memref<!tpu.dma_semaphore, #tpu.memory_space<semaphore_mem>>) src(%dma_wait3A_141 : memref<80x64xf32, #tpu.memory_space<vmem_shared>>) dst(%dma_wait3A_139 : memref<80x64xf32, #tpu.memory_space<vmem>>)
      tpu.yield
    }) : () -> ()
    %add3A_112 = arith.constant 400 : i32
    %add3A_113 = arith.addi %mul3A_0, %add3A_112 : i32
    "tpu.region"() ({
      %run_scoped3A = tpu.sem_alloc : memref<!tpu.dma_semaphore, #tpu.memory_space<semaphore_mem>>
      %dma_start3A_122 = arith.constant 0 : i32
      %dma_start3A_123 = arith.constant 0 : i32
      %dma_start3A_124 = tpu.memref_slice %arg9[%dma_start3A_122, %dma_start3A_123] : memref<80x64xf32, #tpu.memory_space<vmem>> -> memref<80x64xf32, #tpu.memory_space<vmem>>
      %dma_start3A_125 = arith.constant 0 : i32
      %dma_start3A_126 = tpu.memref_slice %arg6[%arg0, %add3A_113, %dma_start3A_125] : memref<2x10112x64xf32, #tpu.memory_space<hbm>> -> memref<1x80x64xf32, #tpu.memory_space<hbm>>
      %dma_start3A_127 = tpu.memref_squeeze %dma_start3A_126 : memref<1x80x64xf32, #tpu.memory_space<hbm>> -> memref<80x64xf32, #tpu.memory_space<hbm>>
      %dma_start3A_128 = arith.constant 0 : i32
      %dma_start3A_129 = tpu.memref_slice %arg6[%arg0, %add3A_113, %dma_start3A_128] : memref<2x10112x64xf32, #tpu.memory_space<hbm>> -> memref<1x80x64xf32, #tpu.memory_space<hbm>>
      %dma_start3A_130 = tpu.memref_squeeze %dma_start3A_129 : memref<1x80x64xf32, #tpu.memory_space<hbm>> -> memref<80x64xf32, #tpu.memory_space<hbm>>
      %dma_start3A_131 = arith.constant 0 : i32
      %dma_start3A_132 = arith.constant 0 : i32
      %dma_start3A_133 = tpu.memref_slice %arg9[%dma_start3A_131, %dma_start3A_132] : memref<80x64xf32, #tpu.memory_space<vmem>> -> memref<80x64xf32, #tpu.memory_space<vmem>>
      tpu.enqueue_dma source(%dma_start3A_133 : memref<80x64xf32, #tpu.memory_space<vmem>>) target(%dma_start3A_130 : memref<80x64xf32, #tpu.memory_space<hbm>>) target_semaphore(%run_scoped3A : memref<!tpu.dma_semaphore, #tpu.memory_space<semaphore_mem>>)
      %dma_wait3A_134 = arith.constant 0 : i32
      %dma_wait3A_135 = arith.constant 0 : i32
      %dma_wait3A_136 = tpu.memref_slice %arg9[%dma_wait3A_134, %dma_wait3A_135] : memref<80x64xf32, #tpu.memory_space<vmem>> -> memref<80x64xf32, #tpu.memory_space<vmem>>
      %dma_wait3A_137 = arith.constant 0 : i32
      %dma_wait3A_138 = tpu.memref_slice %arg6[%arg0, %add3A_113, %dma_wait3A_137] : memref<2x10112x64xf32, #tpu.memory_space<hbm>> -> memref<1x80x64xf32, #tpu.memory_space<hbm>>
      %dma_wait3A_139 = tpu.memref_squeeze %dma_wait3A_138 : memref<1x80x64xf32, #tpu.memory_space<hbm>> -> memref<80x64xf32, #tpu.memory_space<hbm>>
      %dma_wait3A_140 = arith.constant 0 : i32
      %dma_wait3A_141 = tpu.memref_slice %arg6[%arg0, %add3A_113, %dma_wait3A_140] : memref<2x10112x64xf32, #tpu.memory_space<hbm>> -> memref<1x80x64xf32, #tpu.memory_space<hbm>>
      %dma_wait3A_142 = tpu.memref_squeeze %dma_wait3A_141 : memref<1x80x64xf32, #tpu.memory_space<hbm>> -> memref<80x64xf32, #tpu.memory_space<hbm>>
      %dma_wait3A_143 = arith.constant 0 : i32
      %dma_wait3A_144 = arith.constant 0 : i32
      %dma_wait3A_145 = tpu.memref_slice %arg9[%dma_wait3A_143, %dma_wait3A_144] : memref<80x64xf32, #tpu.memory_space<vmem>> -> memref<80x64xf32, #tpu.memory_space<vmem>>
      tpu.wait_dma2 semaphore(%run_scoped3A : memref<!tpu.dma_semaphore, #tpu.memory_space<semaphore_mem>>) src(%dma_wait3A_145 : memref<80x64xf32, #tpu.memory_space<vmem>>) dst(%dma_wait3A_142 : memref<80x64xf32, #tpu.memory_space<hbm>>)
      tpu.yield
    }) : () -> ()
    %add3A_114 = arith.constant 480 : i32
    %add3A_115 = arith.addi %mul3A_0, %add3A_114 : i32
    "tpu.region"() ({
      %run_scoped3A = tpu.sem_alloc : memref<!tpu.dma_semaphore, #tpu.memory_space<semaphore_mem>>
      %dma_start3A_122 = arith.constant 0 : i32
      %dma_start3A_123 = arith.constant 0 : i32
      %dma_start3A_124 = tpu.memref_slice %arg9[%dma_start3A_122, %dma_start3A_123] : memref<80x64xf32, #tpu.memory_space<vmem>> -> memref<80x64xf32, #tpu.memory_space<vmem>>
      %dma_start3A_125 = arith.constant 0 : i32
      %dma_start3A_126 = tpu.memref_slice %arg14[%add3A_115, %dma_start3A_125] : memref<10112x64xf32, #tpu.memory_space<vmem_shared>> -> memref<80x64xf32, #tpu.memory_space<vmem_shared>>
      %dma_start3A_127 = arith.constant 0 : i32
      %dma_start3A_128 = arith.constant 0 : i32
      %dma_start3A_129 = tpu.memref_slice %arg9[%dma_start3A_127, %dma_start3A_128] : memref<80x64xf32, #tpu.memory_space<vmem>> -> memref<80x64xf32, #tpu.memory_space<vmem>>
      %dma_start3A_130 = arith.constant 0 : i32
      %dma_start3A_131 = tpu.memref_slice %arg14[%add3A_115, %dma_start3A_130] : memref<10112x64xf32, #tpu.memory_space<vmem_shared>> -> memref<80x64xf32, #tpu.memory_space<vmem_shared>>
      tpu.enqueue_dma source(%dma_start3A_131 : memref<80x64xf32, #tpu.memory_space<vmem_shared>>) target(%dma_start3A_129 : memref<80x64xf32, #tpu.memory_space<vmem>>) target_semaphore(%run_scoped3A : memref<!tpu.dma_semaphore, #tpu.memory_space<semaphore_mem>>)
      %dma_wait3A_132 = arith.constant 0 : i32
      %dma_wait3A_133 = arith.constant 0 : i32
      %dma_wait3A_134 = tpu.memref_slice %arg9[%dma_wait3A_132, %dma_wait3A_133] : memref<80x64xf32, #tpu.memory_space<vmem>> -> memref<80x64xf32, #tpu.memory_space<vmem>>
      %dma_wait3A_135 = arith.constant 0 : i32
      %dma_wait3A_136 = tpu.memref_slice %arg14[%add3A_115, %dma_wait3A_135] : memref<10112x64xf32, #tpu.memory_space<vmem_shared>> -> memref<80x64xf32, #tpu.memory_space<vmem_shared>>
      %dma_wait3A_137 = arith.constant 0 : i32
      %dma_wait3A_138 = arith.constant 0 : i32
      %dma_wait3A_139 = tpu.memref_slice %arg9[%dma_wait3A_137, %dma_wait3A_138] : memref<80x64xf32, #tpu.memory_space<vmem>> -> memref<80x64xf32, #tpu.memory_space<vmem>>
      %dma_wait3A_140 = arith.constant 0 : i32
      %dma_wait3A_141 = tpu.memref_slice %arg14[%add3A_115, %dma_wait3A_140] : memref<10112x64xf32, #tpu.memory_space<vmem_shared>> -> memref<80x64xf32, #tpu.memory_space<vmem_shared>>
      tpu.wait_dma2 semaphore(%run_scoped3A : memref<!tpu.dma_semaphore, #tpu.memory_space<semaphore_mem>>) src(%dma_wait3A_141 : memref<80x64xf32, #tpu.memory_space<vmem_shared>>) dst(%dma_wait3A_139 : memref<80x64xf32, #tpu.memory_space<vmem>>)
      tpu.yield
    }) : () -> ()
    %add3A_116 = arith.constant 480 : i32
    %add3A_117 = arith.addi %mul3A_0, %add3A_116 : i32
    "tpu.region"() ({
      %run_scoped3A = tpu.sem_alloc : memref<!tpu.dma_semaphore, #tpu.memory_space<semaphore_mem>>
      %dma_start3A_122 = arith.constant 0 : i32
      %dma_start3A_123 = arith.constant 0 : i32
      %dma_start3A_124 = tpu.memref_slice %arg9[%dma_start3A_122, %dma_start3A_123] : memref<80x64xf32, #tpu.memory_space<vmem>> -> memref<80x64xf32, #tpu.memory_space<vmem>>
      %dma_start3A_125 = arith.constant 0 : i32
      %dma_start3A_126 = tpu.memref_slice %arg6[%arg0, %add3A_117, %dma_start3A_125] : memref<2x10112x64xf32, #tpu.memory_space<hbm>> -> memref<1x80x64xf32, #tpu.memory_space<hbm>>
      %dma_start3A_127 = tpu.memref_squeeze %dma_start3A_126 : memref<1x80x64xf32, #tpu.memory_space<hbm>> -> memref<80x64xf32, #tpu.memory_space<hbm>>
      %dma_start3A_128 = arith.constant 0 : i32
      %dma_start3A_129 = tpu.memref_slice %arg6[%arg0, %add3A_117, %dma_start3A_128] : memref<2x10112x64xf32, #tpu.memory_space<hbm>> -> memref<1x80x64xf32, #tpu.memory_space<hbm>>
      %dma_start3A_130 = tpu.memref_squeeze %dma_start3A_129 : memref<1x80x64xf32, #tpu.memory_space<hbm>> -> memref<80x64xf32, #tpu.memory_space<hbm>>
      %dma_start3A_131 = arith.constant 0 : i32
      %dma_start3A_132 = arith.constant 0 : i32
      %dma_start3A_133 = tpu.memref_slice %arg9[%dma_start3A_131, %dma_start3A_132] : memref<80x64xf32, #tpu.memory_space<vmem>> -> memref<80x64xf32, #tpu.memory_space<vmem>>
      tpu.enqueue_dma source(%dma_start3A_133 : memref<80x64xf32, #tpu.memory_space<vmem>>) target(%dma_start3A_130 : memref<80x64xf32, #tpu.memory_space<hbm>>) target_semaphore(%run_scoped3A : memref<!tpu.dma_semaphore, #tpu.memory_space<semaphore_mem>>)
      %dma_wait3A_134 = arith.constant 0 : i32
      %dma_wait3A_135 = arith.constant 0 : i32
      %dma_wait3A_136 = tpu.memref_slice %arg9[%dma_wait3A_134, %dma_wait3A_135] : memref<80x64xf32, #tpu.memory_space<vmem>> -> memref<80x64xf32, #tpu.memory_space<vmem>>
      %dma_wait3A_137 = arith.constant 0 : i32
      %dma_wait3A_138 = tpu.memref_slice %arg6[%arg0, %add3A_117, %dma_wait3A_137] : memref<2x10112x64xf32, #tpu.memory_space<hbm>> -> memref<1x80x64xf32, #tpu.memory_space<hbm>>
      %dma_wait3A_139 = tpu.memref_squeeze %dma_wait3A_138 : memref<1x80x64xf32, #tpu.memory_space<hbm>> -> memref<80x64xf32, #tpu.memory_space<hbm>>
      %dma_wait3A_140 = arith.constant 0 : i32
      %dma_wait3A_141 = tpu.memref_slice %arg6[%arg0, %add3A_117, %dma_wait3A_140] : memref<2x10112x64xf32, #tpu.memory_space<hbm>> -> memref<1x80x64xf32, #tpu.memory_space<hbm>>
      %dma_wait3A_142 = tpu.memref_squeeze %dma_wait3A_141 : memref<1x80x64xf32, #tpu.memory_space<hbm>> -> memref<80x64xf32, #tpu.memory_space<hbm>>
      %dma_wait3A_143 = arith.constant 0 : i32
      %dma_wait3A_144 = arith.constant 0 : i32
      %dma_wait3A_145 = tpu.memref_slice %arg9[%dma_wait3A_143, %dma_wait3A_144] : memref<80x64xf32, #tpu.memory_space<vmem>> -> memref<80x64xf32, #tpu.memory_space<vmem>>
      tpu.wait_dma2 semaphore(%run_scoped3A : memref<!tpu.dma_semaphore, #tpu.memory_space<semaphore_mem>>) src(%dma_wait3A_145 : memref<80x64xf32, #tpu.memory_space<vmem>>) dst(%dma_wait3A_142 : memref<80x64xf32, #tpu.memory_space<hbm>>)
      tpu.yield
    }) : () -> ()
    %add3A_118 = arith.constant 560 : i32
    %add3A_119 = arith.addi %mul3A_0, %add3A_118 : i32
    "tpu.region"() ({
      %run_scoped3A = tpu.sem_alloc : memref<!tpu.dma_semaphore, #tpu.memory_space<semaphore_mem>>
      %dma_start3A_122 = arith.constant 0 : i32
      %dma_start3A_123 = arith.constant 0 : i32
      %dma_start3A_124 = tpu.memref_slice %arg9[%dma_start3A_122, %dma_start3A_123] : memref<80x64xf32, #tpu.memory_space<vmem>> -> memref<72x64xf32, #tpu.memory_space<vmem>>
      %dma_start3A_125 = arith.constant 0 : i32
      %dma_start3A_126 = tpu.memref_slice %arg14[%add3A_119, %dma_start3A_125] : memref<10112x64xf32, #tpu.memory_space<vmem_shared>> -> memref<72x64xf32, #tpu.memory_space<vmem_shared>>
      %dma_start3A_127 = arith.constant 0 : i32
      %dma_start3A_128 = arith.constant 0 : i32
      %dma_start3A_129 = tpu.memref_slice %arg9[%dma_start3A_127, %dma_start3A_128] : memref<80x64xf32, #tpu.memory_space<vmem>> -> memref<72x64xf32, #tpu.memory_space<vmem>>
      %dma_start3A_130 = arith.constant 0 : i32
      %dma_start3A_131 = tpu.memref_slice %arg14[%add3A_119, %dma_start3A_130] : memref<10112x64xf32, #tpu.memory_space<vmem_shared>> -> memref<72x64xf32, #tpu.memory_space<vmem_shared>>
      tpu.enqueue_dma source(%dma_start3A_131 : memref<72x64xf32, #tpu.memory_space<vmem_shared>>) target(%dma_start3A_129 : memref<72x64xf32, #tpu.memory_space<vmem>>) target_semaphore(%run_scoped3A : memref<!tpu.dma_semaphore, #tpu.memory_space<semaphore_mem>>)
      %dma_wait3A_132 = arith.constant 0 : i32
      %dma_wait3A_133 = arith.constant 0 : i32
      %dma_wait3A_134 = tpu.memref_slice %arg9[%dma_wait3A_132, %dma_wait3A_133] : memref<80x64xf32, #tpu.memory_space<vmem>> -> memref<72x64xf32, #tpu.memory_space<vmem>>
      %dma_wait3A_135 = arith.constant 0 : i32
      %dma_wait3A_136 = tpu.memref_slice %arg14[%add3A_119, %dma_wait3A_135] : memref<10112x64xf32, #tpu.memory_space<vmem_shared>> -> memref<72x64xf32, #tpu.memory_space<vmem_shared>>
      %dma_wait3A_137 = arith.constant 0 : i32
      %dma_wait3A_138 = arith.constant 0 : i32
      %dma_wait3A_139 = tpu.memref_slice %arg9[%dma_wait3A_137, %dma_wait3A_138] : memref<80x64xf32, #tpu.memory_space<vmem>> -> memref<72x64xf32, #tpu.memory_space<vmem>>
      %dma_wait3A_140 = arith.constant 0 : i32
      %dma_wait3A_141 = tpu.memref_slice %arg14[%add3A_119, %dma_wait3A_140] : memref<10112x64xf32, #tpu.memory_space<vmem_shared>> -> memref<72x64xf32, #tpu.memory_space<vmem_shared>>
      tpu.wait_dma2 semaphore(%run_scoped3A : memref<!tpu.dma_semaphore, #tpu.memory_space<semaphore_mem>>) src(%dma_wait3A_141 : memref<72x64xf32, #tpu.memory_space<vmem_shared>>) dst(%dma_wait3A_139 : memref<72x64xf32, #tpu.memory_space<vmem>>)
      tpu.yield
    }) : () -> ()
    %add3A_120 = arith.constant 560 : i32
    %add3A_121 = arith.addi %mul3A_0, %add3A_120 : i32
    "tpu.region"() ({
      %run_scoped3A = tpu.sem_alloc : memref<!tpu.dma_semaphore, #tpu.memory_space<semaphore_mem>>
      %dma_start3A_122 = arith.constant 0 : i32
      %dma_start3A_123 = arith.constant 0 : i32
      %dma_start3A_124 = tpu.memref_slice %arg9[%dma_start3A_122, %dma_start3A_123] : memref<80x64xf32, #tpu.memory_space<vmem>> -> memref<72x64xf32, #tpu.memory_space<vmem>>
      %dma_start3A_125 = arith.constant 0 : i32
      %dma_start3A_126 = tpu.memref_slice %arg6[%arg0, %add3A_121, %dma_start3A_125] : memref<2x10112x64xf32, #tpu.memory_space<hbm>> -> memref<1x72x64xf32, #tpu.memory_space<hbm>>
      %dma_start3A_127 = tpu.memref_squeeze %dma_start3A_126 : memref<1x72x64xf32, #tpu.memory_space<hbm>> -> memref<72x64xf32, #tpu.memory_space<hbm>>
      %dma_start3A_128 = arith.constant 0 : i32
      %dma_start3A_129 = tpu.memref_slice %arg6[%arg0, %add3A_121, %dma_start3A_128] : memref<2x10112x64xf32, #tpu.memory_space<hbm>> -> memref<1x72x64xf32, #tpu.memory_space<hbm>>
      %dma_start3A_130 = tpu.memref_squeeze %dma_start3A_129 : memref<1x72x64xf32, #tpu.memory_space<hbm>> -> memref<72x64xf32, #tpu.memory_space<hbm>>
      %dma_start3A_131 = arith.constant 0 : i32
      %dma_start3A_132 = arith.constant 0 : i32
      %dma_start3A_133 = tpu.memref_slice %arg9[%dma_start3A_131, %dma_start3A_132] : memref<80x64xf32, #tpu.memory_space<vmem>> -> memref<72x64xf32, #tpu.memory_space<vmem>>
      tpu.enqueue_dma source(%dma_start3A_133 : memref<72x64xf32, #tpu.memory_space<vmem>>) target(%dma_start3A_130 : memref<72x64xf32, #tpu.memory_space<hbm>>) target_semaphore(%run_scoped3A : memref<!tpu.dma_semaphore, #tpu.memory_space<semaphore_mem>>)
      %dma_wait3A_134 = arith.constant 0 : i32
      %dma_wait3A_135 = arith.constant 0 : i32
      %dma_wait3A_136 = tpu.memref_slice %arg9[%dma_wait3A_134, %dma_wait3A_135] : memref<80x64xf32, #tpu.memory_space<vmem>> -> memref<72x64xf32, #tpu.memory_space<vmem>>
      %dma_wait3A_137 = arith.constant 0 : i32
      %dma_wait3A_138 = tpu.memref_slice %arg6[%arg0, %add3A_121, %dma_wait3A_137] : memref<2x10112x64xf32, #tpu.memory_space<hbm>> -> memref<1x72x64xf32, #tpu.memory_space<hbm>>
      %dma_wait3A_139 = tpu.memref_squeeze %dma_wait3A_138 : memref<1x72x64xf32, #tpu.memory_space<hbm>> -> memref<72x64xf32, #tpu.memory_space<hbm>>
      %dma_wait3A_140 = arith.constant 0 : i32
      %dma_wait3A_141 = tpu.memref_slice %arg6[%arg0, %add3A_121, %dma_wait3A_140] : memref<2x10112x64xf32, #tpu.memory_space<hbm>> -> memref<1x72x64xf32, #tpu.memory_space<hbm>>
      %dma_wait3A_142 = tpu.memref_squeeze %dma_wait3A_141 : memref<1x72x64xf32, #tpu.memory_space<hbm>> -> memref<72x64xf32, #tpu.memory_space<hbm>>
      %dma_wait3A_143 = arith.constant 0 : i32
      %dma_wait3A_144 = arith.constant 0 : i32
      %dma_wait3A_145 = tpu.memref_slice %arg9[%dma_wait3A_143, %dma_wait3A_144] : memref<80x64xf32, #tpu.memory_space<vmem>> -> memref<72x64xf32, #tpu.memory_space<vmem>>
      tpu.wait_dma2 semaphore(%run_scoped3A : memref<!tpu.dma_semaphore, #tpu.memory_space<semaphore_mem>>) src(%dma_wait3A_145 : memref<72x64xf32, #tpu.memory_space<vmem>>) dst(%dma_wait3A_142 : memref<72x64xf32, #tpu.memory_space<hbm>>)
      tpu.yield
    }) : () -> ()
    return
  }
}

#map = affine_map<(d0, d1) -> (0, 0)>
#map1 = affine_map<(d0, d1) -> (0, 0, 0, 0)>
#map2 = affine_map<(d0, d1) -> (0, 0, 0)>
module attributes {stable_mosaic.version = 14 : i64} {
  func.func @_agg_body(%arg0: i32, %arg1: i32, %arg2: memref<20000x64xf32, #tpu.memory_space<hbm>>, %arg3: memref<2x16x250x80xi32, #tpu.memory_space<hbm>>, %arg4: memref<16x250x80xi32, #tpu.memory_space<hbm>>, %arg5: memref<80x64xf32, #tpu.memory_space<hbm>>, %arg6: memref<2x10112x64xf32, #tpu.memory_space<hbm>>, %arg7: memref<250x80xi32, #tpu.memory_space<vmem>>, %arg8: memref<250x80xi32, #tpu.memory_space<vmem>>, %arg9: memref<80x64xf32, #tpu.memory_space<vmem>>, %arg10: memref<80x64xf32, #tpu.memory_space<vmem>>, %arg11: memref<80x64xf32, #tpu.memory_space<vmem>>, %arg12: memref<80x64xf32, #tpu.memory_space<vmem>>, %arg13: memref<80x64xf32, #tpu.memory_space<vmem>>, %arg14: memref<10112x64xf32, #tpu.memory_space<vmem_shared>>, %arg15: memref<!tpu.dma_semaphore, #tpu.memory_space<semaphore_mem>>, %arg16: memref<!tpu.dma_semaphore, #tpu.memory_space<semaphore_mem>>, %arg17: memref<!tpu.dma_semaphore, #tpu.memory_space<semaphore_mem>>, %arg18: memref<!tpu.dma_semaphore, #tpu.memory_space<semaphore_mem>>, %arg19: memref<!tpu.dma_semaphore, #tpu.memory_space<semaphore_mem>>, %arg20: memref<!tpu.dma_semaphore, #tpu.memory_space<semaphore_mem>>, %arg21: memref<!tpu.dma_semaphore, #tpu.memory_space<semaphore_mem>>, %arg22: memref<!tpu.dma_semaphore, #tpu.memory_space<semaphore_mem>>, %arg23: memref<!tpu.dma_semaphore, #tpu.memory_space<semaphore_mem>>, %arg24: memref<!tpu.dma_semaphore, #tpu.memory_space<semaphore_mem>>) attributes {dimension_semantics = [#tpu.dimension_semantics<core_parallel>, #tpu.dimension_semantics<subcore_parallel>], iteration_bounds = array<i64: 2, 16>, scalar_prefetch = 0 : i64, scratch_operands = 18 : i64, tpu.core_type = #tpu.core_type<sc_vector_subcore>, window_params = [{transform_indices = #map}, {transform_indices = #map1}, {transform_indices = #map2}, {transform_indices = #map}, {transform_indices = #map2}]} {
    "tpu.region"() ({
      %run_scoped3A = tpu.sem_alloc : memref<!tpu.dma_semaphore, #tpu.memory_space<semaphore_mem>>
      %dma_start3A_122 = arith.constant 0 : i32
      %dma_start3A_123 = arith.constant 0 : i32
      %dma_start3A_124 = tpu.memref_slice %arg3[%arg0, %arg1, %dma_start3A_122, %dma_start3A_123] : memref<2x16x250x80xi32, #tpu.memory_space<hbm>> -> memref<1x1x250x80xi32, #tpu.memory_space<hbm>>
      %dma_start3A_125 = tpu.memref_squeeze %dma_start3A_124 : memref<1x1x250x80xi32, #tpu.memory_space<hbm>> -> memref<250x80xi32, #tpu.memory_space<hbm>>
      %dma_start3A_126 = arith.constant 0 : i32
      %dma_start3A_127 = arith.constant 0 : i32
      %dma_start3A_128 = tpu.memref_slice %arg3[%arg0, %arg1, %dma_start3A_126, %dma_start3A_127] : memref<2x16x250x80xi32, #tpu.memory_space<hbm>> -> memref<1x1x250x80xi32, #tpu.memory_space<hbm>>
      %dma_start3A_129 = tpu.memref_squeeze %dma_start3A_128 : memref<1x1x250x80xi32, #tpu.memory_space<hbm>> -> memref<250x80xi32, #tpu.memory_space<hbm>>
      tpu.enqueue_dma source(%dma_start3A_129 : memref<250x80xi32, #tpu.memory_space<hbm>>) target(%arg7 : memref<250x80xi32, #tpu.memory_space<vmem>>) target_semaphore(%run_scoped3A : memref<!tpu.dma_semaphore, #tpu.memory_space<semaphore_mem>>)
      %dma_wait3A_130 = arith.constant 0 : i32
      %dma_wait3A_131 = arith.constant 0 : i32
      %dma_wait3A_132 = tpu.memref_slice %arg3[%arg0, %arg1, %dma_wait3A_130, %dma_wait3A_131] : memref<2x16x250x80xi32, #tpu.memory_space<hbm>> -> memref<1x1x250x80xi32, #tpu.memory_space<hbm>>
      %dma_wait3A_133 = tpu.memref_squeeze %dma_wait3A_132 : memref<1x1x250x80xi32, #tpu.memory_space<hbm>> -> memref<250x80xi32, #tpu.memory_space<hbm>>
      %dma_wait3A_134 = arith.constant 0 : i32
      %dma_wait3A_135 = arith.constant 0 : i32
      %dma_wait3A_136 = tpu.memref_slice %arg3[%arg0, %arg1, %dma_wait3A_134, %dma_wait3A_135] : memref<2x16x250x80xi32, #tpu.memory_space<hbm>> -> memref<1x1x250x80xi32, #tpu.memory_space<hbm>>
      %dma_wait3A_137 = tpu.memref_squeeze %dma_wait3A_136 : memref<1x1x250x80xi32, #tpu.memory_space<hbm>> -> memref<250x80xi32, #tpu.memory_space<hbm>>
      tpu.wait_dma2 semaphore(%run_scoped3A : memref<!tpu.dma_semaphore, #tpu.memory_space<semaphore_mem>>) src(%dma_wait3A_137 : memref<250x80xi32, #tpu.memory_space<hbm>>) dst(%arg7 : memref<250x80xi32, #tpu.memory_space<vmem>>)
      tpu.yield
    }) : () -> ()
    "tpu.region"() ({
      %run_scoped3A = tpu.sem_alloc : memref<!tpu.dma_semaphore, #tpu.memory_space<semaphore_mem>>
      %dma_start3A_122 = arith.constant 0 : i32
      %dma_start3A_123 = arith.constant 0 : i32
      %dma_start3A_124 = tpu.memref_slice %arg4[%arg1, %dma_start3A_122, %dma_start3A_123] : memref<16x250x80xi32, #tpu.memory_space<hbm>> -> memref<1x250x80xi32, #tpu.memory_space<hbm>>
      %dma_start3A_125 = tpu.memref_squeeze %dma_start3A_124 : memref<1x250x80xi32, #tpu.memory_space<hbm>> -> memref<250x80xi32, #tpu.memory_space<hbm>>
      %dma_start3A_126 = arith.constant 0 : i32
      %dma_start3A_127 = arith.constant 0 : i32
      %dma_start3A_128 = tpu.memref_slice %arg4[%arg1, %dma_start3A_126, %dma_start3A_127] : memref<16x250x80xi32, #tpu.memory_space<hbm>> -> memref<1x250x80xi32, #tpu.memory_space<hbm>>
      %dma_start3A_129 = tpu.memref_squeeze %dma_start3A_128 : memref<1x250x80xi32, #tpu.memory_space<hbm>> -> memref<250x80xi32, #tpu.memory_space<hbm>>
      tpu.enqueue_dma source(%dma_start3A_129 : memref<250x80xi32, #tpu.memory_space<hbm>>) target(%arg8 : memref<250x80xi32, #tpu.memory_space<vmem>>) target_semaphore(%run_scoped3A : memref<!tpu.dma_semaphore, #tpu.memory_space<semaphore_mem>>)
      %dma_wait3A_130 = arith.constant 0 : i32
      %dma_wait3A_131 = arith.constant 0 : i32
      %dma_wait3A_132 = tpu.memref_slice %arg4[%arg1, %dma_wait3A_130, %dma_wait3A_131] : memref<16x250x80xi32, #tpu.memory_space<hbm>> -> memref<1x250x80xi32, #tpu.memory_space<hbm>>
      %dma_wait3A_133 = tpu.memref_squeeze %dma_wait3A_132 : memref<1x250x80xi32, #tpu.memory_space<hbm>> -> memref<250x80xi32, #tpu.memory_space<hbm>>
      %dma_wait3A_134 = arith.constant 0 : i32
      %dma_wait3A_135 = arith.constant 0 : i32
      %dma_wait3A_136 = tpu.memref_slice %arg4[%arg1, %dma_wait3A_134, %dma_wait3A_135] : memref<16x250x80xi32, #tpu.memory_space<hbm>> -> memref<1x250x80xi32, #tpu.memory_space<hbm>>
      %dma_wait3A_137 = tpu.memref_squeeze %dma_wait3A_136 : memref<1x250x80xi32, #tpu.memory_space<hbm>> -> memref<250x80xi32, #tpu.memory_space<hbm>>
      tpu.wait_dma2 semaphore(%run_scoped3A : memref<!tpu.dma_semaphore, #tpu.memory_space<semaphore_mem>>) src(%dma_wait3A_137 : memref<250x80xi32, #tpu.memory_space<hbm>>) dst(%arg8 : memref<250x80xi32, #tpu.memory_space<vmem>>)
      tpu.yield
    }) : () -> ()
    "tpu.region"() ({
      %run_scoped3A = tpu.sem_alloc : memref<!tpu.dma_semaphore, #tpu.memory_space<semaphore_mem>>
      tpu.enqueue_dma source(%arg5 : memref<80x64xf32, #tpu.memory_space<hbm>>) target(%arg9 : memref<80x64xf32, #tpu.memory_space<vmem>>) target_semaphore(%run_scoped3A : memref<!tpu.dma_semaphore, #tpu.memory_space<semaphore_mem>>)
      tpu.wait_dma2 semaphore(%run_scoped3A : memref<!tpu.dma_semaphore, #tpu.memory_space<semaphore_mem>>) src(%arg5 : memref<80x64xf32, #tpu.memory_space<hbm>>) dst(%arg9 : memref<80x64xf32, #tpu.memory_space<vmem>>)
      tpu.yield
    }) : () -> ()
    %mul3A = arith.constant 632 : i32
    %mul3A_0 = arith.muli %arg1, %mul3A : i32
    %add3A = arith.constant 0 : i32
    %add3A_1 = arith.addi %mul3A_0, %add3A : i32
    "tpu.region"() ({
      %run_scoped3A = tpu.sem_alloc : memref<!tpu.dma_semaphore, #tpu.memory_space<semaphore_mem>>
      %dma_start3A_122 = arith.constant 0 : i32
      %dma_start3A_123 = arith.constant 0 : i32
      %dma_start3A_124 = tpu.memref_slice %arg9[%dma_start3A_122, %dma_start3A_123] : memref<80x64xf32, #tpu.memory_space<vmem>> -> memref<80x64xf32, #tpu.memory_space<vmem>>
      %dma_start3A_125 = arith.constant 0 : i32
      %dma_start3A_126 = tpu.memref_slice %arg14[%add3A_1, %dma_start3A_125] : memref<10112x64xf32, #tpu.memory_space<vmem_shared>> -> memref<80x64xf32, #tpu.memory_space<vmem_shared>>
      %dma_start3A_127 = arith.constant 0 : i32
      %dma_start3A_128 = tpu.memref_slice %arg14[%add3A_1, %dma_start3A_127] : memref<10112x64xf32, #tpu.memory_space<vmem_shared>> -> memref<80x64xf32, #tpu.memory_space<vmem_shared>>
      %dma_start3A_129 = arith.constant 0 : i32
      %dma_start3A_130 = arith.constant 0 : i32
      %dma_start3A_131 = tpu.memref_slice %arg9[%dma_start3A_129, %dma_start3A_130] : memref<80x64xf32, #tpu.memory_space<vmem>> -> memref<80x64xf32, #tpu.memory_space<vmem>>
      tpu.enqueue_dma source(%dma_start3A_131 : memref<80x64xf32, #tpu.memory_space<vmem>>) target(%dma_start3A_128 : memref<80x64xf32, #tpu.memory_space<vmem_shared>>) target_semaphore(%run_scoped3A : memref<!tpu.dma_semaphore, #tpu.memory_space<semaphore_mem>>)
      %dma_wait3A_132 = arith.constant 0 : i32
      %dma_wait3A_133 = arith.constant 0 : i32
      %dma_wait3A_134 = tpu.memref_slice %arg9[%dma_wait3A_132, %dma_wait3A_133] : memref<80x64xf32, #tpu.memory_space<vmem>> -> memref<80x64xf32, #tpu.memory_space<vmem>>
      %dma_wait3A_135 = arith.constant 0 : i32
      %dma_wait3A_136 = tpu.memref_slice %arg14[%add3A_1, %dma_wait3A_135] : memref<10112x64xf32, #tpu.memory_space<vmem_shared>> -> memref<80x64xf32, #tpu.memory_space<vmem_shared>>
      %dma_wait3A_137 = arith.constant 0 : i32
      %dma_wait3A_138 = tpu.memref_slice %arg14[%add3A_1, %dma_wait3A_137] : memref<10112x64xf32, #tpu.memory_space<vmem_shared>> -> memref<80x64xf32, #tpu.memory_space<vmem_shared>>
      %dma_wait3A_139 = arith.constant 0 : i32
      %dma_wait3A_140 = arith.constant 0 : i32
      %dma_wait3A_141 = tpu.memref_slice %arg9[%dma_wait3A_139, %dma_wait3A_140] : memref<80x64xf32, #tpu.memory_space<vmem>> -> memref<80x64xf32, #tpu.memory_space<vmem>>
      tpu.wait_dma2 semaphore(%run_scoped3A : memref<!tpu.dma_semaphore, #tpu.memory_space<semaphore_mem>>) src(%dma_wait3A_141 : memref<80x64xf32, #tpu.memory_space<vmem>>) dst(%dma_wait3A_138 : memref<80x64xf32, #tpu.memory_space<vmem_shared>>)
      tpu.yield
    }) : () -> ()
    %add3A_2 = arith.constant 80 : i32
    %add3A_3 = arith.addi %mul3A_0, %add3A_2 : i32
    "tpu.region"() ({
      %run_scoped3A = tpu.sem_alloc : memref<!tpu.dma_semaphore, #tpu.memory_space<semaphore_mem>>
      %dma_start3A_122 = arith.constant 0 : i32
      %dma_start3A_123 = arith.constant 0 : i32
      %dma_start3A_124 = tpu.memref_slice %arg9[%dma_start3A_122, %dma_start3A_123] : memref<80x64xf32, #tpu.memory_space<vmem>> -> memref<80x64xf32, #tpu.memory_space<vmem>>
      %dma_start3A_125 = arith.constant 0 : i32
      %dma_start3A_126 = tpu.memref_slice %arg14[%add3A_3, %dma_start3A_125] : memref<10112x64xf32, #tpu.memory_space<vmem_shared>> -> memref<80x64xf32, #tpu.memory_space<vmem_shared>>
      %dma_start3A_127 = arith.constant 0 : i32
      %dma_start3A_128 = tpu.memref_slice %arg14[%add3A_3, %dma_start3A_127] : memref<10112x64xf32, #tpu.memory_space<vmem_shared>> -> memref<80x64xf32, #tpu.memory_space<vmem_shared>>
      %dma_start3A_129 = arith.constant 0 : i32
      %dma_start3A_130 = arith.constant 0 : i32
      %dma_start3A_131 = tpu.memref_slice %arg9[%dma_start3A_129, %dma_start3A_130] : memref<80x64xf32, #tpu.memory_space<vmem>> -> memref<80x64xf32, #tpu.memory_space<vmem>>
      tpu.enqueue_dma source(%dma_start3A_131 : memref<80x64xf32, #tpu.memory_space<vmem>>) target(%dma_start3A_128 : memref<80x64xf32, #tpu.memory_space<vmem_shared>>) target_semaphore(%run_scoped3A : memref<!tpu.dma_semaphore, #tpu.memory_space<semaphore_mem>>)
      %dma_wait3A_132 = arith.constant 0 : i32
      %dma_wait3A_133 = arith.constant 0 : i32
      %dma_wait3A_134 = tpu.memref_slice %arg9[%dma_wait3A_132, %dma_wait3A_133] : memref<80x64xf32, #tpu.memory_space<vmem>> -> memref<80x64xf32, #tpu.memory_space<vmem>>
      %dma_wait3A_135 = arith.constant 0 : i32
      %dma_wait3A_136 = tpu.memref_slice %arg14[%add3A_3, %dma_wait3A_135] : memref<10112x64xf32, #tpu.memory_space<vmem_shared>> -> memref<80x64xf32, #tpu.memory_space<vmem_shared>>
      %dma_wait3A_137 = arith.constant 0 : i32
      %dma_wait3A_138 = tpu.memref_slice %arg14[%add3A_3, %dma_wait3A_137] : memref<10112x64xf32, #tpu.memory_space<vmem_shared>> -> memref<80x64xf32, #tpu.memory_space<vmem_shared>>
      %dma_wait3A_139 = arith.constant 0 : i32
      %dma_wait3A_140 = arith.constant 0 : i32
      %dma_wait3A_141 = tpu.memref_slice %arg9[%dma_wait3A_139, %dma_wait3A_140] : memref<80x64xf32, #tpu.memory_space<vmem>> -> memref<80x64xf32, #tpu.memory_space<vmem>>
      tpu.wait_dma2 semaphore(%run_scoped3A : memref<!tpu.dma_semaphore, #tpu.memory_space<semaphore_mem>>) src(%dma_wait3A_141 : memref<80x64xf32, #tpu.memory_space<vmem>>) dst(%dma_wait3A_138 : memref<80x64xf32, #tpu.memory_space<vmem_shared>>)
      tpu.yield
    }) : () -> ()
    %add3A_4 = arith.constant 160 : i32
    %add3A_5 = arith.addi %mul3A_0, %add3A_4 : i32
    "tpu.region"() ({
      %run_scoped3A = tpu.sem_alloc : memref<!tpu.dma_semaphore, #tpu.memory_space<semaphore_mem>>
      %dma_start3A_122 = arith.constant 0 : i32
      %dma_start3A_123 = arith.constant 0 : i32
      %dma_start3A_124 = tpu.memref_slice %arg9[%dma_start3A_122, %dma_start3A_123] : memref<80x64xf32, #tpu.memory_space<vmem>> -> memref<80x64xf32, #tpu.memory_space<vmem>>
      %dma_start3A_125 = arith.constant 0 : i32
      %dma_start3A_126 = tpu.memref_slice %arg14[%add3A_5, %dma_start3A_125] : memref<10112x64xf32, #tpu.memory_space<vmem_shared>> -> memref<80x64xf32, #tpu.memory_space<vmem_shared>>
      %dma_start3A_127 = arith.constant 0 : i32
      %dma_start3A_128 = tpu.memref_slice %arg14[%add3A_5, %dma_start3A_127] : memref<10112x64xf32, #tpu.memory_space<vmem_shared>> -> memref<80x64xf32, #tpu.memory_space<vmem_shared>>
      %dma_start3A_129 = arith.constant 0 : i32
      %dma_start3A_130 = arith.constant 0 : i32
      %dma_start3A_131 = tpu.memref_slice %arg9[%dma_start3A_129, %dma_start3A_130] : memref<80x64xf32, #tpu.memory_space<vmem>> -> memref<80x64xf32, #tpu.memory_space<vmem>>
      tpu.enqueue_dma source(%dma_start3A_131 : memref<80x64xf32, #tpu.memory_space<vmem>>) target(%dma_start3A_128 : memref<80x64xf32, #tpu.memory_space<vmem_shared>>) target_semaphore(%run_scoped3A : memref<!tpu.dma_semaphore, #tpu.memory_space<semaphore_mem>>)
      %dma_wait3A_132 = arith.constant 0 : i32
      %dma_wait3A_133 = arith.constant 0 : i32
      %dma_wait3A_134 = tpu.memref_slice %arg9[%dma_wait3A_132, %dma_wait3A_133] : memref<80x64xf32, #tpu.memory_space<vmem>> -> memref<80x64xf32, #tpu.memory_space<vmem>>
      %dma_wait3A_135 = arith.constant 0 : i32
      %dma_wait3A_136 = tpu.memref_slice %arg14[%add3A_5, %dma_wait3A_135] : memref<10112x64xf32, #tpu.memory_space<vmem_shared>> -> memref<80x64xf32, #tpu.memory_space<vmem_shared>>
      %dma_wait3A_137 = arith.constant 0 : i32
      %dma_wait3A_138 = tpu.memref_slice %arg14[%add3A_5, %dma_wait3A_137] : memref<10112x64xf32, #tpu.memory_space<vmem_shared>> -> memref<80x64xf32, #tpu.memory_space<vmem_shared>>
      %dma_wait3A_139 = arith.constant 0 : i32
      %dma_wait3A_140 = arith.constant 0 : i32
      %dma_wait3A_141 = tpu.memref_slice %arg9[%dma_wait3A_139, %dma_wait3A_140] : memref<80x64xf32, #tpu.memory_space<vmem>> -> memref<80x64xf32, #tpu.memory_space<vmem>>
      tpu.wait_dma2 semaphore(%run_scoped3A : memref<!tpu.dma_semaphore, #tpu.memory_space<semaphore_mem>>) src(%dma_wait3A_141 : memref<80x64xf32, #tpu.memory_space<vmem>>) dst(%dma_wait3A_138 : memref<80x64xf32, #tpu.memory_space<vmem_shared>>)
      tpu.yield
    }) : () -> ()
    %add3A_6 = arith.constant 240 : i32
    %add3A_7 = arith.addi %mul3A_0, %add3A_6 : i32
    "tpu.region"() ({
      %run_scoped3A = tpu.sem_alloc : memref<!tpu.dma_semaphore, #tpu.memory_space<semaphore_mem>>
      %dma_start3A_122 = arith.constant 0 : i32
      %dma_start3A_123 = arith.constant 0 : i32
      %dma_start3A_124 = tpu.memref_slice %arg9[%dma_start3A_122, %dma_start3A_123] : memref<80x64xf32, #tpu.memory_space<vmem>> -> memref<80x64xf32, #tpu.memory_space<vmem>>
      %dma_start3A_125 = arith.constant 0 : i32
      %dma_start3A_126 = tpu.memref_slice %arg14[%add3A_7, %dma_start3A_125] : memref<10112x64xf32, #tpu.memory_space<vmem_shared>> -> memref<80x64xf32, #tpu.memory_space<vmem_shared>>
      %dma_start3A_127 = arith.constant 0 : i32
      %dma_start3A_128 = tpu.memref_slice %arg14[%add3A_7, %dma_start3A_127] : memref<10112x64xf32, #tpu.memory_space<vmem_shared>> -> memref<80x64xf32, #tpu.memory_space<vmem_shared>>
      %dma_start3A_129 = arith.constant 0 : i32
      %dma_start3A_130 = arith.constant 0 : i32
      %dma_start3A_131 = tpu.memref_slice %arg9[%dma_start3A_129, %dma_start3A_130] : memref<80x64xf32, #tpu.memory_space<vmem>> -> memref<80x64xf32, #tpu.memory_space<vmem>>
      tpu.enqueue_dma source(%dma_start3A_131 : memref<80x64xf32, #tpu.memory_space<vmem>>) target(%dma_start3A_128 : memref<80x64xf32, #tpu.memory_space<vmem_shared>>) target_semaphore(%run_scoped3A : memref<!tpu.dma_semaphore, #tpu.memory_space<semaphore_mem>>)
      %dma_wait3A_132 = arith.constant 0 : i32
      %dma_wait3A_133 = arith.constant 0 : i32
      %dma_wait3A_134 = tpu.memref_slice %arg9[%dma_wait3A_132, %dma_wait3A_133] : memref<80x64xf32, #tpu.memory_space<vmem>> -> memref<80x64xf32, #tpu.memory_space<vmem>>
      %dma_wait3A_135 = arith.constant 0 : i32
      %dma_wait3A_136 = tpu.memref_slice %arg14[%add3A_7, %dma_wait3A_135] : memref<10112x64xf32, #tpu.memory_space<vmem_shared>> -> memref<80x64xf32, #tpu.memory_space<vmem_shared>>
      %dma_wait3A_137 = arith.constant 0 : i32
      %dma_wait3A_138 = tpu.memref_slice %arg14[%add3A_7, %dma_wait3A_137] : memref<10112x64xf32, #tpu.memory_space<vmem_shared>> -> memref<80x64xf32, #tpu.memory_space<vmem_shared>>
      %dma_wait3A_139 = arith.constant 0 : i32
      %dma_wait3A_140 = arith.constant 0 : i32
      %dma_wait3A_141 = tpu.memref_slice %arg9[%dma_wait3A_139, %dma_wait3A_140] : memref<80x64xf32, #tpu.memory_space<vmem>> -> memref<80x64xf32, #tpu.memory_space<vmem>>
      tpu.wait_dma2 semaphore(%run_scoped3A : memref<!tpu.dma_semaphore, #tpu.memory_space<semaphore_mem>>) src(%dma_wait3A_141 : memref<80x64xf32, #tpu.memory_space<vmem>>) dst(%dma_wait3A_138 : memref<80x64xf32, #tpu.memory_space<vmem_shared>>)
      tpu.yield
    }) : () -> ()
    %add3A_8 = arith.constant 320 : i32
    %add3A_9 = arith.addi %mul3A_0, %add3A_8 : i32
    "tpu.region"() ({
      %run_scoped3A = tpu.sem_alloc : memref<!tpu.dma_semaphore, #tpu.memory_space<semaphore_mem>>
      %dma_start3A_122 = arith.constant 0 : i32
      %dma_start3A_123 = arith.constant 0 : i32
      %dma_start3A_124 = tpu.memref_slice %arg9[%dma_start3A_122, %dma_start3A_123] : memref<80x64xf32, #tpu.memory_space<vmem>> -> memref<80x64xf32, #tpu.memory_space<vmem>>
      %dma_start3A_125 = arith.constant 0 : i32
      %dma_start3A_126 = tpu.memref_slice %arg14[%add3A_9, %dma_start3A_125] : memref<10112x64xf32, #tpu.memory_space<vmem_shared>> -> memref<80x64xf32, #tpu.memory_space<vmem_shared>>
      %dma_start3A_127 = arith.constant 0 : i32
      %dma_start3A_128 = tpu.memref_slice %arg14[%add3A_9, %dma_start3A_127] : memref<10112x64xf32, #tpu.memory_space<vmem_shared>> -> memref<80x64xf32, #tpu.memory_space<vmem_shared>>
      %dma_start3A_129 = arith.constant 0 : i32
      %dma_start3A_130 = arith.constant 0 : i32
      %dma_start3A_131 = tpu.memref_slice %arg9[%dma_start3A_129, %dma_start3A_130] : memref<80x64xf32, #tpu.memory_space<vmem>> -> memref<80x64xf32, #tpu.memory_space<vmem>>
      tpu.enqueue_dma source(%dma_start3A_131 : memref<80x64xf32, #tpu.memory_space<vmem>>) target(%dma_start3A_128 : memref<80x64xf32, #tpu.memory_space<vmem_shared>>) target_semaphore(%run_scoped3A : memref<!tpu.dma_semaphore, #tpu.memory_space<semaphore_mem>>)
      %dma_wait3A_132 = arith.constant 0 : i32
      %dma_wait3A_133 = arith.constant 0 : i32
      %dma_wait3A_134 = tpu.memref_slice %arg9[%dma_wait3A_132, %dma_wait3A_133] : memref<80x64xf32, #tpu.memory_space<vmem>> -> memref<80x64xf32, #tpu.memory_space<vmem>>
      %dma_wait3A_135 = arith.constant 0 : i32
      %dma_wait3A_136 = tpu.memref_slice %arg14[%add3A_9, %dma_wait3A_135] : memref<10112x64xf32, #tpu.memory_space<vmem_shared>> -> memref<80x64xf32, #tpu.memory_space<vmem_shared>>
      %dma_wait3A_137 = arith.constant 0 : i32
      %dma_wait3A_138 = tpu.memref_slice %arg14[%add3A_9, %dma_wait3A_137] : memref<10112x64xf32, #tpu.memory_space<vmem_shared>> -> memref<80x64xf32, #tpu.memory_space<vmem_shared>>
      %dma_wait3A_139 = arith.constant 0 : i32
      %dma_wait3A_140 = arith.constant 0 : i32
      %dma_wait3A_141 = tpu.memref_slice %arg9[%dma_wait3A_139, %dma_wait3A_140] : memref<80x64xf32, #tpu.memory_space<vmem>> -> memref<80x64xf32, #tpu.memory_space<vmem>>
      tpu.wait_dma2 semaphore(%run_scoped3A : memref<!tpu.dma_semaphore, #tpu.memory_space<semaphore_mem>>) src(%dma_wait3A_141 : memref<80x64xf32, #tpu.memory_space<vmem>>) dst(%dma_wait3A_138 : memref<80x64xf32, #tpu.memory_space<vmem_shared>>)
      tpu.yield
    }) : () -> ()
    %add3A_10 = arith.constant 400 : i32
    %add3A_11 = arith.addi %mul3A_0, %add3A_10 : i32
    "tpu.region"() ({
      %run_scoped3A = tpu.sem_alloc : memref<!tpu.dma_semaphore, #tpu.memory_space<semaphore_mem>>
      %dma_start3A_122 = arith.constant 0 : i32
      %dma_start3A_123 = arith.constant 0 : i32
      %dma_start3A_124 = tpu.memref_slice %arg9[%dma_start3A_122, %dma_start3A_123] : memref<80x64xf32, #tpu.memory_space<vmem>> -> memref<80x64xf32, #tpu.memory_space<vmem>>
      %dma_start3A_125 = arith.constant 0 : i32
      %dma_start3A_126 = tpu.memref_slice %arg14[%add3A_11, %dma_start3A_125] : memref<10112x64xf32, #tpu.memory_space<vmem_shared>> -> memref<80x64xf32, #tpu.memory_space<vmem_shared>>
      %dma_start3A_127 = arith.constant 0 : i32
      %dma_start3A_128 = tpu.memref_slice %arg14[%add3A_11, %dma_start3A_127] : memref<10112x64xf32, #tpu.memory_space<vmem_shared>> -> memref<80x64xf32, #tpu.memory_space<vmem_shared>>
      %dma_start3A_129 = arith.constant 0 : i32
      %dma_start3A_130 = arith.constant 0 : i32
      %dma_start3A_131 = tpu.memref_slice %arg9[%dma_start3A_129, %dma_start3A_130] : memref<80x64xf32, #tpu.memory_space<vmem>> -> memref<80x64xf32, #tpu.memory_space<vmem>>
      tpu.enqueue_dma source(%dma_start3A_131 : memref<80x64xf32, #tpu.memory_space<vmem>>) target(%dma_start3A_128 : memref<80x64xf32, #tpu.memory_space<vmem_shared>>) target_semaphore(%run_scoped3A : memref<!tpu.dma_semaphore, #tpu.memory_space<semaphore_mem>>)
      %dma_wait3A_132 = arith.constant 0 : i32
      %dma_wait3A_133 = arith.constant 0 : i32
      %dma_wait3A_134 = tpu.memref_slice %arg9[%dma_wait3A_132, %dma_wait3A_133] : memref<80x64xf32, #tpu.memory_space<vmem>> -> memref<80x64xf32, #tpu.memory_space<vmem>>
      %dma_wait3A_135 = arith.constant 0 : i32
      %dma_wait3A_136 = tpu.memref_slice %arg14[%add3A_11, %dma_wait3A_135] : memref<10112x64xf32, #tpu.memory_space<vmem_shared>> -> memref<80x64xf32, #tpu.memory_space<vmem_shared>>
      %dma_wait3A_137 = arith.constant 0 : i32
      %dma_wait3A_138 = tpu.memref_slice %arg14[%add3A_11, %dma_wait3A_137] : memref<10112x64xf32, #tpu.memory_space<vmem_shared>> -> memref<80x64xf32, #tpu.memory_space<vmem_shared>>
      %dma_wait3A_139 = arith.constant 0 : i32
      %dma_wait3A_140 = arith.constant 0 : i32
      %dma_wait3A_141 = tpu.memref_slice %arg9[%dma_wait3A_139, %dma_wait3A_140] : memref<80x64xf32, #tpu.memory_space<vmem>> -> memref<80x64xf32, #tpu.memory_space<vmem>>
      tpu.wait_dma2 semaphore(%run_scoped3A : memref<!tpu.dma_semaphore, #tpu.memory_space<semaphore_mem>>) src(%dma_wait3A_141 : memref<80x64xf32, #tpu.memory_space<vmem>>) dst(%dma_wait3A_138 : memref<80x64xf32, #tpu.memory_space<vmem_shared>>)
      tpu.yield
    }) : () -> ()
    %add3A_12 = arith.constant 480 : i32
    %add3A_13 = arith.addi %mul3A_0, %add3A_12 : i32
    "tpu.region"() ({
      %run_scoped3A = tpu.sem_alloc : memref<!tpu.dma_semaphore, #tpu.memory_space<semaphore_mem>>
      %dma_start3A_122 = arith.constant 0 : i32
      %dma_start3A_123 = arith.constant 0 : i32
      %dma_start3A_124 = tpu.memref_slice %arg9[%dma_start3A_122, %dma_start3A_123] : memref<80x64xf32, #tpu.memory_space<vmem>> -> memref<80x64xf32, #tpu.memory_space<vmem>>
      %dma_start3A_125 = arith.constant 0 : i32
      %dma_start3A_126 = tpu.memref_slice %arg14[%add3A_13, %dma_start3A_125] : memref<10112x64xf32, #tpu.memory_space<vmem_shared>> -> memref<80x64xf32, #tpu.memory_space<vmem_shared>>
      %dma_start3A_127 = arith.constant 0 : i32
      %dma_start3A_128 = tpu.memref_slice %arg14[%add3A_13, %dma_start3A_127] : memref<10112x64xf32, #tpu.memory_space<vmem_shared>> -> memref<80x64xf32, #tpu.memory_space<vmem_shared>>
      %dma_start3A_129 = arith.constant 0 : i32
      %dma_start3A_130 = arith.constant 0 : i32
      %dma_start3A_131 = tpu.memref_slice %arg9[%dma_start3A_129, %dma_start3A_130] : memref<80x64xf32, #tpu.memory_space<vmem>> -> memref<80x64xf32, #tpu.memory_space<vmem>>
      tpu.enqueue_dma source(%dma_start3A_131 : memref<80x64xf32, #tpu.memory_space<vmem>>) target(%dma_start3A_128 : memref<80x64xf32, #tpu.memory_space<vmem_shared>>) target_semaphore(%run_scoped3A : memref<!tpu.dma_semaphore, #tpu.memory_space<semaphore_mem>>)
      %dma_wait3A_132 = arith.constant 0 : i32
      %dma_wait3A_133 = arith.constant 0 : i32
      %dma_wait3A_134 = tpu.memref_slice %arg9[%dma_wait3A_132, %dma_wait3A_133] : memref<80x64xf32, #tpu.memory_space<vmem>> -> memref<80x64xf32, #tpu.memory_space<vmem>>
      %dma_wait3A_135 = arith.constant 0 : i32
      %dma_wait3A_136 = tpu.memref_slice %arg14[%add3A_13, %dma_wait3A_135] : memref<10112x64xf32, #tpu.memory_space<vmem_shared>> -> memref<80x64xf32, #tpu.memory_space<vmem_shared>>
      %dma_wait3A_137 = arith.constant 0 : i32
      %dma_wait3A_138 = tpu.memref_slice %arg14[%add3A_13, %dma_wait3A_137] : memref<10112x64xf32, #tpu.memory_space<vmem_shared>> -> memref<80x64xf32, #tpu.memory_space<vmem_shared>>
      %dma_wait3A_139 = arith.constant 0 : i32
      %dma_wait3A_140 = arith.constant 0 : i32
      %dma_wait3A_141 = tpu.memref_slice %arg9[%dma_wait3A_139, %dma_wait3A_140] : memref<80x64xf32, #tpu.memory_space<vmem>> -> memref<80x64xf32, #tpu.memory_space<vmem>>
      tpu.wait_dma2 semaphore(%run_scoped3A : memref<!tpu.dma_semaphore, #tpu.memory_space<semaphore_mem>>) src(%dma_wait3A_141 : memref<80x64xf32, #tpu.memory_space<vmem>>) dst(%dma_wait3A_138 : memref<80x64xf32, #tpu.memory_space<vmem_shared>>)
      tpu.yield
    }) : () -> ()
    %add3A_14 = arith.constant 560 : i32
    %add3A_15 = arith.addi %mul3A_0, %add3A_14 : i32
    "tpu.region"() ({
      %run_scoped3A = tpu.sem_alloc : memref<!tpu.dma_semaphore, #tpu.memory_space<semaphore_mem>>
      %dma_start3A_122 = arith.constant 0 : i32
      %dma_start3A_123 = arith.constant 0 : i32
      %dma_start3A_124 = tpu.memref_slice %arg9[%dma_start3A_122, %dma_start3A_123] : memref<80x64xf32, #tpu.memory_space<vmem>> -> memref<72x64xf32, #tpu.memory_space<vmem>>
      %dma_start3A_125 = arith.constant 0 : i32
      %dma_start3A_126 = tpu.memref_slice %arg14[%add3A_15, %dma_start3A_125] : memref<10112x64xf32, #tpu.memory_space<vmem_shared>> -> memref<72x64xf32, #tpu.memory_space<vmem_shared>>
      %dma_start3A_127 = arith.constant 0 : i32
      %dma_start3A_128 = tpu.memref_slice %arg14[%add3A_15, %dma_start3A_127] : memref<10112x64xf32, #tpu.memory_space<vmem_shared>> -> memref<72x64xf32, #tpu.memory_space<vmem_shared>>
      %dma_start3A_129 = arith.constant 0 : i32
      %dma_start3A_130 = arith.constant 0 : i32
      %dma_start3A_131 = tpu.memref_slice %arg9[%dma_start3A_129, %dma_start3A_130] : memref<80x64xf32, #tpu.memory_space<vmem>> -> memref<72x64xf32, #tpu.memory_space<vmem>>
      tpu.enqueue_dma source(%dma_start3A_131 : memref<72x64xf32, #tpu.memory_space<vmem>>) target(%dma_start3A_128 : memref<72x64xf32, #tpu.memory_space<vmem_shared>>) target_semaphore(%run_scoped3A : memref<!tpu.dma_semaphore, #tpu.memory_space<semaphore_mem>>)
      %dma_wait3A_132 = arith.constant 0 : i32
      %dma_wait3A_133 = arith.constant 0 : i32
      %dma_wait3A_134 = tpu.memref_slice %arg9[%dma_wait3A_132, %dma_wait3A_133] : memref<80x64xf32, #tpu.memory_space<vmem>> -> memref<72x64xf32, #tpu.memory_space<vmem>>
      %dma_wait3A_135 = arith.constant 0 : i32
      %dma_wait3A_136 = tpu.memref_slice %arg14[%add3A_15, %dma_wait3A_135] : memref<10112x64xf32, #tpu.memory_space<vmem_shared>> -> memref<72x64xf32, #tpu.memory_space<vmem_shared>>
      %dma_wait3A_137 = arith.constant 0 : i32
      %dma_wait3A_138 = tpu.memref_slice %arg14[%add3A_15, %dma_wait3A_137] : memref<10112x64xf32, #tpu.memory_space<vmem_shared>> -> memref<72x64xf32, #tpu.memory_space<vmem_shared>>
      %dma_wait3A_139 = arith.constant 0 : i32
      %dma_wait3A_140 = arith.constant 0 : i32
      %dma_wait3A_141 = tpu.memref_slice %arg9[%dma_wait3A_139, %dma_wait3A_140] : memref<80x64xf32, #tpu.memory_space<vmem>> -> memref<72x64xf32, #tpu.memory_space<vmem>>
      tpu.wait_dma2 semaphore(%run_scoped3A : memref<!tpu.dma_semaphore, #tpu.memory_space<semaphore_mem>>) src(%dma_wait3A_141 : memref<72x64xf32, #tpu.memory_space<vmem>>) dst(%dma_wait3A_138 : memref<72x64xf32, #tpu.memory_space<vmem_shared>>)
      tpu.yield
    }) : () -> ()
    %barrier3A = arith.constant 0 : index
    tpu.barrier barrier_id(%barrier3A)
    %dma_start3A = arith.constant 0 : i32
    %dma_start3A_16 = arith.constant 0 : i32
    %dma_start3A_17 = tpu.memref_slice %arg7[%dma_start3A, %dma_start3A_16] : memref<250x80xi32, #tpu.memory_space<vmem>> -> memref<1x80xi32, #tpu.memory_space<vmem>>
    %dma_start3A_18 = tpu.memref_squeeze %dma_start3A_17 : memref<1x80xi32, #tpu.memory_space<vmem>> -> memref<80xi32, #tpu.memory_space<vmem>>
    %dma_start3A_19 = arith.constant 0 : i32
    %dma_start3A_20 = arith.constant 0 : i32
    %dma_start3A_21 = tpu.memref_slice %arg2[%dma_start3A_19, %dma_start3A_20] : memref<20000x64xf32, #tpu.memory_space<hbm>> -> memref<20000x64xf32, #tpu.memory_space<hbm>>
    tpu.enqueue_indirect_dma source(%dma_start3A_21 : memref<20000x64xf32, #tpu.memory_space<hbm>>) target(%arg9 : memref<80x64xf32, #tpu.memory_space<vmem>>) offsets(%dma_start3A_18 : memref<80xi32, #tpu.memory_space<vmem>>) semaphore(%arg15 : memref<!tpu.dma_semaphore, #tpu.memory_space<semaphore_mem>>)
    %dma_start3A_22 = arith.constant 1 : i32
    %dma_start3A_23 = arith.constant 0 : i32
    %dma_start3A_24 = tpu.memref_slice %arg7[%dma_start3A_22, %dma_start3A_23] : memref<250x80xi32, #tpu.memory_space<vmem>> -> memref<1x80xi32, #tpu.memory_space<vmem>>
    %dma_start3A_25 = tpu.memref_squeeze %dma_start3A_24 : memref<1x80xi32, #tpu.memory_space<vmem>> -> memref<80xi32, #tpu.memory_space<vmem>>
    %dma_start3A_26 = arith.constant 0 : i32
    %dma_start3A_27 = arith.constant 0 : i32
    %dma_start3A_28 = tpu.memref_slice %arg2[%dma_start3A_26, %dma_start3A_27] : memref<20000x64xf32, #tpu.memory_space<hbm>> -> memref<20000x64xf32, #tpu.memory_space<hbm>>
    tpu.enqueue_indirect_dma source(%dma_start3A_28 : memref<20000x64xf32, #tpu.memory_space<hbm>>) target(%arg10 : memref<80x64xf32, #tpu.memory_space<vmem>>) offsets(%dma_start3A_25 : memref<80xi32, #tpu.memory_space<vmem>>) semaphore(%arg16 : memref<!tpu.dma_semaphore, #tpu.memory_space<semaphore_mem>>)
    %dma_start3A_29 = arith.constant 2 : i32
    %dma_start3A_30 = arith.constant 0 : i32
    %dma_start3A_31 = tpu.memref_slice %arg7[%dma_start3A_29, %dma_start3A_30] : memref<250x80xi32, #tpu.memory_space<vmem>> -> memref<1x80xi32, #tpu.memory_space<vmem>>
    %dma_start3A_32 = tpu.memref_squeeze %dma_start3A_31 : memref<1x80xi32, #tpu.memory_space<vmem>> -> memref<80xi32, #tpu.memory_space<vmem>>
    %dma_start3A_33 = arith.constant 0 : i32
    %dma_start3A_34 = arith.constant 0 : i32
    %dma_start3A_35 = tpu.memref_slice %arg2[%dma_start3A_33, %dma_start3A_34] : memref<20000x64xf32, #tpu.memory_space<hbm>> -> memref<20000x64xf32, #tpu.memory_space<hbm>>
    tpu.enqueue_indirect_dma source(%dma_start3A_35 : memref<20000x64xf32, #tpu.memory_space<hbm>>) target(%arg11 : memref<80x64xf32, #tpu.memory_space<vmem>>) offsets(%dma_start3A_32 : memref<80xi32, #tpu.memory_space<vmem>>) semaphore(%arg17 : memref<!tpu.dma_semaphore, #tpu.memory_space<semaphore_mem>>)
    %dma_start3A_36 = arith.constant 3 : i32
    %dma_start3A_37 = arith.constant 0 : i32
    %dma_start3A_38 = tpu.memref_slice %arg7[%dma_start3A_36, %dma_start3A_37] : memref<250x80xi32, #tpu.memory_space<vmem>> -> memref<1x80xi32, #tpu.memory_space<vmem>>
    %dma_start3A_39 = tpu.memref_squeeze %dma_start3A_38 : memref<1x80xi32, #tpu.memory_space<vmem>> -> memref<80xi32, #tpu.memory_space<vmem>>
    %dma_start3A_40 = arith.constant 0 : i32
    %dma_start3A_41 = arith.constant 0 : i32
    %dma_start3A_42 = tpu.memref_slice %arg2[%dma_start3A_40, %dma_start3A_41] : memref<20000x64xf32, #tpu.memory_space<hbm>> -> memref<20000x64xf32, #tpu.memory_space<hbm>>
    tpu.enqueue_indirect_dma source(%dma_start3A_42 : memref<20000x64xf32, #tpu.memory_space<hbm>>) target(%arg12 : memref<80x64xf32, #tpu.memory_space<vmem>>) offsets(%dma_start3A_39 : memref<80xi32, #tpu.memory_space<vmem>>) semaphore(%arg18 : memref<!tpu.dma_semaphore, #tpu.memory_space<semaphore_mem>>)
    %dma_start3A_43 = arith.constant 4 : i32
    %dma_start3A_44 = arith.constant 0 : i32
    %dma_start3A_45 = tpu.memref_slice %arg7[%dma_start3A_43, %dma_start3A_44] : memref<250x80xi32, #tpu.memory_space<vmem>> -> memref<1x80xi32, #tpu.memory_space<vmem>>
    %dma_start3A_46 = tpu.memref_squeeze %dma_start3A_45 : memref<1x80xi32, #tpu.memory_space<vmem>> -> memref<80xi32, #tpu.memory_space<vmem>>
    %dma_start3A_47 = arith.constant 0 : i32
    %dma_start3A_48 = arith.constant 0 : i32
    %dma_start3A_49 = tpu.memref_slice %arg2[%dma_start3A_47, %dma_start3A_48] : memref<20000x64xf32, #tpu.memory_space<hbm>> -> memref<20000x64xf32, #tpu.memory_space<hbm>>
    tpu.enqueue_indirect_dma source(%dma_start3A_49 : memref<20000x64xf32, #tpu.memory_space<hbm>>) target(%arg13 : memref<80x64xf32, #tpu.memory_space<vmem>>) offsets(%dma_start3A_46 : memref<80xi32, #tpu.memory_space<vmem>>) semaphore(%arg19 : memref<!tpu.dma_semaphore, #tpu.memory_space<semaphore_mem>>)
    %scan3A = arith.constant 0 : i32
    %scan3A_50 = arith.constant 0 : i32
    %scan3A_51 = arith.constant 50 : i32
    %scan3A_52 = arith.addi %scan3A_50, %scan3A_51 : i32
    %scan3A_53 = arith.constant 1 : i32
    scf.for %scan3A_122 = %scan3A_50 to %scan3A_52 step %scan3A_53  : i32 {
      %mul3A_123 = arith.constant 5 : i32
      %mul3A_124 = arith.muli %mul3A_123, %scan3A_122 : i32
      %add3A_125 = arith.constant 0 : i32
      %add3A_126 = arith.addi %mul3A_124, %add3A_125 : i32
      %dma_wait3A_127 = arith.constant 0 : i32
      %dma_wait3A_128 = tpu.memref_slice %arg7[%add3A_126, %dma_wait3A_127] : memref<250x80xi32, #tpu.memory_space<vmem>> -> memref<1x80xi32, #tpu.memory_space<vmem>>
      %dma_wait3A_129 = tpu.memref_squeeze %dma_wait3A_128 : memref<1x80xi32, #tpu.memory_space<vmem>> -> memref<80xi32, #tpu.memory_space<vmem>>
      %dma_wait3A_130 = arith.constant 0 : i32
      %dma_wait3A_131 = arith.constant 0 : i32
      %dma_wait3A_132 = tpu.memref_slice %arg2[%dma_wait3A_130, %dma_wait3A_131] : memref<20000x64xf32, #tpu.memory_space<hbm>> -> memref<20000x64xf32, #tpu.memory_space<hbm>>
      tpu.wait_indirect_dma semaphore(%arg15 : memref<!tpu.dma_semaphore, #tpu.memory_space<semaphore_mem>>) src(%dma_wait3A_132 : memref<20000x64xf32, #tpu.memory_space<hbm>>) dst(%arg9 : memref<80x64xf32, #tpu.memory_space<vmem>>)
      %dma_start3A_133 = arith.constant 0 : i32
      %dma_start3A_134 = tpu.memref_slice %arg8[%add3A_126, %dma_start3A_133] : memref<250x80xi32, #tpu.memory_space<vmem>> -> memref<1x80xi32, #tpu.memory_space<vmem>>
      %dma_start3A_135 = tpu.memref_squeeze %dma_start3A_134 : memref<1x80xi32, #tpu.memory_space<vmem>> -> memref<80xi32, #tpu.memory_space<vmem>>
      %dma_start3A_136 = arith.constant 0 : i32
      %dma_start3A_137 = arith.constant 0 : i32
      %dma_start3A_138 = tpu.memref_slice %arg14[%dma_start3A_136, %dma_start3A_137] : memref<10112x64xf32, #tpu.memory_space<vmem_shared>> -> memref<10112x64xf32, #tpu.memory_space<vmem_shared>>
      tpu.enqueue_indirect_dma source(%arg9 : memref<80x64xf32, #tpu.memory_space<vmem>>) target(%dma_start3A_138 : memref<10112x64xf32, #tpu.memory_space<vmem_shared>>) offsets(%dma_start3A_135 : memref<80xi32, #tpu.memory_space<vmem>>) semaphore(%arg20 : memref<!tpu.dma_semaphore, #tpu.memory_space<semaphore_mem>>) {add = true}
      %add3A_139 = arith.constant 5 : i32
      %add3A_140 = arith.addi %add3A_126, %add3A_139 : i32
      %sub3A = arith.constant 1 : i32
      %sub3A_141 = arith.subi %add3A_140, %sub3A : i32
      %ge3A = arith.constant 5 : i32
      %ge3A_142 = arith.cmpi sge, %sub3A_141, %ge3A : i32
      %lt3A = arith.constant 250 : i32
      %lt3A_143 = arith.cmpi slt, %sub3A_141, %lt3A : i32
      %and3A = arith.andi %ge3A_142, %lt3A_143 : i1
      %convert_element_type3A = arith.extui %and3A : i1 to i32
      %cond3A = arith.constant 0 : i32
      %cond3A_144 = arith.cmpi ne, %convert_element_type3A, %cond3A : i32
      scf.if %cond3A_144 {
        %sub3A_257 = arith.constant 1 : i32
        %sub3A_258 = arith.subi %add3A_126, %sub3A_257 : i32
        %dma_wait3A_259 = arith.constant 0 : i32
        %dma_wait3A_260 = tpu.memref_slice %arg8[%sub3A_258, %dma_wait3A_259] : memref<250x80xi32, #tpu.memory_space<vmem>> -> memref<1x80xi32, #tpu.memory_space<vmem>>
        %dma_wait3A_261 = tpu.memref_squeeze %dma_wait3A_260 : memref<1x80xi32, #tpu.memory_space<vmem>> -> memref<80xi32, #tpu.memory_space<vmem>>
        %dma_wait3A_262 = arith.constant 0 : i32
        %dma_wait3A_263 = arith.constant 0 : i32
        %dma_wait3A_264 = tpu.memref_slice %arg14[%dma_wait3A_262, %dma_wait3A_263] : memref<10112x64xf32, #tpu.memory_space<vmem_shared>> -> memref<10112x64xf32, #tpu.memory_space<vmem_shared>>
        tpu.wait_indirect_dma semaphore(%arg24 : memref<!tpu.dma_semaphore, #tpu.memory_space<semaphore_mem>>) src(%arg13 : memref<80x64xf32, #tpu.memory_space<vmem>>) dst(%dma_wait3A_264 : memref<10112x64xf32, #tpu.memory_space<vmem_shared>>)
        %dma_start3A_265 = arith.constant 0 : i32
        %dma_start3A_266 = tpu.memref_slice %arg7[%sub3A_141, %dma_start3A_265] : memref<250x80xi32, #tpu.memory_space<vmem>> -> memref<1x80xi32, #tpu.memory_space<vmem>>
        %dma_start3A_267 = tpu.memref_squeeze %dma_start3A_266 : memref<1x80xi32, #tpu.memory_space<vmem>> -> memref<80xi32, #tpu.memory_space<vmem>>
        %dma_start3A_268 = arith.constant 0 : i32
        %dma_start3A_269 = arith.constant 0 : i32
        %dma_start3A_270 = tpu.memref_slice %arg2[%dma_start3A_268, %dma_start3A_269] : memref<20000x64xf32, #tpu.memory_space<hbm>> -> memref<20000x64xf32, #tpu.memory_space<hbm>>
        tpu.enqueue_indirect_dma source(%dma_start3A_270 : memref<20000x64xf32, #tpu.memory_space<hbm>>) target(%arg13 : memref<80x64xf32, #tpu.memory_space<vmem>>) offsets(%dma_start3A_267 : memref<80xi32, #tpu.memory_space<vmem>>) semaphore(%arg19 : memref<!tpu.dma_semaphore, #tpu.memory_space<semaphore_mem>>)
      } else {
      }
      %mul3A_145 = arith.constant 5 : i32
      %mul3A_146 = arith.muli %mul3A_145, %scan3A_122 : i32
      %add3A_147 = arith.constant 1 : i32
      %add3A_148 = arith.addi %mul3A_146, %add3A_147 : i32
      %dma_wait3A_149 = arith.constant 0 : i32
      %dma_wait3A_150 = tpu.memref_slice %arg7[%add3A_148, %dma_wait3A_149] : memref<250x80xi32, #tpu.memory_space<vmem>> -> memref<1x80xi32, #tpu.memory_space<vmem>>
      %dma_wait3A_151 = tpu.memref_squeeze %dma_wait3A_150 : memref<1x80xi32, #tpu.memory_space<vmem>> -> memref<80xi32, #tpu.memory_space<vmem>>
      %dma_wait3A_152 = arith.constant 0 : i32
      %dma_wait3A_153 = arith.constant 0 : i32
      %dma_wait3A_154 = tpu.memref_slice %arg2[%dma_wait3A_152, %dma_wait3A_153] : memref<20000x64xf32, #tpu.memory_space<hbm>> -> memref<20000x64xf32, #tpu.memory_space<hbm>>
      tpu.wait_indirect_dma semaphore(%arg16 : memref<!tpu.dma_semaphore, #tpu.memory_space<semaphore_mem>>) src(%dma_wait3A_154 : memref<20000x64xf32, #tpu.memory_space<hbm>>) dst(%arg10 : memref<80x64xf32, #tpu.memory_space<vmem>>)
      %dma_start3A_155 = arith.constant 0 : i32
      %dma_start3A_156 = tpu.memref_slice %arg8[%add3A_148, %dma_start3A_155] : memref<250x80xi32, #tpu.memory_space<vmem>> -> memref<1x80xi32, #tpu.memory_space<vmem>>
      %dma_start3A_157 = tpu.memref_squeeze %dma_start3A_156 : memref<1x80xi32, #tpu.memory_space<vmem>> -> memref<80xi32, #tpu.memory_space<vmem>>
      %dma_start3A_158 = arith.constant 0 : i32
      %dma_start3A_159 = arith.constant 0 : i32
      %dma_start3A_160 = tpu.memref_slice %arg14[%dma_start3A_158, %dma_start3A_159] : memref<10112x64xf32, #tpu.memory_space<vmem_shared>> -> memref<10112x64xf32, #tpu.memory_space<vmem_shared>>
      tpu.enqueue_indirect_dma source(%arg10 : memref<80x64xf32, #tpu.memory_space<vmem>>) target(%dma_start3A_160 : memref<10112x64xf32, #tpu.memory_space<vmem_shared>>) offsets(%dma_start3A_157 : memref<80xi32, #tpu.memory_space<vmem>>) semaphore(%arg21 : memref<!tpu.dma_semaphore, #tpu.memory_space<semaphore_mem>>) {add = true}
      %add3A_161 = arith.constant 5 : i32
      %add3A_162 = arith.addi %add3A_148, %add3A_161 : i32
      %sub3A_163 = arith.constant 1 : i32
      %sub3A_164 = arith.subi %add3A_162, %sub3A_163 : i32
      %ge3A_165 = arith.constant 5 : i32
      %ge3A_166 = arith.cmpi sge, %sub3A_164, %ge3A_165 : i32
      %lt3A_167 = arith.constant 250 : i32
      %lt3A_168 = arith.cmpi slt, %sub3A_164, %lt3A_167 : i32
      %and3A_169 = arith.andi %ge3A_166, %lt3A_168 : i1
      %convert_element_type3A_170 = arith.extui %and3A_169 : i1 to i32
      %cond3A_171 = arith.constant 0 : i32
      %cond3A_172 = arith.cmpi ne, %convert_element_type3A_170, %cond3A_171 : i32
      scf.if %cond3A_172 {
        %sub3A_257 = arith.constant 1 : i32
        %sub3A_258 = arith.subi %add3A_148, %sub3A_257 : i32
        %dma_wait3A_259 = arith.constant 0 : i32
        %dma_wait3A_260 = tpu.memref_slice %arg8[%sub3A_258, %dma_wait3A_259] : memref<250x80xi32, #tpu.memory_space<vmem>> -> memref<1x80xi32, #tpu.memory_space<vmem>>
        %dma_wait3A_261 = tpu.memref_squeeze %dma_wait3A_260 : memref<1x80xi32, #tpu.memory_space<vmem>> -> memref<80xi32, #tpu.memory_space<vmem>>
        %dma_wait3A_262 = arith.constant 0 : i32
        %dma_wait3A_263 = arith.constant 0 : i32
        %dma_wait3A_264 = tpu.memref_slice %arg14[%dma_wait3A_262, %dma_wait3A_263] : memref<10112x64xf32, #tpu.memory_space<vmem_shared>> -> memref<10112x64xf32, #tpu.memory_space<vmem_shared>>
        tpu.wait_indirect_dma semaphore(%arg20 : memref<!tpu.dma_semaphore, #tpu.memory_space<semaphore_mem>>) src(%arg9 : memref<80x64xf32, #tpu.memory_space<vmem>>) dst(%dma_wait3A_264 : memref<10112x64xf32, #tpu.memory_space<vmem_shared>>)
        %dma_start3A_265 = arith.constant 0 : i32
        %dma_start3A_266 = tpu.memref_slice %arg7[%sub3A_164, %dma_start3A_265] : memref<250x80xi32, #tpu.memory_space<vmem>> -> memref<1x80xi32, #tpu.memory_space<vmem>>
        %dma_start3A_267 = tpu.memref_squeeze %dma_start3A_266 : memref<1x80xi32, #tpu.memory_space<vmem>> -> memref<80xi32, #tpu.memory_space<vmem>>
        %dma_start3A_268 = arith.constant 0 : i32
        %dma_start3A_269 = arith.constant 0 : i32
        %dma_start3A_270 = tpu.memref_slice %arg2[%dma_start3A_268, %dma_start3A_269] : memref<20000x64xf32, #tpu.memory_space<hbm>> -> memref<20000x64xf32, #tpu.memory_space<hbm>>
        tpu.enqueue_indirect_dma source(%dma_start3A_270 : memref<20000x64xf32, #tpu.memory_space<hbm>>) target(%arg9 : memref<80x64xf32, #tpu.memory_space<vmem>>) offsets(%dma_start3A_267 : memref<80xi32, #tpu.memory_space<vmem>>) semaphore(%arg15 : memref<!tpu.dma_semaphore, #tpu.memory_space<semaphore_mem>>)
      } else {
      }
      %mul3A_173 = arith.constant 5 : i32
      %mul3A_174 = arith.muli %mul3A_173, %scan3A_122 : i32
      %add3A_175 = arith.constant 2 : i32
      %add3A_176 = arith.addi %mul3A_174, %add3A_175 : i32
      %dma_wait3A_177 = arith.constant 0 : i32
      %dma_wait3A_178 = tpu.memref_slice %arg7[%add3A_176, %dma_wait3A_177] : memref<250x80xi32, #tpu.memory_space<vmem>> -> memref<1x80xi32, #tpu.memory_space<vmem>>
      %dma_wait3A_179 = tpu.memref_squeeze %dma_wait3A_178 : memref<1x80xi32, #tpu.memory_space<vmem>> -> memref<80xi32, #tpu.memory_space<vmem>>
      %dma_wait3A_180 = arith.constant 0 : i32
      %dma_wait3A_181 = arith.constant 0 : i32
      %dma_wait3A_182 = tpu.memref_slice %arg2[%dma_wait3A_180, %dma_wait3A_181] : memref<20000x64xf32, #tpu.memory_space<hbm>> -> memref<20000x64xf32, #tpu.memory_space<hbm>>
      tpu.wait_indirect_dma semaphore(%arg17 : memref<!tpu.dma_semaphore, #tpu.memory_space<semaphore_mem>>) src(%dma_wait3A_182 : memref<20000x64xf32, #tpu.memory_space<hbm>>) dst(%arg11 : memref<80x64xf32, #tpu.memory_space<vmem>>)
      %dma_start3A_183 = arith.constant 0 : i32
      %dma_start3A_184 = tpu.memref_slice %arg8[%add3A_176, %dma_start3A_183] : memref<250x80xi32, #tpu.memory_space<vmem>> -> memref<1x80xi32, #tpu.memory_space<vmem>>
      %dma_start3A_185 = tpu.memref_squeeze %dma_start3A_184 : memref<1x80xi32, #tpu.memory_space<vmem>> -> memref<80xi32, #tpu.memory_space<vmem>>
      %dma_start3A_186 = arith.constant 0 : i32
      %dma_start3A_187 = arith.constant 0 : i32
      %dma_start3A_188 = tpu.memref_slice %arg14[%dma_start3A_186, %dma_start3A_187] : memref<10112x64xf32, #tpu.memory_space<vmem_shared>> -> memref<10112x64xf32, #tpu.memory_space<vmem_shared>>
      tpu.enqueue_indirect_dma source(%arg11 : memref<80x64xf32, #tpu.memory_space<vmem>>) target(%dma_start3A_188 : memref<10112x64xf32, #tpu.memory_space<vmem_shared>>) offsets(%dma_start3A_185 : memref<80xi32, #tpu.memory_space<vmem>>) semaphore(%arg22 : memref<!tpu.dma_semaphore, #tpu.memory_space<semaphore_mem>>) {add = true}
      %add3A_189 = arith.constant 5 : i32
      %add3A_190 = arith.addi %add3A_176, %add3A_189 : i32
      %sub3A_191 = arith.constant 1 : i32
      %sub3A_192 = arith.subi %add3A_190, %sub3A_191 : i32
      %ge3A_193 = arith.constant 5 : i32
      %ge3A_194 = arith.cmpi sge, %sub3A_192, %ge3A_193 : i32
      %lt3A_195 = arith.constant 250 : i32
      %lt3A_196 = arith.cmpi slt, %sub3A_192, %lt3A_195 : i32
      %and3A_197 = arith.andi %ge3A_194, %lt3A_196 : i1
      %convert_element_type3A_198 = arith.extui %and3A_197 : i1 to i32
      %cond3A_199 = arith.constant 0 : i32
      %cond3A_200 = arith.cmpi ne, %convert_element_type3A_198, %cond3A_199 : i32
      scf.if %cond3A_200 {
        %sub3A_257 = arith.constant 1 : i32
        %sub3A_258 = arith.subi %add3A_176, %sub3A_257 : i32
        %dma_wait3A_259 = arith.constant 0 : i32
        %dma_wait3A_260 = tpu.memref_slice %arg8[%sub3A_258, %dma_wait3A_259] : memref<250x80xi32, #tpu.memory_space<vmem>> -> memref<1x80xi32, #tpu.memory_space<vmem>>
        %dma_wait3A_261 = tpu.memref_squeeze %dma_wait3A_260 : memref<1x80xi32, #tpu.memory_space<vmem>> -> memref<80xi32, #tpu.memory_space<vmem>>
        %dma_wait3A_262 = arith.constant 0 : i32
        %dma_wait3A_263 = arith.constant 0 : i32
        %dma_wait3A_264 = tpu.memref_slice %arg14[%dma_wait3A_262, %dma_wait3A_263] : memref<10112x64xf32, #tpu.memory_space<vmem_shared>> -> memref<10112x64xf32, #tpu.memory_space<vmem_shared>>
        tpu.wait_indirect_dma semaphore(%arg21 : memref<!tpu.dma_semaphore, #tpu.memory_space<semaphore_mem>>) src(%arg10 : memref<80x64xf32, #tpu.memory_space<vmem>>) dst(%dma_wait3A_264 : memref<10112x64xf32, #tpu.memory_space<vmem_shared>>)
        %dma_start3A_265 = arith.constant 0 : i32
        %dma_start3A_266 = tpu.memref_slice %arg7[%sub3A_192, %dma_start3A_265] : memref<250x80xi32, #tpu.memory_space<vmem>> -> memref<1x80xi32, #tpu.memory_space<vmem>>
        %dma_start3A_267 = tpu.memref_squeeze %dma_start3A_266 : memref<1x80xi32, #tpu.memory_space<vmem>> -> memref<80xi32, #tpu.memory_space<vmem>>
        %dma_start3A_268 = arith.constant 0 : i32
        %dma_start3A_269 = arith.constant 0 : i32
        %dma_start3A_270 = tpu.memref_slice %arg2[%dma_start3A_268, %dma_start3A_269] : memref<20000x64xf32, #tpu.memory_space<hbm>> -> memref<20000x64xf32, #tpu.memory_space<hbm>>
        tpu.enqueue_indirect_dma source(%dma_start3A_270 : memref<20000x64xf32, #tpu.memory_space<hbm>>) target(%arg10 : memref<80x64xf32, #tpu.memory_space<vmem>>) offsets(%dma_start3A_267 : memref<80xi32, #tpu.memory_space<vmem>>) semaphore(%arg16 : memref<!tpu.dma_semaphore, #tpu.memory_space<semaphore_mem>>)
      } else {
      }
      %mul3A_201 = arith.constant 5 : i32
      %mul3A_202 = arith.muli %mul3A_201, %scan3A_122 : i32
      %add3A_203 = arith.constant 3 : i32
      %add3A_204 = arith.addi %mul3A_202, %add3A_203 : i32
      %dma_wait3A_205 = arith.constant 0 : i32
      %dma_wait3A_206 = tpu.memref_slice %arg7[%add3A_204, %dma_wait3A_205] : memref<250x80xi32, #tpu.memory_space<vmem>> -> memref<1x80xi32, #tpu.memory_space<vmem>>
      %dma_wait3A_207 = tpu.memref_squeeze %dma_wait3A_206 : memref<1x80xi32, #tpu.memory_space<vmem>> -> memref<80xi32, #tpu.memory_space<vmem>>
      %dma_wait3A_208 = arith.constant 0 : i32
      %dma_wait3A_209 = arith.constant 0 : i32
      %dma_wait3A_210 = tpu.memref_slice %arg2[%dma_wait3A_208, %dma_wait3A_209] : memref<20000x64xf32, #tpu.memory_space<hbm>> -> memref<20000x64xf32, #tpu.memory_space<hbm>>
      tpu.wait_indirect_dma semaphore(%arg18 : memref<!tpu.dma_semaphore, #tpu.memory_space<semaphore_mem>>) src(%dma_wait3A_210 : memref<20000x64xf32, #tpu.memory_space<hbm>>) dst(%arg12 : memref<80x64xf32, #tpu.memory_space<vmem>>)
      %dma_start3A_211 = arith.constant 0 : i32
      %dma_start3A_212 = tpu.memref_slice %arg8[%add3A_204, %dma_start3A_211] : memref<250x80xi32, #tpu.memory_space<vmem>> -> memref<1x80xi32, #tpu.memory_space<vmem>>
      %dma_start3A_213 = tpu.memref_squeeze %dma_start3A_212 : memref<1x80xi32, #tpu.memory_space<vmem>> -> memref<80xi32, #tpu.memory_space<vmem>>
      %dma_start3A_214 = arith.constant 0 : i32
      %dma_start3A_215 = arith.constant 0 : i32
      %dma_start3A_216 = tpu.memref_slice %arg14[%dma_start3A_214, %dma_start3A_215] : memref<10112x64xf32, #tpu.memory_space<vmem_shared>> -> memref<10112x64xf32, #tpu.memory_space<vmem_shared>>
      tpu.enqueue_indirect_dma source(%arg12 : memref<80x64xf32, #tpu.memory_space<vmem>>) target(%dma_start3A_216 : memref<10112x64xf32, #tpu.memory_space<vmem_shared>>) offsets(%dma_start3A_213 : memref<80xi32, #tpu.memory_space<vmem>>) semaphore(%arg23 : memref<!tpu.dma_semaphore, #tpu.memory_space<semaphore_mem>>) {add = true}
      %add3A_217 = arith.constant 5 : i32
      %add3A_218 = arith.addi %add3A_204, %add3A_217 : i32
      %sub3A_219 = arith.constant 1 : i32
      %sub3A_220 = arith.subi %add3A_218, %sub3A_219 : i32
      %ge3A_221 = arith.constant 5 : i32
      %ge3A_222 = arith.cmpi sge, %sub3A_220, %ge3A_221 : i32
      %lt3A_223 = arith.constant 250 : i32
      %lt3A_224 = arith.cmpi slt, %sub3A_220, %lt3A_223 : i32
      %and3A_225 = arith.andi %ge3A_222, %lt3A_224 : i1
      %convert_element_type3A_226 = arith.extui %and3A_225 : i1 to i32
      %cond3A_227 = arith.constant 0 : i32
      %cond3A_228 = arith.cmpi ne, %convert_element_type3A_226, %cond3A_227 : i32
      scf.if %cond3A_228 {
        %sub3A_257 = arith.constant 1 : i32
        %sub3A_258 = arith.subi %add3A_204, %sub3A_257 : i32
        %dma_wait3A_259 = arith.constant 0 : i32
        %dma_wait3A_260 = tpu.memref_slice %arg8[%sub3A_258, %dma_wait3A_259] : memref<250x80xi32, #tpu.memory_space<vmem>> -> memref<1x80xi32, #tpu.memory_space<vmem>>
        %dma_wait3A_261 = tpu.memref_squeeze %dma_wait3A_260 : memref<1x80xi32, #tpu.memory_space<vmem>> -> memref<80xi32, #tpu.memory_space<vmem>>
        %dma_wait3A_262 = arith.constant 0 : i32
        %dma_wait3A_263 = arith.constant 0 : i32
        %dma_wait3A_264 = tpu.memref_slice %arg14[%dma_wait3A_262, %dma_wait3A_263] : memref<10112x64xf32, #tpu.memory_space<vmem_shared>> -> memref<10112x64xf32, #tpu.memory_space<vmem_shared>>
        tpu.wait_indirect_dma semaphore(%arg22 : memref<!tpu.dma_semaphore, #tpu.memory_space<semaphore_mem>>) src(%arg11 : memref<80x64xf32, #tpu.memory_space<vmem>>) dst(%dma_wait3A_264 : memref<10112x64xf32, #tpu.memory_space<vmem_shared>>)
        %dma_start3A_265 = arith.constant 0 : i32
        %dma_start3A_266 = tpu.memref_slice %arg7[%sub3A_220, %dma_start3A_265] : memref<250x80xi32, #tpu.memory_space<vmem>> -> memref<1x80xi32, #tpu.memory_space<vmem>>
        %dma_start3A_267 = tpu.memref_squeeze %dma_start3A_266 : memref<1x80xi32, #tpu.memory_space<vmem>> -> memref<80xi32, #tpu.memory_space<vmem>>
        %dma_start3A_268 = arith.constant 0 : i32
        %dma_start3A_269 = arith.constant 0 : i32
        %dma_start3A_270 = tpu.memref_slice %arg2[%dma_start3A_268, %dma_start3A_269] : memref<20000x64xf32, #tpu.memory_space<hbm>> -> memref<20000x64xf32, #tpu.memory_space<hbm>>
        tpu.enqueue_indirect_dma source(%dma_start3A_270 : memref<20000x64xf32, #tpu.memory_space<hbm>>) target(%arg11 : memref<80x64xf32, #tpu.memory_space<vmem>>) offsets(%dma_start3A_267 : memref<80xi32, #tpu.memory_space<vmem>>) semaphore(%arg17 : memref<!tpu.dma_semaphore, #tpu.memory_space<semaphore_mem>>)
      } else {
      }
      %mul3A_229 = arith.constant 5 : i32
      %mul3A_230 = arith.muli %mul3A_229, %scan3A_122 : i32
      %add3A_231 = arith.constant 4 : i32
      %add3A_232 = arith.addi %mul3A_230, %add3A_231 : i32
      %dma_wait3A_233 = arith.constant 0 : i32
      %dma_wait3A_234 = tpu.memref_slice %arg7[%add3A_232, %dma_wait3A_233] : memref<250x80xi32, #tpu.memory_space<vmem>> -> memref<1x80xi32, #tpu.memory_space<vmem>>
      %dma_wait3A_235 = tpu.memref_squeeze %dma_wait3A_234 : memref<1x80xi32, #tpu.memory_space<vmem>> -> memref<80xi32, #tpu.memory_space<vmem>>
      %dma_wait3A_236 = arith.constant 0 : i32
      %dma_wait3A_237 = arith.constant 0 : i32
      %dma_wait3A_238 = tpu.memref_slice %arg2[%dma_wait3A_236, %dma_wait3A_237] : memref<20000x64xf32, #tpu.memory_space<hbm>> -> memref<20000x64xf32, #tpu.memory_space<hbm>>
      tpu.wait_indirect_dma semaphore(%arg19 : memref<!tpu.dma_semaphore, #tpu.memory_space<semaphore_mem>>) src(%dma_wait3A_238 : memref<20000x64xf32, #tpu.memory_space<hbm>>) dst(%arg13 : memref<80x64xf32, #tpu.memory_space<vmem>>)
      %dma_start3A_239 = arith.constant 0 : i32
      %dma_start3A_240 = tpu.memref_slice %arg8[%add3A_232, %dma_start3A_239] : memref<250x80xi32, #tpu.memory_space<vmem>> -> memref<1x80xi32, #tpu.memory_space<vmem>>
      %dma_start3A_241 = tpu.memref_squeeze %dma_start3A_240 : memref<1x80xi32, #tpu.memory_space<vmem>> -> memref<80xi32, #tpu.memory_space<vmem>>
      %dma_start3A_242 = arith.constant 0 : i32
      %dma_start3A_243 = arith.constant 0 : i32
      %dma_start3A_244 = tpu.memref_slice %arg14[%dma_start3A_242, %dma_start3A_243] : memref<10112x64xf32, #tpu.memory_space<vmem_shared>> -> memref<10112x64xf32, #tpu.memory_space<vmem_shared>>
      tpu.enqueue_indirect_dma source(%arg13 : memref<80x64xf32, #tpu.memory_space<vmem>>) target(%dma_start3A_244 : memref<10112x64xf32, #tpu.memory_space<vmem_shared>>) offsets(%dma_start3A_241 : memref<80xi32, #tpu.memory_space<vmem>>) semaphore(%arg24 : memref<!tpu.dma_semaphore, #tpu.memory_space<semaphore_mem>>) {add = true}
      %add3A_245 = arith.constant 5 : i32
      %add3A_246 = arith.addi %add3A_232, %add3A_245 : i32
      %sub3A_247 = arith.constant 1 : i32
      %sub3A_248 = arith.subi %add3A_246, %sub3A_247 : i32
      %ge3A_249 = arith.constant 5 : i32
      %ge3A_250 = arith.cmpi sge, %sub3A_248, %ge3A_249 : i32
      %lt3A_251 = arith.constant 250 : i32
      %lt3A_252 = arith.cmpi slt, %sub3A_248, %lt3A_251 : i32
      %and3A_253 = arith.andi %ge3A_250, %lt3A_252 : i1
      %convert_element_type3A_254 = arith.extui %and3A_253 : i1 to i32
      %cond3A_255 = arith.constant 0 : i32
      %cond3A_256 = arith.cmpi ne, %convert_element_type3A_254, %cond3A_255 : i32
      scf.if %cond3A_256 {
        %sub3A_257 = arith.constant 1 : i32
        %sub3A_258 = arith.subi %add3A_232, %sub3A_257 : i32
        %dma_wait3A_259 = arith.constant 0 : i32
        %dma_wait3A_260 = tpu.memref_slice %arg8[%sub3A_258, %dma_wait3A_259] : memref<250x80xi32, #tpu.memory_space<vmem>> -> memref<1x80xi32, #tpu.memory_space<vmem>>
        %dma_wait3A_261 = tpu.memref_squeeze %dma_wait3A_260 : memref<1x80xi32, #tpu.memory_space<vmem>> -> memref<80xi32, #tpu.memory_space<vmem>>
        %dma_wait3A_262 = arith.constant 0 : i32
        %dma_wait3A_263 = arith.constant 0 : i32
        %dma_wait3A_264 = tpu.memref_slice %arg14[%dma_wait3A_262, %dma_wait3A_263] : memref<10112x64xf32, #tpu.memory_space<vmem_shared>> -> memref<10112x64xf32, #tpu.memory_space<vmem_shared>>
        tpu.wait_indirect_dma semaphore(%arg23 : memref<!tpu.dma_semaphore, #tpu.memory_space<semaphore_mem>>) src(%arg12 : memref<80x64xf32, #tpu.memory_space<vmem>>) dst(%dma_wait3A_264 : memref<10112x64xf32, #tpu.memory_space<vmem_shared>>)
        %dma_start3A_265 = arith.constant 0 : i32
        %dma_start3A_266 = tpu.memref_slice %arg7[%sub3A_248, %dma_start3A_265] : memref<250x80xi32, #tpu.memory_space<vmem>> -> memref<1x80xi32, #tpu.memory_space<vmem>>
        %dma_start3A_267 = tpu.memref_squeeze %dma_start3A_266 : memref<1x80xi32, #tpu.memory_space<vmem>> -> memref<80xi32, #tpu.memory_space<vmem>>
        %dma_start3A_268 = arith.constant 0 : i32
        %dma_start3A_269 = arith.constant 0 : i32
        %dma_start3A_270 = tpu.memref_slice %arg2[%dma_start3A_268, %dma_start3A_269] : memref<20000x64xf32, #tpu.memory_space<hbm>> -> memref<20000x64xf32, #tpu.memory_space<hbm>>
        tpu.enqueue_indirect_dma source(%dma_start3A_270 : memref<20000x64xf32, #tpu.memory_space<hbm>>) target(%arg12 : memref<80x64xf32, #tpu.memory_space<vmem>>) offsets(%dma_start3A_267 : memref<80xi32, #tpu.memory_space<vmem>>) semaphore(%arg18 : memref<!tpu.dma_semaphore, #tpu.memory_space<semaphore_mem>>)
      } else {
      }
    }
    %scan3A_54 = arith.constant 50 : i32
    %dma_wait3A = arith.constant 245 : i32
    %dma_wait3A_55 = arith.constant 0 : i32
    %dma_wait3A_56 = tpu.memref_slice %arg8[%dma_wait3A, %dma_wait3A_55] : memref<250x80xi32, #tpu.memory_space<vmem>> -> memref<1x80xi32, #tpu.memory_space<vmem>>
    %dma_wait3A_57 = tpu.memref_squeeze %dma_wait3A_56 : memref<1x80xi32, #tpu.memory_space<vmem>> -> memref<80xi32, #tpu.memory_space<vmem>>
    %dma_wait3A_58 = arith.constant 0 : i32
    %dma_wait3A_59 = arith.constant 0 : i32
    %dma_wait3A_60 = tpu.memref_slice %arg14[%dma_wait3A_58, %dma_wait3A_59] : memref<10112x64xf32, #tpu.memory_space<vmem_shared>> -> memref<10112x64xf32, #tpu.memory_space<vmem_shared>>
    tpu.wait_indirect_dma semaphore(%arg20 : memref<!tpu.dma_semaphore, #tpu.memory_space<semaphore_mem>>) src(%arg9 : memref<80x64xf32, #tpu.memory_space<vmem>>) dst(%dma_wait3A_60 : memref<10112x64xf32, #tpu.memory_space<vmem_shared>>)
    %dma_wait3A_61 = arith.constant 246 : i32
    %dma_wait3A_62 = arith.constant 0 : i32
    %dma_wait3A_63 = tpu.memref_slice %arg8[%dma_wait3A_61, %dma_wait3A_62] : memref<250x80xi32, #tpu.memory_space<vmem>> -> memref<1x80xi32, #tpu.memory_space<vmem>>
    %dma_wait3A_64 = tpu.memref_squeeze %dma_wait3A_63 : memref<1x80xi32, #tpu.memory_space<vmem>> -> memref<80xi32, #tpu.memory_space<vmem>>
    %dma_wait3A_65 = arith.constant 0 : i32
    %dma_wait3A_66 = arith.constant 0 : i32
    %dma_wait3A_67 = tpu.memref_slice %arg14[%dma_wait3A_65, %dma_wait3A_66] : memref<10112x64xf32, #tpu.memory_space<vmem_shared>> -> memref<10112x64xf32, #tpu.memory_space<vmem_shared>>
    tpu.wait_indirect_dma semaphore(%arg21 : memref<!tpu.dma_semaphore, #tpu.memory_space<semaphore_mem>>) src(%arg10 : memref<80x64xf32, #tpu.memory_space<vmem>>) dst(%dma_wait3A_67 : memref<10112x64xf32, #tpu.memory_space<vmem_shared>>)
    %dma_wait3A_68 = arith.constant 247 : i32
    %dma_wait3A_69 = arith.constant 0 : i32
    %dma_wait3A_70 = tpu.memref_slice %arg8[%dma_wait3A_68, %dma_wait3A_69] : memref<250x80xi32, #tpu.memory_space<vmem>> -> memref<1x80xi32, #tpu.memory_space<vmem>>
    %dma_wait3A_71 = tpu.memref_squeeze %dma_wait3A_70 : memref<1x80xi32, #tpu.memory_space<vmem>> -> memref<80xi32, #tpu.memory_space<vmem>>
    %dma_wait3A_72 = arith.constant 0 : i32
    %dma_wait3A_73 = arith.constant 0 : i32
    %dma_wait3A_74 = tpu.memref_slice %arg14[%dma_wait3A_72, %dma_wait3A_73] : memref<10112x64xf32, #tpu.memory_space<vmem_shared>> -> memref<10112x64xf32, #tpu.memory_space<vmem_shared>>
    tpu.wait_indirect_dma semaphore(%arg22 : memref<!tpu.dma_semaphore, #tpu.memory_space<semaphore_mem>>) src(%arg11 : memref<80x64xf32, #tpu.memory_space<vmem>>) dst(%dma_wait3A_74 : memref<10112x64xf32, #tpu.memory_space<vmem_shared>>)
    %dma_wait3A_75 = arith.constant 248 : i32
    %dma_wait3A_76 = arith.constant 0 : i32
    %dma_wait3A_77 = tpu.memref_slice %arg8[%dma_wait3A_75, %dma_wait3A_76] : memref<250x80xi32, #tpu.memory_space<vmem>> -> memref<1x80xi32, #tpu.memory_space<vmem>>
    %dma_wait3A_78 = tpu.memref_squeeze %dma_wait3A_77 : memref<1x80xi32, #tpu.memory_space<vmem>> -> memref<80xi32, #tpu.memory_space<vmem>>
    %dma_wait3A_79 = arith.constant 0 : i32
    %dma_wait3A_80 = arith.constant 0 : i32
    %dma_wait3A_81 = tpu.memref_slice %arg14[%dma_wait3A_79, %dma_wait3A_80] : memref<10112x64xf32, #tpu.memory_space<vmem_shared>> -> memref<10112x64xf32, #tpu.memory_space<vmem_shared>>
    tpu.wait_indirect_dma semaphore(%arg23 : memref<!tpu.dma_semaphore, #tpu.memory_space<semaphore_mem>>) src(%arg12 : memref<80x64xf32, #tpu.memory_space<vmem>>) dst(%dma_wait3A_81 : memref<10112x64xf32, #tpu.memory_space<vmem_shared>>)
    %dma_wait3A_82 = arith.constant 249 : i32
    %dma_wait3A_83 = arith.constant 0 : i32
    %dma_wait3A_84 = tpu.memref_slice %arg8[%dma_wait3A_82, %dma_wait3A_83] : memref<250x80xi32, #tpu.memory_space<vmem>> -> memref<1x80xi32, #tpu.memory_space<vmem>>
    %dma_wait3A_85 = tpu.memref_squeeze %dma_wait3A_84 : memref<1x80xi32, #tpu.memory_space<vmem>> -> memref<80xi32, #tpu.memory_space<vmem>>
    %dma_wait3A_86 = arith.constant 0 : i32
    %dma_wait3A_87 = arith.constant 0 : i32
    %dma_wait3A_88 = tpu.memref_slice %arg14[%dma_wait3A_86, %dma_wait3A_87] : memref<10112x64xf32, #tpu.memory_space<vmem_shared>> -> memref<10112x64xf32, #tpu.memory_space<vmem_shared>>
    tpu.wait_indirect_dma semaphore(%arg24 : memref<!tpu.dma_semaphore, #tpu.memory_space<semaphore_mem>>) src(%arg13 : memref<80x64xf32, #tpu.memory_space<vmem>>) dst(%dma_wait3A_88 : memref<10112x64xf32, #tpu.memory_space<vmem_shared>>)
    %barrier3A_89 = arith.constant 0 : index
    tpu.barrier barrier_id(%barrier3A_89)
    %add3A_90 = arith.constant 0 : i32
    %add3A_91 = arith.addi %mul3A_0, %add3A_90 : i32
    "tpu.region"() ({
      %run_scoped3A = tpu.sem_alloc : memref<!tpu.dma_semaphore, #tpu.memory_space<semaphore_mem>>
      %dma_start3A_122 = arith.constant 0 : i32
      %dma_start3A_123 = arith.constant 0 : i32
      %dma_start3A_124 = tpu.memref_slice %arg9[%dma_start3A_122, %dma_start3A_123] : memref<80x64xf32, #tpu.memory_space<vmem>> -> memref<80x64xf32, #tpu.memory_space<vmem>>
      %dma_start3A_125 = arith.constant 0 : i32
      %dma_start3A_126 = tpu.memref_slice %arg14[%add3A_91, %dma_start3A_125] : memref<10112x64xf32, #tpu.memory_space<vmem_shared>> -> memref<80x64xf32, #tpu.memory_space<vmem_shared>>
      %dma_start3A_127 = arith.constant 0 : i32
      %dma_start3A_128 = arith.constant 0 : i32
      %dma_start3A_129 = tpu.memref_slice %arg9[%dma_start3A_127, %dma_start3A_128] : memref<80x64xf32, #tpu.memory_space<vmem>> -> memref<80x64xf32, #tpu.memory_space<vmem>>
      %dma_start3A_130 = arith.constant 0 : i32
      %dma_start3A_131 = tpu.memref_slice %arg14[%add3A_91, %dma_start3A_130] : memref<10112x64xf32, #tpu.memory_space<vmem_shared>> -> memref<80x64xf32, #tpu.memory_space<vmem_shared>>
      tpu.enqueue_dma source(%dma_start3A_131 : memref<80x64xf32, #tpu.memory_space<vmem_shared>>) target(%dma_start3A_129 : memref<80x64xf32, #tpu.memory_space<vmem>>) target_semaphore(%run_scoped3A : memref<!tpu.dma_semaphore, #tpu.memory_space<semaphore_mem>>)
      %dma_wait3A_132 = arith.constant 0 : i32
      %dma_wait3A_133 = arith.constant 0 : i32
      %dma_wait3A_134 = tpu.memref_slice %arg9[%dma_wait3A_132, %dma_wait3A_133] : memref<80x64xf32, #tpu.memory_space<vmem>> -> memref<80x64xf32, #tpu.memory_space<vmem>>
      %dma_wait3A_135 = arith.constant 0 : i32
      %dma_wait3A_136 = tpu.memref_slice %arg14[%add3A_91, %dma_wait3A_135] : memref<10112x64xf32, #tpu.memory_space<vmem_shared>> -> memref<80x64xf32, #tpu.memory_space<vmem_shared>>
      %dma_wait3A_137 = arith.constant 0 : i32
      %dma_wait3A_138 = arith.constant 0 : i32
      %dma_wait3A_139 = tpu.memref_slice %arg9[%dma_wait3A_137, %dma_wait3A_138] : memref<80x64xf32, #tpu.memory_space<vmem>> -> memref<80x64xf32, #tpu.memory_space<vmem>>
      %dma_wait3A_140 = arith.constant 0 : i32
      %dma_wait3A_141 = tpu.memref_slice %arg14[%add3A_91, %dma_wait3A_140] : memref<10112x64xf32, #tpu.memory_space<vmem_shared>> -> memref<80x64xf32, #tpu.memory_space<vmem_shared>>
      tpu.wait_dma2 semaphore(%run_scoped3A : memref<!tpu.dma_semaphore, #tpu.memory_space<semaphore_mem>>) src(%dma_wait3A_141 : memref<80x64xf32, #tpu.memory_space<vmem_shared>>) dst(%dma_wait3A_139 : memref<80x64xf32, #tpu.memory_space<vmem>>)
      tpu.yield
    }) : () -> ()
    %add3A_92 = arith.constant 0 : i32
    %add3A_93 = arith.addi %mul3A_0, %add3A_92 : i32
    "tpu.region"() ({
      %run_scoped3A = tpu.sem_alloc : memref<!tpu.dma_semaphore, #tpu.memory_space<semaphore_mem>>
      %dma_start3A_122 = arith.constant 0 : i32
      %dma_start3A_123 = arith.constant 0 : i32
      %dma_start3A_124 = tpu.memref_slice %arg9[%dma_start3A_122, %dma_start3A_123] : memref<80x64xf32, #tpu.memory_space<vmem>> -> memref<80x64xf32, #tpu.memory_space<vmem>>
      %dma_start3A_125 = arith.constant 0 : i32
      %dma_start3A_126 = tpu.memref_slice %arg6[%arg0, %add3A_93, %dma_start3A_125] : memref<2x10112x64xf32, #tpu.memory_space<hbm>> -> memref<1x80x64xf32, #tpu.memory_space<hbm>>
      %dma_start3A_127 = tpu.memref_squeeze %dma_start3A_126 : memref<1x80x64xf32, #tpu.memory_space<hbm>> -> memref<80x64xf32, #tpu.memory_space<hbm>>
      %dma_start3A_128 = arith.constant 0 : i32
      %dma_start3A_129 = tpu.memref_slice %arg6[%arg0, %add3A_93, %dma_start3A_128] : memref<2x10112x64xf32, #tpu.memory_space<hbm>> -> memref<1x80x64xf32, #tpu.memory_space<hbm>>
      %dma_start3A_130 = tpu.memref_squeeze %dma_start3A_129 : memref<1x80x64xf32, #tpu.memory_space<hbm>> -> memref<80x64xf32, #tpu.memory_space<hbm>>
      %dma_start3A_131 = arith.constant 0 : i32
      %dma_start3A_132 = arith.constant 0 : i32
      %dma_start3A_133 = tpu.memref_slice %arg9[%dma_start3A_131, %dma_start3A_132] : memref<80x64xf32, #tpu.memory_space<vmem>> -> memref<80x64xf32, #tpu.memory_space<vmem>>
      tpu.enqueue_dma source(%dma_start3A_133 : memref<80x64xf32, #tpu.memory_space<vmem>>) target(%dma_start3A_130 : memref<80x64xf32, #tpu.memory_space<hbm>>) target_semaphore(%run_scoped3A : memref<!tpu.dma_semaphore, #tpu.memory_space<semaphore_mem>>)
      %dma_wait3A_134 = arith.constant 0 : i32
      %dma_wait3A_135 = arith.constant 0 : i32
      %dma_wait3A_136 = tpu.memref_slice %arg9[%dma_wait3A_134, %dma_wait3A_135] : memref<80x64xf32, #tpu.memory_space<vmem>> -> memref<80x64xf32, #tpu.memory_space<vmem>>
      %dma_wait3A_137 = arith.constant 0 : i32
      %dma_wait3A_138 = tpu.memref_slice %arg6[%arg0, %add3A_93, %dma_wait3A_137] : memref<2x10112x64xf32, #tpu.memory_space<hbm>> -> memref<1x80x64xf32, #tpu.memory_space<hbm>>
      %dma_wait3A_139 = tpu.memref_squeeze %dma_wait3A_138 : memref<1x80x64xf32, #tpu.memory_space<hbm>> -> memref<80x64xf32, #tpu.memory_space<hbm>>
      %dma_wait3A_140 = arith.constant 0 : i32
      %dma_wait3A_141 = tpu.memref_slice %arg6[%arg0, %add3A_93, %dma_wait3A_140] : memref<2x10112x64xf32, #tpu.memory_space<hbm>> -> memref<1x80x64xf32, #tpu.memory_space<hbm>>
      %dma_wait3A_142 = tpu.memref_squeeze %dma_wait3A_141 : memref<1x80x64xf32, #tpu.memory_space<hbm>> -> memref<80x64xf32, #tpu.memory_space<hbm>>
      %dma_wait3A_143 = arith.constant 0 : i32
      %dma_wait3A_144 = arith.constant 0 : i32
      %dma_wait3A_145 = tpu.memref_slice %arg9[%dma_wait3A_143, %dma_wait3A_144] : memref<80x64xf32, #tpu.memory_space<vmem>> -> memref<80x64xf32, #tpu.memory_space<vmem>>
      tpu.wait_dma2 semaphore(%run_scoped3A : memref<!tpu.dma_semaphore, #tpu.memory_space<semaphore_mem>>) src(%dma_wait3A_145 : memref<80x64xf32, #tpu.memory_space<vmem>>) dst(%dma_wait3A_142 : memref<80x64xf32, #tpu.memory_space<hbm>>)
      tpu.yield
    }) : () -> ()
    %add3A_94 = arith.constant 80 : i32
    %add3A_95 = arith.addi %mul3A_0, %add3A_94 : i32
    "tpu.region"() ({
      %run_scoped3A = tpu.sem_alloc : memref<!tpu.dma_semaphore, #tpu.memory_space<semaphore_mem>>
      %dma_start3A_122 = arith.constant 0 : i32
      %dma_start3A_123 = arith.constant 0 : i32
      %dma_start3A_124 = tpu.memref_slice %arg9[%dma_start3A_122, %dma_start3A_123] : memref<80x64xf32, #tpu.memory_space<vmem>> -> memref<80x64xf32, #tpu.memory_space<vmem>>
      %dma_start3A_125 = arith.constant 0 : i32
      %dma_start3A_126 = tpu.memref_slice %arg14[%add3A_95, %dma_start3A_125] : memref<10112x64xf32, #tpu.memory_space<vmem_shared>> -> memref<80x64xf32, #tpu.memory_space<vmem_shared>>
      %dma_start3A_127 = arith.constant 0 : i32
      %dma_start3A_128 = arith.constant 0 : i32
      %dma_start3A_129 = tpu.memref_slice %arg9[%dma_start3A_127, %dma_start3A_128] : memref<80x64xf32, #tpu.memory_space<vmem>> -> memref<80x64xf32, #tpu.memory_space<vmem>>
      %dma_start3A_130 = arith.constant 0 : i32
      %dma_start3A_131 = tpu.memref_slice %arg14[%add3A_95, %dma_start3A_130] : memref<10112x64xf32, #tpu.memory_space<vmem_shared>> -> memref<80x64xf32, #tpu.memory_space<vmem_shared>>
      tpu.enqueue_dma source(%dma_start3A_131 : memref<80x64xf32, #tpu.memory_space<vmem_shared>>) target(%dma_start3A_129 : memref<80x64xf32, #tpu.memory_space<vmem>>) target_semaphore(%run_scoped3A : memref<!tpu.dma_semaphore, #tpu.memory_space<semaphore_mem>>)
      %dma_wait3A_132 = arith.constant 0 : i32
      %dma_wait3A_133 = arith.constant 0 : i32
      %dma_wait3A_134 = tpu.memref_slice %arg9[%dma_wait3A_132, %dma_wait3A_133] : memref<80x64xf32, #tpu.memory_space<vmem>> -> memref<80x64xf32, #tpu.memory_space<vmem>>
      %dma_wait3A_135 = arith.constant 0 : i32
      %dma_wait3A_136 = tpu.memref_slice %arg14[%add3A_95, %dma_wait3A_135] : memref<10112x64xf32, #tpu.memory_space<vmem_shared>> -> memref<80x64xf32, #tpu.memory_space<vmem_shared>>
      %dma_wait3A_137 = arith.constant 0 : i32
      %dma_wait3A_138 = arith.constant 0 : i32
      %dma_wait3A_139 = tpu.memref_slice %arg9[%dma_wait3A_137, %dma_wait3A_138] : memref<80x64xf32, #tpu.memory_space<vmem>> -> memref<80x64xf32, #tpu.memory_space<vmem>>
      %dma_wait3A_140 = arith.constant 0 : i32
      %dma_wait3A_141 = tpu.memref_slice %arg14[%add3A_95, %dma_wait3A_140] : memref<10112x64xf32, #tpu.memory_space<vmem_shared>> -> memref<80x64xf32, #tpu.memory_space<vmem_shared>>
      tpu.wait_dma2 semaphore(%run_scoped3A : memref<!tpu.dma_semaphore, #tpu.memory_space<semaphore_mem>>) src(%dma_wait3A_141 : memref<80x64xf32, #tpu.memory_space<vmem_shared>>) dst(%dma_wait3A_139 : memref<80x64xf32, #tpu.memory_space<vmem>>)
      tpu.yield
    }) : () -> ()
    %add3A_96 = arith.constant 80 : i32
    %add3A_97 = arith.addi %mul3A_0, %add3A_96 : i32
    "tpu.region"() ({
      %run_scoped3A = tpu.sem_alloc : memref<!tpu.dma_semaphore, #tpu.memory_space<semaphore_mem>>
      %dma_start3A_122 = arith.constant 0 : i32
      %dma_start3A_123 = arith.constant 0 : i32
      %dma_start3A_124 = tpu.memref_slice %arg9[%dma_start3A_122, %dma_start3A_123] : memref<80x64xf32, #tpu.memory_space<vmem>> -> memref<80x64xf32, #tpu.memory_space<vmem>>
      %dma_start3A_125 = arith.constant 0 : i32
      %dma_start3A_126 = tpu.memref_slice %arg6[%arg0, %add3A_97, %dma_start3A_125] : memref<2x10112x64xf32, #tpu.memory_space<hbm>> -> memref<1x80x64xf32, #tpu.memory_space<hbm>>
      %dma_start3A_127 = tpu.memref_squeeze %dma_start3A_126 : memref<1x80x64xf32, #tpu.memory_space<hbm>> -> memref<80x64xf32, #tpu.memory_space<hbm>>
      %dma_start3A_128 = arith.constant 0 : i32
      %dma_start3A_129 = tpu.memref_slice %arg6[%arg0, %add3A_97, %dma_start3A_128] : memref<2x10112x64xf32, #tpu.memory_space<hbm>> -> memref<1x80x64xf32, #tpu.memory_space<hbm>>
      %dma_start3A_130 = tpu.memref_squeeze %dma_start3A_129 : memref<1x80x64xf32, #tpu.memory_space<hbm>> -> memref<80x64xf32, #tpu.memory_space<hbm>>
      %dma_start3A_131 = arith.constant 0 : i32
      %dma_start3A_132 = arith.constant 0 : i32
      %dma_start3A_133 = tpu.memref_slice %arg9[%dma_start3A_131, %dma_start3A_132] : memref<80x64xf32, #tpu.memory_space<vmem>> -> memref<80x64xf32, #tpu.memory_space<vmem>>
      tpu.enqueue_dma source(%dma_start3A_133 : memref<80x64xf32, #tpu.memory_space<vmem>>) target(%dma_start3A_130 : memref<80x64xf32, #tpu.memory_space<hbm>>) target_semaphore(%run_scoped3A : memref<!tpu.dma_semaphore, #tpu.memory_space<semaphore_mem>>)
      %dma_wait3A_134 = arith.constant 0 : i32
      %dma_wait3A_135 = arith.constant 0 : i32
      %dma_wait3A_136 = tpu.memref_slice %arg9[%dma_wait3A_134, %dma_wait3A_135] : memref<80x64xf32, #tpu.memory_space<vmem>> -> memref<80x64xf32, #tpu.memory_space<vmem>>
      %dma_wait3A_137 = arith.constant 0 : i32
      %dma_wait3A_138 = tpu.memref_slice %arg6[%arg0, %add3A_97, %dma_wait3A_137] : memref<2x10112x64xf32, #tpu.memory_space<hbm>> -> memref<1x80x64xf32, #tpu.memory_space<hbm>>
      %dma_wait3A_139 = tpu.memref_squeeze %dma_wait3A_138 : memref<1x80x64xf32, #tpu.memory_space<hbm>> -> memref<80x64xf32, #tpu.memory_space<hbm>>
      %dma_wait3A_140 = arith.constant 0 : i32
      %dma_wait3A_141 = tpu.memref_slice %arg6[%arg0, %add3A_97, %dma_wait3A_140] : memref<2x10112x64xf32, #tpu.memory_space<hbm>> -> memref<1x80x64xf32, #tpu.memory_space<hbm>>
      %dma_wait3A_142 = tpu.memref_squeeze %dma_wait3A_141 : memref<1x80x64xf32, #tpu.memory_space<hbm>> -> memref<80x64xf32, #tpu.memory_space<hbm>>
      %dma_wait3A_143 = arith.constant 0 : i32
      %dma_wait3A_144 = arith.constant 0 : i32
      %dma_wait3A_145 = tpu.memref_slice %arg9[%dma_wait3A_143, %dma_wait3A_144] : memref<80x64xf32, #tpu.memory_space<vmem>> -> memref<80x64xf32, #tpu.memory_space<vmem>>
      tpu.wait_dma2 semaphore(%run_scoped3A : memref<!tpu.dma_semaphore, #tpu.memory_space<semaphore_mem>>) src(%dma_wait3A_145 : memref<80x64xf32, #tpu.memory_space<vmem>>) dst(%dma_wait3A_142 : memref<80x64xf32, #tpu.memory_space<hbm>>)
      tpu.yield
    }) : () -> ()
    %add3A_98 = arith.constant 160 : i32
    %add3A_99 = arith.addi %mul3A_0, %add3A_98 : i32
    "tpu.region"() ({
      %run_scoped3A = tpu.sem_alloc : memref<!tpu.dma_semaphore, #tpu.memory_space<semaphore_mem>>
      %dma_start3A_122 = arith.constant 0 : i32
      %dma_start3A_123 = arith.constant 0 : i32
      %dma_start3A_124 = tpu.memref_slice %arg9[%dma_start3A_122, %dma_start3A_123] : memref<80x64xf32, #tpu.memory_space<vmem>> -> memref<80x64xf32, #tpu.memory_space<vmem>>
      %dma_start3A_125 = arith.constant 0 : i32
      %dma_start3A_126 = tpu.memref_slice %arg14[%add3A_99, %dma_start3A_125] : memref<10112x64xf32, #tpu.memory_space<vmem_shared>> -> memref<80x64xf32, #tpu.memory_space<vmem_shared>>
      %dma_start3A_127 = arith.constant 0 : i32
      %dma_start3A_128 = arith.constant 0 : i32
      %dma_start3A_129 = tpu.memref_slice %arg9[%dma_start3A_127, %dma_start3A_128] : memref<80x64xf32, #tpu.memory_space<vmem>> -> memref<80x64xf32, #tpu.memory_space<vmem>>
      %dma_start3A_130 = arith.constant 0 : i32
      %dma_start3A_131 = tpu.memref_slice %arg14[%add3A_99, %dma_start3A_130] : memref<10112x64xf32, #tpu.memory_space<vmem_shared>> -> memref<80x64xf32, #tpu.memory_space<vmem_shared>>
      tpu.enqueue_dma source(%dma_start3A_131 : memref<80x64xf32, #tpu.memory_space<vmem_shared>>) target(%dma_start3A_129 : memref<80x64xf32, #tpu.memory_space<vmem>>) target_semaphore(%run_scoped3A : memref<!tpu.dma_semaphore, #tpu.memory_space<semaphore_mem>>)
      %dma_wait3A_132 = arith.constant 0 : i32
      %dma_wait3A_133 = arith.constant 0 : i32
      %dma_wait3A_134 = tpu.memref_slice %arg9[%dma_wait3A_132, %dma_wait3A_133] : memref<80x64xf32, #tpu.memory_space<vmem>> -> memref<80x64xf32, #tpu.memory_space<vmem>>
      %dma_wait3A_135 = arith.constant 0 : i32
      %dma_wait3A_136 = tpu.memref_slice %arg14[%add3A_99, %dma_wait3A_135] : memref<10112x64xf32, #tpu.memory_space<vmem_shared>> -> memref<80x64xf32, #tpu.memory_space<vmem_shared>>
      %dma_wait3A_137 = arith.constant 0 : i32
      %dma_wait3A_138 = arith.constant 0 : i32
      %dma_wait3A_139 = tpu.memref_slice %arg9[%dma_wait3A_137, %dma_wait3A_138] : memref<80x64xf32, #tpu.memory_space<vmem>> -> memref<80x64xf32, #tpu.memory_space<vmem>>
      %dma_wait3A_140 = arith.constant 0 : i32
      %dma_wait3A_141 = tpu.memref_slice %arg14[%add3A_99, %dma_wait3A_140] : memref<10112x64xf32, #tpu.memory_space<vmem_shared>> -> memref<80x64xf32, #tpu.memory_space<vmem_shared>>
      tpu.wait_dma2 semaphore(%run_scoped3A : memref<!tpu.dma_semaphore, #tpu.memory_space<semaphore_mem>>) src(%dma_wait3A_141 : memref<80x64xf32, #tpu.memory_space<vmem_shared>>) dst(%dma_wait3A_139 : memref<80x64xf32, #tpu.memory_space<vmem>>)
      tpu.yield
    }) : () -> ()
    %add3A_100 = arith.constant 160 : i32
    %add3A_101 = arith.addi %mul3A_0, %add3A_100 : i32
    "tpu.region"() ({
      %run_scoped3A = tpu.sem_alloc : memref<!tpu.dma_semaphore, #tpu.memory_space<semaphore_mem>>
      %dma_start3A_122 = arith.constant 0 : i32
      %dma_start3A_123 = arith.constant 0 : i32
      %dma_start3A_124 = tpu.memref_slice %arg9[%dma_start3A_122, %dma_start3A_123] : memref<80x64xf32, #tpu.memory_space<vmem>> -> memref<80x64xf32, #tpu.memory_space<vmem>>
      %dma_start3A_125 = arith.constant 0 : i32
      %dma_start3A_126 = tpu.memref_slice %arg6[%arg0, %add3A_101, %dma_start3A_125] : memref<2x10112x64xf32, #tpu.memory_space<hbm>> -> memref<1x80x64xf32, #tpu.memory_space<hbm>>
      %dma_start3A_127 = tpu.memref_squeeze %dma_start3A_126 : memref<1x80x64xf32, #tpu.memory_space<hbm>> -> memref<80x64xf32, #tpu.memory_space<hbm>>
      %dma_start3A_128 = arith.constant 0 : i32
      %dma_start3A_129 = tpu.memref_slice %arg6[%arg0, %add3A_101, %dma_start3A_128] : memref<2x10112x64xf32, #tpu.memory_space<hbm>> -> memref<1x80x64xf32, #tpu.memory_space<hbm>>
      %dma_start3A_130 = tpu.memref_squeeze %dma_start3A_129 : memref<1x80x64xf32, #tpu.memory_space<hbm>> -> memref<80x64xf32, #tpu.memory_space<hbm>>
      %dma_start3A_131 = arith.constant 0 : i32
      %dma_start3A_132 = arith.constant 0 : i32
      %dma_start3A_133 = tpu.memref_slice %arg9[%dma_start3A_131, %dma_start3A_132] : memref<80x64xf32, #tpu.memory_space<vmem>> -> memref<80x64xf32, #tpu.memory_space<vmem>>
      tpu.enqueue_dma source(%dma_start3A_133 : memref<80x64xf32, #tpu.memory_space<vmem>>) target(%dma_start3A_130 : memref<80x64xf32, #tpu.memory_space<hbm>>) target_semaphore(%run_scoped3A : memref<!tpu.dma_semaphore, #tpu.memory_space<semaphore_mem>>)
      %dma_wait3A_134 = arith.constant 0 : i32
      %dma_wait3A_135 = arith.constant 0 : i32
      %dma_wait3A_136 = tpu.memref_slice %arg9[%dma_wait3A_134, %dma_wait3A_135] : memref<80x64xf32, #tpu.memory_space<vmem>> -> memref<80x64xf32, #tpu.memory_space<vmem>>
      %dma_wait3A_137 = arith.constant 0 : i32
      %dma_wait3A_138 = tpu.memref_slice %arg6[%arg0, %add3A_101, %dma_wait3A_137] : memref<2x10112x64xf32, #tpu.memory_space<hbm>> -> memref<1x80x64xf32, #tpu.memory_space<hbm>>
      %dma_wait3A_139 = tpu.memref_squeeze %dma_wait3A_138 : memref<1x80x64xf32, #tpu.memory_space<hbm>> -> memref<80x64xf32, #tpu.memory_space<hbm>>
      %dma_wait3A_140 = arith.constant 0 : i32
      %dma_wait3A_141 = tpu.memref_slice %arg6[%arg0, %add3A_101, %dma_wait3A_140] : memref<2x10112x64xf32, #tpu.memory_space<hbm>> -> memref<1x80x64xf32, #tpu.memory_space<hbm>>
      %dma_wait3A_142 = tpu.memref_squeeze %dma_wait3A_141 : memref<1x80x64xf32, #tpu.memory_space<hbm>> -> memref<80x64xf32, #tpu.memory_space<hbm>>
      %dma_wait3A_143 = arith.constant 0 : i32
      %dma_wait3A_144 = arith.constant 0 : i32
      %dma_wait3A_145 = tpu.memref_slice %arg9[%dma_wait3A_143, %dma_wait3A_144] : memref<80x64xf32, #tpu.memory_space<vmem>> -> memref<80x64xf32, #tpu.memory_space<vmem>>
      tpu.wait_dma2 semaphore(%run_scoped3A : memref<!tpu.dma_semaphore, #tpu.memory_space<semaphore_mem>>) src(%dma_wait3A_145 : memref<80x64xf32, #tpu.memory_space<vmem>>) dst(%dma_wait3A_142 : memref<80x64xf32, #tpu.memory_space<hbm>>)
      tpu.yield
    }) : () -> ()
    %add3A_102 = arith.constant 240 : i32
    %add3A_103 = arith.addi %mul3A_0, %add3A_102 : i32
    "tpu.region"() ({
      %run_scoped3A = tpu.sem_alloc : memref<!tpu.dma_semaphore, #tpu.memory_space<semaphore_mem>>
      %dma_start3A_122 = arith.constant 0 : i32
      %dma_start3A_123 = arith.constant 0 : i32
      %dma_start3A_124 = tpu.memref_slice %arg9[%dma_start3A_122, %dma_start3A_123] : memref<80x64xf32, #tpu.memory_space<vmem>> -> memref<80x64xf32, #tpu.memory_space<vmem>>
      %dma_start3A_125 = arith.constant 0 : i32
      %dma_start3A_126 = tpu.memref_slice %arg14[%add3A_103, %dma_start3A_125] : memref<10112x64xf32, #tpu.memory_space<vmem_shared>> -> memref<80x64xf32, #tpu.memory_space<vmem_shared>>
      %dma_start3A_127 = arith.constant 0 : i32
      %dma_start3A_128 = arith.constant 0 : i32
      %dma_start3A_129 = tpu.memref_slice %arg9[%dma_start3A_127, %dma_start3A_128] : memref<80x64xf32, #tpu.memory_space<vmem>> -> memref<80x64xf32, #tpu.memory_space<vmem>>
      %dma_start3A_130 = arith.constant 0 : i32
      %dma_start3A_131 = tpu.memref_slice %arg14[%add3A_103, %dma_start3A_130] : memref<10112x64xf32, #tpu.memory_space<vmem_shared>> -> memref<80x64xf32, #tpu.memory_space<vmem_shared>>
      tpu.enqueue_dma source(%dma_start3A_131 : memref<80x64xf32, #tpu.memory_space<vmem_shared>>) target(%dma_start3A_129 : memref<80x64xf32, #tpu.memory_space<vmem>>) target_semaphore(%run_scoped3A : memref<!tpu.dma_semaphore, #tpu.memory_space<semaphore_mem>>)
      %dma_wait3A_132 = arith.constant 0 : i32
      %dma_wait3A_133 = arith.constant 0 : i32
      %dma_wait3A_134 = tpu.memref_slice %arg9[%dma_wait3A_132, %dma_wait3A_133] : memref<80x64xf32, #tpu.memory_space<vmem>> -> memref<80x64xf32, #tpu.memory_space<vmem>>
      %dma_wait3A_135 = arith.constant 0 : i32
      %dma_wait3A_136 = tpu.memref_slice %arg14[%add3A_103, %dma_wait3A_135] : memref<10112x64xf32, #tpu.memory_space<vmem_shared>> -> memref<80x64xf32, #tpu.memory_space<vmem_shared>>
      %dma_wait3A_137 = arith.constant 0 : i32
      %dma_wait3A_138 = arith.constant 0 : i32
      %dma_wait3A_139 = tpu.memref_slice %arg9[%dma_wait3A_137, %dma_wait3A_138] : memref<80x64xf32, #tpu.memory_space<vmem>> -> memref<80x64xf32, #tpu.memory_space<vmem>>
      %dma_wait3A_140 = arith.constant 0 : i32
      %dma_wait3A_141 = tpu.memref_slice %arg14[%add3A_103, %dma_wait3A_140] : memref<10112x64xf32, #tpu.memory_space<vmem_shared>> -> memref<80x64xf32, #tpu.memory_space<vmem_shared>>
      tpu.wait_dma2 semaphore(%run_scoped3A : memref<!tpu.dma_semaphore, #tpu.memory_space<semaphore_mem>>) src(%dma_wait3A_141 : memref<80x64xf32, #tpu.memory_space<vmem_shared>>) dst(%dma_wait3A_139 : memref<80x64xf32, #tpu.memory_space<vmem>>)
      tpu.yield
    }) : () -> ()
    %add3A_104 = arith.constant 240 : i32
    %add3A_105 = arith.addi %mul3A_0, %add3A_104 : i32
    "tpu.region"() ({
      %run_scoped3A = tpu.sem_alloc : memref<!tpu.dma_semaphore, #tpu.memory_space<semaphore_mem>>
      %dma_start3A_122 = arith.constant 0 : i32
      %dma_start3A_123 = arith.constant 0 : i32
      %dma_start3A_124 = tpu.memref_slice %arg9[%dma_start3A_122, %dma_start3A_123] : memref<80x64xf32, #tpu.memory_space<vmem>> -> memref<80x64xf32, #tpu.memory_space<vmem>>
      %dma_start3A_125 = arith.constant 0 : i32
      %dma_start3A_126 = tpu.memref_slice %arg6[%arg0, %add3A_105, %dma_start3A_125] : memref<2x10112x64xf32, #tpu.memory_space<hbm>> -> memref<1x80x64xf32, #tpu.memory_space<hbm>>
      %dma_start3A_127 = tpu.memref_squeeze %dma_start3A_126 : memref<1x80x64xf32, #tpu.memory_space<hbm>> -> memref<80x64xf32, #tpu.memory_space<hbm>>
      %dma_start3A_128 = arith.constant 0 : i32
      %dma_start3A_129 = tpu.memref_slice %arg6[%arg0, %add3A_105, %dma_start3A_128] : memref<2x10112x64xf32, #tpu.memory_space<hbm>> -> memref<1x80x64xf32, #tpu.memory_space<hbm>>
      %dma_start3A_130 = tpu.memref_squeeze %dma_start3A_129 : memref<1x80x64xf32, #tpu.memory_space<hbm>> -> memref<80x64xf32, #tpu.memory_space<hbm>>
      %dma_start3A_131 = arith.constant 0 : i32
      %dma_start3A_132 = arith.constant 0 : i32
      %dma_start3A_133 = tpu.memref_slice %arg9[%dma_start3A_131, %dma_start3A_132] : memref<80x64xf32, #tpu.memory_space<vmem>> -> memref<80x64xf32, #tpu.memory_space<vmem>>
      tpu.enqueue_dma source(%dma_start3A_133 : memref<80x64xf32, #tpu.memory_space<vmem>>) target(%dma_start3A_130 : memref<80x64xf32, #tpu.memory_space<hbm>>) target_semaphore(%run_scoped3A : memref<!tpu.dma_semaphore, #tpu.memory_space<semaphore_mem>>)
      %dma_wait3A_134 = arith.constant 0 : i32
      %dma_wait3A_135 = arith.constant 0 : i32
      %dma_wait3A_136 = tpu.memref_slice %arg9[%dma_wait3A_134, %dma_wait3A_135] : memref<80x64xf32, #tpu.memory_space<vmem>> -> memref<80x64xf32, #tpu.memory_space<vmem>>
      %dma_wait3A_137 = arith.constant 0 : i32
      %dma_wait3A_138 = tpu.memref_slice %arg6[%arg0, %add3A_105, %dma_wait3A_137] : memref<2x10112x64xf32, #tpu.memory_space<hbm>> -> memref<1x80x64xf32, #tpu.memory_space<hbm>>
      %dma_wait3A_139 = tpu.memref_squeeze %dma_wait3A_138 : memref<1x80x64xf32, #tpu.memory_space<hbm>> -> memref<80x64xf32, #tpu.memory_space<hbm>>
      %dma_wait3A_140 = arith.constant 0 : i32
      %dma_wait3A_141 = tpu.memref_slice %arg6[%arg0, %add3A_105, %dma_wait3A_140] : memref<2x10112x64xf32, #tpu.memory_space<hbm>> -> memref<1x80x64xf32, #tpu.memory_space<hbm>>
      %dma_wait3A_142 = tpu.memref_squeeze %dma_wait3A_141 : memref<1x80x64xf32, #tpu.memory_space<hbm>> -> memref<80x64xf32, #tpu.memory_space<hbm>>
      %dma_wait3A_143 = arith.constant 0 : i32
      %dma_wait3A_144 = arith.constant 0 : i32
      %dma_wait3A_145 = tpu.memref_slice %arg9[%dma_wait3A_143, %dma_wait3A_144] : memref<80x64xf32, #tpu.memory_space<vmem>> -> memref<80x64xf32, #tpu.memory_space<vmem>>
      tpu.wait_dma2 semaphore(%run_scoped3A : memref<!tpu.dma_semaphore, #tpu.memory_space<semaphore_mem>>) src(%dma_wait3A_145 : memref<80x64xf32, #tpu.memory_space<vmem>>) dst(%dma_wait3A_142 : memref<80x64xf32, #tpu.memory_space<hbm>>)
      tpu.yield
    }) : () -> ()
    %add3A_106 = arith.constant 320 : i32
    %add3A_107 = arith.addi %mul3A_0, %add3A_106 : i32
    "tpu.region"() ({
      %run_scoped3A = tpu.sem_alloc : memref<!tpu.dma_semaphore, #tpu.memory_space<semaphore_mem>>
      %dma_start3A_122 = arith.constant 0 : i32
      %dma_start3A_123 = arith.constant 0 : i32
      %dma_start3A_124 = tpu.memref_slice %arg9[%dma_start3A_122, %dma_start3A_123] : memref<80x64xf32, #tpu.memory_space<vmem>> -> memref<80x64xf32, #tpu.memory_space<vmem>>
      %dma_start3A_125 = arith.constant 0 : i32
      %dma_start3A_126 = tpu.memref_slice %arg14[%add3A_107, %dma_start3A_125] : memref<10112x64xf32, #tpu.memory_space<vmem_shared>> -> memref<80x64xf32, #tpu.memory_space<vmem_shared>>
      %dma_start3A_127 = arith.constant 0 : i32
      %dma_start3A_128 = arith.constant 0 : i32
      %dma_start3A_129 = tpu.memref_slice %arg9[%dma_start3A_127, %dma_start3A_128] : memref<80x64xf32, #tpu.memory_space<vmem>> -> memref<80x64xf32, #tpu.memory_space<vmem>>
      %dma_start3A_130 = arith.constant 0 : i32
      %dma_start3A_131 = tpu.memref_slice %arg14[%add3A_107, %dma_start3A_130] : memref<10112x64xf32, #tpu.memory_space<vmem_shared>> -> memref<80x64xf32, #tpu.memory_space<vmem_shared>>
      tpu.enqueue_dma source(%dma_start3A_131 : memref<80x64xf32, #tpu.memory_space<vmem_shared>>) target(%dma_start3A_129 : memref<80x64xf32, #tpu.memory_space<vmem>>) target_semaphore(%run_scoped3A : memref<!tpu.dma_semaphore, #tpu.memory_space<semaphore_mem>>)
      %dma_wait3A_132 = arith.constant 0 : i32
      %dma_wait3A_133 = arith.constant 0 : i32
      %dma_wait3A_134 = tpu.memref_slice %arg9[%dma_wait3A_132, %dma_wait3A_133] : memref<80x64xf32, #tpu.memory_space<vmem>> -> memref<80x64xf32, #tpu.memory_space<vmem>>
      %dma_wait3A_135 = arith.constant 0 : i32
      %dma_wait3A_136 = tpu.memref_slice %arg14[%add3A_107, %dma_wait3A_135] : memref<10112x64xf32, #tpu.memory_space<vmem_shared>> -> memref<80x64xf32, #tpu.memory_space<vmem_shared>>
      %dma_wait3A_137 = arith.constant 0 : i32
      %dma_wait3A_138 = arith.constant 0 : i32
      %dma_wait3A_139 = tpu.memref_slice %arg9[%dma_wait3A_137, %dma_wait3A_138] : memref<80x64xf32, #tpu.memory_space<vmem>> -> memref<80x64xf32, #tpu.memory_space<vmem>>
      %dma_wait3A_140 = arith.constant 0 : i32
      %dma_wait3A_141 = tpu.memref_slice %arg14[%add3A_107, %dma_wait3A_140] : memref<10112x64xf32, #tpu.memory_space<vmem_shared>> -> memref<80x64xf32, #tpu.memory_space<vmem_shared>>
      tpu.wait_dma2 semaphore(%run_scoped3A : memref<!tpu.dma_semaphore, #tpu.memory_space<semaphore_mem>>) src(%dma_wait3A_141 : memref<80x64xf32, #tpu.memory_space<vmem_shared>>) dst(%dma_wait3A_139 : memref<80x64xf32, #tpu.memory_space<vmem>>)
      tpu.yield
    }) : () -> ()
    %add3A_108 = arith.constant 320 : i32
    %add3A_109 = arith.addi %mul3A_0, %add3A_108 : i32
    "tpu.region"() ({
      %run_scoped3A = tpu.sem_alloc : memref<!tpu.dma_semaphore, #tpu.memory_space<semaphore_mem>>
      %dma_start3A_122 = arith.constant 0 : i32
      %dma_start3A_123 = arith.constant 0 : i32
      %dma_start3A_124 = tpu.memref_slice %arg9[%dma_start3A_122, %dma_start3A_123] : memref<80x64xf32, #tpu.memory_space<vmem>> -> memref<80x64xf32, #tpu.memory_space<vmem>>
      %dma_start3A_125 = arith.constant 0 : i32
      %dma_start3A_126 = tpu.memref_slice %arg6[%arg0, %add3A_109, %dma_start3A_125] : memref<2x10112x64xf32, #tpu.memory_space<hbm>> -> memref<1x80x64xf32, #tpu.memory_space<hbm>>
      %dma_start3A_127 = tpu.memref_squeeze %dma_start3A_126 : memref<1x80x64xf32, #tpu.memory_space<hbm>> -> memref<80x64xf32, #tpu.memory_space<hbm>>
      %dma_start3A_128 = arith.constant 0 : i32
      %dma_start3A_129 = tpu.memref_slice %arg6[%arg0, %add3A_109, %dma_start3A_128] : memref<2x10112x64xf32, #tpu.memory_space<hbm>> -> memref<1x80x64xf32, #tpu.memory_space<hbm>>
      %dma_start3A_130 = tpu.memref_squeeze %dma_start3A_129 : memref<1x80x64xf32, #tpu.memory_space<hbm>> -> memref<80x64xf32, #tpu.memory_space<hbm>>
      %dma_start3A_131 = arith.constant 0 : i32
      %dma_start3A_132 = arith.constant 0 : i32
      %dma_start3A_133 = tpu.memref_slice %arg9[%dma_start3A_131, %dma_start3A_132] : memref<80x64xf32, #tpu.memory_space<vmem>> -> memref<80x64xf32, #tpu.memory_space<vmem>>
      tpu.enqueue_dma source(%dma_start3A_133 : memref<80x64xf32, #tpu.memory_space<vmem>>) target(%dma_start3A_130 : memref<80x64xf32, #tpu.memory_space<hbm>>) target_semaphore(%run_scoped3A : memref<!tpu.dma_semaphore, #tpu.memory_space<semaphore_mem>>)
      %dma_wait3A_134 = arith.constant 0 : i32
      %dma_wait3A_135 = arith.constant 0 : i32
      %dma_wait3A_136 = tpu.memref_slice %arg9[%dma_wait3A_134, %dma_wait3A_135] : memref<80x64xf32, #tpu.memory_space<vmem>> -> memref<80x64xf32, #tpu.memory_space<vmem>>
      %dma_wait3A_137 = arith.constant 0 : i32
      %dma_wait3A_138 = tpu.memref_slice %arg6[%arg0, %add3A_109, %dma_wait3A_137] : memref<2x10112x64xf32, #tpu.memory_space<hbm>> -> memref<1x80x64xf32, #tpu.memory_space<hbm>>
      %dma_wait3A_139 = tpu.memref_squeeze %dma_wait3A_138 : memref<1x80x64xf32, #tpu.memory_space<hbm>> -> memref<80x64xf32, #tpu.memory_space<hbm>>
      %dma_wait3A_140 = arith.constant 0 : i32
      %dma_wait3A_141 = tpu.memref_slice %arg6[%arg0, %add3A_109, %dma_wait3A_140] : memref<2x10112x64xf32, #tpu.memory_space<hbm>> -> memref<1x80x64xf32, #tpu.memory_space<hbm>>
      %dma_wait3A_142 = tpu.memref_squeeze %dma_wait3A_141 : memref<1x80x64xf32, #tpu.memory_space<hbm>> -> memref<80x64xf32, #tpu.memory_space<hbm>>
      %dma_wait3A_143 = arith.constant 0 : i32
      %dma_wait3A_144 = arith.constant 0 : i32
      %dma_wait3A_145 = tpu.memref_slice %arg9[%dma_wait3A_143, %dma_wait3A_144] : memref<80x64xf32, #tpu.memory_space<vmem>> -> memref<80x64xf32, #tpu.memory_space<vmem>>
      tpu.wait_dma2 semaphore(%run_scoped3A : memref<!tpu.dma_semaphore, #tpu.memory_space<semaphore_mem>>) src(%dma_wait3A_145 : memref<80x64xf32, #tpu.memory_space<vmem>>) dst(%dma_wait3A_142 : memref<80x64xf32, #tpu.memory_space<hbm>>)
      tpu.yield
    }) : () -> ()
    %add3A_110 = arith.constant 400 : i32
    %add3A_111 = arith.addi %mul3A_0, %add3A_110 : i32
    "tpu.region"() ({
      %run_scoped3A = tpu.sem_alloc : memref<!tpu.dma_semaphore, #tpu.memory_space<semaphore_mem>>
      %dma_start3A_122 = arith.constant 0 : i32
      %dma_start3A_123 = arith.constant 0 : i32
      %dma_start3A_124 = tpu.memref_slice %arg9[%dma_start3A_122, %dma_start3A_123] : memref<80x64xf32, #tpu.memory_space<vmem>> -> memref<80x64xf32, #tpu.memory_space<vmem>>
      %dma_start3A_125 = arith.constant 0 : i32
      %dma_start3A_126 = tpu.memref_slice %arg14[%add3A_111, %dma_start3A_125] : memref<10112x64xf32, #tpu.memory_space<vmem_shared>> -> memref<80x64xf32, #tpu.memory_space<vmem_shared>>
      %dma_start3A_127 = arith.constant 0 : i32
      %dma_start3A_128 = arith.constant 0 : i32
      %dma_start3A_129 = tpu.memref_slice %arg9[%dma_start3A_127, %dma_start3A_128] : memref<80x64xf32, #tpu.memory_space<vmem>> -> memref<80x64xf32, #tpu.memory_space<vmem>>
      %dma_start3A_130 = arith.constant 0 : i32
      %dma_start3A_131 = tpu.memref_slice %arg14[%add3A_111, %dma_start3A_130] : memref<10112x64xf32, #tpu.memory_space<vmem_shared>> -> memref<80x64xf32, #tpu.memory_space<vmem_shared>>
      tpu.enqueue_dma source(%dma_start3A_131 : memref<80x64xf32, #tpu.memory_space<vmem_shared>>) target(%dma_start3A_129 : memref<80x64xf32, #tpu.memory_space<vmem>>) target_semaphore(%run_scoped3A : memref<!tpu.dma_semaphore, #tpu.memory_space<semaphore_mem>>)
      %dma_wait3A_132 = arith.constant 0 : i32
      %dma_wait3A_133 = arith.constant 0 : i32
      %dma_wait3A_134 = tpu.memref_slice %arg9[%dma_wait3A_132, %dma_wait3A_133] : memref<80x64xf32, #tpu.memory_space<vmem>> -> memref<80x64xf32, #tpu.memory_space<vmem>>
      %dma_wait3A_135 = arith.constant 0 : i32
      %dma_wait3A_136 = tpu.memref_slice %arg14[%add3A_111, %dma_wait3A_135] : memref<10112x64xf32, #tpu.memory_space<vmem_shared>> -> memref<80x64xf32, #tpu.memory_space<vmem_shared>>
      %dma_wait3A_137 = arith.constant 0 : i32
      %dma_wait3A_138 = arith.constant 0 : i32
      %dma_wait3A_139 = tpu.memref_slice %arg9[%dma_wait3A_137, %dma_wait3A_138] : memref<80x64xf32, #tpu.memory_space<vmem>> -> memref<80x64xf32, #tpu.memory_space<vmem>>
      %dma_wait3A_140 = arith.constant 0 : i32
      %dma_wait3A_141 = tpu.memref_slice %arg14[%add3A_111, %dma_wait3A_140] : memref<10112x64xf32, #tpu.memory_space<vmem_shared>> -> memref<80x64xf32, #tpu.memory_space<vmem_shared>>
      tpu.wait_dma2 semaphore(%run_scoped3A : memref<!tpu.dma_semaphore, #tpu.memory_space<semaphore_mem>>) src(%dma_wait3A_141 : memref<80x64xf32, #tpu.memory_space<vmem_shared>>) dst(%dma_wait3A_139 : memref<80x64xf32, #tpu.memory_space<vmem>>)
      tpu.yield
    }) : () -> ()
    %add3A_112 = arith.constant 400 : i32
    %add3A_113 = arith.addi %mul3A_0, %add3A_112 : i32
    "tpu.region"() ({
      %run_scoped3A = tpu.sem_alloc : memref<!tpu.dma_semaphore, #tpu.memory_space<semaphore_mem>>
      %dma_start3A_122 = arith.constant 0 : i32
      %dma_start3A_123 = arith.constant 0 : i32
      %dma_start3A_124 = tpu.memref_slice %arg9[%dma_start3A_122, %dma_start3A_123] : memref<80x64xf32, #tpu.memory_space<vmem>> -> memref<80x64xf32, #tpu.memory_space<vmem>>
      %dma_start3A_125 = arith.constant 0 : i32
      %dma_start3A_126 = tpu.memref_slice %arg6[%arg0, %add3A_113, %dma_start3A_125] : memref<2x10112x64xf32, #tpu.memory_space<hbm>> -> memref<1x80x64xf32, #tpu.memory_space<hbm>>
      %dma_start3A_127 = tpu.memref_squeeze %dma_start3A_126 : memref<1x80x64xf32, #tpu.memory_space<hbm>> -> memref<80x64xf32, #tpu.memory_space<hbm>>
      %dma_start3A_128 = arith.constant 0 : i32
      %dma_start3A_129 = tpu.memref_slice %arg6[%arg0, %add3A_113, %dma_start3A_128] : memref<2x10112x64xf32, #tpu.memory_space<hbm>> -> memref<1x80x64xf32, #tpu.memory_space<hbm>>
      %dma_start3A_130 = tpu.memref_squeeze %dma_start3A_129 : memref<1x80x64xf32, #tpu.memory_space<hbm>> -> memref<80x64xf32, #tpu.memory_space<hbm>>
      %dma_start3A_131 = arith.constant 0 : i32
      %dma_start3A_132 = arith.constant 0 : i32
      %dma_start3A_133 = tpu.memref_slice %arg9[%dma_start3A_131, %dma_start3A_132] : memref<80x64xf32, #tpu.memory_space<vmem>> -> memref<80x64xf32, #tpu.memory_space<vmem>>
      tpu.enqueue_dma source(%dma_start3A_133 : memref<80x64xf32, #tpu.memory_space<vmem>>) target(%dma_start3A_130 : memref<80x64xf32, #tpu.memory_space<hbm>>) target_semaphore(%run_scoped3A : memref<!tpu.dma_semaphore, #tpu.memory_space<semaphore_mem>>)
      %dma_wait3A_134 = arith.constant 0 : i32
      %dma_wait3A_135 = arith.constant 0 : i32
      %dma_wait3A_136 = tpu.memref_slice %arg9[%dma_wait3A_134, %dma_wait3A_135] : memref<80x64xf32, #tpu.memory_space<vmem>> -> memref<80x64xf32, #tpu.memory_space<vmem>>
      %dma_wait3A_137 = arith.constant 0 : i32
      %dma_wait3A_138 = tpu.memref_slice %arg6[%arg0, %add3A_113, %dma_wait3A_137] : memref<2x10112x64xf32, #tpu.memory_space<hbm>> -> memref<1x80x64xf32, #tpu.memory_space<hbm>>
      %dma_wait3A_139 = tpu.memref_squeeze %dma_wait3A_138 : memref<1x80x64xf32, #tpu.memory_space<hbm>> -> memref<80x64xf32, #tpu.memory_space<hbm>>
      %dma_wait3A_140 = arith.constant 0 : i32
      %dma_wait3A_141 = tpu.memref_slice %arg6[%arg0, %add3A_113, %dma_wait3A_140] : memref<2x10112x64xf32, #tpu.memory_space<hbm>> -> memref<1x80x64xf32, #tpu.memory_space<hbm>>
      %dma_wait3A_142 = tpu.memref_squeeze %dma_wait3A_141 : memref<1x80x64xf32, #tpu.memory_space<hbm>> -> memref<80x64xf32, #tpu.memory_space<hbm>>
      %dma_wait3A_143 = arith.constant 0 : i32
      %dma_wait3A_144 = arith.constant 0 : i32
      %dma_wait3A_145 = tpu.memref_slice %arg9[%dma_wait3A_143, %dma_wait3A_144] : memref<80x64xf32, #tpu.memory_space<vmem>> -> memref<80x64xf32, #tpu.memory_space<vmem>>
      tpu.wait_dma2 semaphore(%run_scoped3A : memref<!tpu.dma_semaphore, #tpu.memory_space<semaphore_mem>>) src(%dma_wait3A_145 : memref<80x64xf32, #tpu.memory_space<vmem>>) dst(%dma_wait3A_142 : memref<80x64xf32, #tpu.memory_space<hbm>>)
      tpu.yield
    }) : () -> ()
    %add3A_114 = arith.constant 480 : i32
    %add3A_115 = arith.addi %mul3A_0, %add3A_114 : i32
    "tpu.region"() ({
      %run_scoped3A = tpu.sem_alloc : memref<!tpu.dma_semaphore, #tpu.memory_space<semaphore_mem>>
      %dma_start3A_122 = arith.constant 0 : i32
      %dma_start3A_123 = arith.constant 0 : i32
      %dma_start3A_124 = tpu.memref_slice %arg9[%dma_start3A_122, %dma_start3A_123] : memref<80x64xf32, #tpu.memory_space<vmem>> -> memref<80x64xf32, #tpu.memory_space<vmem>>
      %dma_start3A_125 = arith.constant 0 : i32
      %dma_start3A_126 = tpu.memref_slice %arg14[%add3A_115, %dma_start3A_125] : memref<10112x64xf32, #tpu.memory_space<vmem_shared>> -> memref<80x64xf32, #tpu.memory_space<vmem_shared>>
      %dma_start3A_127 = arith.constant 0 : i32
      %dma_start3A_128 = arith.constant 0 : i32
      %dma_start3A_129 = tpu.memref_slice %arg9[%dma_start3A_127, %dma_start3A_128] : memref<80x64xf32, #tpu.memory_space<vmem>> -> memref<80x64xf32, #tpu.memory_space<vmem>>
      %dma_start3A_130 = arith.constant 0 : i32
      %dma_start3A_131 = tpu.memref_slice %arg14[%add3A_115, %dma_start3A_130] : memref<10112x64xf32, #tpu.memory_space<vmem_shared>> -> memref<80x64xf32, #tpu.memory_space<vmem_shared>>
      tpu.enqueue_dma source(%dma_start3A_131 : memref<80x64xf32, #tpu.memory_space<vmem_shared>>) target(%dma_start3A_129 : memref<80x64xf32, #tpu.memory_space<vmem>>) target_semaphore(%run_scoped3A : memref<!tpu.dma_semaphore, #tpu.memory_space<semaphore_mem>>)
      %dma_wait3A_132 = arith.constant 0 : i32
      %dma_wait3A_133 = arith.constant 0 : i32
      %dma_wait3A_134 = tpu.memref_slice %arg9[%dma_wait3A_132, %dma_wait3A_133] : memref<80x64xf32, #tpu.memory_space<vmem>> -> memref<80x64xf32, #tpu.memory_space<vmem>>
      %dma_wait3A_135 = arith.constant 0 : i32
      %dma_wait3A_136 = tpu.memref_slice %arg14[%add3A_115, %dma_wait3A_135] : memref<10112x64xf32, #tpu.memory_space<vmem_shared>> -> memref<80x64xf32, #tpu.memory_space<vmem_shared>>
      %dma_wait3A_137 = arith.constant 0 : i32
      %dma_wait3A_138 = arith.constant 0 : i32
      %dma_wait3A_139 = tpu.memref_slice %arg9[%dma_wait3A_137, %dma_wait3A_138] : memref<80x64xf32, #tpu.memory_space<vmem>> -> memref<80x64xf32, #tpu.memory_space<vmem>>
      %dma_wait3A_140 = arith.constant 0 : i32
      %dma_wait3A_141 = tpu.memref_slice %arg14[%add3A_115, %dma_wait3A_140] : memref<10112x64xf32, #tpu.memory_space<vmem_shared>> -> memref<80x64xf32, #tpu.memory_space<vmem_shared>>
      tpu.wait_dma2 semaphore(%run_scoped3A : memref<!tpu.dma_semaphore, #tpu.memory_space<semaphore_mem>>) src(%dma_wait3A_141 : memref<80x64xf32, #tpu.memory_space<vmem_shared>>) dst(%dma_wait3A_139 : memref<80x64xf32, #tpu.memory_space<vmem>>)
      tpu.yield
    }) : () -> ()
    %add3A_116 = arith.constant 480 : i32
    %add3A_117 = arith.addi %mul3A_0, %add3A_116 : i32
    "tpu.region"() ({
      %run_scoped3A = tpu.sem_alloc : memref<!tpu.dma_semaphore, #tpu.memory_space<semaphore_mem>>
      %dma_start3A_122 = arith.constant 0 : i32
      %dma_start3A_123 = arith.constant 0 : i32
      %dma_start3A_124 = tpu.memref_slice %arg9[%dma_start3A_122, %dma_start3A_123] : memref<80x64xf32, #tpu.memory_space<vmem>> -> memref<80x64xf32, #tpu.memory_space<vmem>>
      %dma_start3A_125 = arith.constant 0 : i32
      %dma_start3A_126 = tpu.memref_slice %arg6[%arg0, %add3A_117, %dma_start3A_125] : memref<2x10112x64xf32, #tpu.memory_space<hbm>> -> memref<1x80x64xf32, #tpu.memory_space<hbm>>
      %dma_start3A_127 = tpu.memref_squeeze %dma_start3A_126 : memref<1x80x64xf32, #tpu.memory_space<hbm>> -> memref<80x64xf32, #tpu.memory_space<hbm>>
      %dma_start3A_128 = arith.constant 0 : i32
      %dma_start3A_129 = tpu.memref_slice %arg6[%arg0, %add3A_117, %dma_start3A_128] : memref<2x10112x64xf32, #tpu.memory_space<hbm>> -> memref<1x80x64xf32, #tpu.memory_space<hbm>>
      %dma_start3A_130 = tpu.memref_squeeze %dma_start3A_129 : memref<1x80x64xf32, #tpu.memory_space<hbm>> -> memref<80x64xf32, #tpu.memory_space<hbm>>
      %dma_start3A_131 = arith.constant 0 : i32
      %dma_start3A_132 = arith.constant 0 : i32
      %dma_start3A_133 = tpu.memref_slice %arg9[%dma_start3A_131, %dma_start3A_132] : memref<80x64xf32, #tpu.memory_space<vmem>> -> memref<80x64xf32, #tpu.memory_space<vmem>>
      tpu.enqueue_dma source(%dma_start3A_133 : memref<80x64xf32, #tpu.memory_space<vmem>>) target(%dma_start3A_130 : memref<80x64xf32, #tpu.memory_space<hbm>>) target_semaphore(%run_scoped3A : memref<!tpu.dma_semaphore, #tpu.memory_space<semaphore_mem>>)
      %dma_wait3A_134 = arith.constant 0 : i32
      %dma_wait3A_135 = arith.constant 0 : i32
      %dma_wait3A_136 = tpu.memref_slice %arg9[%dma_wait3A_134, %dma_wait3A_135] : memref<80x64xf32, #tpu.memory_space<vmem>> -> memref<80x64xf32, #tpu.memory_space<vmem>>
      %dma_wait3A_137 = arith.constant 0 : i32
      %dma_wait3A_138 = tpu.memref_slice %arg6[%arg0, %add3A_117, %dma_wait3A_137] : memref<2x10112x64xf32, #tpu.memory_space<hbm>> -> memref<1x80x64xf32, #tpu.memory_space<hbm>>
      %dma_wait3A_139 = tpu.memref_squeeze %dma_wait3A_138 : memref<1x80x64xf32, #tpu.memory_space<hbm>> -> memref<80x64xf32, #tpu.memory_space<hbm>>
      %dma_wait3A_140 = arith.constant 0 : i32
      %dma_wait3A_141 = tpu.memref_slice %arg6[%arg0, %add3A_117, %dma_wait3A_140] : memref<2x10112x64xf32, #tpu.memory_space<hbm>> -> memref<1x80x64xf32, #tpu.memory_space<hbm>>
      %dma_wait3A_142 = tpu.memref_squeeze %dma_wait3A_141 : memref<1x80x64xf32, #tpu.memory_space<hbm>> -> memref<80x64xf32, #tpu.memory_space<hbm>>
      %dma_wait3A_143 = arith.constant 0 : i32
      %dma_wait3A_144 = arith.constant 0 : i32
      %dma_wait3A_145 = tpu.memref_slice %arg9[%dma_wait3A_143, %dma_wait3A_144] : memref<80x64xf32, #tpu.memory_space<vmem>> -> memref<80x64xf32, #tpu.memory_space<vmem>>
      tpu.wait_dma2 semaphore(%run_scoped3A : memref<!tpu.dma_semaphore, #tpu.memory_space<semaphore_mem>>) src(%dma_wait3A_145 : memref<80x64xf32, #tpu.memory_space<vmem>>) dst(%dma_wait3A_142 : memref<80x64xf32, #tpu.memory_space<hbm>>)
      tpu.yield
    }) : () -> ()
    %add3A_118 = arith.constant 560 : i32
    %add3A_119 = arith.addi %mul3A_0, %add3A_118 : i32
    "tpu.region"() ({
      %run_scoped3A = tpu.sem_alloc : memref<!tpu.dma_semaphore, #tpu.memory_space<semaphore_mem>>
      %dma_start3A_122 = arith.constant 0 : i32
      %dma_start3A_123 = arith.constant 0 : i32
      %dma_start3A_124 = tpu.memref_slice %arg9[%dma_start3A_122, %dma_start3A_123] : memref<80x64xf32, #tpu.memory_space<vmem>> -> memref<72x64xf32, #tpu.memory_space<vmem>>
      %dma_start3A_125 = arith.constant 0 : i32
      %dma_start3A_126 = tpu.memref_slice %arg14[%add3A_119, %dma_start3A_125] : memref<10112x64xf32, #tpu.memory_space<vmem_shared>> -> memref<72x64xf32, #tpu.memory_space<vmem_shared>>
      %dma_start3A_127 = arith.constant 0 : i32
      %dma_start3A_128 = arith.constant 0 : i32
      %dma_start3A_129 = tpu.memref_slice %arg9[%dma_start3A_127, %dma_start3A_128] : memref<80x64xf32, #tpu.memory_space<vmem>> -> memref<72x64xf32, #tpu.memory_space<vmem>>
      %dma_start3A_130 = arith.constant 0 : i32
      %dma_start3A_131 = tpu.memref_slice %arg14[%add3A_119, %dma_start3A_130] : memref<10112x64xf32, #tpu.memory_space<vmem_shared>> -> memref<72x64xf32, #tpu.memory_space<vmem_shared>>
      tpu.enqueue_dma source(%dma_start3A_131 : memref<72x64xf32, #tpu.memory_space<vmem_shared>>) target(%dma_start3A_129 : memref<72x64xf32, #tpu.memory_space<vmem>>) target_semaphore(%run_scoped3A : memref<!tpu.dma_semaphore, #tpu.memory_space<semaphore_mem>>)
      %dma_wait3A_132 = arith.constant 0 : i32
      %dma_wait3A_133 = arith.constant 0 : i32
      %dma_wait3A_134 = tpu.memref_slice %arg9[%dma_wait3A_132, %dma_wait3A_133] : memref<80x64xf32, #tpu.memory_space<vmem>> -> memref<72x64xf32, #tpu.memory_space<vmem>>
      %dma_wait3A_135 = arith.constant 0 : i32
      %dma_wait3A_136 = tpu.memref_slice %arg14[%add3A_119, %dma_wait3A_135] : memref<10112x64xf32, #tpu.memory_space<vmem_shared>> -> memref<72x64xf32, #tpu.memory_space<vmem_shared>>
      %dma_wait3A_137 = arith.constant 0 : i32
      %dma_wait3A_138 = arith.constant 0 : i32
      %dma_wait3A_139 = tpu.memref_slice %arg9[%dma_wait3A_137, %dma_wait3A_138] : memref<80x64xf32, #tpu.memory_space<vmem>> -> memref<72x64xf32, #tpu.memory_space<vmem>>
      %dma_wait3A_140 = arith.constant 0 : i32
      %dma_wait3A_141 = tpu.memref_slice %arg14[%add3A_119, %dma_wait3A_140] : memref<10112x64xf32, #tpu.memory_space<vmem_shared>> -> memref<72x64xf32, #tpu.memory_space<vmem_shared>>
      tpu.wait_dma2 semaphore(%run_scoped3A : memref<!tpu.dma_semaphore, #tpu.memory_space<semaphore_mem>>) src(%dma_wait3A_141 : memref<72x64xf32, #tpu.memory_space<vmem_shared>>) dst(%dma_wait3A_139 : memref<72x64xf32, #tpu.memory_space<vmem>>)
      tpu.yield
    }) : () -> ()
    %add3A_120 = arith.constant 560 : i32
    %add3A_121 = arith.addi %mul3A_0, %add3A_120 : i32
    "tpu.region"() ({
      %run_scoped3A = tpu.sem_alloc : memref<!tpu.dma_semaphore, #tpu.memory_space<semaphore_mem>>
      %dma_start3A_122 = arith.constant 0 : i32
      %dma_start3A_123 = arith.constant 0 : i32
      %dma_start3A_124 = tpu.memref_slice %arg9[%dma_start3A_122, %dma_start3A_123] : memref<80x64xf32, #tpu.memory_space<vmem>> -> memref<72x64xf32, #tpu.memory_space<vmem>>
      %dma_start3A_125 = arith.constant 0 : i32
      %dma_start3A_126 = tpu.memref_slice %arg6[%arg0, %add3A_121, %dma_start3A_125] : memref<2x10112x64xf32, #tpu.memory_space<hbm>> -> memref<1x72x64xf32, #tpu.memory_space<hbm>>
      %dma_start3A_127 = tpu.memref_squeeze %dma_start3A_126 : memref<1x72x64xf32, #tpu.memory_space<hbm>> -> memref<72x64xf32, #tpu.memory_space<hbm>>
      %dma_start3A_128 = arith.constant 0 : i32
      %dma_start3A_129 = tpu.memref_slice %arg6[%arg0, %add3A_121, %dma_start3A_128] : memref<2x10112x64xf32, #tpu.memory_space<hbm>> -> memref<1x72x64xf32, #tpu.memory_space<hbm>>
      %dma_start3A_130 = tpu.memref_squeeze %dma_start3A_129 : memref<1x72x64xf32, #tpu.memory_space<hbm>> -> memref<72x64xf32, #tpu.memory_space<hbm>>
      %dma_start3A_131 = arith.constant 0 : i32
      %dma_start3A_132 = arith.constant 0 : i32
      %dma_start3A_133 = tpu.memref_slice %arg9[%dma_start3A_131, %dma_start3A_132] : memref<80x64xf32, #tpu.memory_space<vmem>> -> memref<72x64xf32, #tpu.memory_space<vmem>>
      tpu.enqueue_dma source(%dma_start3A_133 : memref<72x64xf32, #tpu.memory_space<vmem>>) target(%dma_start3A_130 : memref<72x64xf32, #tpu.memory_space<hbm>>) target_semaphore(%run_scoped3A : memref<!tpu.dma_semaphore, #tpu.memory_space<semaphore_mem>>)
      %dma_wait3A_134 = arith.constant 0 : i32
      %dma_wait3A_135 = arith.constant 0 : i32
      %dma_wait3A_136 = tpu.memref_slice %arg9[%dma_wait3A_134, %dma_wait3A_135] : memref<80x64xf32, #tpu.memory_space<vmem>> -> memref<72x64xf32, #tpu.memory_space<vmem>>
      %dma_wait3A_137 = arith.constant 0 : i32
      %dma_wait3A_138 = tpu.memref_slice %arg6[%arg0, %add3A_121, %dma_wait3A_137] : memref<2x10112x64xf32, #tpu.memory_space<hbm>> -> memref<1x72x64xf32, #tpu.memory_space<hbm>>
      %dma_wait3A_139 = tpu.memref_squeeze %dma_wait3A_138 : memref<1x72x64xf32, #tpu.memory_space<hbm>> -> memref<72x64xf32, #tpu.memory_space<hbm>>
      %dma_wait3A_140 = arith.constant 0 : i32
      %dma_wait3A_141 = tpu.memref_slice %arg6[%arg0, %add3A_121, %dma_wait3A_140] : memref<2x10112x64xf32, #tpu.memory_space<hbm>> -> memref<1x72x64xf32, #tpu.memory_space<hbm>>
      %dma_wait3A_142 = tpu.memref_squeeze %dma_wait3A_141 : memref<1x72x64xf32, #tpu.memory_space<hbm>> -> memref<72x64xf32, #tpu.memory_space<hbm>>
      %dma_wait3A_143 = arith.constant 0 : i32
      %dma_wait3A_144 = arith.constant 0 : i32
      %dma_wait3A_145 = tpu.memref_slice %arg9[%dma_wait3A_143, %dma_wait3A_144] : memref<80x64xf32, #tpu.memory_space<vmem>> -> memref<72x64xf32, #tpu.memory_space<vmem>>
      tpu.wait_dma2 semaphore(%run_scoped3A : memref<!tpu.dma_semaphore, #tpu.memory_space<semaphore_mem>>) src(%dma_wait3A_145 : memref<72x64xf32, #tpu.memory_space<vmem>>) dst(%dma_wait3A_142 : memref<72x64xf32, #tpu.memory_space<hbm>>)
      tpu.yield
    }) : () -> ()
    return
  }
}

module attributes {stable_mosaic.version = 14 : i64} {
  func.func @_prep_kernel(%arg0: i32, %arg1: memref<2x1000x16xf32, #tpu.memory_space<vmem>>, %arg2: memref<1000x128xf32, #tpu.memory_space<vmem>>, %arg3: memref<2x1000x64xf32, #tpu.memory_space<vmem>>) attributes {dimension_semantics = [#tpu.dimension_semantics<arbitrary>], iteration_bounds = array<i64: 10>, scalar_prefetch = 0 : i64, scratch_operands = 0 : i64, tpu.core_type = #tpu.core_type<tc>, window_params = [{transform_indices = @transform_0, window_bounds = array<i64: 2, 1000, 16>}, {transform_indices = @transform_1, window_bounds = array<i64: 1000, 128>}, {transform_indices = @transform_2, window_bounds = array<i64: 2, 1000, 64>}]} {
    %get3A = arith.constant 0 : index
    %get3A_0 = arith.constant 0 : index
    %get3A_1 = arith.constant 0 : index
    %get3A_2 = vector.load %arg1[%get3A, %get3A_0, %get3A_1] : memref<2x1000x16xf32, #tpu.memory_space<vmem>>, vector<1x1000x1xf32>
    %get3A_3 = vector.shape_cast %get3A_2 : vector<1x1000x1xf32> to vector<1000x1xf32>
    %get3A_4 = arith.constant 1 : index
    %get3A_5 = arith.constant 0 : index
    %get3A_6 = arith.constant 0 : index
    %get3A_7 = vector.load %arg1[%get3A_4, %get3A_5, %get3A_6] : memref<2x1000x16xf32, #tpu.memory_space<vmem>>, vector<1x1000x1xf32>
    %get3A_8 = vector.shape_cast %get3A_7 : vector<1x1000x1xf32> to vector<1000x1xf32>
    %add3A = arith.addf %get3A_3, %get3A_8 : vector<1000x1xf32>
    %add3A_9 = arith.constant 1.000000e+00 : f32
    %add3A_10 = vector.broadcast %add3A_9 : f32 to vector<1000x1xf32>
    %add3A_11 = arith.addf %add3A, %add3A_10 : vector<1000x1xf32>
    %rsqrt3A = math.rsqrt %add3A_11 : vector<1000x1xf32>
    %get3A_12 = arith.constant 0 : index
    %get3A_13 = arith.constant 0 : index
    %get3A_14 = vector.load %arg2[%get3A_12, %get3A_13] : memref<1000x128xf32, #tpu.memory_space<vmem>>, vector<1000x64xf32>
    %mul3A = vector.broadcast %rsqrt3A : vector<1000x1xf32> to vector<1000x64xf32>
    %mul3A_15 = arith.mulf %get3A_14, %mul3A : vector<1000x64xf32>
    %swap3A = arith.constant 0 : index
    %swap3A_16 = arith.constant 0 : index
    %swap3A_17 = arith.constant 0 : index
    %swap3A_18 = vector.load %arg3[%swap3A, %swap3A_16, %swap3A_17] : memref<2x1000x64xf32, #tpu.memory_space<vmem>>, vector<1x1000x64xf32>
    %swap3A_19 = vector.shape_cast %swap3A_18 : vector<1x1000x64xf32> to vector<1000x64xf32>
    %swap3A_20 = vector.shape_cast %mul3A_15 : vector<1000x64xf32> to vector<1x1000x64xf32>
    tpu.vector_store %arg3[%swap3A, %swap3A_16, %swap3A_17], %swap3A_20 {strides = array<i32>} : memref<2x1000x64xf32, #tpu.memory_space<vmem>>, vector<1x1000x64xf32>,
    %get3A_21 = arith.constant 0 : index
    %get3A_22 = arith.constant 64 : index
    %get3A_23 = vector.load %arg2[%get3A_21, %get3A_22] : memref<1000x128xf32, #tpu.memory_space<vmem>>, vector<1000x64xf32>
    %mul3A_24 = vector.broadcast %rsqrt3A : vector<1000x1xf32> to vector<1000x64xf32>
    %mul3A_25 = arith.mulf %get3A_23, %mul3A_24 : vector<1000x64xf32>
    %swap3A_26 = arith.constant 1 : index
    %swap3A_27 = arith.constant 0 : index
    %swap3A_28 = arith.constant 0 : index
    %swap3A_29 = vector.load %arg3[%swap3A_26, %swap3A_27, %swap3A_28] : memref<2x1000x64xf32, #tpu.memory_space<vmem>>, vector<1x1000x64xf32>
    %swap3A_30 = vector.shape_cast %swap3A_29 : vector<1x1000x64xf32> to vector<1000x64xf32>
    %swap3A_31 = vector.shape_cast %mul3A_25 : vector<1000x64xf32> to vector<1x1000x64xf32>
    tpu.vector_store %arg3[%swap3A_26, %swap3A_27, %swap3A_28], %swap3A_31 {strides = array<i32>} : memref<2x1000x64xf32, #tpu.memory_space<vmem>>, vector<1x1000x64xf32>,
    return
  }
  func.func @transform_0(%arg0: i32) -> (i32, i32, i32) {
    %c0_i32 = arith.constant 0 : i32
    %c0_i32_0 = arith.constant 0 : i32
    %c0_i32_1 = arith.constant 0 : i32
    return %c0_i32, %arg0, %c0_i32_0 : i32, i32, i32
  }
  func.func @transform_1(%arg0: i32) -> (i32, i32) {
    %c0_i32 = arith.constant 0 : i32
    %c0_i32_0 = arith.constant 0 : i32
    return %arg0, %c0_i32 : i32, i32
  }
  func.func @transform_2(%arg0: i32) -> (i32, i32, i32) {
    %c0_i32 = arith.constant 0 : i32
    %c0_i32_0 = arith.constant 0 : i32
    %c0_i32_1 = arith.constant 0 : i32
    return %c0_i32, %arg0, %c0_i32_0 : i32, i32, i32
  }
}

module attributes {stable_mosaic.version = 14 : i64} {
  func.func @_mm_kernel(%arg0: i32, %arg1: memref<2x1000x64xf32, #tpu.memory_space<vmem>>, %arg2: memref<2x1000x64xf32, #tpu.memory_space<vmem>>, %arg3: memref<2x1000x16xf32, #tpu.memory_space<vmem>>, %arg4: memref<128x256xf32, #tpu.memory_space<vmem>>, %arg5: memref<1x256xf32, #tpu.memory_space<vmem>>, %arg6: memref<256x128xf32, #tpu.memory_space<vmem>>, %arg7: memref<2x1000x64xf32, #tpu.memory_space<vmem>>) attributes {dimension_semantics = [#tpu.dimension_semantics<arbitrary>], iteration_bounds = array<i64: 10>, scalar_prefetch = 0 : i64, scratch_operands = 0 : i64, tpu.core_type = #tpu.core_type<tc>, window_params = [{transform_indices = @transform_0, window_bounds = array<i64: 2, 1000, 64>}, {transform_indices = @transform_1, window_bounds = array<i64: 2, 1000, 64>}, {transform_indices = @transform_2, window_bounds = array<i64: 2, 1000, 16>}, {pipeline_mode = #tpu.pipeline_mode<synchronous>, transform_indices = @transform_3, window_bounds = array<i64: 128, 256>}, {pipeline_mode = #tpu.pipeline_mode<synchronous>, transform_indices = @transform_4, window_bounds = array<i64: 1, 256>}, {pipeline_mode = #tpu.pipeline_mode<synchronous>, transform_indices = @transform_5, window_bounds = array<i64: 256, 128>}, {transform_indices = @transform_6, window_bounds = array<i64: 2, 1000, 64>}]} {
    %get3A = arith.constant 0 : index
    %get3A_0 = arith.constant 0 : index
    %get3A_1 = arith.constant 0 : index
    %get3A_2 = vector.load %arg3[%get3A, %get3A_0, %get3A_1] : memref<2x1000x16xf32, #tpu.memory_space<vmem>>, vector<1x1000x1xf32>
    %get3A_3 = vector.shape_cast %get3A_2 : vector<1x1000x1xf32> to vector<1000x1xf32>
    %get3A_4 = arith.constant 1 : index
    %get3A_5 = arith.constant 0 : index
    %get3A_6 = arith.constant 0 : index
    %get3A_7 = vector.load %arg3[%get3A_4, %get3A_5, %get3A_6] : memref<2x1000x16xf32, #tpu.memory_space<vmem>>, vector<1x1000x1xf32>
    %get3A_8 = vector.shape_cast %get3A_7 : vector<1x1000x1xf32> to vector<1000x1xf32>
    %add3A = arith.addf %get3A_3, %get3A_8 : vector<1000x1xf32>
    %add3A_9 = arith.constant 1.000000e+00 : f32
    %add3A_10 = vector.broadcast %add3A_9 : f32 to vector<1000x1xf32>
    %add3A_11 = arith.addf %add3A, %add3A_10 : vector<1000x1xf32>
    %rsqrt3A = math.rsqrt %add3A_11 : vector<1000x1xf32>
    %get3A_12 = arith.constant 0 : index
    %get3A_13 = arith.constant 0 : index
    %get3A_14 = arith.constant 0 : index
    %get3A_15 = vector.load %arg1[%get3A_12, %get3A_13, %get3A_14] : memref<2x1000x64xf32, #tpu.memory_space<vmem>>, vector<1x1000x64xf32>
    %get3A_16 = vector.shape_cast %get3A_15 : vector<1x1000x64xf32> to vector<1000x64xf32>
    %get3A_17 = arith.constant 0 : index
    %get3A_18 = arith.constant 0 : index
    %get3A_19 = arith.constant 0 : index
    %get3A_20 = vector.load %arg2[%get3A_17, %get3A_18, %get3A_19] : memref<2x1000x64xf32, #tpu.memory_space<vmem>>, vector<1x1000x64xf32>
    %get3A_21 = vector.shape_cast %get3A_20 : vector<1x1000x64xf32> to vector<1000x64xf32>
    %add3A_22 = arith.addf %get3A_16, %get3A_21 : vector<1000x64xf32>
    %mul3A = vector.broadcast %rsqrt3A : vector<1000x1xf32> to vector<1000x64xf32>
    %mul3A_23 = arith.mulf %add3A_22, %mul3A : vector<1000x64xf32>
    %get3A_24 = arith.constant 1 : index
    %get3A_25 = arith.constant 0 : index
    %get3A_26 = arith.constant 0 : index
    %get3A_27 = vector.load %arg1[%get3A_24, %get3A_25, %get3A_26] : memref<2x1000x64xf32, #tpu.memory_space<vmem>>, vector<1x1000x64xf32>
    %get3A_28 = vector.shape_cast %get3A_27 : vector<1x1000x64xf32> to vector<1000x64xf32>
    %get3A_29 = arith.constant 1 : index
    %get3A_30 = arith.constant 0 : index
    %get3A_31 = arith.constant 0 : index
    %get3A_32 = vector.load %arg2[%get3A_29, %get3A_30, %get3A_31] : memref<2x1000x64xf32, #tpu.memory_space<vmem>>, vector<1x1000x64xf32>
    %get3A_33 = vector.shape_cast %get3A_32 : vector<1x1000x64xf32> to vector<1000x64xf32>
    %add3A_34 = arith.addf %get3A_28, %get3A_33 : vector<1000x64xf32>
    %mul3A_35 = vector.broadcast %rsqrt3A : vector<1000x1xf32> to vector<1000x64xf32>
    %mul3A_36 = arith.mulf %add3A_34, %mul3A_35 : vector<1000x64xf32>
    %get3A_37 = arith.constant 0 : index
    %get3A_38 = arith.constant 0 : index
    %get3A_39 = vector.load %arg4[%get3A_37, %get3A_38] : memref<128x256xf32, #tpu.memory_space<vmem>>, vector<64x256xf32>
    %dot_general3A = arith.constant dense<0.000000e+00> : vector<1000x256xf32>
    %dot_general3A_40 = tpu.matmul %mul3A_23, %get3A_39, %dot_general3A {dimension_numbers = #tpu.dot_dimension_numbers<[1], [0], [0], [1], [0, 0, 1, 1], [], []>, transpose_lhs_hint = false} : vector<1000x64xf32>, vector<64x256xf32>, vector<1000x256xf32> -> vector<1000x256xf32>
    %get3A_41 = arith.constant 64 : index
    %get3A_42 = arith.constant 0 : index
    %get3A_43 = vector.load %arg4[%get3A_41, %get3A_42] : memref<128x256xf32, #tpu.memory_space<vmem>>, vector<64x256xf32>
    %dot_general3A_44 = arith.constant dense<0.000000e+00> : vector<1000x256xf32>
    %dot_general3A_45 = tpu.matmul %mul3A_36, %get3A_43, %dot_general3A_44 {dimension_numbers = #tpu.dot_dimension_numbers<[1], [0], [0], [1], [0, 0, 1, 1], [], []>, transpose_lhs_hint = false} : vector<1000x64xf32>, vector<64x256xf32>, vector<1000x256xf32> -> vector<1000x256xf32>
    %add3A_46 = arith.addf %dot_general3A_40, %dot_general3A_45 : vector<1000x256xf32>
    %get3A_47 = arith.constant 0 : index
    %get3A_48 = arith.constant 0 : index
    %get3A_49 = vector.load %arg5[%get3A_47, %get3A_48] : memref<1x256xf32, #tpu.memory_space<vmem>>, vector<1x256xf32>
    %add3A_50 = vector.broadcast %get3A_49 : vector<1x256xf32> to vector<1000x256xf32>
    %add3A_51 = arith.addf %add3A_46, %add3A_50 : vector<1000x256xf32>
    %max3A = arith.constant 0.000000e+00 : f32
    %max3A_52 = vector.broadcast %max3A : f32 to vector<1000x256xf32>
    %max3A_53 = arith.maximumf %add3A_51, %max3A_52 : vector<1000x256xf32>
    %get3A_54 = arith.constant 0 : index
    %get3A_55 = arith.constant 0 : index
    %get3A_56 = vector.load %arg6[%get3A_54, %get3A_55] : memref<256x128xf32, #tpu.memory_space<vmem>>, vector<256x64xf32>
    %dot_general3A_57 = arith.constant dense<0.000000e+00> : vector<1000x64xf32>
    %dot_general3A_58 = tpu.matmul %max3A_53, %get3A_56, %dot_general3A_57 {dimension_numbers = #tpu.dot_dimension_numbers<[1], [0], [0], [1], [0, 0, 1, 1], [], []>, transpose_lhs_hint = false} : vector<1000x256xf32>, vector<256x64xf32>, vector<1000x64xf32> -> vector<1000x64xf32>
    %mul3A_59 = vector.broadcast %rsqrt3A : vector<1000x1xf32> to vector<1000x64xf32>
    %mul3A_60 = arith.mulf %dot_general3A_58, %mul3A_59 : vector<1000x64xf32>
    %swap3A = arith.constant 0 : index
    %swap3A_61 = arith.constant 0 : index
    %swap3A_62 = arith.constant 0 : index
    %swap3A_63 = vector.load %arg7[%swap3A, %swap3A_61, %swap3A_62] : memref<2x1000x64xf32, #tpu.memory_space<vmem>>, vector<1x1000x64xf32>
    %swap3A_64 = vector.shape_cast %swap3A_63 : vector<1x1000x64xf32> to vector<1000x64xf32>
    %swap3A_65 = vector.shape_cast %mul3A_60 : vector<1000x64xf32> to vector<1x1000x64xf32>
    tpu.vector_store %arg7[%swap3A, %swap3A_61, %swap3A_62], %swap3A_65 {strides = array<i32>} : memref<2x1000x64xf32, #tpu.memory_space<vmem>>, vector<1x1000x64xf32>,
    %get3A_66 = arith.constant 0 : index
    %get3A_67 = arith.constant 64 : index
    %get3A_68 = vector.load %arg6[%get3A_66, %get3A_67] : memref<256x128xf32, #tpu.memory_space<vmem>>, vector<256x64xf32>
    %dot_general3A_69 = arith.constant dense<0.000000e+00> : vector<1000x64xf32>
    %dot_general3A_70 = tpu.matmul %max3A_53, %get3A_68, %dot_general3A_69 {dimension_numbers = #tpu.dot_dimension_numbers<[1], [0], [0], [1], [0, 0, 1, 1], [], []>, transpose_lhs_hint = false} : vector<1000x256xf32>, vector<256x64xf32>, vector<1000x64xf32> -> vector<1000x64xf32>
    %mul3A_71 = vector.broadcast %rsqrt3A : vector<1000x1xf32> to vector<1000x64xf32>
    %mul3A_72 = arith.mulf %dot_general3A_70, %mul3A_71 : vector<1000x64xf32>
    %swap3A_73 = arith.constant 1 : index
    %swap3A_74 = arith.constant 0 : index
    %swap3A_75 = arith.constant 0 : index
    %swap3A_76 = vector.load %arg7[%swap3A_73, %swap3A_74, %swap3A_75] : memref<2x1000x64xf32, #tpu.memory_space<vmem>>, vector<1x1000x64xf32>
    %swap3A_77 = vector.shape_cast %swap3A_76 : vector<1x1000x64xf32> to vector<1000x64xf32>
    %swap3A_78 = vector.shape_cast %mul3A_72 : vector<1000x64xf32> to vector<1x1000x64xf32>
    tpu.vector_store %arg7[%swap3A_73, %swap3A_74, %swap3A_75], %swap3A_78 {strides = array<i32>} : memref<2x1000x64xf32, #tpu.memory_space<vmem>>, vector<1x1000x64xf32>,
    return
  }
  func.func @transform_0(%arg0: i32) -> (i32, i32, i32) {
    %c0_i32 = arith.constant 0 : i32
    %c0_i32_0 = arith.constant 0 : i32
    %c0_i32_1 = arith.constant 0 : i32
    return %c0_i32, %arg0, %c0_i32_0 : i32, i32, i32
  }
  func.func @transform_1(%arg0: i32) -> (i32, i32, i32) {
    %c0_i32 = arith.constant 0 : i32
    %c0_i32_0 = arith.constant 0 : i32
    %c0_i32_1 = arith.constant 0 : i32
    return %c0_i32, %arg0, %c0_i32_0 : i32, i32, i32
  }
  func.func @transform_2(%arg0: i32) -> (i32, i32, i32) {
    %c0_i32 = arith.constant 0 : i32
    %c0_i32_0 = arith.constant 0 : i32
    %c0_i32_1 = arith.constant 0 : i32
    return %c0_i32, %arg0, %c0_i32_0 : i32, i32, i32
  }
  func.func @transform_3(%arg0: i32) -> (i32, i32) {
    %c0_i32 = arith.constant 0 : i32
    %c0_i32_0 = arith.constant 0 : i32
    %c0_i32_1 = arith.constant 0 : i32
    return %c0_i32, %c0_i32_0 : i32, i32
  }
  func.func @transform_4(%arg0: i32) -> (i32, i32) {
    %c0_i32 = arith.constant 0 : i32
    %c0_i32_0 = arith.constant 0 : i32
    %c0_i32_1 = arith.constant 0 : i32
    return %c0_i32, %c0_i32_0 : i32, i32
  }
  func.func @transform_5(%arg0: i32) -> (i32, i32) {
    %c0_i32 = arith.constant 0 : i32
    %c0_i32_0 = arith.constant 0 : i32
    %c0_i32_1 = arith.constant 0 : i32
    return %c0_i32, %c0_i32_0 : i32, i32
  }
  func.func @transform_6(%arg0: i32) -> (i32, i32, i32) {
    %c0_i32 = arith.constant 0 : i32
    %c0_i32_0 = arith.constant 0 : i32
    %c0_i32_1 = arith.constant 0 : i32
    return %c0_i32, %arg0, %c0_i32_0 : i32, i32, i32
  }
}

module attributes {stable_mosaic.version = 14 : i64} {
  func.func @_fin_kernel(%arg0: i32, %arg1: memref<2x1000x64xf32, #tpu.memory_space<vmem>>, %arg2: memref<2x1000x64xf32, #tpu.memory_space<vmem>>, %arg3: memref<2x1000x16xf32, #tpu.memory_space<vmem>>, %arg4: memref<1x128xf32, #tpu.memory_space<vmem>>, %arg5: memref<1000x128xf32, #tpu.memory_space<vmem>>) attributes {dimension_semantics = [#tpu.dimension_semantics<arbitrary>], iteration_bounds = array<i64: 10>, scalar_prefetch = 0 : i64, scratch_operands = 0 : i64, tpu.core_type = #tpu.core_type<tc>, window_params = [{transform_indices = @transform_0, window_bounds = array<i64: 2, 1000, 64>}, {transform_indices = @transform_1, window_bounds = array<i64: 2, 1000, 64>}, {transform_indices = @transform_2, window_bounds = array<i64: 2, 1000, 16>}, {pipeline_mode = #tpu.pipeline_mode<synchronous>, transform_indices = @transform_3, window_bounds = array<i64: 1, 128>}, {transform_indices = @transform_4, window_bounds = array<i64: 1000, 128>}]} {
    %get3A = arith.constant 0 : index
    %get3A_0 = arith.constant 0 : index
    %get3A_1 = arith.constant 0 : index
    %get3A_2 = vector.load %arg3[%get3A, %get3A_0, %get3A_1] : memref<2x1000x16xf32, #tpu.memory_space<vmem>>, vector<1x1000x1xf32>
    %get3A_3 = vector.shape_cast %get3A_2 : vector<1x1000x1xf32> to vector<1000x1xf32>
    %get3A_4 = arith.constant 1 : index
    %get3A_5 = arith.constant 0 : index
    %get3A_6 = arith.constant 0 : index
    %get3A_7 = vector.load %arg3[%get3A_4, %get3A_5, %get3A_6] : memref<2x1000x16xf32, #tpu.memory_space<vmem>>, vector<1x1000x1xf32>
    %get3A_8 = vector.shape_cast %get3A_7 : vector<1x1000x1xf32> to vector<1000x1xf32>
    %add3A = arith.addf %get3A_3, %get3A_8 : vector<1000x1xf32>
    %add3A_9 = arith.constant 1.000000e+00 : f32
    %add3A_10 = vector.broadcast %add3A_9 : f32 to vector<1000x1xf32>
    %add3A_11 = arith.addf %add3A, %add3A_10 : vector<1000x1xf32>
    %rsqrt3A = math.rsqrt %add3A_11 : vector<1000x1xf32>
    %get3A_12 = arith.constant 0 : index
    %get3A_13 = arith.constant 0 : index
    %get3A_14 = arith.constant 0 : index
    %get3A_15 = vector.load %arg1[%get3A_12, %get3A_13, %get3A_14] : memref<2x1000x64xf32, #tpu.memory_space<vmem>>, vector<1x1000x64xf32>
    %get3A_16 = vector.shape_cast %get3A_15 : vector<1x1000x64xf32> to vector<1000x64xf32>
    %get3A_17 = arith.constant 0 : index
    %get3A_18 = arith.constant 0 : index
    %get3A_19 = arith.constant 0 : index
    %get3A_20 = vector.load %arg2[%get3A_17, %get3A_18, %get3A_19] : memref<2x1000x64xf32, #tpu.memory_space<vmem>>, vector<1x1000x64xf32>
    %get3A_21 = vector.shape_cast %get3A_20 : vector<1x1000x64xf32> to vector<1000x64xf32>
    %add3A_22 = arith.addf %get3A_16, %get3A_21 : vector<1000x64xf32>
    %mul3A = vector.broadcast %rsqrt3A : vector<1000x1xf32> to vector<1000x64xf32>
    %mul3A_23 = arith.mulf %add3A_22, %mul3A : vector<1000x64xf32>
    %get3A_24 = arith.constant 0 : index
    %get3A_25 = arith.constant 0 : index
    %get3A_26 = vector.load %arg4[%get3A_24, %get3A_25] : memref<1x128xf32, #tpu.memory_space<vmem>>, vector<1x64xf32>
    %add3A_27 = vector.broadcast %get3A_26 : vector<1x64xf32> to vector<1000x64xf32>
    %add3A_28 = arith.addf %mul3A_23, %add3A_27 : vector<1000x64xf32>
    %swap3A = arith.constant 0 : index
    %swap3A_29 = arith.constant 0 : index
    %swap3A_30 = vector.load %arg5[%swap3A, %swap3A_29] : memref<1000x128xf32, #tpu.memory_space<vmem>>, vector<1000x64xf32>
    tpu.vector_store %arg5[%swap3A, %swap3A_29], %add3A_28 {strides = array<i32>} : memref<1000x128xf32, #tpu.memory_space<vmem>>, vector<1000x64xf32>,
    %get3A_31 = arith.constant 1 : index
    %get3A_32 = arith.constant 0 : index
    %get3A_33 = arith.constant 0 : index
    %get3A_34 = vector.load %arg1[%get3A_31, %get3A_32, %get3A_33] : memref<2x1000x64xf32, #tpu.memory_space<vmem>>, vector<1x1000x64xf32>
    %get3A_35 = vector.shape_cast %get3A_34 : vector<1x1000x64xf32> to vector<1000x64xf32>
    %get3A_36 = arith.constant 1 : index
    %get3A_37 = arith.constant 0 : index
    %get3A_38 = arith.constant 0 : index
    %get3A_39 = vector.load %arg2[%get3A_36, %get3A_37, %get3A_38] : memref<2x1000x64xf32, #tpu.memory_space<vmem>>, vector<1x1000x64xf32>
    %get3A_40 = vector.shape_cast %get3A_39 : vector<1x1000x64xf32> to vector<1000x64xf32>
    %add3A_41 = arith.addf %get3A_35, %get3A_40 : vector<1000x64xf32>
    %mul3A_42 = vector.broadcast %rsqrt3A : vector<1000x1xf32> to vector<1000x64xf32>
    %mul3A_43 = arith.mulf %add3A_41, %mul3A_42 : vector<1000x64xf32>
    %get3A_44 = arith.constant 0 : index
    %get3A_45 = arith.constant 64 : index
    %get3A_46 = vector.load %arg4[%get3A_44, %get3A_45] : memref<1x128xf32, #tpu.memory_space<vmem>>, vector<1x64xf32>
    %add3A_47 = vector.broadcast %get3A_46 : vector<1x64xf32> to vector<1000x64xf32>
    %add3A_48 = arith.addf %mul3A_43, %add3A_47 : vector<1000x64xf32>
    %swap3A_49 = arith.constant 0 : index
    %swap3A_50 = arith.constant 64 : index
    %swap3A_51 = vector.load %arg5[%swap3A_49, %swap3A_50] : memref<1000x128xf32, #tpu.memory_space<vmem>>, vector<1000x64xf32>
    tpu.vector_store %arg5[%swap3A_49, %swap3A_50], %add3A_48 {strides = array<i32>} : memref<1000x128xf32, #tpu.memory_space<vmem>>, vector<1000x64xf32>,
    return
  }
  func.func @transform_0(%arg0: i32) -> (i32, i32, i32) {
    %c0_i32 = arith.constant 0 : i32
    %c0_i32_0 = arith.constant 0 : i32
    %c0_i32_1 = arith.constant 0 : i32
    return %c0_i32, %arg0, %c0_i32_0 : i32, i32, i32
  }
  func.func @transform_1(%arg0: i32) -> (i32, i32, i32) {
    %c0_i32 = arith.constant 0 : i32
    %c0_i32_0 = arith.constant 0 : i32
    %c0_i32_1 = arith.constant 0 : i32
    return %c0_i32, %arg0, %c0_i32_0 : i32, i32, i32
  }
  func.func @transform_2(%arg0: i32) -> (i32, i32, i32) {
    %c0_i32 = arith.constant 0 : i32
    %c0_i32_0 = arith.constant 0 : i32
    %c0_i32_1 = arith.constant 0 : i32
    return %c0_i32, %arg0, %c0_i32_0 : i32, i32, i32
  }
  func.func @transform_3(%arg0: i32) -> (i32, i32) {
    %c0_i32 = arith.constant 0 : i32
    %c0_i32_0 = arith.constant 0 : i32
    %c0_i32_1 = arith.constant 0 : i32
    return %c0_i32, %c0_i32_0 : i32, i32
  }
  func.func @transform_4(%arg0: i32) -> (i32, i32) {
    %c0_i32 = arith.constant 0 : i32
    %c0_i32_0 = arith.constant 0 : i32
    return %arg0, %c0_i32 : i32, i32
  }
}

</mosaic_0001>

<sc_bundles>
// kernel: kernel.11.cloned.1.call-start
scs
__scs_entry_jumppad:
0x0: {  	(pc) =	sbr.rel $0x88, $3  }
0x1: {  	(tag) =	ssettag $0x0;
	lr =	simm.s32 $0x1  }
0x2: {  	[smem:$0x3F9B] =	sst lr;
	_ =	strace $0xD0000000  }
0x3: {  	_ = 	snop  }
0x4: {  	_ = 	snop  }
0x5: {  	_ = 	snop  }
0x6: {  	_ = 	snop  }
0x7: {  	_ = 	snop  }
__scs_overlays_trampoline_lowered:
0x8: {  	[smem:$0x3FAA] =	sst s0  }
0x9: {  	[smem:$0x3FAB] =	sst s1  }
0xa: {  	[smem:$0x3FAC] =	sst s2  }
0xb: {  	[smem:$0x3FAD] =	sst s3  }
0xc: {  	[smem:$0x3FAE] =	sst s4  }
0xd: {  	[smem:$0x3FAF] =	sst s5  }
0xe: {  	[smem:$0x3FB0] =	sst s6  }
0xf: {  	[smem:$0x3FB1] =	sst s7  }
0x10: {  	[smem:$0x3FB2] =	sst s8  }
0x11: {  	[smem:$0x3FB3] =	sst s9;
	s0 =	simm.s32 @!p0 $0x0  }
0x12: {  	s1 =	sld [smem:$0x3F99];
	s0 =	simm.s32 @p0 $0x1  }
0x13: {  	[smem:$0x3FB4] =	sst s0;
	s0 =	simm.s32 @!p1 $0x0  }
0x14: {  	s2 =	sld [smem:$0x3F98];
	s0 =	simm.s32 @p1 $0x1  }
0x15: {  	[smem:$0x3FB5] =	sst s0;
	s0 =	simm.s32 @!p2 $0x0  }
0x16: {  	s3 =	sld [smem:$0x3FDB];
	s0 =	simm.s32 @p2 $0x1  }
0x17: {  	s4 =	simm.s32 $0x1BF5;
	[smem:$0x3FB7] =	sst s0  }
0x18: {  	s0 =	sld [smem:$0x3F9A];
	_ =	swait.ge [sflag:s4], $0x0  }
0x19: {  	s7 =	sld [smem:$0x3F9B]  }
0x1a: {  	s8 =	sadd.s32 $0xFFFFE003, lr  }
0x1b: {  	s9 =	sadd.s32 $0xFFFFFEF7, lr;
	s5 =	simm.s32 $0xFFFFFFFF;
	p2 =	slt.u32 s8, $0xFFFFF086  }
0x1c: {  	p1 =	slt.u32 s9, $0xF7A;
	s5 =	simm.s32 @!p2 $0x0  }
0x1d: {  	s5 =	simm.s32 @p1 $0x1;
	p0 =	seq.s32 s7, s2  }
0x1e: {  	s7 =	smul.u32 @!p0 $0xF7A, s2;
	p2 =	seq.s32 @!p0 s5, $0x0  }
0x1f: {  	s9 =	smul.u32 $0xF7A, s1;
	s8 =	simm.s32 @!p0 $0x1BF5;
	p2 =	por !p2, p0  }
0x20: {  	[sflag:s8] =	ssyncset.s32 @!p0 $0xFFFFF086;
	s6 =	sadd.s32 @!p0 s3, s7;
	s7 =	simm.s32 @!p0 $0x108  }
0x21: {  	s3 =	sadd.s32 s3, s9;
	s6 =	sadd.s32 @!p0 $0x88, s6;
	s7 =	simm.s32 @p2 $0x1082  }
0x22: {  	[simem:s7], [sflag:s8] =	dma.local @!p0 [hbm:s6], $0xF7A  }
0x23: {  	s9 =	sor.u32 $0xD0000000, s2;
	s6 =	simm.s32 $0x108;
	_ =	swait.ge @!p0 [sflag:s8], $0x0  }
0x24: {  	s3 =	sadd.s32 $0x88, s3;
	s6 =	simm.s32 @!p1 $0x1082;
	[sflag:s4] =	ssyncset.s32 $0xFFFFF086  }
0x25: {  	[simem:s6], [sflag:s4] =	dma.local [hbm:s3], $0xF7A  }
0x26: {  	[smem:$0x3F9B] =	sst s1;
	(tag) =	ssettag s2;
	_ =	strace s9  }
0x27: {  	s1 =	sld [smem:$0x3FAB]  }
0x28: {  	s2 =	sld [smem:$0x3FAC]  }
0x29: {  	s4 =	sld [smem:$0x3FAE]  }
0x2a: {  	p0 =	seq.s32 s5, $0x0;
	s5 =	sld [smem:$0x3FAF]  }
0x2b: {  	s6 =	sld [smem:$0x3FB0]  }
0x2c: {  	s7 =	sld [smem:$0x3FB1]  }
0x2d: {  	s3 =	simm.s32 $0x108;
	s8 =	sld [smem:$0x3FB2]  }
0x2e: {  	s3 =	simm.s32 @!p0 $0x1082;
	s9 =	sld [smem:$0x3FB3]  }
0x2f: {  	lr =	sadd.s32 s0, s3;
	s0 =	sld [smem:$0x3FAA]  }
0x30: {  	s3 =	sld [smem:$0x3FAD]  }
0x31: {  	[smem:$0x3FB6] =	sst s10  }
0x32: {  	s10 =	sld [smem:$0x3FB4];
	_ =	sdelay $0x3  }
0x33: {  	p0 =	seq.s32 s10, $0x1;
	s10 =	sld [smem:$0x3FB6];
	_ =	sdelay $0x3  }
0x34: {  	[smem:$0x3FB6] =	sst s10  }
0x35: {  	s10 =	sld [smem:$0x3FB5];
	_ =	sdelay $0x3  }
0x36: {  	p1 =	seq.s32 s10, $0x1;
	s10 =	sld [smem:$0x3FB6];
	_ =	sdelay $0x3  }
0x37: {  	[smem:$0x3FB6] =	sst s10  }
0x38: {  	s10 =	sld [smem:$0x3FB7]  }
0x39: {  	_ = 	snop;
	(pc) =	sbr.ind lr, $3  }
0x3a: {  	_ = 	snop  }
0x3b: {  	_ = 	snop  }
0x3c: {  	p2 =	seq.s32 s10, $0x1;
	s10 =	sld [smem:$0x3FB6]  }
0x3d: {  	_ =	shalt  }
0x3e: {  	_ =	shalt  }
0x3f: {  	_ =	shalt  }
0x40: {  	_ =	shalt  }
0x41: {  	_ =	shalt  }
0x42: {  	_ =	shalt  }
0x43: {  	_ =	shalt  }
0x44: {  	_ =	shalt  }
0x45: {  	_ =	shalt  }
0x46: {  	_ =	shalt  }
0x47: {  	_ =	shalt  }
0x48: {  	_ =	shalt  }
0x49: {  	_ =	shalt  }
0x4a: {  	_ =	shalt  }
0x4b: {  	_ =	shalt  }
0x4c: {  	_ =	shalt  }
0x4d: {  	_ =	shalt  }
0x4e: {  	_ =	shalt  }
0x4f: {  	_ =	shalt  }
0x50: {  	_ =	shalt  }
0x51: {  	_ =	shalt  }
0x52: {  	_ =	shalt  }
0x53: {  	_ =	shalt  }
0x54: {  	_ =	shalt  }
0x55: {  	_ =	shalt  }
0x56: {  	_ =	shalt  }
0x57: {  	_ =	shalt  }
0x58: {  	_ =	shalt  }
0x59: {  	_ =	shalt  }
0x5a: {  	_ =	shalt  }
0x5b: {  	_ =	shalt  }
0x5c: {  	_ =	shalt  }
0x5d: {  	_ =	shalt  }
0x5e: {  	_ =	shalt  }
0x5f: {  	_ =	shalt  }
0x60: {  	_ =	shalt  }
0x61: {  	_ =	shalt  }
0x62: {  	_ =	shalt  }
0x63: {  	_ =	shalt  }
0x64: {  	_ =	shalt  }
0x65: {  	_ =	shalt  }
0x66: {  	_ =	shalt  }
0x67: {  	_ =	shalt  }
0x68: {  	_ =	shalt  }
0x69: {  	_ =	shalt  }
0x6a: {  	_ =	shalt  }
0x6b: {  	_ =	shalt  }
0x6c: {  	_ =	shalt  }
0x6d: {  	_ =	shalt  }
0x6e: {  	_ =	shalt  }
0x6f: {  	_ =	shalt  }
0x70: {  	_ =	shalt  }
0x71: {  	_ =	shalt  }
0x72: {  	_ =	shalt  }
0x73: {  	_ =	shalt  }
0x74: {  	_ =	shalt  }
0x75: {  	_ =	shalt  }
0x76: {  	_ =	shalt  }
0x77: {  	_ =	shalt  }
0x78: {  	_ =	shalt  }
0x79: {  	_ =	shalt  }
0x7a: {  	_ =	shalt  }
0x7b: {  	_ =	shalt  }
0x7c: {  	_ =	shalt  }
0x7d: {  	_ =	shalt  }
0x7e: {  	_ =	shalt  }
0x7f: {  	_ =	shalt  }
0x80: {  	_ =	shalt  }
0x81: {  	_ =	shalt  }
0x82: {  	_ =	shalt  }
0x83: {  	_ =	shalt  }
0x84: {  	_ =	shalt  }
0x85: {  	_ =	shalt  }
0x86: {  	_ =	shalt  }
0x87: {  	_ =	shalt  }
.Lfunc_end0:
.L_simem_size_0:
called_computation.1_lowered:
.L_overlay_start_0:
0x88: {  	s2 =	sld [smem:$0x3FD9]  }
0x89: {  	s3 =	sld [smem:$0x3FFE];
	_ =	sdelay $0x1  }
0x8a: {  	s1 =	srdreg.scid  }
0x8b: {  	s0 =	sand.u32 $0x1, s1  }
0x8c: {  	s17 =	sshll.u32 s0, $0xA;
	s2 =	sadd.s32 s3, s2  }
0x8d: {  	s2 =	sadd.s32 s2, s17  }
0x8e: {  	[smem:$0x3FC2] =	sst s2  }
0x8f: {  	_ = 	snop  }
0x90: {  	s2 =	sld [smem:$0x3FD0];
	(tm) =	ssettm $0x1  }
0x91: {  	s18 =	sld [smem:$0x3FFB];
	_ =	sdelay $0x3  }
0x92: {  	_ =	strace s18  }
0x93: {  	s3 =	sld [smem:$0x3FFC];
	_ =	sdelay $0x3  }
0x94: {  	_ =	strace s3  }
0x95: {  	s3 =	sld [smem:$0x3FFD];
	_ =	sdelay $0x3  }
0x96: {  	_ =	strace s3  }
0x97: {  	_ =	strace $0x8FFFFFFF  }
0x98: {  	s19 =	sld [smem:$0x3FDB];
	_ =	sdelay $0x1  }
0x99: {  	s4 =	simm.s32 $_scs_section_size  }
0x9a: {  	s5 =	simm.s32 $_size__tile_overlayer_lowered;
	s6 =	simm.s32 $_tile_overlayer_lowered  }
0x9b: {  	s22 =	simm.s32 $0x1BFF;
	s21 =	sshll.u32 s6, $0x1;
	s3 =	sadd.s32 s4, s19  }
0x9c: {  	s7 =	simm.s32 $0x0;
	s20 =	sshll.u32 s5, $0x1;
	s5 =	sadd.s32 s21, s3  }
0x9d: {  	[timem:s7], [sflag:s22] =	dma.local [hbm:s5], s20  }
0x9e: {  	_ =	swait.ge [sflag:s22], s20  }
0x9f: {  	s4 =	ssub.s32 $0x0, s20;
	[sflag:s22] =	ssyncset.done $0x0  }
0xa0: {  	[sflag:s22] =	ssyncadd.s32 s4;
	_ =	sdelay $0x1  }
0xa1: {  	s23 =	simm.s32 $0x1B8B  }
0xa2: {  	_ =	swait.ge [sflag:s23], $0x1  }
0xa3: {  	[sflag:s23] =	ssyncset.done $0x0  }
0xa4: {  	s25 =	simm.s32 $0x1B8E;
	s24 =	sld [smem:$0x3FFE];
	[sflag:s23] =	ssyncadd.s32 $0xFFFFFFFF  }
0xa5: {  	s26 =	simm.s32 $execute0_lowered;
	[smem:$0x3FD2] =	sst s25  }
0xa6: {  	s5 =	sshll.u32 s26, $0x1;
	_ =	strace $0x80000049;
	[dreg:$0x1] =	wrdreg $0xFFFFFFFF  }
0xa7: {  	s28 =	simm.s32 $_size_execute0_lowered;
	s3 =	sadd.s32 s3, s5;
	[dreg:$0x0] =	wrdreg $0x0  }
0xa8: {  	s5 =	sshll.u32 s28, $0x1;
	[dreg:$0x2] =	wrdreg s3  }
0xa9: {  	[dreg:$0x3] =	wrdreg s5  }
0xaa: {  	[dreg:$0x4] =	wrdreg $0xC0  }
0xab: {  	_ =	task [dreg:s7], $0x5FFFF  }
0xac: {  	[dreg:$0x1] =	wrdreg $0xFFFFFFFF  }
0xad: {  	[dreg:$0x0] =	wrdreg $0x60  }
0xae: {  	[dreg:$0x2] =	wrdreg s2  }
0xaf: {  	[dreg:$0x3] =	wrdreg s24  }
0xb0: {  	[dreg:$0x4] =	wrdreg $0x100400  }
0xb1: {  	[dreg:$0x5] =	wrdreg $0x9  }
0xb2: {  	_ =	task.clear_ibuf [dreg:s7], $0x6FFFF;
	_ =	strace $0x90000049  }
0xb3: {  	s29 =	simm.s32 $0x9;
	_ =	strace $0x8000004B  }
0xb4: {  	_ =	swait.ge [sflag:s29], $0x1  }
0xb5: {  	[sflag:s29] =	ssyncadd.s32 $0xFFFFFFFF  }
0xb6: {  	_ =	strace $0x9000004B  }
0xb7: {  	_ =	sfence  }
0xb8: {  	s30 =	sld [smem:$0x0];
	_ =	sdelay $0x2  }
0xb9: {  	s31 =	sshll.u32 s1, $0xD;
	s1 =	sshrl.u32 s1, $0x2  }
0xba: {  	s3 =	sand.u32 $0x4000, s31;
	s1 =	sadd.s32 s1, s30  }
0xbb: {  	s0 =	sor.u32 s3, s0;
	s1 =	sshll.u32 s1, $0x11  }
0xbc: {  	s0 =	sor.u32 s1, s0  }
0xbd: {  	s0 =	sadd.s32 $0x8F2B, s0  }
0xbe: {  	[sflag:s0] =	ssyncadd.remote.s32 $0x1  }
0xbf: {  	_ =	sfence.sel $0xFFFF  }
0xc0: {  	[dreg:$0x0] =	wrdreg $0xFFFFFFFF;
	(pc) =	sbr.abs _section_cstart, $3  }
0xc1: {  	[dreg:$0x1] =	wrdreg $0xFFFFFFFF  }
0xc2: {  	_ =	task.clear_ibuf [dreg:s7], $0x2FFFF;
	_ =	strace $0x9FFFFFFF  }
0xc3: {  	(tm) =	ssettm $0x7FFFFFFF  }
tec
execute0_lowered:
.L_overlay_start_1:
0x0: {  	(tag) =	ssettag $0x1  }
0x1: {  	s0 =	srdreg.scid;
	s2 =	rddreg [dreg:$0x0]  }
0x2: {  	s9 =	stileid.u32;
	s5 =	rddreg [dreg:$0x1]  }
0x3: {  	s3 =	rddreg [dreg:$0x2];
	s4 =	simm.s32 $0x0;
	s28 =	simm.s32 $0x9C40  }
0x4: {  	s29 =	simm.s32 $0x50;
	s30 =	simm.s32 $0xB040;
	s1 =	smul.u32 $0x4E20, s9  }
0x5: {  	s31 =	simm.s32 $0x1;
	s0 =	sand.u32 $0x1, s0;
	s15 =	smul.u32 $0x9E00, s9  }
0x6: {  	[smem:$0x7FF] =	sst s4;
	s7 =	sadd.s32 $0xB000, s5;
	s6 =	smul.u32 $0x4E200, s0  }
0x7: {  	_ =	strace $0x8000004A;
	[dreg:$0x4] =	wrdreg s7;
	s20 =	ssub.s32 $0x2, s0  }
0x8: {  	s0 =	smul.u32 $0x9E000, s0;
	s8 =	sshrl.u32 s20, $0x1;
	s9 =	sadd.s32 s15, s3  }
0x9: {  	s21 =	sadd.s32 $0x1400, s15;
	s22 =	sadd.s32 $0x2800, s15;
	s25 =	sadd.s32 $0x3C00, s15  }
0xa: {  	s16 =	sadd.s32 $0x5000, s15;
	s17 =	sadd.s32 $0x6400, s15;
	s18 =	sadd.s32 $0x7800, s15  }
0xb: {  	s6 =	sadd.s32 s1, s6;
	s1 =	sshrl.u32 s1, $0x3;
	s7 =	ssub.s32 s20, s8  }
0xc: {  	s10 =	sadd.s32 s21, s3;
	s11 =	sadd.s32 s22, s3;
	s12 =	sadd.s32 s25, s3  }
0xd: {  	s23 =	sadd.s32 s16, s3;
	s24 =	sadd.s32 s17, s3;
	s13 =	sadd.s32 s18, s3  }
0xe: {  	s19 =	sadd.s32 s15, s0;
	s15 =	sadd.s32 $0x8C00, s15;
	s8 =	sadd.s32 s0, s25  }
0xf: {  	s16 =	sadd.s32 s0, s16;
	s17 =	sadd.s32 s0, s17;
	s18 =	sadd.s32 s0, s18  }
0x10: {  	s6 =	sshrl.u32 s6, $0x3;
	s1 =	sadd.s32 s1, s5;
	[dreg:$0x7] =	wrdreg s12  }
0x11: {  	s19 =	sshrl.u32 s19, $0x3;
	s14 =	sadd.s32 s15, s3;
	[dreg:$0x8] =	wrdreg s23  }
0x12: {  	s20 =	sshrl.u32 s16, $0x3;
	s16 =	simm.s32 $0x7;
	[dreg:$0x9] =	wrdreg s24  }
0x13: {  	[dreg:$0xa] =	wrdreg s13;
	s6 =	sadd.s32 s6, s5;
	s5 =	sadd.s32 $0xBC400, s5  }
0x14: {  	s1 =	sadd.s32 $0x1200, s1;
	[dreg:$0xb] =	wrdreg s14;
	s6 =	sadd.s32 $0xB800, s6  }
0x15: {  	[dreg:$0x6] =	wrdreg s1;
	s1 =	sadd.s32 s0, s21;
	s26 =	sadd.s32 s5, s19  }
0x16: {  	s21 =	sshrl.u32 s17, $0x3;
	s17 =	simm.s32 $0x4;
	[dreg:$0x5] =	wrdreg s6  }
0x17: {  	s6 =	sadd.s32 s0, s22;
	s0 =	sadd.s32 s0, s15;
	[dreg:$0xc] =	wrdreg s26  }
0x18: {  	s1 =	sshrl.u32 s1, $0x3;
	s15 =	sshrl.u32 s8, $0x3;
	s22 =	sshrl.u32 s18, $0x3  }
0x19: {  	s26 =	smax.u32 s7, $0x1;
	s7 =	simm.s32 $0x3;
	s18 =	simm.s32 $0x8  }
0x1a: {  	s1 =	sadd.s32 s5, s1;
	s6 =	sshrl.u32 s6, $0x3;
	[dreg:$0x14] =	wrdreg s26  }
0x1b: {  	s19 =	sadd.s32 s5, s15;
	s25 =	sadd.s32 s5, s22;
	[dreg:$0xd] =	wrdreg s1  }
0x1c: {  	s0 =	sshrl.u32 s0, $0x3;
	s26 =	simm.s32 $0xD840;
	[dreg:$0xf] =	wrdreg s19  }
0x1d: {  	s22 =	simm.s32 $0x0;
	s1 =	sadd.s32 s5, s6;
	[dreg:$0x12] =	wrdreg s25  }
0x1e: {  	s0 =	sadd.s32 s5, s0;
	s25 =	simm.s32 $0xB;
	s6 =	simm.s32 $0x6  }
0x1f: {  	s19 =	simm.s32 $0x5;
	[dreg:$0xe] =	wrdreg s1;
	s1 =	sadd.s32 s5, s20  }
0x20: {  	[dreg:$0x13] =	wrdreg s0;
	s0 =	simm.s32 $0xEC40;
	s20 =	simm.s32 $0x9  }
0x21: {  	[dreg:$0x10] =	wrdreg s1;
	s1 =	sadd.s32 s5, s21;
	s5 =	simm.s32 $0x2  }
0x22: {  	s21 =	simm.s32 $0xA;
	[dreg:$0x11] =	wrdreg s1;
	s1 =	simm.s32 $0xC440  }
.LBB2_1:
0x23: {  	s8 =	rddreg [dreg:$0x5]  }
0x24: {  	[tilespmem:s4], [sflag:$0xB] =	stream.linear.gather [hbm4b:s8+s4], $0x4E20, $0x38;
	[tilespmem:$0x19E40] =	vst v63  }
0x25: {  	_ =	swait.ge [sflag:s25], $0x4E20  }
0x26: {  	[sflag:s25] =	ssyncset.done $0x0  }
0x27: {  	s15 =	simm.s32 $0x4E20;
	s8 =	rddreg [dreg:$0x6];
	[sflag:s25] =	ssyncadd.s32 $0xFFFFB1E0  }
0x28: {  	[tilespmem:s15], [sflag:$0xB] =	stream.linear.gather [hbm4b:s8+s4], $0x4E20, $0x38;
	[tilespmem:$0x19E40] =	vst v63  }
0x29: {  	_ =	swait.ge [sflag:s25], $0x4E20  }
0x2a: {  	[sflag:s25] =	ssyncset.done $0x0  }
0x2b: {  	s15 =	rddreg [dreg:$0x4];
	[sflag:s25] =	ssyncadd.s32 $0xFFFFB1E0  }
0x2c: {  	[tilespmem:s28], [sflag:$0xB] =	stream.linear.gather [hbm4b:s15+s4], $0x1400, $0x38;
	[tilespmem:$0x19E40] =	vst v63  }
0x2d: {  	_ =	swait.ge [sflag:s25], $0x1400  }
0x2e: {  	[sflag:s25] =	ssyncset.done $0x0  }
0x2f: {  	[sflag:s25] =	ssyncadd.s32 $0xFFFFEC00  }
0x30: {  	[spmem:s9] =	stream.linear.scatter [tilespmem:s28], [sflag:$0xB], $0x1400, $0x38;
	[tilespmem:$0x19E40] =	vst v63  }
0x31: {  	_ =	swait.ge [sflag:s25], $0x1400  }
0x32: {  	[sflag:s25] =	ssyncset.done $0x0  }
0x33: {  	[sflag:s25] =	ssyncadd.s32 $0xFFFFEC00  }
0x34: {  	[spmem:s10] =	stream.linear.scatter [tilespmem:s28], [sflag:$0xB], $0x1400, $0x38;
	[tilespmem:$0x19E40] =	vst v63  }
0x35: {  	_ =	swait.ge [sflag:s25], $0x1400  }
0x36: {  	[sflag:s25] =	ssyncset.done $0x0  }
0x37: {  	[sflag:s25] =	ssyncadd.s32 $0xFFFFEC00  }
0x38: {  	[spmem:s11] =	stream.linear.scatter [tilespmem:s28], [sflag:$0xB], $0x1400, $0x38;
	[tilespmem:$0x19E40] =	vst v63  }
0x39: {  	_ =	swait.ge [sflag:s25], $0x1400  }
0x3a: {  	[sflag:s25] =	ssyncset.done $0x0  }
0x3b: {  	[sflag:s25] =	ssyncadd.s32 $0xFFFFEC00  }
0x3c: {  	[spmem:s12] =	stream.linear.scatter [tilespmem:s28], [sflag:$0xB], $0x1400, $0x38;
	[tilespmem:$0x19E40] =	vst v63  }
0x3d: {  	_ =	swait.ge [sflag:s25], $0x1400  }
0x3e: {  	[sflag:s25] =	ssyncset.done $0x0  }
0x3f: {  	[sflag:s25] =	ssyncadd.s32 $0xFFFFEC00  }
0x40: {  	[spmem:s23] =	stream.linear.scatter [tilespmem:s28], [sflag:$0xB], $0x1400, $0x38;
	[tilespmem:$0x19E40] =	vst v63  }
0x41: {  	_ =	swait.ge [sflag:s25], $0x1400  }
0x42: {  	[sflag:s25] =	ssyncset.done $0x0  }
0x43: {  	[sflag:s25] =	ssyncadd.s32 $0xFFFFEC00  }
0x44: {  	[spmem:s24] =	stream.linear.scatter [tilespmem:s28], [sflag:$0xB], $0x1400, $0x38;
	[tilespmem:$0x19E40] =	vst v63  }
0x45: {  	_ =	swait.ge [sflag:s25], $0x1400  }
0x46: {  	[sflag:s25] =	ssyncset.done $0x0  }
0x47: {  	s8 =	smov.u32 s13;
	[sflag:s25] =	ssyncadd.s32 $0xFFFFEC00  }
0x48: {  	[spmem:s8] =	stream.linear.scatter [tilespmem:s28], [sflag:$0xB], $0x1400, $0x38;
	[tilespmem:$0x19E40] =	vst v63  }
0x49: {  	_ =	swait.ge [sflag:s25], $0x1400  }
0x4a: {  	[sflag:s25] =	ssyncset.done $0x0  }
0x4b: {  	s13 =	smov.u32 s9;
	s9 =	smov.u32 s14;
	[sflag:s25] =	ssyncadd.s32 $0xFFFFEC00  }
0x4c: {  	[spmem:s9] =	stream.linear.scatter [tilespmem:s28], [sflag:$0xB], $0x1200, $0x38;
	[tilespmem:$0x19E40] =	vst v63  }
0x4d: {  	_ =	swait.ge [sflag:s25], $0x1200  }
0x4e: {  	[sflag:s25] =	ssyncset.done $0x0  }
0x4f: {  	[sflag:s25] =	ssyncadd.s32 $0xFFFFEE00  }
0x50: {  	[bflag:$0x0] =	sbarrier.arrive $0xFFFF  }
0x51: {  	[tilespmem:s28], [sflag:$0x1] =	stream.indirect.gather [hbm4b:s2+s29], $0x40, s4, s29, $0xb8;
	[tilespmem:$0x19E40] =	vst v63  }
0x52: {  	_ = 	snop  }
0x53: {  	[tilespmem:s30], [sflag:$0x2] =	stream.indirect.gather [hbm4b:s2+s29], $0x40, s29, s29, $0xb8;
	[tilespmem:$0x19E40] =	vst v63  }
0x54: {  	s9 =	simm.s32 $0xA0  }
0x55: {  	[tilespmem:s1], [sflag:$0x3] =	stream.indirect.gather [hbm4b:s2+s29], $0x40, s9, s29, $0xb8;
	[tilespmem:$0x19E40] =	vst v63  }
0x56: {  	s14 =	smov.u32 s10;
	s10 =	simm.s32 $0xF0  }
0x57: {  	[tilespmem:s26], [sflag:$0x4] =	stream.indirect.gather [hbm4b:s2+s29], $0x40, s10, s29, $0xb8;
	[tilespmem:$0x19E40] =	vst v63  }
0x58: {  	s15 =	smov.u32 s11;
	s11 =	simm.s32 $0x140  }
0x59: {  	[tilespmem:s0], [sflag:$0x5] =	stream.indirect.gather [hbm4b:s2+s29], $0x40, s11, s29, $0xb8;
	[tilespmem:$0x19E40] =	vst v63  }
0x5a: {  	_ =	swait.ge [sflag:s31], $0x1400  }
0x5b: {  	p0 =	por $0x1, $0x1;
	[sflag:s31] =	ssyncset.done $0x0  }
0x5c: {  	s12 =	simm.s32 $0x4E20;
	s23 =	simm.s32 @!p0 $0xA;
	[sflag:s31] =	ssyncadd.s32 $0xFFFFEC00  }
0x5d: {  	[spmem:s3] =	stream.indirect.scatter.add.f32 [tilespmem:s28], [sflag:$0x6], $0x40, s12, s29, $0xb8;
	[tilespmem:$0x19E40] =	vst v63  }
0x5e: {  	_ =	swait.ge @!p0 [sflag:s23], $0x1400  }
0x5f: {  	s24 =	simm.s32 @!p0 $0x50;
	[sflag:s23] =	ssyncset.done @!p0 $0x0  }
0x60: {  	s8 =	simm.s32 @!p0 $0x140;
	[sflag:s23] =	ssyncadd.s32 @!p0 $0xFFFFEC00;
	s23 =	simm.s32 @!p0 $0xEC40  }
0x61: {  	[tilespmem:s23], [sflag:$0x5] =	stream.indirect.gather @!p0 [hbm4b:s2+s24], $0x40, s8, s24, $0xb8;
	[tilespmem:$0x19E40] =	vst v63  }
0x62: {  	_ =	swait.ge [sflag:s5], $0x1400  }
0x63: {  	[sflag:s5] =	ssyncset.done $0x0  }
0x64: {  	s24 =	simm.s32 $0x4E70;
	[sflag:s5] =	ssyncadd.s32 $0xFFFFEC00  }
0x65: {  	[spmem:s3] =	stream.indirect.scatter.add.f32 [tilespmem:s30], [sflag:$0x7], $0x40, s24, s29, $0xb8;
	[tilespmem:$0x19E40] =	vst v63  }
0x66: {  	_ =	swait.ge [sflag:s6], $0x1400  }
0x67: {  	[sflag:s6] =	ssyncset.done $0x0  }
0x68: {  	s9 =	simm.s32 $0x190;
	[sflag:s6] =	ssyncadd.s32 $0xFFFFEC00  }
0x69: {  	[tilespmem:s28], [sflag:$0x1] =	stream.indirect.gather [hbm4b:s2+s29], $0x40, s9, s29, $0xb8;
	[tilespmem:$0x19E40] =	vst v63  }
0x6a: {  	_ =	swait.ge [sflag:s7], $0x1400  }
0x6b: {  	[sflag:s7] =	ssyncset.done $0x0  }
0x6c: {  	s10 =	simm.s32 $0x4EC0;
	[sflag:s7] =	ssyncadd.s32 $0xFFFFEC00  }
0x6d: {  	[spmem:s3] =	stream.indirect.scatter.add.f32 [tilespmem:s1], [sflag:$0x8], $0x40, s10, s29, $0xb8;
	[tilespmem:$0x19E40] =	vst v63  }
0x6e: {  	_ =	swait.ge [sflag:s16], $0x1400  }
0x6f: {  	[sflag:s16] =	ssyncset.done $0x0  }
0x70: {  	s11 =	simm.s32 $0x1E0;
	[sflag:s16] =	ssyncadd.s32 $0xFFFFEC00  }
0x71: {  	[tilespmem:s30], [sflag:$0x2] =	stream.indirect.gather [hbm4b:s2+s29], $0x40, s11, s29, $0xb8;
	[tilespmem:$0x19E40] =	vst v63  }
0x72: {  	_ =	swait.ge [sflag:s17], $0x1400  }
0x73: {  	[sflag:s17] =	ssyncset.done $0x0  }
0x74: {  	s12 =	simm.s32 $0x4F10;
	[sflag:s17] =	ssyncadd.s32 $0xFFFFEC00  }
0x75: {  	[spmem:s3] =	stream.indirect.scatter.add.f32 [tilespmem:s26], [sflag:$0x9], $0x40, s12, s29, $0xb8;
	[tilespmem:$0x19E40] =	vst v63  }
0x76: {  	_ =	swait.ge [sflag:s18], $0x1400  }
0x77: {  	[sflag:s18] =	ssyncset.done $0x0  }
0x78: {  	s23 =	simm.s32 $0x230;
	[sflag:s18] =	ssyncadd.s32 $0xFFFFEC00  }
0x79: {  	[tilespmem:s1], [sflag:$0x3] =	stream.indirect.gather [hbm4b:s2+s29], $0x40, s23, s29, $0xb8;
	[tilespmem:$0x19E40] =	vst v63  }
0x7a: {  	_ =	swait.ge [sflag:s19], $0x1400  }
0x7b: {  	[sflag:s19] =	ssyncset.done $0x0  }
0x7c: {  	s24 =	simm.s32 $0x4F60;
	[sflag:s19] =	ssyncadd.s32 $0xFFFFEC00  }
0x7d: {  	[spmem:s3] =	stream.indirect.scatter.add.f32 [tilespmem:s0], [sflag:$0xA], $0x40, s24, s29, $0xb8;
	[tilespmem:$0x19E40] =	vst v63  }
0x7e: {  	s8 =	simm.s32 $0x280;
	_ =	swait.ge [sflag:s20], $0x1400  }
0x7f: {  	s23 =	simm.s32 $0xFFFFFFFF;
	s24 =	simm.s32 $0x640;
	[sflag:s20] =	ssyncset.done $0x0  }
.LBB2_2:
0x80: {  	[sflag:s20] =	ssyncadd.s32 $0xFFFFEC00  }
0x81: {  	s23 =	sadd.s32 $0x5, s23;
	s9 =	smov.u32 s24;
	s24 =	sadd.s32 $0x640, s24  }
0x82: {  	[tilespmem:s26], [sflag:$0x4] =	stream.indirect.gather [hbm4b:s2+s29], $0x40, s8, s29, $0xb8;
	[tilespmem:$0x19E40] =	vst v63  }
0x83: {  	s8 =	sshra.s32 s9, $0x2;
	p0 =	sne.s32 s24, $0x13240;
	_ =	swait.ge [sflag:s31], $0x1400  }
0x84: {  	p1 =	sgt.u32 s23, $0xF4;
	s10 =	sadd.s32 $0x4E20, s8;
	[sflag:s31] =	ssyncset.done $0x0  }
0x85: {  	s11 =	simm.s32 @!p1 $0xA;
	s9 =	sshra.s32 @!p1 s9, $0x2;
	[sflag:s31] =	ssyncadd.s32 $0xFFFFEC00  }
0x86: {  	[spmem:s3] =	stream.indirect.scatter.add.f32 [tilespmem:s28], [sflag:$0x6], $0x40, s10, s29, $0xb8;
	[tilespmem:$0x19E40] =	vst v63  }
0x87: {  	s9 =	sadd.s32 @!p1 $0x140, s9;
	_ =	swait.ge @!p1 [sflag:s11], $0x1400  }
0x88: {  	s12 =	simm.s32 @!p1 $0xEC40;
	s10 =	simm.s32 @!p1 $0x50;
	[sflag:s11] =	ssyncset.done @!p1 $0x0  }
0x89: {  	[sflag:s11] =	ssyncadd.s32 @!p1 $0xFFFFEC00  }
0x8a: {  	[tilespmem:s12], [sflag:$0x5] =	stream.indirect.gather @!p1 [hbm4b:s2+s10], $0x40, s9, s10, $0xb8;
	[tilespmem:$0x19E40] =	vst v63  }
0x8b: {  	_ =	swait.ge [sflag:s5], $0x1400  }
0x8c: {  	s9 =	sadd.s32 $0x4E70, s8;
	[sflag:s5] =	ssyncset.done $0x0  }
0x8d: {  	[sflag:s5] =	ssyncadd.s32 $0xFFFFEC00  }
0x8e: {  	[spmem:s3] =	stream.indirect.scatter.add.f32 [tilespmem:s30], [sflag:$0x7], $0x40, s9, s29, $0xb8;
	[tilespmem:$0x19E40] =	vst v63  }
0x8f: {  	_ =	swait.ge [sflag:s6], $0x1400  }
0x90: {  	s9 =	sadd.s32 $0x190, s8;
	[sflag:s6] =	ssyncset.done $0x0  }
0x91: {  	[sflag:s6] =	ssyncadd.s32 $0xFFFFEC00  }
0x92: {  	[tilespmem:s28], [sflag:$0x1] =	stream.indirect.gather [hbm4b:s2+s29], $0x40, s9, s29, $0xb8;
	[tilespmem:$0x19E40] =	vst v63  }
0x93: {  	_ =	swait.ge [sflag:s7], $0x1400  }
0x94: {  	s9 =	sadd.s32 $0x4EC0, s8;
	[sflag:s7] =	ssyncset.done $0x0  }
0x95: {  	[sflag:s7] =	ssyncadd.s32 $0xFFFFEC00  }
0x96: {  	[spmem:s3] =	stream.indirect.scatter.add.f32 [tilespmem:s1], [sflag:$0x8], $0x40, s9, s29, $0xb8;
	[tilespmem:$0x19E40] =	vst v63  }
0x97: {  	_ =	swait.ge [sflag:s16], $0x1400  }
0x98: {  	s9 =	sadd.s32 $0x1E0, s8;
	[sflag:s16] =	ssyncset.done $0x0  }
0x99: {  	[sflag:s16] =	ssyncadd.s32 $0xFFFFEC00  }
0x9a: {  	[tilespmem:s30], [sflag:$0x2] =	stream.indirect.gather [hbm4b:s2+s29], $0x40, s9, s29, $0xb8;
	[tilespmem:$0x19E40] =	vst v63  }
0x9b: {  	_ =	swait.ge [sflag:s17], $0x1400  }
0x9c: {  	s9 =	sadd.s32 $0x4F10, s8;
	[sflag:s17] =	ssyncset.done $0x0  }
0x9d: {  	[sflag:s17] =	ssyncadd.s32 $0xFFFFEC00  }
0x9e: {  	[spmem:s3] =	stream.indirect.scatter.add.f32 [tilespmem:s26], [sflag:$0x9], $0x40, s9, s29, $0xb8;
	[tilespmem:$0x19E40] =	vst v63  }
0x9f: {  	_ =	swait.ge [sflag:s18], $0x1400  }
0xa0: {  	s9 =	sadd.s32 $0x230, s8;
	[sflag:s18] =	ssyncset.done $0x0  }
0xa1: {  	[sflag:s18] =	ssyncadd.s32 $0xFFFFEC00  }
0xa2: {  	[tilespmem:s1], [sflag:$0x3] =	stream.indirect.gather [hbm4b:s2+s29], $0x40, s9, s29, $0xb8;
	[tilespmem:$0x19E40] =	vst v63  }
0xa3: {  	_ =	swait.ge [sflag:s19], $0x1400  }
.Ltmp0:
0xa4: {  	s9 =	sadd.s32 $0x4F60, s8;
	[sflag:s19] =	ssyncset.done $0x0;
	(pc) =	sbr.rel @p0 .LBB2_2-.Ltmp0, $4  }
0xa5: {  	[sflag:s19] =	ssyncadd.s32 $0xFFFFEC00  }
0xa6: {  	[spmem:s3] =	stream.indirect.scatter.add.f32 [tilespmem:s0], [sflag:$0xA], $0x40, s9, s29, $0xb8;
	[tilespmem:$0x19E40] =	vst v63  }
0xa7: {  	_ =	swait.ge [sflag:s20], $0x1400  }
0xa8: {  	s8 =	sadd.s32 $0x280, s8;
	[sflag:s20] =	ssyncset.done $0x0  }
0xa9: {  	[sflag:s20] =	ssyncadd.s32 $0xFFFFEC00  }
0xaa: {  	[tilespmem:s26], [sflag:$0x4] =	stream.indirect.gather [hbm4b:s2+s29], $0x40, s8, s29, $0xb8;
	[tilespmem:$0x19E40] =	vst v63  }
0xab: {  	_ =	swait.ge [sflag:s31], $0x1400  }
0xac: {  	[sflag:s31] =	ssyncset.done $0x0  }
0xad: {  	s23 =	simm.s32 $0x9AB0;
	[sflag:s31] =	ssyncadd.s32 $0xFFFFEC00  }
0xae: {  	[spmem:s3] =	stream.indirect.scatter.add.f32 [tilespmem:s28], [sflag:$0x6], $0x40, s23, s29, $0xb8;
	[tilespmem:$0x19E40] =	vst v63  }
0xaf: {  	_ =	swait.ge [sflag:s21], $0x1400  }
0xb0: {  	[sflag:s21] =	ssyncset.done $0x0  }
0xb1: {  	s24 =	simm.s32 $0x4DD0;
	[sflag:s21] =	ssyncadd.s32 $0xFFFFEC00  }
0xb2: {  	[tilespmem:s0], [sflag:$0x5] =	stream.indirect.gather [hbm4b:s2+s29], $0x40, s24, s29, $0xb8;
	[tilespmem:$0x19E40] =	vst v63  }
0xb3: {  	_ =	swait.ge [sflag:s5], $0x1400  }
0xb4: {  	[sflag:s5] =	ssyncset.done $0x0  }
0xb5: {  	s9 =	simm.s32 $0x9B00;
	[sflag:s5] =	ssyncadd.s32 $0xFFFFEC00  }
0xb6: {  	[spmem:s3] =	stream.indirect.scatter.add.f32 [tilespmem:s30], [sflag:$0x7], $0x40, s9, s29, $0xb8;
	[tilespmem:$0x19E40] =	vst v63  }
0xb7: {  	_ =	swait.ge [sflag:s7], $0x1400  }
0xb8: {  	[sflag:s7] =	ssyncset.done $0x0  }
0xb9: {  	s10 =	simm.s32 $0x9B50;
	[sflag:s7] =	ssyncadd.s32 $0xFFFFEC00  }
0xba: {  	[spmem:s3] =	stream.indirect.scatter.add.f32 [tilespmem:s1], [sflag:$0x8], $0x40, s10, s29, $0xb8;
	[tilespmem:$0x19E40] =	vst v63  }
0xbb: {  	_ =	swait.ge [sflag:s17], $0x1400  }
0xbc: {  	[sflag:s17] =	ssyncset.done $0x0  }
0xbd: {  	s11 =	simm.s32 $0x9BA0;
	[sflag:s17] =	ssyncadd.s32 $0xFFFFEC00  }
0xbe: {  	[spmem:s3] =	stream.indirect.scatter.add.f32 [tilespmem:s26], [sflag:$0x9], $0x40, s11, s29, $0xb8;
	[tilespmem:$0x19E40] =	vst v63  }
0xbf: {  	_ =	swait.ge [sflag:s19], $0x1400  }
0xc0: {  	[sflag:s19] =	ssyncset.done $0x0  }
0xc1: {  	s12 =	simm.s32 $0x9BF0;
	[sflag:s19] =	ssyncadd.s32 $0xFFFFEC00  }
0xc2: {  	[spmem:s3] =	stream.indirect.scatter.add.f32 [tilespmem:s0], [sflag:$0xA], $0x40, s12, s29, $0xb8;
	[tilespmem:$0x19E40] =	vst v63  }
0xc3: {  	_ =	swait.ge [sflag:s6], $0x1400  }
0xc4: {  	[sflag:s6] =	ssyncset.done $0x0  }
0xc5: {  	[sflag:s6] =	ssyncadd.s32 $0xFFFFEC00  }
0xc6: {  	_ =	swait.ge [sflag:s16], $0x1400  }
0xc7: {  	[sflag:s16] =	ssyncset.done $0x0  }
0xc8: {  	[sflag:s16] =	ssyncadd.s32 $0xFFFFEC00  }
0xc9: {  	_ =	swait.ge [sflag:s18], $0x1400  }
0xca: {  	[sflag:s18] =	ssyncset.done $0x0  }
0xcb: {  	[sflag:s18] =	ssyncadd.s32 $0xFFFFEC00  }
0xcc: {  	_ =	swait.ge [sflag:s20], $0x1400  }
0xcd: {  	[sflag:s20] =	ssyncset.done $0x0  }
0xce: {  	[sflag:s20] =	ssyncadd.s32 $0xFFFFEC00  }
0xcf: {  	_ =	swait.ge [sflag:s21], $0x1400  }
0xd0: {  	[sflag:s21] =	ssyncset.done $0x0  }
0xd1: {  	[sflag:s21] =	ssyncadd.s32 $0xFFFFEC00  }
0xd2: {  	[bflag:$0x0] =	sbarrier.arrive $0xFFFF  }
0xd3: {  	[tilespmem:s28], [sflag:$0xB] =	stream.linear.gather [spmem:s13], $0x1400, $0x38;
	[tilespmem:$0x19E40] =	vst v63  }
0xd4: {  	_ =	swait.ge [sflag:s25], $0x1400  }
0xd5: {  	[sflag:s25] =	ssyncset.done $0x0  }
0xd6: {  	s9 =	smov.u32 s13;
	s13 =	rddreg [dreg:$0xc];
	[sflag:s25] =	ssyncadd.s32 $0xFFFFEC00  }
0xd7: {  	[hbm4b:s13+s4] =	stream.linear.scatter [tilespmem:s28], [sflag:$0xB], $0x1400, $0x38;
	[tilespmem:$0x19E40] =	vst v63  }
0xd8: {  	_ =	swait.ge [sflag:s25], $0x1400  }
0xd9: {  	[sflag:s25] =	ssyncset.done $0x0  }
0xda: {  	[sflag:s25] =	ssyncadd.s32 $0xFFFFEC00  }
0xdb: {  	[tilespmem:s28], [sflag:$0xB] =	stream.linear.gather [spmem:s14], $0x1400, $0x38;
	[tilespmem:$0x19E40] =	vst v63  }
0xdc: {  	_ =	swait.ge [sflag:s25], $0x1400  }
0xdd: {  	[sflag:s25] =	ssyncset.done $0x0  }
0xde: {  	s10 =	smov.u32 s14;
	s14 =	rddreg [dreg:$0xd];
	[sflag:s25] =	ssyncadd.s32 $0xFFFFEC00  }
0xdf: {  	[hbm4b:s14+s4] =	stream.linear.scatter [tilespmem:s28], [sflag:$0xB], $0x1400, $0x38;
	[tilespmem:$0x19E40] =	vst v63  }
0xe0: {  	_ =	swait.ge [sflag:s25], $0x1400  }
0xe1: {  	[sflag:s25] =	ssyncset.done $0x0  }
0xe2: {  	[sflag:s25] =	ssyncadd.s32 $0xFFFFEC00  }
0xe3: {  	[tilespmem:s28], [sflag:$0xB] =	stream.linear.gather [spmem:s15], $0x1400, $0x38;
	[tilespmem:$0x19E40] =	vst v63  }
0xe4: {  	_ =	swait.ge [sflag:s25], $0x1400  }
0xe5: {  	[sflag:s25] =	ssyncset.done $0x0  }
0xe6: {  	s11 =	smov.u32 s15;
	s15 =	rddreg [dreg:$0xe];
	[sflag:s25] =	ssyncadd.s32 $0xFFFFEC00  }
0xe7: {  	[hbm4b:s15+s4] =	stream.linear.scatter [tilespmem:s28], [sflag:$0xB], $0x1400, $0x38;
	[tilespmem:$0x19E40] =	vst v63  }
0xe8: {  	_ =	swait.ge [sflag:s25], $0x1400  }
0xe9: {  	[sflag:s25] =	ssyncset.done $0x0  }
0xea: {  	s12 =	rddreg [dreg:$0x7];
	[sflag:s25] =	ssyncadd.s32 $0xFFFFEC00  }
0xeb: {  	[tilespmem:s28], [sflag:$0xB] =	stream.linear.gather [spmem:s12], $0x1400, $0x38;
	[tilespmem:$0x19E40] =	vst v63  }
0xec: {  	_ =	swait.ge [sflag:s25], $0x1400  }
0xed: {  	[sflag:s25] =	ssyncset.done $0x0  }
0xee: {  	s23 =	rddreg [dreg:$0xf];
	[sflag:s25] =	ssyncadd.s32 $0xFFFFEC00  }
0xef: {  	[hbm4b:s23+s4] =	stream.linear.scatter [tilespmem:s28], [sflag:$0xB], $0x1400, $0x38;
	[tilespmem:$0x19E40] =	vst v63  }
0xf0: {  	_ =	swait.ge [sflag:s25], $0x1400  }
0xf1: {  	[sflag:s25] =	ssyncset.done $0x0  }
0xf2: {  	s23 =	rddreg [dreg:$0x8];
	[sflag:s25] =	ssyncadd.s32 $0xFFFFEC00  }
0xf3: {  	[tilespmem:s28], [sflag:$0xB] =	stream.linear.gather [spmem:s23], $0x1400, $0x38;
	[tilespmem:$0x19E40] =	vst v63  }
0xf4: {  	_ =	swait.ge [sflag:s25], $0x1400  }
0xf5: {  	[sflag:s25] =	ssyncset.done $0x0  }
0xf6: {  	s24 =	rddreg [dreg:$0x10];
	[sflag:s25] =	ssyncadd.s32 $0xFFFFEC00  }
0xf7: {  	[hbm4b:s24+s4] =	stream.linear.scatter [tilespmem:s28], [sflag:$0xB], $0x1400, $0x38;
	[tilespmem:$0x19E40] =	vst v63  }
0xf8: {  	_ =	swait.ge [sflag:s25], $0x1400  }
0xf9: {  	[sflag:s25] =	ssyncset.done $0x0  }
0xfa: {  	s24 =	rddreg [dreg:$0x9];
	[sflag:s25] =	ssyncadd.s32 $0xFFFFEC00  }
0xfb: {  	[tilespmem:s28], [sflag:$0xB] =	stream.linear.gather [spmem:s24], $0x1400, $0x38;
	[tilespmem:$0x19E40] =	vst v63  }
0xfc: {  	_ =	swait.ge [sflag:s25], $0x1400  }
0xfd: {  	[sflag:s25] =	ssyncset.done $0x0  }
0xfe: {  	s13 =	rddreg [dreg:$0x11];
	[sflag:s25] =	ssyncadd.s32 $0xFFFFEC00  }
0xff: {  	[hbm4b:s13+s4] =	stream.linear.scatter [tilespmem:s28], [sflag:$0xB], $0x1400, $0x38;
	[tilespmem:$0x19E40] =	vst v63  }
0x100: {  	_ =	swait.ge [sflag:s25], $0x1400  }
0x101: {  	[sflag:s25] =	ssyncset.done $0x0  }
0x102: {  	s13 =	rddreg [dreg:$0xa];
	[sflag:s25] =	ssyncadd.s32 $0xFFFFEC00  }
0x103: {  	[tilespmem:s28], [sflag:$0xB] =	stream.linear.gather [spmem:s13], $0x1400, $0x38;
	[tilespmem:$0x19E40] =	vst v63  }
0x104: {  	_ =	swait.ge [sflag:s25], $0x1400  }
0x105: {  	[sflag:s25] =	ssyncset.done $0x0  }
0x106: {  	s14 =	rddreg [dreg:$0x12];
	[sflag:s25] =	ssyncadd.s32 $0xFFFFEC00  }
0x107: {  	[hbm4b:s14+s4] =	stream.linear.scatter [tilespmem:s28], [sflag:$0xB], $0x1400, $0x38;
	[tilespmem:$0x19E40] =	vst v63  }
0x108: {  	_ =	swait.ge [sflag:s25], $0x1400  }
0x109: {  	[sflag:s25] =	ssyncset.done $0x0  }
0x10a: {  	s14 =	rddreg [dreg:$0xb];
	[sflag:s25] =	ssyncadd.s32 $0xFFFFEC00  }
0x10b: {  	[tilespmem:s28], [sflag:$0xB] =	stream.linear.gather [spmem:s14], $0x1200, $0x38;
	[tilespmem:$0x19E40] =	vst v63  }
0x10c: {  	_ =	swait.ge [sflag:s25], $0x1200  }
0x10d: {  	[sflag:s25] =	ssyncset.done $0x0  }
0x10e: {  	s15 =	rddreg [dreg:$0x13];
	[sflag:s25] =	ssyncadd.s32 $0xFFFFEE00  }
0x10f: {  	[hbm4b:s15+s4] =	stream.linear.scatter [tilespmem:s28], [sflag:$0xB], $0x1200, $0x38;
	[tilespmem:$0x19E40] =	vst v63  }
0x110: {  	_ =	swait.ge [sflag:s25], $0x1200  }
0x111: {  	s22 =	sadd.s32 $0x1, s22;
	s15 =	rddreg [dreg:$0x14]  }
0x112: {  	p0 =	sne.s32 s22, s15  }
.Ltmp1:
0x113: {  	_ = 	snop;
	(pc) =	sbr.rel @p0 .LBB2_1-.Ltmp1, $3  }
0x114: {  	_ =	sdelay $0x1  }
0x115: {  	[sflag:s25] =	ssyncset.done $0x0  }
0x116: {  	[sflag:s25] =	ssyncadd.s32 $0xFFFFEE00  }
0x117: {  	_ =	sfence.sel $0x180000  }
0x118: {  	[bflag:$0x0] =	sbarrier.arrive $0xFFFF  }
0x119: {  	_ =	strace $0x9000004A  }
0x11a: {  	s0 =	stileid.u32;
	[bflag:$0x2] =	sbarrier.arrive $0xFFFF  }
0x11b: {  	p0 =	sne.s32 s0, $0x0;
	s0 =	rddreg [dreg:$0x3]  }
0x11c: {  	s0 =	sadd.s32 @!p0 $0x100000, s0  }
0x11d: {  	[sflag:s0] =	ssyncadd.tile.s32 @!p0 $0x1;
	_ =	shalt  }
.Lfunc_end2:
_tile_overlayer_lowered:
.L_overlay_start_2:
0x11e: {  	(tag) =	ssettag $0x2  }
0x11f: {  	s0 =	rddreg [dreg:$0x0];
	s2 =	stileid.u32  }
0x120: {  	s1 =	rddreg [dreg:$0x1];
	p0 =	sne.s32 s2, $0x0  }
0x121: {  	s3 =	rddreg [dreg:$0x2];
	[bflag:$0x3] =	sbarrier.arrive $0xFFFF;
	s2 =	simm.s32 @!p0 $0x1C0B  }
0x122: {  	[timem:s3], [sflag:s2] =	dma.local @!p0 [hbm:s0], s1  }
0x123: {  	s0 =	simm.s32 @!p0 $0xB  }
0x124: {  	_ =	swait.ge @!p0 [sflag:s0], s1  }
0x125: {  	s1 =	ssub.s32 @!p0 $0x0, s1;
	[sflag:s0] =	ssyncset.done @!p0 $0x0  }
0x126: {  	[sflag:s0] =	ssyncadd.s32 @!p0 s1  }
0x127: {  	[bflag:$0x3] =	sbarrier.arrive $0xFFFF  }
0x128: {  	_ =	shalt  }

// kernel: kernel.14.cloned.1.call-start
scs
__scs_entry_jumppad:
0x0: {  	(pc) =	sbr.rel $0x88, $3  }
0x1: {  	(tag) =	ssettag $0x0;
	lr =	simm.s32 $0x1  }
0x2: {  	[smem:$0x3F9B] =	sst lr;
	_ =	strace $0xD0000000  }
0x3: {  	_ = 	snop  }
0x4: {  	_ = 	snop  }
0x5: {  	_ = 	snop  }
0x6: {  	_ = 	snop  }
0x7: {  	_ = 	snop  }
__scs_overlays_trampoline_lowered:
0x8: {  	[smem:$0x3FAA] =	sst s0  }
0x9: {  	[smem:$0x3FAB] =	sst s1  }
0xa: {  	[smem:$0x3FAC] =	sst s2  }
0xb: {  	[smem:$0x3FAD] =	sst s3  }
0xc: {  	[smem:$0x3FAE] =	sst s4  }
0xd: {  	[smem:$0x3FAF] =	sst s5  }
0xe: {  	[smem:$0x3FB0] =	sst s6  }
0xf: {  	[smem:$0x3FB1] =	sst s7  }
0x10: {  	[smem:$0x3FB2] =	sst s8  }
0x11: {  	[smem:$0x3FB3] =	sst s9;
	s0 =	simm.s32 @!p0 $0x0  }
0x12: {  	s1 =	sld [smem:$0x3F99];
	s0 =	simm.s32 @p0 $0x1  }
0x13: {  	[smem:$0x3FB4] =	sst s0;
	s0 =	simm.s32 @!p1 $0x0  }
0x14: {  	s2 =	sld [smem:$0x3F98];
	s0 =	simm.s32 @p1 $0x1  }
0x15: {  	[smem:$0x3FB5] =	sst s0;
	s0 =	simm.s32 @!p2 $0x0  }
0x16: {  	s3 =	sld [smem:$0x3FDB];
	s0 =	simm.s32 @p2 $0x1  }
0x17: {  	s4 =	simm.s32 $0x1BF5;
	[smem:$0x3FB7] =	sst s0  }
0x18: {  	s0 =	sld [smem:$0x3F9A];
	_ =	swait.ge [sflag:s4], $0x0  }
0x19: {  	s7 =	sld [smem:$0x3F9B]  }
0x1a: {  	s8 =	sadd.s32 $0xFFFFE003, lr  }
0x1b: {  	s9 =	sadd.s32 $0xFFFFFEF7, lr;
	s5 =	simm.s32 $0xFFFFFFFF;
	p2 =	slt.u32 s8, $0xFFFFF086  }
0x1c: {  	p1 =	slt.u32 s9, $0xF7A;
	s5 =	simm.s32 @!p2 $0x0  }
0x1d: {  	s5 =	simm.s32 @p1 $0x1;
	p0 =	seq.s32 s7, s2  }
0x1e: {  	s7 =	smul.u32 @!p0 $0xF7A, s2;
	p2 =	seq.s32 @!p0 s5, $0x0  }
0x1f: {  	s9 =	smul.u32 $0xF7A, s1;
	s8 =	simm.s32 @!p0 $0x1BF5;
	p2 =	por !p2, p0  }
0x20: {  	[sflag:s8] =	ssyncset.s32 @!p0 $0xFFFFF086;
	s6 =	sadd.s32 @!p0 s3, s7;
	s7 =	simm.s32 @!p0 $0x108  }
0x21: {  	s3 =	sadd.s32 s3, s9;
	s6 =	sadd.s32 @!p0 $0x88, s6;
	s7 =	simm.s32 @p2 $0x1082  }
0x22: {  	[simem:s7], [sflag:s8] =	dma.local @!p0 [hbm:s6], $0xF7A  }
0x23: {  	s9 =	sor.u32 $0xD0000000, s2;
	s6 =	simm.s32 $0x108;
	_ =	swait.ge @!p0 [sflag:s8], $0x0  }
0x24: {  	s3 =	sadd.s32 $0x88, s3;
	s6 =	simm.s32 @!p1 $0x1082;
	[sflag:s4] =	ssyncset.s32 $0xFFFFF086  }
0x25: {  	[simem:s6], [sflag:s4] =	dma.local [hbm:s3], $0xF7A  }
0x26: {  	[smem:$0x3F9B] =	sst s1;
	(tag) =	ssettag s2;
	_ =	strace s9  }
0x27: {  	s1 =	sld [smem:$0x3FAB]  }
0x28: {  	s2 =	sld [smem:$0x3FAC]  }
0x29: {  	s4 =	sld [smem:$0x3FAE]  }
0x2a: {  	p0 =	seq.s32 s5, $0x0;
	s5 =	sld [smem:$0x3FAF]  }
0x2b: {  	s6 =	sld [smem:$0x3FB0]  }
0x2c: {  	s7 =	sld [smem:$0x3FB1]  }
0x2d: {  	s3 =	simm.s32 $0x108;
	s8 =	sld [smem:$0x3FB2]  }
0x2e: {  	s3 =	simm.s32 @!p0 $0x1082;
	s9 =	sld [smem:$0x3FB3]  }
0x2f: {  	lr =	sadd.s32 s0, s3;
	s0 =	sld [smem:$0x3FAA]  }
0x30: {  	s3 =	sld [smem:$0x3FAD]  }
0x31: {  	[smem:$0x3FB6] =	sst s10  }
0x32: {  	s10 =	sld [smem:$0x3FB4];
	_ =	sdelay $0x3  }
0x33: {  	p0 =	seq.s32 s10, $0x1;
	s10 =	sld [smem:$0x3FB6];
	_ =	sdelay $0x3  }
0x34: {  	[smem:$0x3FB6] =	sst s10  }
0x35: {  	s10 =	sld [smem:$0x3FB5];
	_ =	sdelay $0x3  }
0x36: {  	p1 =	seq.s32 s10, $0x1;
	s10 =	sld [smem:$0x3FB6];
	_ =	sdelay $0x3  }
0x37: {  	[smem:$0x3FB6] =	sst s10  }
0x38: {  	s10 =	sld [smem:$0x3FB7]  }
0x39: {  	_ = 	snop;
	(pc) =	sbr.ind lr, $3  }
0x3a: {  	_ = 	snop  }
0x3b: {  	_ = 	snop  }
0x3c: {  	p2 =	seq.s32 s10, $0x1;
	s10 =	sld [smem:$0x3FB6]  }
0x3d: {  	_ =	shalt  }
0x3e: {  	_ =	shalt  }
0x3f: {  	_ =	shalt  }
0x40: {  	_ =	shalt  }
0x41: {  	_ =	shalt  }
0x42: {  	_ =	shalt  }
0x43: {  	_ =	shalt  }
0x44: {  	_ =	shalt  }
0x45: {  	_ =	shalt  }
0x46: {  	_ =	shalt  }
0x47: {  	_ =	shalt  }
0x48: {  	_ =	shalt  }
0x49: {  	_ =	shalt  }
0x4a: {  	_ =	shalt  }
0x4b: {  	_ =	shalt  }
0x4c: {  	_ =	shalt  }
0x4d: {  	_ =	shalt  }
0x4e: {  	_ =	shalt  }
0x4f: {  	_ =	shalt  }
0x50: {  	_ =	shalt  }
0x51: {  	_ =	shalt  }
0x52: {  	_ =	shalt  }
0x53: {  	_ =	shalt  }
0x54: {  	_ =	shalt  }
0x55: {  	_ =	shalt  }
0x56: {  	_ =	shalt  }
0x57: {  	_ =	shalt  }
0x58: {  	_ =	shalt  }
0x59: {  	_ =	shalt  }
0x5a: {  	_ =	shalt  }
0x5b: {  	_ =	shalt  }
0x5c: {  	_ =	shalt  }
0x5d: {  	_ =	shalt  }
0x5e: {  	_ =	shalt  }
0x5f: {  	_ =	shalt  }
0x60: {  	_ =	shalt  }
0x61: {  	_ =	shalt  }
0x62: {  	_ =	shalt  }
0x63: {  	_ =	shalt  }
0x64: {  	_ =	shalt  }
0x65: {  	_ =	shalt  }
0x66: {  	_ =	shalt  }
0x67: {  	_ =	shalt  }
0x68: {  	_ =	shalt  }
0x69: {  	_ =	shalt  }
0x6a: {  	_ =	shalt  }
0x6b: {  	_ =	shalt  }
0x6c: {  	_ =	shalt  }
0x6d: {  	_ =	shalt  }
0x6e: {  	_ =	shalt  }
0x6f: {  	_ =	shalt  }
0x70: {  	_ =	shalt  }
0x71: {  	_ =	shalt  }
0x72: {  	_ =	shalt  }
0x73: {  	_ =	shalt  }
0x74: {  	_ =	shalt  }
0x75: {  	_ =	shalt  }
0x76: {  	_ =	shalt  }
0x77: {  	_ =	shalt  }
0x78: {  	_ =	shalt  }
0x79: {  	_ =	shalt  }
0x7a: {  	_ =	shalt  }
0x7b: {  	_ =	shalt  }
0x7c: {  	_ =	shalt  }
0x7d: {  	_ =	shalt  }
0x7e: {  	_ =	shalt  }
0x7f: {  	_ =	shalt  }
0x80: {  	_ =	shalt  }
0x81: {  	_ =	shalt  }
0x82: {  	_ =	shalt  }
0x83: {  	_ =	shalt  }
0x84: {  	_ =	shalt  }
0x85: {  	_ =	shalt  }
0x86: {  	_ =	shalt  }
0x87: {  	_ =	shalt  }
.Lfunc_end0:
.L_simem_size_0:
called_computation.2_lowered:
.L_overlay_start_0:
0x88: {  	s2 =	sld [smem:$0x3FD9]  }
0x89: {  	s3 =	sld [smem:$0x3FFE];
	_ =	sdelay $0x1  }
0x8a: {  	s1 =	srdreg.scid  }
0x8b: {  	s0 =	sand.u32 $0x1, s1  }
0x8c: {  	s17 =	sshll.u32 s0, $0xA;
	s2 =	sadd.s32 s3, s2  }
0x8d: {  	s2 =	sadd.s32 s2, s17  }
0x8e: {  	[smem:$0x3FC2] =	sst s2  }
0x8f: {  	_ = 	snop  }
0x90: {  	s2 =	sld [smem:$0x3FD0];
	(tm) =	ssettm $0x1  }
0x91: {  	s18 =	sld [smem:$0x3FFB];
	_ =	sdelay $0x3  }
0x92: {  	_ =	strace s18  }
0x93: {  	s3 =	sld [smem:$0x3FFC];
	_ =	sdelay $0x3  }
0x94: {  	_ =	strace s3  }
0x95: {  	s3 =	sld [smem:$0x3FFD];
	_ =	sdelay $0x3  }
0x96: {  	_ =	strace s3  }
0x97: {  	_ =	strace $0x8FFFFFFF  }
0x98: {  	s19 =	sld [smem:$0x3FDB];
	_ =	sdelay $0x1  }
0x99: {  	s4 =	simm.s32 $_scs_section_size  }
0x9a: {  	s5 =	simm.s32 $_size__tile_overlayer_lowered;
	s6 =	simm.s32 $_tile_overlayer_lowered  }
0x9b: {  	s22 =	simm.s32 $0x1BFF;
	s21 =	sshll.u32 s6, $0x1;
	s3 =	sadd.s32 s4, s19  }
0x9c: {  	s7 =	simm.s32 $0x0;
	s20 =	sshll.u32 s5, $0x1;
	s5 =	sadd.s32 s21, s3  }
0x9d: {  	[timem:s7], [sflag:s22] =	dma.local [hbm:s5], s20  }
0x9e: {  	_ =	swait.ge [sflag:s22], s20  }
0x9f: {  	s4 =	ssub.s32 $0x0, s20;
	[sflag:s22] =	ssyncset.done $0x0  }
0xa0: {  	[sflag:s22] =	ssyncadd.s32 s4;
	_ =	sdelay $0x1  }
0xa1: {  	s23 =	simm.s32 $0x1B8B  }
0xa2: {  	_ =	swait.ge [sflag:s23], $0x1  }
0xa3: {  	[sflag:s23] =	ssyncset.done $0x0  }
0xa4: {  	s25 =	simm.s32 $0x1B8E;
	s24 =	sld [smem:$0x3FFE];
	[sflag:s23] =	ssyncadd.s32 $0xFFFFFFFF  }
0xa5: {  	s26 =	simm.s32 $execute0_lowered;
	[smem:$0x3FD2] =	sst s25  }
0xa6: {  	s5 =	sshll.u32 s26, $0x1;
	_ =	strace $0x8000004C;
	[dreg:$0x1] =	wrdreg $0xFFFFFFFF  }
0xa7: {  	s28 =	simm.s32 $_size_execute0_lowered;
	s3 =	sadd.s32 s3, s5;
	[dreg:$0x0] =	wrdreg $0x0  }
0xa8: {  	s5 =	sshll.u32 s28, $0x1;
	[dreg:$0x2] =	wrdreg s3  }
0xa9: {  	[dreg:$0x3] =	wrdreg s5  }
0xaa: {  	[dreg:$0x4] =	wrdreg $0xC0  }
0xab: {  	_ =	task [dreg:s7], $0x5FFFF  }
0xac: {  	[dreg:$0x1] =	wrdreg $0xFFFFFFFF  }
0xad: {  	[dreg:$0x0] =	wrdreg $0x60  }
0xae: {  	[dreg:$0x2] =	wrdreg s2  }
0xaf: {  	[dreg:$0x3] =	wrdreg s24  }
0xb0: {  	[dreg:$0x4] =	wrdreg $0x100400  }
0xb1: {  	[dreg:$0x5] =	wrdreg $0x9  }
0xb2: {  	_ =	task.clear_ibuf [dreg:s7], $0x6FFFF;
	_ =	strace $0x9000004C  }
0xb3: {  	s29 =	simm.s32 $0x9;
	_ =	strace $0x8000004E  }
0xb4: {  	_ =	swait.ge [sflag:s29], $0x1  }
0xb5: {  	[sflag:s29] =	ssyncadd.s32 $0xFFFFFFFF  }
0xb6: {  	_ =	strace $0x9000004E  }
0xb7: {  	_ =	sfence  }
0xb8: {  	s30 =	sld [smem:$0x0];
	_ =	sdelay $0x2  }
0xb9: {  	s31 =	sshll.u32 s1, $0xD;
	s1 =	sshrl.u32 s1, $0x2  }
0xba: {  	s3 =	sand.u32 $0x4000, s31;
	s1 =	sadd.s32 s1, s30  }
0xbb: {  	s0 =	sor.u32 s3, s0;
	s1 =	sshll.u32 s1, $0x11  }
0xbc: {  	s0 =	sor.u32 s1, s0  }
0xbd: {  	s0 =	sadd.s32 $0x8F2B, s0  }
0xbe: {  	[sflag:s0] =	ssyncadd.remote.s32 $0x1  }
0xbf: {  	_ =	sfence.sel $0xFFFF  }
0xc0: {  	[dreg:$0x0] =	wrdreg $0xFFFFFFFF;
	(pc) =	sbr.abs _section_cstart, $3  }
0xc1: {  	[dreg:$0x1] =	wrdreg $0xFFFFFFFF  }
0xc2: {  	_ =	task.clear_ibuf [dreg:s7], $0x2FFFF;
	_ =	strace $0x9FFFFFFF  }
0xc3: {  	(tm) =	ssettm $0x7FFFFFFF  }
tec
execute0_lowered:
.L_overlay_start_1:
0x0: {  	(tag) =	ssettag $0x1  }
0x1: {  	s0 =	srdreg.scid;
	s2 =	rddreg [dreg:$0x0]  }
0x2: {  	s9 =	stileid.u32;
	s5 =	rddreg [dreg:$0x1]  }
0x3: {  	s3 =	rddreg [dreg:$0x2];
	s4 =	simm.s32 $0x0;
	s28 =	simm.s32 $0x9C40  }
0x4: {  	s29 =	simm.s32 $0x50;
	s30 =	simm.s32 $0xB040;
	s1 =	smul.u32 $0x4E20, s9  }
0x5: {  	s31 =	simm.s32 $0x1;
	s0 =	sand.u32 $0x1, s0;
	s15 =	smul.u32 $0x9E00, s9  }
0x6: {  	[smem:$0x7FF] =	sst s4;
	s7 =	sadd.s32 $0xB000, s5;
	s6 =	smul.u32 $0x4E200, s0  }
0x7: {  	_ =	strace $0x8000004D;
	[dreg:$0x4] =	wrdreg s7;
	s20 =	ssub.s32 $0x2, s0  }
0x8: {  	s0 =	smul.u32 $0x9E000, s0;
	s8 =	sshrl.u32 s20, $0x1;
	s9 =	sadd.s32 s15, s3  }
0x9: {  	s21 =	sadd.s32 $0x1400, s15;
	s22 =	sadd.s32 $0x2800, s15;
	s25 =	sadd.s32 $0x3C00, s15  }
0xa: {  	s16 =	sadd.s32 $0x5000, s15;
	s17 =	sadd.s32 $0x6400, s15;
	s18 =	sadd.s32 $0x7800, s15  }
0xb: {  	s6 =	sadd.s32 s1, s6;
	s1 =	sshrl.u32 s1, $0x3;
	s7 =	ssub.s32 s20, s8  }
0xc: {  	s10 =	sadd.s32 s21, s3;
	s11 =	sadd.s32 s22, s3;
	s12 =	sadd.s32 s25, s3  }
0xd: {  	s23 =	sadd.s32 s16, s3;
	s24 =	sadd.s32 s17, s3;
	s13 =	sadd.s32 s18, s3  }
0xe: {  	s19 =	sadd.s32 s15, s0;
	s15 =	sadd.s32 $0x8C00, s15;
	s8 =	sadd.s32 s0, s25  }
0xf: {  	s16 =	sadd.s32 s0, s16;
	s17 =	sadd.s32 s0, s17;
	s18 =	sadd.s32 s0, s18  }
0x10: {  	s6 =	sshrl.u32 s6, $0x3;
	s1 =	sadd.s32 s1, s5;
	[dreg:$0x7] =	wrdreg s12  }
0x11: {  	s19 =	sshrl.u32 s19, $0x3;
	s14 =	sadd.s32 s15, s3;
	[dreg:$0x8] =	wrdreg s23  }
0x12: {  	s20 =	sshrl.u32 s16, $0x3;
	s16 =	simm.s32 $0x7;
	[dreg:$0x9] =	wrdreg s24  }
0x13: {  	[dreg:$0xa] =	wrdreg s13;
	s6 =	sadd.s32 s6, s5;
	s5 =	sadd.s32 $0x6E200, s5  }
0x14: {  	s1 =	sadd.s32 $0x1200, s1;
	[dreg:$0xb] =	wrdreg s14;
	s6 =	sadd.s32 $0xB800, s6  }
0x15: {  	[dreg:$0x6] =	wrdreg s1;
	s1 =	sadd.s32 s0, s21;
	s26 =	sadd.s32 s5, s19  }
0x16: {  	s21 =	sshrl.u32 s17, $0x3;
	s17 =	simm.s32 $0x4;
	[dreg:$0x5] =	wrdreg s6  }
0x17: {  	s6 =	sadd.s32 s0, s22;
	s0 =	sadd.s32 s0, s15;
	[dreg:$0xc] =	wrdreg s26  }
0x18: {  	s1 =	sshrl.u32 s1, $0x3;
	s15 =	sshrl.u32 s8, $0x3;
	s22 =	sshrl.u32 s18, $0x3  }
0x19: {  	s26 =	smax.u32 s7, $0x1;
	s7 =	simm.s32 $0x3;
	s18 =	simm.s32 $0x8  }
0x1a: {  	s1 =	sadd.s32 s5, s1;
	s6 =	sshrl.u32 s6, $0x3;
	[dreg:$0x14] =	wrdreg s26  }
0x1b: {  	s19 =	sadd.s32 s5, s15;
	s25 =	sadd.s32 s5, s22;
	[dreg:$0xd] =	wrdreg s1  }
0x1c: {  	s0 =	sshrl.u32 s0, $0x3;
	s26 =	simm.s32 $0xD840;
	[dreg:$0xf] =	wrdreg s19  }
0x1d: {  	s22 =	simm.s32 $0x0;
	s1 =	sadd.s32 s5, s6;
	[dreg:$0x12] =	wrdreg s25  }
0x1e: {  	s0 =	sadd.s32 s5, s0;
	s25 =	simm.s32 $0xB;
	s6 =	simm.s32 $0x6  }
0x1f: {  	s19 =	simm.s32 $0x5;
	[dreg:$0xe] =	wrdreg s1;
	s1 =	sadd.s32 s5, s20  }
0x20: {  	[dreg:$0x13] =	wrdreg s0;
	s0 =	simm.s32 $0xEC40;
	s20 =	simm.s32 $0x9  }
0x21: {  	[dreg:$0x10] =	wrdreg s1;
	s1 =	sadd.s32 s5, s21;
	s5 =	simm.s32 $0x2  }
0x22: {  	s21 =	simm.s32 $0xA;
	[dreg:$0x11] =	wrdreg s1;
	s1 =	simm.s32 $0xC440  }
.LBB2_1:
0x23: {  	s8 =	rddreg [dreg:$0x5]  }
0x24: {  	[tilespmem:s4], [sflag:$0xB] =	stream.linear.gather [hbm4b:s8+s4], $0x4E20, $0x38;
	[tilespmem:$0x19E40] =	vst v63  }
0x25: {  	_ =	swait.ge [sflag:s25], $0x4E20  }
0x26: {  	[sflag:s25] =	ssyncset.done $0x0  }
0x27: {  	s15 =	simm.s32 $0x4E20;
	s8 =	rddreg [dreg:$0x6];
	[sflag:s25] =	ssyncadd.s32 $0xFFFFB1E0  }
0x28: {  	[tilespmem:s15], [sflag:$0xB] =	stream.linear.gather [hbm4b:s8+s4], $0x4E20, $0x38;
	[tilespmem:$0x19E40] =	vst v63  }
0x29: {  	_ =	swait.ge [sflag:s25], $0x4E20  }
0x2a: {  	[sflag:s25] =	ssyncset.done $0x0  }
0x2b: {  	s15 =	rddreg [dreg:$0x4];
	[sflag:s25] =	ssyncadd.s32 $0xFFFFB1E0  }
0x2c: {  	[tilespmem:s28], [sflag:$0xB] =	stream.linear.gather [hbm4b:s15+s4], $0x1400, $0x38;
	[tilespmem:$0x19E40] =	vst v63  }
0x2d: {  	_ =	swait.ge [sflag:s25], $0x1400  }
0x2e: {  	[sflag:s25] =	ssyncset.done $0x0  }
0x2f: {  	[sflag:s25] =	ssyncadd.s32 $0xFFFFEC00  }
0x30: {  	[spmem:s9] =	stream.linear.scatter [tilespmem:s28], [sflag:$0xB], $0x1400, $0x38;
	[tilespmem:$0x19E40] =	vst v63  }
0x31: {  	_ =	swait.ge [sflag:s25], $0x1400  }
0x32: {  	[sflag:s25] =	ssyncset.done $0x0  }
0x33: {  	[sflag:s25] =	ssyncadd.s32 $0xFFFFEC00  }
0x34: {  	[spmem:s10] =	stream.linear.scatter [tilespmem:s28], [sflag:$0xB], $0x1400, $0x38;
	[tilespmem:$0x19E40] =	vst v63  }
0x35: {  	_ =	swait.ge [sflag:s25], $0x1400  }
0x36: {  	[sflag:s25] =	ssyncset.done $0x0  }
0x37: {  	[sflag:s25] =	ssyncadd.s32 $0xFFFFEC00  }
0x38: {  	[spmem:s11] =	stream.linear.scatter [tilespmem:s28], [sflag:$0xB], $0x1400, $0x38;
	[tilespmem:$0x19E40] =	vst v63  }
0x39: {  	_ =	swait.ge [sflag:s25], $0x1400  }
0x3a: {  	[sflag:s25] =	ssyncset.done $0x0  }
0x3b: {  	[sflag:s25] =	ssyncadd.s32 $0xFFFFEC00  }
0x3c: {  	[spmem:s12] =	stream.linear.scatter [tilespmem:s28], [sflag:$0xB], $0x1400, $0x38;
	[tilespmem:$0x19E40] =	vst v63  }
0x3d: {  	_ =	swait.ge [sflag:s25], $0x1400  }
0x3e: {  	[sflag:s25] =	ssyncset.done $0x0  }
0x3f: {  	[sflag:s25] =	ssyncadd.s32 $0xFFFFEC00  }
0x40: {  	[spmem:s23] =	stream.linear.scatter [tilespmem:s28], [sflag:$0xB], $0x1400, $0x38;
	[tilespmem:$0x19E40] =	vst v63  }
0x41: {  	_ =	swait.ge [sflag:s25], $0x1400  }
0x42: {  	[sflag:s25] =	ssyncset.done $0x0  }
0x43: {  	[sflag:s25] =	ssyncadd.s32 $0xFFFFEC00  }
0x44: {  	[spmem:s24] =	stream.linear.scatter [tilespmem:s28], [sflag:$0xB], $0x1400, $0x38;
	[tilespmem:$0x19E40] =	vst v63  }
0x45: {  	_ =	swait.ge [sflag:s25], $0x1400  }
0x46: {  	[sflag:s25] =	ssyncset.done $0x0  }
0x47: {  	s8 =	smov.u32 s13;
	[sflag:s25] =	ssyncadd.s32 $0xFFFFEC00  }
0x48: {  	[spmem:s8] =	stream.linear.scatter [tilespmem:s28], [sflag:$0xB], $0x1400, $0x38;
	[tilespmem:$0x19E40] =	vst v63  }
0x49: {  	_ =	swait.ge [sflag:s25], $0x1400  }
0x4a: {  	[sflag:s25] =	ssyncset.done $0x0  }
0x4b: {  	s13 =	smov.u32 s9;
	s9 =	smov.u32 s14;
	[sflag:s25] =	ssyncadd.s32 $0xFFFFEC00  }
0x4c: {  	[spmem:s9] =	stream.linear.scatter [tilespmem:s28], [sflag:$0xB], $0x1200, $0x38;
	[tilespmem:$0x19E40] =	vst v63  }
0x4d: {  	_ =	swait.ge [sflag:s25], $0x1200  }
0x4e: {  	[sflag:s25] =	ssyncset.done $0x0  }
0x4f: {  	[sflag:s25] =	ssyncadd.s32 $0xFFFFEE00  }
0x50: {  	[bflag:$0x0] =	sbarrier.arrive $0xFFFF  }
0x51: {  	[tilespmem:s28], [sflag:$0x1] =	stream.indirect.gather [hbm4b:s2+s29], $0x40, s4, s29, $0xb8;
	[tilespmem:$0x19E40] =	vst v63  }
0x52: {  	_ = 	snop  }
0x53: {  	[tilespmem:s30], [sflag:$0x2] =	stream.indirect.gather [hbm4b:s2+s29], $0x40, s29, s29, $0xb8;
	[tilespmem:$0x19E40] =	vst v63  }
0x54: {  	s9 =	simm.s32 $0xA0  }
0x55: {  	[tilespmem:s1], [sflag:$0x3] =	stream.indirect.gather [hbm4b:s2+s29], $0x40, s9, s29, $0xb8;
	[tilespmem:$0x19E40] =	vst v63  }
0x56: {  	s14 =	smov.u32 s10;
	s10 =	simm.s32 $0xF0  }
0x57: {  	[tilespmem:s26], [sflag:$0x4] =	stream.indirect.gather [hbm4b:s2+s29], $0x40, s10, s29, $0xb8;
	[tilespmem:$0x19E40] =	vst v63  }
0x58: {  	s15 =	smov.u32 s11;
	s11 =	simm.s32 $0x140  }
0x59: {  	[tilespmem:s0], [sflag:$0x5] =	stream.indirect.gather [hbm4b:s2+s29], $0x40, s11, s29, $0xb8;
	[tilespmem:$0x19E40] =	vst v63  }
0x5a: {  	_ =	swait.ge [sflag:s31], $0x1400  }
0x5b: {  	p0 =	por $0x1, $0x1;
	[sflag:s31] =	ssyncset.done $0x0  }
0x5c: {  	s12 =	simm.s32 $0x4E20;
	s23 =	simm.s32 @!p0 $0xA;
	[sflag:s31] =	ssyncadd.s32 $0xFFFFEC00  }
0x5d: {  	[spmem:s3] =	stream.indirect.scatter.add.f32 [tilespmem:s28], [sflag:$0x6], $0x40, s12, s29, $0xb8;
	[tilespmem:$0x19E40] =	vst v63  }
0x5e: {  	_ =	swait.ge @!p0 [sflag:s23], $0x1400  }
0x5f: {  	s24 =	simm.s32 @!p0 $0x50;
	[sflag:s23] =	ssyncset.done @!p0 $0x0  }
0x60: {  	s8 =	simm.s32 @!p0 $0x140;
	[sflag:s23] =	ssyncadd.s32 @!p0 $0xFFFFEC00;
	s23 =	simm.s32 @!p0 $0xEC40  }
0x61: {  	[tilespmem:s23], [sflag:$0x5] =	stream.indirect.gather @!p0 [hbm4b:s2+s24], $0x40, s8, s24, $0xb8;
	[tilespmem:$0x19E40] =	vst v63  }
0x62: {  	_ =	swait.ge [sflag:s5], $0x1400  }
0x63: {  	[sflag:s5] =	ssyncset.done $0x0  }
0x64: {  	s24 =	simm.s32 $0x4E70;
	[sflag:s5] =	ssyncadd.s32 $0xFFFFEC00  }
0x65: {  	[spmem:s3] =	stream.indirect.scatter.add.f32 [tilespmem:s30], [sflag:$0x7], $0x40, s24, s29, $0xb8;
	[tilespmem:$0x19E40] =	vst v63  }
0x66: {  	_ =	swait.ge [sflag:s6], $0x1400  }
0x67: {  	[sflag:s6] =	ssyncset.done $0x0  }
0x68: {  	s9 =	simm.s32 $0x190;
	[sflag:s6] =	ssyncadd.s32 $0xFFFFEC00  }
0x69: {  	[tilespmem:s28], [sflag:$0x1] =	stream.indirect.gather [hbm4b:s2+s29], $0x40, s9, s29, $0xb8;
	[tilespmem:$0x19E40] =	vst v63  }
0x6a: {  	_ =	swait.ge [sflag:s7], $0x1400  }
0x6b: {  	[sflag:s7] =	ssyncset.done $0x0  }
0x6c: {  	s10 =	simm.s32 $0x4EC0;
	[sflag:s7] =	ssyncadd.s32 $0xFFFFEC00  }
0x6d: {  	[spmem:s3] =	stream.indirect.scatter.add.f32 [tilespmem:s1], [sflag:$0x8], $0x40, s10, s29, $0xb8;
	[tilespmem:$0x19E40] =	vst v63  }
0x6e: {  	_ =	swait.ge [sflag:s16], $0x1400  }
0x6f: {  	[sflag:s16] =	ssyncset.done $0x0  }
0x70: {  	s11 =	simm.s32 $0x1E0;
	[sflag:s16] =	ssyncadd.s32 $0xFFFFEC00  }
0x71: {  	[tilespmem:s30], [sflag:$0x2] =	stream.indirect.gather [hbm4b:s2+s29], $0x40, s11, s29, $0xb8;
	[tilespmem:$0x19E40] =	vst v63  }
0x72: {  	_ =	swait.ge [sflag:s17], $0x1400  }
0x73: {  	[sflag:s17] =	ssyncset.done $0x0  }
0x74: {  	s12 =	simm.s32 $0x4F10;
	[sflag:s17] =	ssyncadd.s32 $0xFFFFEC00  }
0x75: {  	[spmem:s3] =	stream.indirect.scatter.add.f32 [tilespmem:s26], [sflag:$0x9], $0x40, s12, s29, $0xb8;
	[tilespmem:$0x19E40] =	vst v63  }
0x76: {  	_ =	swait.ge [sflag:s18], $0x1400  }
0x77: {  	[sflag:s18] =	ssyncset.done $0x0  }
0x78: {  	s23 =	simm.s32 $0x230;
	[sflag:s18] =	ssyncadd.s32 $0xFFFFEC00  }
0x79: {  	[tilespmem:s1], [sflag:$0x3] =	stream.indirect.gather [hbm4b:s2+s29], $0x40, s23, s29, $0xb8;
	[tilespmem:$0x19E40] =	vst v63  }
0x7a: {  	_ =	swait.ge [sflag:s19], $0x1400  }
0x7b: {  	[sflag:s19] =	ssyncset.done $0x0  }
0x7c: {  	s24 =	simm.s32 $0x4F60;
	[sflag:s19] =	ssyncadd.s32 $0xFFFFEC00  }
0x7d: {  	[spmem:s3] =	stream.indirect.scatter.add.f32 [tilespmem:s0], [sflag:$0xA], $0x40, s24, s29, $0xb8;
	[tilespmem:$0x19E40] =	vst v63  }
0x7e: {  	s8 =	simm.s32 $0x280;
	_ =	swait.ge [sflag:s20], $0x1400  }
0x7f: {  	s23 =	simm.s32 $0xFFFFFFFF;
	s24 =	simm.s32 $0x640;
	[sflag:s20] =	ssyncset.done $0x0  }
.LBB2_2:
0x80: {  	[sflag:s20] =	ssyncadd.s32 $0xFFFFEC00  }
0x81: {  	s23 =	sadd.s32 $0x5, s23;
	s9 =	smov.u32 s24;
	s24 =	sadd.s32 $0x640, s24  }
0x82: {  	[tilespmem:s26], [sflag:$0x4] =	stream.indirect.gather [hbm4b:s2+s29], $0x40, s8, s29, $0xb8;
	[tilespmem:$0x19E40] =	vst v63  }
0x83: {  	s8 =	sshra.s32 s9, $0x2;
	p0 =	sne.s32 s24, $0x13240;
	_ =	swait.ge [sflag:s31], $0x1400  }
0x84: {  	p1 =	sgt.u32 s23, $0xF4;
	s10 =	sadd.s32 $0x4E20, s8;
	[sflag:s31] =	ssyncset.done $0x0  }
0x85: {  	s11 =	simm.s32 @!p1 $0xA;
	s9 =	sshra.s32 @!p1 s9, $0x2;
	[sflag:s31] =	ssyncadd.s32 $0xFFFFEC00  }
0x86: {  	[spmem:s3] =	stream.indirect.scatter.add.f32 [tilespmem:s28], [sflag:$0x6], $0x40, s10, s29, $0xb8;
	[tilespmem:$0x19E40] =	vst v63  }
0x87: {  	s9 =	sadd.s32 @!p1 $0x140, s9;
	_ =	swait.ge @!p1 [sflag:s11], $0x1400  }
0x88: {  	s12 =	simm.s32 @!p1 $0xEC40;
	s10 =	simm.s32 @!p1 $0x50;
	[sflag:s11] =	ssyncset.done @!p1 $0x0  }
0x89: {  	[sflag:s11] =	ssyncadd.s32 @!p1 $0xFFFFEC00  }
0x8a: {  	[tilespmem:s12], [sflag:$0x5] =	stream.indirect.gather @!p1 [hbm4b:s2+s10], $0x40, s9, s10, $0xb8;
	[tilespmem:$0x19E40] =	vst v63  }
0x8b: {  	_ =	swait.ge [sflag:s5], $0x1400  }
0x8c: {  	s9 =	sadd.s32 $0x4E70, s8;
	[sflag:s5] =	ssyncset.done $0x0  }
0x8d: {  	[sflag:s5] =	ssyncadd.s32 $0xFFFFEC00  }
0x8e: {  	[spmem:s3] =	stream.indirect.scatter.add.f32 [tilespmem:s30], [sflag:$0x7], $0x40, s9, s29, $0xb8;
	[tilespmem:$0x19E40] =	vst v63  }
0x8f: {  	_ =	swait.ge [sflag:s6], $0x1400  }
0x90: {  	s9 =	sadd.s32 $0x190, s8;
	[sflag:s6] =	ssyncset.done $0x0  }
0x91: {  	[sflag:s6] =	ssyncadd.s32 $0xFFFFEC00  }
0x92: {  	[tilespmem:s28], [sflag:$0x1] =	stream.indirect.gather [hbm4b:s2+s29], $0x40, s9, s29, $0xb8;
	[tilespmem:$0x19E40] =	vst v63  }
0x93: {  	_ =	swait.ge [sflag:s7], $0x1400  }
0x94: {  	s9 =	sadd.s32 $0x4EC0, s8;
	[sflag:s7] =	ssyncset.done $0x0  }
0x95: {  	[sflag:s7] =	ssyncadd.s32 $0xFFFFEC00  }
0x96: {  	[spmem:s3] =	stream.indirect.scatter.add.f32 [tilespmem:s1], [sflag:$0x8], $0x40, s9, s29, $0xb8;
	[tilespmem:$0x19E40] =	vst v63  }
0x97: {  	_ =	swait.ge [sflag:s16], $0x1400  }
0x98: {  	s9 =	sadd.s32 $0x1E0, s8;
	[sflag:s16] =	ssyncset.done $0x0  }
0x99: {  	[sflag:s16] =	ssyncadd.s32 $0xFFFFEC00  }
0x9a: {  	[tilespmem:s30], [sflag:$0x2] =	stream.indirect.gather [hbm4b:s2+s29], $0x40, s9, s29, $0xb8;
	[tilespmem:$0x19E40] =	vst v63  }
0x9b: {  	_ =	swait.ge [sflag:s17], $0x1400  }
0x9c: {  	s9 =	sadd.s32 $0x4F10, s8;
	[sflag:s17] =	ssyncset.done $0x0  }
0x9d: {  	[sflag:s17] =	ssyncadd.s32 $0xFFFFEC00  }
0x9e: {  	[spmem:s3] =	stream.indirect.scatter.add.f32 [tilespmem:s26], [sflag:$0x9], $0x40, s9, s29, $0xb8;
	[tilespmem:$0x19E40] =	vst v63  }
0x9f: {  	_ =	swait.ge [sflag:s18], $0x1400  }
0xa0: {  	s9 =	sadd.s32 $0x230, s8;
	[sflag:s18] =	ssyncset.done $0x0  }
0xa1: {  	[sflag:s18] =	ssyncadd.s32 $0xFFFFEC00  }
0xa2: {  	[tilespmem:s1], [sflag:$0x3] =	stream.indirect.gather [hbm4b:s2+s29], $0x40, s9, s29, $0xb8;
	[tilespmem:$0x19E40] =	vst v63  }
0xa3: {  	_ =	swait.ge [sflag:s19], $0x1400  }
.Ltmp0:
0xa4: {  	s9 =	sadd.s32 $0x4F60, s8;
	[sflag:s19] =	ssyncset.done $0x0;
	(pc) =	sbr.rel @p0 .LBB2_2-.Ltmp0, $4  }
0xa5: {  	[sflag:s19] =	ssyncadd.s32 $0xFFFFEC00  }
0xa6: {  	[spmem:s3] =	stream.indirect.scatter.add.f32 [tilespmem:s0], [sflag:$0xA], $0x40, s9, s29, $0xb8;
	[tilespmem:$0x19E40] =	vst v63  }
0xa7: {  	_ =	swait.ge [sflag:s20], $0x1400  }
0xa8: {  	s8 =	sadd.s32 $0x280, s8;
	[sflag:s20] =	ssyncset.done $0x0  }
0xa9: {  	[sflag:s20] =	ssyncadd.s32 $0xFFFFEC00  }
0xaa: {  	[tilespmem:s26], [sflag:$0x4] =	stream.indirect.gather [hbm4b:s2+s29], $0x40, s8, s29, $0xb8;
	[tilespmem:$0x19E40] =	vst v63  }
0xab: {  	_ =	swait.ge [sflag:s31], $0x1400  }
0xac: {  	[sflag:s31] =	ssyncset.done $0x0  }
0xad: {  	s23 =	simm.s32 $0x9AB0;
	[sflag:s31] =	ssyncadd.s32 $0xFFFFEC00  }
0xae: {  	[spmem:s3] =	stream.indirect.scatter.add.f32 [tilespmem:s28], [sflag:$0x6], $0x40, s23, s29, $0xb8;
	[tilespmem:$0x19E40] =	vst v63  }
0xaf: {  	_ =	swait.ge [sflag:s21], $0x1400  }
0xb0: {  	[sflag:s21] =	ssyncset.done $0x0  }
0xb1: {  	s24 =	simm.s32 $0x4DD0;
	[sflag:s21] =	ssyncadd.s32 $0xFFFFEC00  }
0xb2: {  	[tilespmem:s0], [sflag:$0x5] =	stream.indirect.gather [hbm4b:s2+s29], $0x40, s24, s29, $0xb8;
	[tilespmem:$0x19E40] =	vst v63  }
0xb3: {  	_ =	swait.ge [sflag:s5], $0x1400  }
0xb4: {  	[sflag:s5] =	ssyncset.done $0x0  }
0xb5: {  	s9 =	simm.s32 $0x9B00;
	[sflag:s5] =	ssyncadd.s32 $0xFFFFEC00  }
0xb6: {  	[spmem:s3] =	stream.indirect.scatter.add.f32 [tilespmem:s30], [sflag:$0x7], $0x40, s9, s29, $0xb8;
	[tilespmem:$0x19E40] =	vst v63  }
0xb7: {  	_ =	swait.ge [sflag:s7], $0x1400  }
0xb8: {  	[sflag:s7] =	ssyncset.done $0x0  }
0xb9: {  	s10 =	simm.s32 $0x9B50;
	[sflag:s7] =	ssyncadd.s32 $0xFFFFEC00  }
0xba: {  	[spmem:s3] =	stream.indirect.scatter.add.f32 [tilespmem:s1], [sflag:$0x8], $0x40, s10, s29, $0xb8;
	[tilespmem:$0x19E40] =	vst v63  }
0xbb: {  	_ =	swait.ge [sflag:s17], $0x1400  }
0xbc: {  	[sflag:s17] =	ssyncset.done $0x0  }
0xbd: {  	s11 =	simm.s32 $0x9BA0;
	[sflag:s17] =	ssyncadd.s32 $0xFFFFEC00  }
0xbe: {  	[spmem:s3] =	stream.indirect.scatter.add.f32 [tilespmem:s26], [sflag:$0x9], $0x40, s11, s29, $0xb8;
	[tilespmem:$0x19E40] =	vst v63  }
0xbf: {  	_ =	swait.ge [sflag:s19], $0x1400  }
0xc0: {  	[sflag:s19] =	ssyncset.done $0x0  }
0xc1: {  	s12 =	simm.s32 $0x9BF0;
	[sflag:s19] =	ssyncadd.s32 $0xFFFFEC00  }
0xc2: {  	[spmem:s3] =	stream.indirect.scatter.add.f32 [tilespmem:s0], [sflag:$0xA], $0x40, s12, s29, $0xb8;
	[tilespmem:$0x19E40] =	vst v63  }
0xc3: {  	_ =	swait.ge [sflag:s6], $0x1400  }
0xc4: {  	[sflag:s6] =	ssyncset.done $0x0  }
0xc5: {  	[sflag:s6] =	ssyncadd.s32 $0xFFFFEC00  }
0xc6: {  	_ =	swait.ge [sflag:s16], $0x1400  }
0xc7: {  	[sflag:s16] =	ssyncset.done $0x0  }
0xc8: {  	[sflag:s16] =	ssyncadd.s32 $0xFFFFEC00  }
0xc9: {  	_ =	swait.ge [sflag:s18], $0x1400  }
0xca: {  	[sflag:s18] =	ssyncset.done $0x0  }
0xcb: {  	[sflag:s18] =	ssyncadd.s32 $0xFFFFEC00  }
0xcc: {  	_ =	swait.ge [sflag:s20], $0x1400  }
0xcd: {  	[sflag:s20] =	ssyncset.done $0x0  }
0xce: {  	[sflag:s20] =	ssyncadd.s32 $0xFFFFEC00  }
0xcf: {  	_ =	swait.ge [sflag:s21], $0x1400  }
0xd0: {  	[sflag:s21] =	ssyncset.done $0x0  }
0xd1: {  	[sflag:s21] =	ssyncadd.s32 $0xFFFFEC00  }
0xd2: {  	[bflag:$0x0] =	sbarrier.arrive $0xFFFF  }
0xd3: {  	[tilespmem:s28], [sflag:$0xB] =	stream.linear.gather [spmem:s13], $0x1400, $0x38;
	[tilespmem:$0x19E40] =	vst v63  }
0xd4: {  	_ =	swait.ge [sflag:s25], $0x1400  }
0xd5: {  	[sflag:s25] =	ssyncset.done $0x0  }
0xd6: {  	s9 =	smov.u32 s13;
	s13 =	rddreg [dreg:$0xc];
	[sflag:s25] =	ssyncadd.s32 $0xFFFFEC00  }
0xd7: {  	[hbm4b:s13+s4] =	stream.linear.scatter [tilespmem:s28], [sflag:$0xB], $0x1400, $0x38;
	[tilespmem:$0x19E40] =	vst v63  }
0xd8: {  	_ =	swait.ge [sflag:s25], $0x1400  }
0xd9: {  	[sflag:s25] =	ssyncset.done $0x0  }
0xda: {  	[sflag:s25] =	ssyncadd.s32 $0xFFFFEC00  }
0xdb: {  	[tilespmem:s28], [sflag:$0xB] =	stream.linear.gather [spmem:s14], $0x1400, $0x38;
	[tilespmem:$0x19E40] =	vst v63  }
0xdc: {  	_ =	swait.ge [sflag:s25], $0x1400  }
0xdd: {  	[sflag:s25] =	ssyncset.done $0x0  }
0xde: {  	s10 =	smov.u32 s14;
	s14 =	rddreg [dreg:$0xd];
	[sflag:s25] =	ssyncadd.s32 $0xFFFFEC00  }
0xdf: {  	[hbm4b:s14+s4] =	stream.linear.scatter [tilespmem:s28], [sflag:$0xB], $0x1400, $0x38;
	[tilespmem:$0x19E40] =	vst v63  }
0xe0: {  	_ =	swait.ge [sflag:s25], $0x1400  }
0xe1: {  	[sflag:s25] =	ssyncset.done $0x0  }
0xe2: {  	[sflag:s25] =	ssyncadd.s32 $0xFFFFEC00  }
0xe3: {  	[tilespmem:s28], [sflag:$0xB] =	stream.linear.gather [spmem:s15], $0x1400, $0x38;
	[tilespmem:$0x19E40] =	vst v63  }
0xe4: {  	_ =	swait.ge [sflag:s25], $0x1400  }
0xe5: {  	[sflag:s25] =	ssyncset.done $0x0  }
0xe6: {  	s11 =	smov.u32 s15;
	s15 =	rddreg [dreg:$0xe];
	[sflag:s25] =	ssyncadd.s32 $0xFFFFEC00  }
0xe7: {  	[hbm4b:s15+s4] =	stream.linear.scatter [tilespmem:s28], [sflag:$0xB], $0x1400, $0x38;
	[tilespmem:$0x19E40] =	vst v63  }
0xe8: {  	_ =	swait.ge [sflag:s25], $0x1400  }
0xe9: {  	[sflag:s25] =	ssyncset.done $0x0  }
0xea: {  	s12 =	rddreg [dreg:$0x7];
	[sflag:s25] =	ssyncadd.s32 $0xFFFFEC00  }
0xeb: {  	[tilespmem:s28], [sflag:$0xB] =	stream.linear.gather [spmem:s12], $0x1400, $0x38;
	[tilespmem:$0x19E40] =	vst v63  }
0xec: {  	_ =	swait.ge [sflag:s25], $0x1400  }
0xed: {  	[sflag:s25] =	ssyncset.done $0x0  }
0xee: {  	s23 =	rddreg [dreg:$0xf];
	[sflag:s25] =	ssyncadd.s32 $0xFFFFEC00  }
0xef: {  	[hbm4b:s23+s4] =	stream.linear.scatter [tilespmem:s28], [sflag:$0xB], $0x1400, $0x38;
	[tilespmem:$0x19E40] =	vst v63  }
0xf0: {  	_ =	swait.ge [sflag:s25], $0x1400  }
0xf1: {  	[sflag:s25] =	ssyncset.done $0x0  }
0xf2: {  	s23 =	rddreg [dreg:$0x8];
	[sflag:s25] =	ssyncadd.s32 $0xFFFFEC00  }
0xf3: {  	[tilespmem:s28], [sflag:$0xB] =	stream.linear.gather [spmem:s23], $0x1400, $0x38;
	[tilespmem:$0x19E40] =	vst v63  }
0xf4: {  	_ =	swait.ge [sflag:s25], $0x1400  }
0xf5: {  	[sflag:s25] =	ssyncset.done $0x0  }
0xf6: {  	s24 =	rddreg [dreg:$0x10];
	[sflag:s25] =	ssyncadd.s32 $0xFFFFEC00  }
0xf7: {  	[hbm4b:s24+s4] =	stream.linear.scatter [tilespmem:s28], [sflag:$0xB], $0x1400, $0x38;
	[tilespmem:$0x19E40] =	vst v63  }
0xf8: {  	_ =	swait.ge [sflag:s25], $0x1400  }
0xf9: {  	[sflag:s25] =	ssyncset.done $0x0  }
0xfa: {  	s24 =	rddreg [dreg:$0x9];
	[sflag:s25] =	ssyncadd.s32 $0xFFFFEC00  }
0xfb: {  	[tilespmem:s28], [sflag:$0xB] =	stream.linear.gather [spmem:s24], $0x1400, $0x38;
	[tilespmem:$0x19E40] =	vst v63  }
0xfc: {  	_ =	swait.ge [sflag:s25], $0x1400  }
0xfd: {  	[sflag:s25] =	ssyncset.done $0x0  }
0xfe: {  	s13 =	rddreg [dreg:$0x11];
	[sflag:s25] =	ssyncadd.s32 $0xFFFFEC00  }
0xff: {  	[hbm4b:s13+s4] =	stream.linear.scatter [tilespmem:s28], [sflag:$0xB], $0x1400, $0x38;
	[tilespmem:$0x19E40] =	vst v63  }
0x100: {  	_ =	swait.ge [sflag:s25], $0x1400  }
0x101: {  	[sflag:s25] =	ssyncset.done $0x0  }
0x102: {  	s13 =	rddreg [dreg:$0xa];
	[sflag:s25] =	ssyncadd.s32 $0xFFFFEC00  }
0x103: {  	[tilespmem:s28], [sflag:$0xB] =	stream.linear.gather [spmem:s13], $0x1400, $0x38;
	[tilespmem:$0x19E40] =	vst v63  }
0x104: {  	_ =	swait.ge [sflag:s25], $0x1400  }
0x105: {  	[sflag:s25] =	ssyncset.done $0x0  }
0x106: {  	s14 =	rddreg [dreg:$0x12];
	[sflag:s25] =	ssyncadd.s32 $0xFFFFEC00  }
0x107: {  	[hbm4b:s14+s4] =	stream.linear.scatter [tilespmem:s28], [sflag:$0xB], $0x1400, $0x38;
	[tilespmem:$0x19E40] =	vst v63  }
0x108: {  	_ =	swait.ge [sflag:s25], $0x1400  }
0x109: {  	[sflag:s25] =	ssyncset.done $0x0  }
0x10a: {  	s14 =	rddreg [dreg:$0xb];
	[sflag:s25] =	ssyncadd.s32 $0xFFFFEC00  }
0x10b: {  	[tilespmem:s28], [sflag:$0xB] =	stream.linear.gather [spmem:s14], $0x1200, $0x38;
	[tilespmem:$0x19E40] =	vst v63  }
0x10c: {  	_ =	swait.ge [sflag:s25], $0x1200  }
0x10d: {  	[sflag:s25] =	ssyncset.done $0x0  }
0x10e: {  	s15 =	rddreg [dreg:$0x13];
	[sflag:s25] =	ssyncadd.s32 $0xFFFFEE00  }
0x10f: {  	[hbm4b:s15+s4] =	stream.linear.scatter [tilespmem:s28], [sflag:$0xB], $0x1200, $0x38;
	[tilespmem:$0x19E40] =	vst v63  }
0x110: {  	_ =	swait.ge [sflag:s25], $0x1200  }
0x111: {  	s22 =	sadd.s32 $0x1, s22;
	s15 =	rddreg [dreg:$0x14]  }
0x112: {  	p0 =	sne.s32 s22, s15  }
.Ltmp1:
0x113: {  	_ = 	snop;
	(pc) =	sbr.rel @p0 .LBB2_1-.Ltmp1, $3  }
0x114: {  	_ =	sdelay $0x1  }
0x115: {  	[sflag:s25] =	ssyncset.done $0x0  }
0x116: {  	[sflag:s25] =	ssyncadd.s32 $0xFFFFEE00  }
0x117: {  	_ =	sfence.sel $0x180000  }
0x118: {  	[bflag:$0x0] =	sbarrier.arrive $0xFFFF  }
0x119: {  	_ =	strace $0x9000004D  }
0x11a: {  	s0 =	stileid.u32;
	[bflag:$0x2] =	sbarrier.arrive $0xFFFF  }
0x11b: {  	p0 =	sne.s32 s0, $0x0;
	s0 =	rddreg [dreg:$0x3]  }
0x11c: {  	s0 =	sadd.s32 @!p0 $0x100000, s0  }
0x11d: {  	[sflag:s0] =	ssyncadd.tile.s32 @!p0 $0x1;
	_ =	shalt  }
.Lfunc_end2:
_tile_overlayer_lowered:
.L_overlay_start_2:
0x11e: {  	(tag) =	ssettag $0x2  }
0x11f: {  	s0 =	rddreg [dreg:$0x0];
	s2 =	stileid.u32  }
0x120: {  	s1 =	rddreg [dreg:$0x1];
	p0 =	sne.s32 s2, $0x0  }
0x121: {  	s3 =	rddreg [dreg:$0x2];
	[bflag:$0x3] =	sbarrier.arrive $0xFFFF;
	s2 =	simm.s32 @!p0 $0x1C0B  }
0x122: {  	[timem:s3], [sflag:s2] =	dma.local @!p0 [hbm:s0], s1  }
0x123: {  	s0 =	simm.s32 @!p0 $0xB  }
0x124: {  	_ =	swait.ge @!p0 [sflag:s0], s1  }
0x125: {  	s1 =	ssub.s32 @!p0 $0x0, s1;
	[sflag:s0] =	ssyncset.done @!p0 $0x0  }
0x126: {  	[sflag:s0] =	ssyncadd.s32 @!p0 s1  }
0x127: {  	[bflag:$0x3] =	sbarrier.arrive $0xFFFF  }
0x128: {  	_ =	shalt  }

// kernel: kernel.8.cloned.1.call-start
scs
__scs_entry_jumppad:
0x0: {  	(pc) =	sbr.rel $0x88, $3  }
0x1: {  	(tag) =	ssettag $0x0;
	lr =	simm.s32 $0x1  }
0x2: {  	[smem:$0x3F9B] =	sst lr;
	_ =	strace $0xD0000000  }
0x3: {  	_ = 	snop  }
0x4: {  	_ = 	snop  }
0x5: {  	_ = 	snop  }
0x6: {  	_ = 	snop  }
0x7: {  	_ = 	snop  }
__scs_overlays_trampoline_lowered:
0x8: {  	[smem:$0x3FAA] =	sst s0  }
0x9: {  	[smem:$0x3FAB] =	sst s1  }
0xa: {  	[smem:$0x3FAC] =	sst s2  }
0xb: {  	[smem:$0x3FAD] =	sst s3  }
0xc: {  	[smem:$0x3FAE] =	sst s4  }
0xd: {  	[smem:$0x3FAF] =	sst s5  }
0xe: {  	[smem:$0x3FB0] =	sst s6  }
0xf: {  	[smem:$0x3FB1] =	sst s7  }
0x10: {  	[smem:$0x3FB2] =	sst s8  }
0x11: {  	[smem:$0x3FB3] =	sst s9;
	s0 =	simm.s32 @!p0 $0x0  }
0x12: {  	s1 =	sld [smem:$0x3F99];
	s0 =	simm.s32 @p0 $0x1  }
0x13: {  	[smem:$0x3FB4] =	sst s0;
	s0 =	simm.s32 @!p1 $0x0  }
0x14: {  	s2 =	sld [smem:$0x3F98];
	s0 =	simm.s32 @p1 $0x1  }
0x15: {  	[smem:$0x3FB5] =	sst s0;
	s0 =	simm.s32 @!p2 $0x0  }
0x16: {  	s3 =	sld [smem:$0x3FDB];
	s0 =	simm.s32 @p2 $0x1  }
0x17: {  	s4 =	simm.s32 $0x1BF5;
	[smem:$0x3FB7] =	sst s0  }
0x18: {  	s0 =	sld [smem:$0x3F9A];
	_ =	swait.ge [sflag:s4], $0x0  }
0x19: {  	s7 =	sld [smem:$0x3F9B]  }
0x1a: {  	s8 =	sadd.s32 $0xFFFFE003, lr  }
0x1b: {  	s9 =	sadd.s32 $0xFFFFFEF7, lr;
	s5 =	simm.s32 $0xFFFFFFFF;
	p2 =	slt.u32 s8, $0xFFFFF086  }
0x1c: {  	p1 =	slt.u32 s9, $0xF7A;
	s5 =	simm.s32 @!p2 $0x0  }
0x1d: {  	s5 =	simm.s32 @p1 $0x1;
	p0 =	seq.s32 s7, s2  }
0x1e: {  	s7 =	smul.u32 @!p0 $0xF7A, s2;
	p2 =	seq.s32 @!p0 s5, $0x0  }
0x1f: {  	s9 =	smul.u32 $0xF7A, s1;
	s8 =	simm.s32 @!p0 $0x1BF5;
	p2 =	por !p2, p0  }
0x20: {  	[sflag:s8] =	ssyncset.s32 @!p0 $0xFFFFF086;
	s6 =	sadd.s32 @!p0 s3, s7;
	s7 =	simm.s32 @!p0 $0x108  }
0x21: {  	s3 =	sadd.s32 s3, s9;
	s6 =	sadd.s32 @!p0 $0x88, s6;
	s7 =	simm.s32 @p2 $0x1082  }
0x22: {  	[simem:s7], [sflag:s8] =	dma.local @!p0 [hbm:s6], $0xF7A  }
0x23: {  	s9 =	sor.u32 $0xD0000000, s2;
	s6 =	simm.s32 $0x108;
	_ =	swait.ge @!p0 [sflag:s8], $0x0  }
0x24: {  	s3 =	sadd.s32 $0x88, s3;
	s6 =	simm.s32 @!p1 $0x1082;
	[sflag:s4] =	ssyncset.s32 $0xFFFFF086  }
0x25: {  	[simem:s6], [sflag:s4] =	dma.local [hbm:s3], $0xF7A  }
0x26: {  	[smem:$0x3F9B] =	sst s1;
	(tag) =	ssettag s2;
	_ =	strace s9  }
0x27: {  	s1 =	sld [smem:$0x3FAB]  }
0x28: {  	s2 =	sld [smem:$0x3FAC]  }
0x29: {  	s4 =	sld [smem:$0x3FAE]  }
0x2a: {  	p0 =	seq.s32 s5, $0x0;
	s5 =	sld [smem:$0x3FAF]  }
0x2b: {  	s6 =	sld [smem:$0x3FB0]  }
0x2c: {  	s7 =	sld [smem:$0x3FB1]  }
0x2d: {  	s3 =	simm.s32 $0x108;
	s8 =	sld [smem:$0x3FB2]  }
0x2e: {  	s3 =	simm.s32 @!p0 $0x1082;
	s9 =	sld [smem:$0x3FB3]  }
0x2f: {  	lr =	sadd.s32 s0, s3;
	s0 =	sld [smem:$0x3FAA]  }
0x30: {  	s3 =	sld [smem:$0x3FAD]  }
0x31: {  	[smem:$0x3FB6] =	sst s10  }
0x32: {  	s10 =	sld [smem:$0x3FB4];
	_ =	sdelay $0x3  }
0x33: {  	p0 =	seq.s32 s10, $0x1;
	s10 =	sld [smem:$0x3FB6];
	_ =	sdelay $0x3  }
0x34: {  	[smem:$0x3FB6] =	sst s10  }
0x35: {  	s10 =	sld [smem:$0x3FB5];
	_ =	sdelay $0x3  }
0x36: {  	p1 =	seq.s32 s10, $0x1;
	s10 =	sld [smem:$0x3FB6];
	_ =	sdelay $0x3  }
0x37: {  	[smem:$0x3FB6] =	sst s10  }
0x38: {  	s10 =	sld [smem:$0x3FB7]  }
0x39: {  	_ = 	snop;
	(pc) =	sbr.ind lr, $3  }
0x3a: {  	_ = 	snop  }
0x3b: {  	_ = 	snop  }
0x3c: {  	p2 =	seq.s32 s10, $0x1;
	s10 =	sld [smem:$0x3FB6]  }
0x3d: {  	_ =	shalt  }
0x3e: {  	_ =	shalt  }
0x3f: {  	_ =	shalt  }
0x40: {  	_ =	shalt  }
0x41: {  	_ =	shalt  }
0x42: {  	_ =	shalt  }
0x43: {  	_ =	shalt  }
0x44: {  	_ =	shalt  }
0x45: {  	_ =	shalt  }
0x46: {  	_ =	shalt  }
0x47: {  	_ =	shalt  }
0x48: {  	_ =	shalt  }
0x49: {  	_ =	shalt  }
0x4a: {  	_ =	shalt  }
0x4b: {  	_ =	shalt  }
0x4c: {  	_ =	shalt  }
0x4d: {  	_ =	shalt  }
0x4e: {  	_ =	shalt  }
0x4f: {  	_ =	shalt  }
0x50: {  	_ =	shalt  }
0x51: {  	_ =	shalt  }
0x52: {  	_ =	shalt  }
0x53: {  	_ =	shalt  }
0x54: {  	_ =	shalt  }
0x55: {  	_ =	shalt  }
0x56: {  	_ =	shalt  }
0x57: {  	_ =	shalt  }
0x58: {  	_ =	shalt  }
0x59: {  	_ =	shalt  }
0x5a: {  	_ =	shalt  }
0x5b: {  	_ =	shalt  }
0x5c: {  	_ =	shalt  }
0x5d: {  	_ =	shalt  }
0x5e: {  	_ =	shalt  }
0x5f: {  	_ =	shalt  }
0x60: {  	_ =	shalt  }
0x61: {  	_ =	shalt  }
0x62: {  	_ =	shalt  }
0x63: {  	_ =	shalt  }
0x64: {  	_ =	shalt  }
0x65: {  	_ =	shalt  }
0x66: {  	_ =	shalt  }
0x67: {  	_ =	shalt  }
0x68: {  	_ =	shalt  }
0x69: {  	_ =	shalt  }
0x6a: {  	_ =	shalt  }
0x6b: {  	_ =	shalt  }
0x6c: {  	_ =	shalt  }
0x6d: {  	_ =	shalt  }
0x6e: {  	_ =	shalt  }
0x6f: {  	_ =	shalt  }
0x70: {  	_ =	shalt  }
0x71: {  	_ =	shalt  }
0x72: {  	_ =	shalt  }
0x73: {  	_ =	shalt  }
0x74: {  	_ =	shalt  }
0x75: {  	_ =	shalt  }
0x76: {  	_ =	shalt  }
0x77: {  	_ =	shalt  }
0x78: {  	_ =	shalt  }
0x79: {  	_ =	shalt  }
0x7a: {  	_ =	shalt  }
0x7b: {  	_ =	shalt  }
0x7c: {  	_ =	shalt  }
0x7d: {  	_ =	shalt  }
0x7e: {  	_ =	shalt  }
0x7f: {  	_ =	shalt  }
0x80: {  	_ =	shalt  }
0x81: {  	_ =	shalt  }
0x82: {  	_ =	shalt  }
0x83: {  	_ =	shalt  }
0x84: {  	_ =	shalt  }
0x85: {  	_ =	shalt  }
0x86: {  	_ =	shalt  }
0x87: {  	_ =	shalt  }
.Lfunc_end0:
.L_simem_size_0:
called_computation_lowered:
.L_overlay_start_0:
0x88: {  	s2 =	sld [smem:$0x3FD9]  }
0x89: {  	s3 =	sld [smem:$0x3FFE];
	_ =	sdelay $0x1  }
0x8a: {  	s1 =	srdreg.scid  }
0x8b: {  	s0 =	sand.u32 $0x1, s1  }
0x8c: {  	s17 =	sshll.u32 s0, $0xA;
	s2 =	sadd.s32 s3, s2  }
0x8d: {  	s2 =	sadd.s32 s2, s17  }
0x8e: {  	[smem:$0x3FC2] =	sst s2  }
0x8f: {  	_ = 	snop  }
0x90: {  	s2 =	sld [smem:$0x3FD0];
	(tm) =	ssettm $0x1  }
0x91: {  	s18 =	sld [smem:$0x3FFB];
	_ =	sdelay $0x3  }
0x92: {  	_ =	strace s18  }
0x93: {  	s3 =	sld [smem:$0x3FFC];
	_ =	sdelay $0x3  }
0x94: {  	_ =	strace s3  }
0x95: {  	s3 =	sld [smem:$0x3FFD];
	_ =	sdelay $0x3  }
0x96: {  	_ =	strace s3  }
0x97: {  	_ =	strace $0x8FFFFFFF  }
0x98: {  	s19 =	sld [smem:$0x3FDB];
	_ =	sdelay $0x1  }
0x99: {  	s4 =	simm.s32 $_scs_section_size  }
0x9a: {  	s5 =	simm.s32 $_size__tile_overlayer_lowered;
	s6 =	simm.s32 $_tile_overlayer_lowered  }
0x9b: {  	s22 =	simm.s32 $0x1BFF;
	s21 =	sshll.u32 s6, $0x1;
	s3 =	sadd.s32 s4, s19  }
0x9c: {  	s7 =	simm.s32 $0x0;
	s20 =	sshll.u32 s5, $0x1;
	s5 =	sadd.s32 s21, s3  }
0x9d: {  	[timem:s7], [sflag:s22] =	dma.local [hbm:s5], s20  }
0x9e: {  	_ =	swait.ge [sflag:s22], s20  }
0x9f: {  	s4 =	ssub.s32 $0x0, s20;
	[sflag:s22] =	ssyncset.done $0x0  }
0xa0: {  	[sflag:s22] =	ssyncadd.s32 s4;
	_ =	sdelay $0x1  }
0xa1: {  	s23 =	simm.s32 $0x1B8B  }
0xa2: {  	_ =	swait.ge [sflag:s23], $0x1  }
0xa3: {  	[sflag:s23] =	ssyncset.done $0x0  }
0xa4: {  	s25 =	simm.s32 $0x1B8E;
	s24 =	sld [smem:$0x3FFE];
	[sflag:s23] =	ssyncadd.s32 $0xFFFFFFFF  }
0xa5: {  	s26 =	simm.s32 $execute0_lowered;
	[smem:$0x3FD2] =	sst s25  }
0xa6: {  	s5 =	sshll.u32 s26, $0x1;
	_ =	strace $0x80000046;
	[dreg:$0x1] =	wrdreg $0xFFFFFFFF  }
0xa7: {  	s28 =	simm.s32 $_size_execute0_lowered;
	s3 =	sadd.s32 s3, s5;
	[dreg:$0x0] =	wrdreg $0x0  }
0xa8: {  	s5 =	sshll.u32 s28, $0x1;
	[dreg:$0x2] =	wrdreg s3  }
0xa9: {  	[dreg:$0x3] =	wrdreg s5  }
0xaa: {  	[dreg:$0x4] =	wrdreg $0xC0  }
0xab: {  	_ =	task [dreg:s7], $0x5FFFF  }
0xac: {  	[dreg:$0x1] =	wrdreg $0xFFFFFFFF  }
0xad: {  	[dreg:$0x0] =	wrdreg $0x60  }
0xae: {  	[dreg:$0x2] =	wrdreg s24  }
0xaf: {  	[dreg:$0x3] =	wrdreg s2  }
0xb0: {  	[dreg:$0x4] =	wrdreg $0x53900  }
0xb1: {  	[dreg:$0x5] =	wrdreg $0x9  }
0xb2: {  	_ =	task.clear_ibuf [dreg:s7], $0x6FFFF;
	_ =	strace $0x90000046  }
0xb3: {  	s29 =	simm.s32 $0x9;
	_ =	strace $0x80000048  }
0xb4: {  	_ =	swait.ge [sflag:s29], $0x1  }
0xb5: {  	[sflag:s29] =	ssyncadd.s32 $0xFFFFFFFF  }
0xb6: {  	_ =	strace $0x90000048  }
0xb7: {  	_ =	sfence  }
0xb8: {  	s30 =	sld [smem:$0x0];
	_ =	sdelay $0x2  }
0xb9: {  	s31 =	sshll.u32 s1, $0xD;
	s1 =	sshrl.u32 s1, $0x2  }
0xba: {  	s3 =	sand.u32 $0x4000, s31;
	s1 =	sadd.s32 s1, s30  }
0xbb: {  	s0 =	sor.u32 s3, s0;
	s1 =	sshll.u32 s1, $0x11  }
0xbc: {  	s0 =	sor.u32 s1, s0  }
0xbd: {  	s0 =	sadd.s32 $0x8F2B, s0  }
0xbe: {  	[sflag:s0] =	ssyncadd.remote.s32 $0x1  }
0xbf: {  	_ =	sfence.sel $0xFFFF  }
0xc0: {  	[dreg:$0x0] =	wrdreg $0xFFFFFFFF;
	(pc) =	sbr.abs _section_cstart, $3  }
0xc1: {  	[dreg:$0x1] =	wrdreg $0xFFFFFFFF  }
0xc2: {  	_ =	task.clear_ibuf [dreg:s7], $0x2FFFF;
	_ =	strace $0x9FFFFFFF  }
0xc3: {  	(tm) =	ssettm $0x7FFFFFFF  }
tec
execute0_lowered:
.L_overlay_start_1:
0x0: {  	(tag) =	ssettag $0x1  }
0x1: {  	s5 =	rddreg [dreg:$0x0]  }
0x2: {  	s0 =	srdreg.scid;
	s8 =	rddreg [dreg:$0x1]  }
0x3: {  	s2 =	rddreg [dreg:$0x2];
	s3 =	simm.s32 $0x0;
	s12 =	simm.s32 $0x4E90  }
0x4: {  	s13 =	simm.s32 $0x50;
	s6 =	sand.u32 $0x1, s0;
	s0 =	stileid.u32  }
0x5: {  	s14 =	simm.s32 $0x1;
	s15 =	simm.s32 $0x0;
	s7 =	smul.u32 $0x2780, s0  }
0x6: {  	[smem:$0x7FF] =	sst s3;
	s1 =	sshll.u32 s6, $0x4;
	s9 =	smul.u32 $0x27800, s6  }
0x7: {  	s6 =	ssub.s32 $0x2, s6;
	s4 =	sor.u32 s0, s1;
	s1 =	rddreg [dreg:$0x3]  }
0x8: {  	_ =	strace $0x80000047;
	s11 =	sshrl.u32 s6, $0x1;
	s4 =	smul.u32 $0x4E2, s4  }
0x9: {  	s9 =	sadd.s32 s7, s9;
	s11 =	ssub.s32 s6, s11;
	s7 =	sadd.s32 s7, s2  }
0xa: {  	s9 =	sshrl.u32 s9, $0x3;
	s10 =	sadd.s32 s4, s5;
	s4 =	sadd.s32 $0xB200, s5  }
0xb: {  	s5 =	sadd.s32 $0xB000, s5;
	s8 =	sadd.s32 s8, s9;
	s9 =	smax.u32 s11, $0x1  }
0xc: {  	s11 =	simm.s32 $0x2710;
	s6 =	sadd.s32 $0x1200, s10;
	s10 =	simm.s32 $0x2  }
.LBB2_1:
0xd: {  	[tilespmem:s3], [sflag:$0x2] =	stream.linear.gather [hbm4b:s6+s3], $0x2710, $0x38;
	[tilespmem:$0x7B10] =	vst v63  }
0xe: {  	_ =	swait.ge [sflag:s10], $0x2710  }
0xf: {  	[sflag:s10] =	ssyncset.done $0x0  }
0x10: {  	[sflag:s10] =	ssyncadd.s32 $0xFFFFD8F0  }
0x11: {  	[tilespmem:s11], [sflag:$0x2] =	stream.linear.gather [hbm4b:s4+s3], $0x2780, $0x38;
	[tilespmem:$0x7B10] =	vst v63  }
0x12: {  	_ =	swait.ge [sflag:s10], $0x2780  }
0x13: {  	[sflag:s10] =	ssyncset.done $0x0  }
0x14: {  	[sflag:s10] =	ssyncadd.s32 $0xFFFFD880  }
0x15: {  	[tilespmem:s12], [sflag:$0x2] =	stream.linear.gather [hbm4b:s5+s3], $0x500, $0x38;
	[tilespmem:$0x7B10] =	vst v63  }
0x16: {  	_ =	swait.ge [sflag:s10], $0x500  }
0x17: {  	[sflag:s10] =	ssyncset.done $0x0  }
0x18: {  	[sflag:s10] =	ssyncadd.s32 $0xFFFFFB00  }
0x19: {  	[spmem:s7] =	stream.linear.scatter [tilespmem:s11], [sflag:$0x2], $0x2780, $0x38;
	[tilespmem:$0x7B10] =	vst v63  }
0x1a: {  	_ =	swait.ge [sflag:s10], $0x2780  }
0x1b: {  	[sflag:s10] =	ssyncset.done $0x0  }
0x1c: {  	p0 =	por $0x1, $0x1;
	[sflag:s10] =	ssyncadd.s32 $0xFFFFD880  }
0x1d: {  	s18 =	simm.s32 @!p0 $0x1;
	[bflag:$0x0] =	sbarrier.arrive $0xFFFF  }
0x1e: {  	[spmem:s2] =	stream.indirect.scatter.add.f32 [tilespmem:s12], [sflag:$0x1], $0x10, s3, s13, $0xb8;
	[tilespmem:$0x7B10] =	vst v63  }
0x1f: {  	_ =	swait.ge @!p0 [sflag:s18], $0x500  }
0x20: {  	s16 =	simm.s32 $0x1;
	s17 =	simm.s32 $0x0;
	[sflag:s18] =	ssyncset.done @!p0 $0x0  }
.LBB2_2:
0x21: {  	[sflag:s18] =	ssyncadd.s32 @!p0 $0xFFFFFB00  }
0x22: {  	s17 =	sadd.s32 $0x50, s17;
	s18 =	smov.u32 s16;
	s16 =	sadd.s32 $0x1, s16  }
0x23: {  	p1 =	sne.s32 s16, $0x7D  }
0x24: {  	[spmem:s2] =	stream.indirect.scatter.add.f32 [tilespmem:s12], [sflag:$0x1], $0x10, s17, s13, $0xb8;
	[tilespmem:$0x7B10] =	vst v63  }
.Ltmp0:
0x25: {  	_ = 	snop;
	(pc) =	sbr.rel @p1 .LBB2_2-.Ltmp0, $4  }
0x26: {  	p0 =	slt.u32 s18, $0x8  }
0x27: {  	s18 =	simm.s32 @!p0 $0x1  }
0x28: {  	_ =	swait.ge @!p0 [sflag:s18], $0x500  }
0x29: {  	[sflag:s18] =	ssyncset.done @!p0 $0x0  }
0x2a: {  	[sflag:s18] =	ssyncadd.s32 @!p0 $0xFFFFFB00  }
0x2b: {  	_ =	swait.ge [sflag:s14], $0x500  }
0x2c: {  	[sflag:s14] =	ssyncset.done $0x0  }
0x2d: {  	[sflag:s14] =	ssyncadd.s32 $0xFFFFFB00  }
0x2e: {  	_ =	swait.ge [sflag:s14], $0x500  }
0x2f: {  	[sflag:s14] =	ssyncset.done $0x0  }
0x30: {  	[sflag:s14] =	ssyncadd.s32 $0xFFFFFB00  }
0x31: {  	_ =	swait.ge [sflag:s14], $0x500  }
0x32: {  	[sflag:s14] =	ssyncset.done $0x0  }
0x33: {  	[sflag:s14] =	ssyncadd.s32 $0xFFFFFB00  }
0x34: {  	_ =	swait.ge [sflag:s14], $0x500  }
0x35: {  	[sflag:s14] =	ssyncset.done $0x0  }
0x36: {  	[sflag:s14] =	ssyncadd.s32 $0xFFFFFB00  }
0x37: {  	_ =	swait.ge [sflag:s14], $0x500  }
0x38: {  	[sflag:s14] =	ssyncset.done $0x0  }
0x39: {  	[sflag:s14] =	ssyncadd.s32 $0xFFFFFB00  }
0x3a: {  	_ =	swait.ge [sflag:s14], $0x500  }
0x3b: {  	[sflag:s14] =	ssyncset.done $0x0  }
0x3c: {  	[sflag:s14] =	ssyncadd.s32 $0xFFFFFB00  }
0x3d: {  	_ =	swait.ge [sflag:s14], $0x500  }
0x3e: {  	[sflag:s14] =	ssyncset.done $0x0  }
0x3f: {  	[sflag:s14] =	ssyncadd.s32 $0xFFFFFB00  }
0x40: {  	_ =	swait.ge [sflag:s14], $0x500  }
0x41: {  	[sflag:s14] =	ssyncset.done $0x0  }
0x42: {  	[sflag:s14] =	ssyncadd.s32 $0xFFFFFB00  }
0x43: {  	[bflag:$0x0] =	sbarrier.arrive $0xFFFF  }
0x44: {  	[tilespmem:s11], [sflag:$0x2] =	stream.linear.gather [spmem:s7], $0x2780, $0x38;
	[tilespmem:$0x7B10] =	vst v63  }
0x45: {  	s15 =	sadd.s32 $0x1, s15;
	_ =	swait.ge [sflag:s10], $0x2780  }
0x46: {  	p0 =	sne.s32 s15, s9;
	[sflag:s10] =	ssyncset.done $0x0  }
.Ltmp1:
0x47: {  	[sflag:s10] =	ssyncadd.s32 $0xFFFFD880;
	(pc) =	sbr.rel @p0 .LBB2_1-.Ltmp1, $4  }
0x48: {  	[hbm4b:s8+s3] =	stream.linear.scatter [tilespmem:s11], [sflag:$0x2], $0x2780, $0x38;
	[tilespmem:$0x7B10] =	vst v63  }
0x49: {  	_ =	swait.ge [sflag:s10], $0x2780  }
0x4a: {  	[sflag:s10] =	ssyncset.done $0x0  }
0x4b: {  	[sflag:s10] =	ssyncadd.s32 $0xFFFFD880  }
0x4c: {  	_ =	sfence.sel $0x180000  }
0x4d: {  	[bflag:$0x0] =	sbarrier.arrive $0xFFFF  }
0x4e: {  	p0 =	sne.s32 s0, $0x0;
	_ =	strace $0x90000047  }
0x4f: {  	s0 =	sadd.s32 @!p0 $0x100000, s1;
	[bflag:$0x2] =	sbarrier.arrive $0xFFFF  }
0x50: {  	[sflag:s0] =	ssyncadd.tile.s32 @!p0 $0x1;
	_ =	shalt  }
.Lfunc_end2:
_tile_overlayer_lowered:
.L_overlay_start_2:
0x51: {  	(tag) =	ssettag $0x2  }
0x52: {  	s0 =	rddreg [dreg:$0x0];
	s2 =	stileid.u32  }
0x53: {  	s1 =	rddreg [dreg:$0x1];
	p0 =	sne.s32 s2, $0x0  }
0x54: {  	s3 =	rddreg [dreg:$0x2];
	[bflag:$0x3] =	sbarrier.arrive $0xFFFF;
	s2 =	simm.s32 @!p0 $0x1C02  }
0x55: {  	[timem:s3], [sflag:s2] =	dma.local @!p0 [hbm:s0], s1  }
0x56: {  	s0 =	simm.s32 @!p0 $0x2  }
0x57: {  	_ =	swait.ge @!p0 [sflag:s0], s1  }
0x58: {  	s1 =	ssub.s32 @!p0 $0x0, s1;
	[sflag:s0] =	ssyncset.done @!p0 $0x0  }
0x59: {  	[sflag:s0] =	ssyncadd.s32 @!p0 s1  }
0x5a: {  	[bflag:$0x3] =	sbarrier.arrive $0xFFFF  }
0x5b: {  	_ =	shalt  }

</sc_bundles>
